<compile_context>
chip_gen: v7x
topology: tpu7x:2x2x1
jax: 0.10.2.dev20260603
libtpu: 0.0.44.dev20260713+nightly
codegen_flags: <defaults>
</compile_context>

<pallas_src>
import functools

import jax
import jax.numpy as jnp
from jax import lax
from jax.experimental import pallas as pl
from jax.experimental.pallas import tpu as pltpu
from jax.experimental.pallas import tpu_sc as plsc

NUM_EMB = 1000000
D = 32
B = 4096
HIST = 200
HISTP = 201

NC = 2
NS = 16
NW = NC * NS
B_PER_W = B // NW
LT = HIST // 8
HC = 512
NPAIR = LT
STGP = 517


def _body(x_hbm, table_hbm, out_hbm, idx_v, gidx, rows0, rows1, stg0, stg1,
          gsem0, gsem1, osem0, osem1):
    wid = lax.axis_index("s") * NC + lax.axis_index("c")
    pltpu.sync_copy(x_hbm.at[wid], idx_v.at[:, pl.ds(0, HIST)])
    iot = lax.iota(jnp.int32, 16)
    bases = [k * 16 + iot for k in range(8)]
    dvec0 = iot * STGP
    dvec1 = dvec0 + 16 * STGP

    def rearrange(lt, _):
        for li in range(8):
            col = lt * 8 + li
            cvec = iot * 0 + col
            for k in range(8):
                vals = plsc.load_gather(idx_v, [bases[k], cvec])
                gidx[lt, pl.ds(li * 128 + k * 16, 16)] = vals
        return 0

    lax.fori_loop(0, LT, rearrange, 0)

    def issue_gathers(hc, rows_buf, sem):
        lt = hc >> 1
        off = (hc & 1) * HC
        for g in range(4):
            pltpu.async_copy(
                table_hbm.at[gidx.at[lt, pl.ds(off + g * 128, 128)]],
                rows_buf.at[pl.ds(g * 128, 128)],
                sem,
            )

    def drain_gathers(rows_buf, sem):
        pltpu.make_async_copy(
            table_hbm.at[pl.ds(0, HC)], rows_buf, sem
        ).wait()

    def issue_out(hc, stg_buf, sem):
        lt = hc >> 1
        off = (hc & 1) * HC
        pltpu.async_copy(
            stg_buf.at[:, pl.ds(0, HC)],
            out_hbm.at[:, lt, wid, pl.ds(off, HC)],
            sem,
        )

    def drain_out(stg_buf, sem):
        pltpu.make_async_copy(
            stg_buf.at[:, pl.ds(0, HC)],
            out_hbm.at[:, 0, 0, pl.ds(0, HC)],
            sem,
        ).wait()

    def transpose(rows_buf, stg_buf):
        @plsc.parallel_loop(0, HC, unroll=4)
        def _(g):
            gvec = iot * 0 + g
            v0 = rows_buf[g, pl.ds(0, 16)]
            plsc.store_scatter(stg_buf, [iot, gvec], v0)
            v1 = rows_buf[g, pl.ds(16, 16)]
            plsc.store_scatter(stg_buf, [iot + 16, gvec], v1)

    issue_gathers(0, rows0, gsem0)

    def pair(k, _):
        ha = 2 * k
        hb = ha + 1
        issue_gathers(hb, rows1, gsem1)
        drain_gathers(rows0, gsem0)

        @pl.when(k > 0)
        def _():
            drain_out(stg0, osem0)

        transpose(rows0, stg0)
        issue_out(ha, stg0, osem0)

        @pl.when(k < NPAIR - 1)
        def _():
            issue_gathers(ha + 2, rows0, gsem0)

        drain_gathers(rows1, gsem1)

        @pl.when(k > 0)
        def _():
            drain_out(stg1, osem1)

        transpose(rows1, stg1)
        issue_out(hb, stg1, osem1)
        return 0

    lax.fori_loop(0, NPAIR, pair, 0)
    drain_out(stg0, osem0)
    drain_out(stg1, osem1)


NBLK_FULL = 7812
TAIL = NUM_EMB - NBLK_FULL * 128
NPAD = NBLK_FULL * 128 + 128
JMAX = 244


def _tr_body(tabt_hbm, out_hbm, src0, src1, stg0, stg1,
             gsem0, gsem1, osem0, osem1):
    wid = lax.axis_index("s") * NC + lax.axis_index("c")
    iot = lax.iota(jnp.int32, 16)

    def issue_in(bid, src_buf, sem):
        pltpu.async_copy(tabt_hbm.at[:, bid], src_buf, sem)

    def drain_in(src_buf, sem):
        pltpu.make_async_copy(
            tabt_hbm.at[:, 0], src_buf, sem
        ).wait()

    def issue_out(bid, stg_buf, sem):
        pltpu.async_copy(
            stg_buf.at[:, pl.ds(0, D)],
            out_hbm.at[pl.ds(bid * 128, 128)],
            sem,
        )

    def drain_out(stg_buf, sem):
        pltpu.make_async_copy(
            stg_buf.at[:, pl.ds(0, D)], out_hbm.at[pl.ds(0, 128)], sem
        ).wait()

    def transpose(src_buf, stg_buf):
        @plsc.parallel_loop(0, D, unroll=4)
        def _(d):
            dvec = iot * 0 + d
            dh = d >> 3
            dl = d & 7
            for k in range(8):
                v = src_buf[dh, dl, pl.ds(k * 16, 16)]
                plsc.store_scatter(stg_buf, [k * 16 + iot, dvec], v)

    issue_in(wid, src0, gsem0)

    def pair(k, _):
        ja = 2 * k
        jb = ja + 1
        issue_in(wid + NW * jb, src1, gsem1)
        drain_in(src0, gsem0)

        @pl.when(k > 0)
        def _():
            drain_out(stg0, osem0)

        transpose(src0, stg0)
        issue_out(wid + NW * ja, stg0, osem0)

        @pl.when(k < JMAX // 2 - 1)
        def _():
            issue_in(wid + NW * (ja + 2), src0, gsem0)

        drain_in(src1, gsem1)

        @pl.when(k > 0)
        def _():
            drain_out(stg1, osem1)

        transpose(src1, stg1)
        issue_out(wid + NW * jb, stg1, osem1)
        return 0

    lax.fori_loop(0, JMAX // 2, pair, 0)
    drain_out(stg0, osem0)
    drain_out(stg1, osem1)

    @pl.when(wid < 4)
    def _():
        bid = NW * JMAX + wid
        pltpu.sync_copy(tabt_hbm.at[:, bid], src0)
        transpose(src0, stg0)
        pltpu.sync_copy(
            stg0.at[:, pl.ds(0, D)], out_hbm.at[pl.ds(bid * 128, 128)]
        )

    @pl.when(wid == 4)
    def _():
        pltpu.sync_copy(tabt_hbm.at[:, NBLK_FULL], src0)
        transpose(src0, stg0)
        pltpu.sync_copy(
            stg0.at[pl.ds(0, TAIL), pl.ds(0, D)],
            out_hbm.at[pl.ds(NBLK_FULL * 128, TAIL)],
        )


@functools.partial(
    pl.kernel,
    mesh=plsc.VectorSubcoreMesh(core_axis_name="c", subcore_axis_name="s"),
    compiler_params=pltpu.CompilerParams(
        use_tc_tiling_on_sc=False, needs_layout_passes=False
    ),
    out_type=jax.ShapeDtypeStruct((NUM_EMB, D), jnp.float32),
    scratch_types=[
        pltpu.VMEM((4, 8, 128), jnp.float32),
        pltpu.VMEM((4, 8, 128), jnp.float32),
        pltpu.VMEM((128, 33), jnp.float32),
        pltpu.VMEM((128, 33), jnp.float32),
        pltpu.SemaphoreType.DMA,
        pltpu.SemaphoreType.DMA,
        pltpu.SemaphoreType.DMA,
        pltpu.SemaphoreType.DMA,
    ],
)
def _tr_kernel(tabt_hbm, out_hbm, src0, src1, stg0, stg1,
               gsem0, gsem1, osem0, osem1):
    _tr_body(tabt_hbm, out_hbm, src0, src1, stg0, stg1,
             gsem0, gsem1, osem0, osem1)


@functools.partial(
    pl.kernel,
    mesh=plsc.VectorSubcoreMesh(core_axis_name="c", subcore_axis_name="s"),
    compiler_params=pltpu.CompilerParams(
        use_tc_tiling_on_sc=False, needs_layout_passes=False
    ),
    out_type=jax.ShapeDtypeStruct((D, LT, NW, 1024), jnp.float32),
    scratch_types=[
        pltpu.VMEM((B_PER_W, HISTP), jnp.int32),
        pltpu.VMEM((LT, 1024), jnp.int32),
        pltpu.VMEM((HC, D), jnp.float32),
        pltpu.VMEM((HC, D), jnp.float32),
        pltpu.VMEM((D, STGP), jnp.float32),
        pltpu.VMEM((D, STGP), jnp.float32),
        pltpu.SemaphoreType.DMA,
        pltpu.SemaphoreType.DMA,
        pltpu.SemaphoreType.DMA,
        pltpu.SemaphoreType.DMA,
    ],
)
def _emb_kernel(x_hbm, table_hbm, out_hbm, idx_v, gidx, rows0, rows1,
                stg0, stg1, gsem0, gsem1, osem0, osem1):
    _body(x_hbm, table_hbm, out_hbm, idx_v, gidx, rows0, rows1, stg0, stg1,
          gsem0, gsem1, osem0, osem1)


def kernel(x, table):
    x_r = x.astype(jnp.int32).reshape(NW, B_PER_W, HIST)
    t4 = (
        jnp.pad(table, ((0, NPAD - NUM_EMB), (0, 0)))
        .T.reshape(4, 8, NBLK_FULL + 1, 128)
        .transpose(0, 2, 1, 3)
    )
    table_rm = _tr_kernel(t4)
    out4 = _emb_kernel(x_r, table_rm)
    out5 = out4.reshape(D, LT, NW, 8, 128)
    return out5.transpose(2, 4, 0, 1, 3).reshape(B, D, HIST)

# --- scband reference (transcript-rebuilt; emitter-appended) ---
"""Pipeline reference for scband-conv-format-embedding-79783312490719 (READ-ONLY COPY).

The authoritative reference and input builder live on the scoring server;
editing this copy changes nothing except your own understanding.
"""

import jax, jax.numpy as jnp
import numpy as np

NUM_EMBEDDINGS = 1000000
EMBED_DIM = 32
BATCH = 4096
HIST = 200

def setup_inputs(seed: int = 0) -> dict:
    key = jax.random.key(seed)
    k1, k2 = jax.random.split(key)
    x = jax.random.randint(k1, (BATCH, HIST), 0, NUM_EMBEDDINGS, dtype=jnp.int64) if jax.config.jax_enable_x64 else jax.random.randint(k1, (BATCH, HIST), 0, NUM_EMBEDDINGS, dtype=jnp.int32)
    table = jax.random.normal(k2, (NUM_EMBEDDINGS, EMBED_DIM), dtype=jnp.float32)
    return {"x": x, "table": table}

def reference(x, table):
    # y = emb(x): [B, L, D]
    y = jnp.take(table, x, axis=0)
    # permute(0, 2, 1): [B, D, L]
    return jnp.transpose(y, (0, 2, 1))

if __name__ == "__main__":
    import jax
    _d = setup_inputs()
    print(jax.jit(kernel)(*tuple(_d.values())))

</pallas_src>

<mosaic_0001>
#map = affine_map<(d0, d1) -> (0, 0, 0, 0)>
#map1 = affine_map<(d0, d1) -> (0, 0)>
module attributes {stable_mosaic.version = 14 : i64} {
  func.func @_tr_kernel(%arg0: i32, %arg1: i32, %arg2: memref<4x7813x8x128xf32, #tpu.memory_space<hbm>>, %arg3: memref<1000000x32xf32, #tpu.memory_space<hbm>>, %arg4: memref<4x8x128xf32, #tpu.memory_space<vmem>>, %arg5: memref<4x8x128xf32, #tpu.memory_space<vmem>>, %arg6: memref<128x33xf32, #tpu.memory_space<vmem>>, %arg7: memref<128x33xf32, #tpu.memory_space<vmem>>, %arg8: memref<!tpu.dma_semaphore, #tpu.memory_space<semaphore_mem>>, %arg9: memref<!tpu.dma_semaphore, #tpu.memory_space<semaphore_mem>>, %arg10: memref<!tpu.dma_semaphore, #tpu.memory_space<semaphore_mem>>, %arg11: memref<!tpu.dma_semaphore, #tpu.memory_space<semaphore_mem>>) attributes {dimension_semantics = [#tpu.dimension_semantics<core_parallel>, #tpu.dimension_semantics<subcore_parallel>], iteration_bounds = array<i64: 2, 16>, scalar_prefetch = 0 : i64, scratch_operands = 8 : i64, tpu.core_type = #tpu.core_type<sc_vector_subcore>, window_params = [{transform_indices = #map}, {transform_indices = #map1}]} {
    %mul3A = arith.constant 2 : i32
    %mul3A_0 = arith.muli %arg1, %mul3A : i32
    %add3A = arith.addi %mul3A_0, %arg0 : i32
    %iota3A = tpu.iota {dimensions = array<i32: 0>} : vector<16xi32>
    %dma_start3A = arith.constant 0 : i32
    %dma_start3A_1 = arith.constant 0 : i32
    %dma_start3A_2 = arith.constant 0 : i32
    %dma_start3A_3 = tpu.memref_slice %arg2[%dma_start3A, %add3A, %dma_start3A_1, %dma_start3A_2] : memref<4x7813x8x128xf32, #tpu.memory_space<hbm>> -> memref<4x1x8x128xf32, #tpu.memory_space<hbm>>
    %dma_start3A_4 = tpu.memref_squeeze %dma_start3A_3 : memref<4x1x8x128xf32, #tpu.memory_space<hbm>> -> memref<4x8x128xf32, #tpu.memory_space<hbm>>
    %dma_start3A_5 = arith.constant 0 : i32
    %dma_start3A_6 = arith.constant 0 : i32
    %dma_start3A_7 = arith.constant 0 : i32
    %dma_start3A_8 = tpu.memref_slice %arg2[%dma_start3A_5, %add3A, %dma_start3A_6, %dma_start3A_7] : memref<4x7813x8x128xf32, #tpu.memory_space<hbm>> -> memref<4x1x8x128xf32, #tpu.memory_space<hbm>>
    %dma_start3A_9 = tpu.memref_squeeze %dma_start3A_8 : memref<4x1x8x128xf32, #tpu.memory_space<hbm>> -> memref<4x8x128xf32, #tpu.memory_space<hbm>>
    tpu.enqueue_dma source(%dma_start3A_9 : memref<4x8x128xf32, #tpu.memory_space<hbm>>) target(%arg4 : memref<4x8x128xf32, #tpu.memory_space<vmem>>) target_semaphore(%arg8 : memref<!tpu.dma_semaphore, #tpu.memory_space<semaphore_mem>>)
    %scan3A = arith.constant 0 : i32
    %scan3A_10 = arith.constant 0 : i32
    %scan3A_11 = arith.constant 122 : i32
    %scan3A_12 = arith.addi %scan3A_10, %scan3A_11 : i32
    %scan3A_13 = arith.constant 1 : i32
    %scan3A_14 = scf.for %scan3A_45 = %scan3A_10 to %scan3A_12 step %scan3A_13 iter_args(%scan3A_46 = %scan3A) -> (i32)  : i32 {
      %mul3A_47 = arith.constant 2 : i32
      %mul3A_48 = arith.muli %mul3A_47, %scan3A_45 : i32
      %add3A_49 = arith.constant 1 : i32
      %add3A_50 = arith.addi %mul3A_48, %add3A_49 : i32
      %mul3A_51 = arith.constant 32 : i32
      %mul3A_52 = arith.muli %mul3A_51, %add3A_50 : i32
      %add3A_53 = arith.addi %add3A, %mul3A_52 : i32
      %dma_start3A_54 = arith.constant 0 : i32
      %dma_start3A_55 = arith.constant 0 : i32
      %dma_start3A_56 = arith.constant 0 : i32
      %dma_start3A_57 = tpu.memref_slice %arg2[%dma_start3A_54, %add3A_53, %dma_start3A_55, %dma_start3A_56] : memref<4x7813x8x128xf32, #tpu.memory_space<hbm>> -> memref<4x1x8x128xf32, #tpu.memory_space<hbm>>
      %dma_start3A_58 = tpu.memref_squeeze %dma_start3A_57 : memref<4x1x8x128xf32, #tpu.memory_space<hbm>> -> memref<4x8x128xf32, #tpu.memory_space<hbm>>
      %dma_start3A_59 = arith.constant 0 : i32
      %dma_start3A_60 = arith.constant 0 : i32
      %dma_start3A_61 = arith.constant 0 : i32
      %dma_start3A_62 = tpu.memref_slice %arg2[%dma_start3A_59, %add3A_53, %dma_start3A_60, %dma_start3A_61] : memref<4x7813x8x128xf32, #tpu.memory_space<hbm>> -> memref<4x1x8x128xf32, #tpu.memory_space<hbm>>
      %dma_start3A_63 = tpu.memref_squeeze %dma_start3A_62 : memref<4x1x8x128xf32, #tpu.memory_space<hbm>> -> memref<4x8x128xf32, #tpu.memory_space<hbm>>
      tpu.enqueue_dma source(%dma_start3A_63 : memref<4x8x128xf32, #tpu.memory_space<hbm>>) target(%arg5 : memref<4x8x128xf32, #tpu.memory_space<vmem>>) target_semaphore(%arg9 : memref<!tpu.dma_semaphore, #tpu.memory_space<semaphore_mem>>)
      %dma_wait3A_64 = arith.constant 0 : i32
      %dma_wait3A_65 = arith.constant 0 : i32
      %dma_wait3A_66 = arith.constant 0 : i32
      %dma_wait3A_67 = arith.constant 0 : i32
      %dma_wait3A_68 = tpu.memref_slice %arg2[%dma_wait3A_65, %dma_wait3A_64, %dma_wait3A_66, %dma_wait3A_67] : memref<4x7813x8x128xf32, #tpu.memory_space<hbm>> -> memref<4x1x8x128xf32, #tpu.memory_space<hbm>>
      %dma_wait3A_69 = tpu.memref_squeeze %dma_wait3A_68 : memref<4x1x8x128xf32, #tpu.memory_space<hbm>> -> memref<4x8x128xf32, #tpu.memory_space<hbm>>
      %dma_wait3A_70 = arith.constant 0 : i32
      %dma_wait3A_71 = arith.constant 0 : i32
      %dma_wait3A_72 = arith.constant 0 : i32
      %dma_wait3A_73 = tpu.memref_slice %arg2[%dma_wait3A_70, %dma_wait3A_64, %dma_wait3A_71, %dma_wait3A_72] : memref<4x7813x8x128xf32, #tpu.memory_space<hbm>> -> memref<4x1x8x128xf32, #tpu.memory_space<hbm>>
      %dma_wait3A_74 = tpu.memref_squeeze %dma_wait3A_73 : memref<4x1x8x128xf32, #tpu.memory_space<hbm>> -> memref<4x8x128xf32, #tpu.memory_space<hbm>>
      tpu.wait_dma2 semaphore(%arg8 : memref<!tpu.dma_semaphore, #tpu.memory_space<semaphore_mem>>) src(%dma_wait3A_74 : memref<4x8x128xf32, #tpu.memory_space<hbm>>) dst(%arg4 : memref<4x8x128xf32, #tpu.memory_space<vmem>>)
      %gt3A = arith.constant 0 : i32
      %gt3A_75 = arith.cmpi sgt, %scan3A_45, %gt3A : i32
      %convert_element_type3A_76 = arith.extui %gt3A_75 : i1 to i32
      %cond3A_77 = arith.constant 0 : i32
      %cond3A_78 = arith.cmpi ne, %convert_element_type3A_76, %cond3A_77 : i32
      scf.if %cond3A_78 {
        %dma_wait3A_136 = arith.constant 0 : i32
        %dma_wait3A_137 = arith.constant 0 : i32
        %dma_wait3A_138 = tpu.memref_slice %arg6[%dma_wait3A_136, %dma_wait3A_137] : memref<128x33xf32, #tpu.memory_space<vmem>> -> memref<128x32xf32, #tpu.memory_space<vmem>>
        %dma_wait3A_139 = arith.constant 0 : i32
        %dma_wait3A_140 = arith.constant 0 : i32
        %dma_wait3A_141 = tpu.memref_slice %arg3[%dma_wait3A_139, %dma_wait3A_140] : memref<1000000x32xf32, #tpu.memory_space<hbm>> -> memref<128x32xf32, #tpu.memory_space<hbm>>
        %dma_wait3A_142 = arith.constant 0 : i32
        %dma_wait3A_143 = arith.constant 0 : i32
        %dma_wait3A_144 = tpu.memref_slice %arg3[%dma_wait3A_142, %dma_wait3A_143] : memref<1000000x32xf32, #tpu.memory_space<hbm>> -> memref<128x32xf32, #tpu.memory_space<hbm>>
        %dma_wait3A_145 = arith.constant 0 : i32
        %dma_wait3A_146 = arith.constant 0 : i32
        %dma_wait3A_147 = tpu.memref_slice %arg6[%dma_wait3A_145, %dma_wait3A_146] : memref<128x33xf32, #tpu.memory_space<vmem>> -> memref<128x32xf32, #tpu.memory_space<vmem>>
        tpu.wait_dma2 semaphore(%arg10 : memref<!tpu.dma_semaphore, #tpu.memory_space<semaphore_mem>>) src(%dma_wait3A_147 : memref<128x32xf32, #tpu.memory_space<vmem>>) dst(%dma_wait3A_144 : memref<128x32xf32, #tpu.memory_space<hbm>>)
      } else {
      }
      %parallel_loop3A = arith.constant 0 : i32
      %parallel_loop3A_79 = arith.constant 32 : i32
      %parallel_loop3A_80 = arith.constant 1 : i32
      scf.for %parallel_loop3A_136 = %parallel_loop3A to %parallel_loop3A_79 step %parallel_loop3A_80  : i32 {
        %parallel_loop3A_137 = arith.constant 0 : i32
        %parallel_loop3A_138 = vector.broadcast %parallel_loop3A_137 : i32 to vector<16xi32>
        %parallel_loop3A_139 = arith.muli %iota3A, %parallel_loop3A_138 : vector<16xi32>
        %parallel_loop3A_140 = vector.broadcast %parallel_loop3A_136 : i32 to vector<16xi32>
        %parallel_loop3A_141 = arith.addi %parallel_loop3A_139, %parallel_loop3A_140 : vector<16xi32>
        %parallel_loop3A_142 = arith.constant 3 : i32
        %parallel_loop3A_143 = arith.shrsi %parallel_loop3A_136, %parallel_loop3A_142 : i32
        %parallel_loop3A_144 = arith.constant 7 : i32
        %parallel_loop3A_145 = arith.andi %parallel_loop3A_136, %parallel_loop3A_144 : i32
        %parallel_loop3A_146 = arith.index_cast %parallel_loop3A_143 : i32 to index
        %parallel_loop3A_147 = arith.index_cast %parallel_loop3A_145 : i32 to index
        %parallel_loop3A_148 = arith.constant 0 : index
        %parallel_loop3A_149 = tpu.vector_load %arg4[%parallel_loop3A_146, %parallel_loop3A_147, %parallel_loop3A_148] {strides = array<i32>} : memref<4x8x128xf32, #tpu.memory_space<vmem>>, vector<16xf32>,
        %parallel_loop3A_150 = arith.constant 0 : i32
        %parallel_loop3A_151 = vector.broadcast %parallel_loop3A_150 : i32 to vector<16xi32>
        %parallel_loop3A_152 = arith.addi %parallel_loop3A_151, %iota3A : vector<16xi32>
        tpu.vector_store_idx %arg6[%parallel_loop3A_152, %parallel_loop3A_141], %parallel_loop3A_149 : memref<128x33xf32, #tpu.memory_space<vmem>>[vector<16xi32>, vector<16xi32>], vector<16xf32>,
        %parallel_loop3A_153 = arith.index_cast %parallel_loop3A_143 : i32 to index
        %parallel_loop3A_154 = arith.index_cast %parallel_loop3A_145 : i32 to index
        %parallel_loop3A_155 = arith.constant 16 : index
        %parallel_loop3A_156 = tpu.vector_load %arg4[%parallel_loop3A_153, %parallel_loop3A_154, %parallel_loop3A_155] {strides = array<i32>} : memref<4x8x128xf32, #tpu.memory_space<vmem>>, vector<16xf32>,
        %parallel_loop3A_157 = arith.constant 16 : i32
        %parallel_loop3A_158 = vector.broadcast %parallel_loop3A_157 : i32 to vector<16xi32>
        %parallel_loop3A_159 = arith.addi %parallel_loop3A_158, %iota3A : vector<16xi32>
        tpu.vector_store_idx %arg6[%parallel_loop3A_159, %parallel_loop3A_141], %parallel_loop3A_156 : memref<128x33xf32, #tpu.memory_space<vmem>>[vector<16xi32>, vector<16xi32>], vector<16xf32>,
        %parallel_loop3A_160 = arith.index_cast %parallel_loop3A_143 : i32 to index
        %parallel_loop3A_161 = arith.index_cast %parallel_loop3A_145 : i32 to index
        %parallel_loop3A_162 = arith.constant 32 : index
        %parallel_loop3A_163 = tpu.vector_load %arg4[%parallel_loop3A_160, %parallel_loop3A_161, %parallel_loop3A_162] {strides = array<i32>} : memref<4x8x128xf32, #tpu.memory_space<vmem>>, vector<16xf32>,
        %parallel_loop3A_164 = arith.constant 32 : i32
        %parallel_loop3A_165 = vector.broadcast %parallel_loop3A_164 : i32 to vector<16xi32>
        %parallel_loop3A_166 = arith.addi %parallel_loop3A_165, %iota3A : vector<16xi32>
        tpu.vector_store_idx %arg6[%parallel_loop3A_166, %parallel_loop3A_141], %parallel_loop3A_163 : memref<128x33xf32, #tpu.memory_space<vmem>>[vector<16xi32>, vector<16xi32>], vector<16xf32>,
        %parallel_loop3A_167 = arith.index_cast %parallel_loop3A_143 : i32 to index
        %parallel_loop3A_168 = arith.index_cast %parallel_loop3A_145 : i32 to index
        %parallel_loop3A_169 = arith.constant 48 : index
        %parallel_loop3A_170 = tpu.vector_load %arg4[%parallel_loop3A_167, %parallel_loop3A_168, %parallel_loop3A_169] {strides = array<i32>} : memref<4x8x128xf32, #tpu.memory_space<vmem>>, vector<16xf32>,
        %parallel_loop3A_171 = arith.constant 48 : i32
        %parallel_loop3A_172 = vector.broadcast %parallel_loop3A_171 : i32 to vector<16xi32>
        %parallel_loop3A_173 = arith.addi %parallel_loop3A_172, %iota3A : vector<16xi32>
        tpu.vector_store_idx %arg6[%parallel_loop3A_173, %parallel_loop3A_141], %parallel_loop3A_170 : memref<128x33xf32, #tpu.memory_space<vmem>>[vector<16xi32>, vector<16xi32>], vector<16xf32>,
        %parallel_loop3A_174 = arith.index_cast %parallel_loop3A_143 : i32 to index
        %parallel_loop3A_175 = arith.index_cast %parallel_loop3A_145 : i32 to index
        %parallel_loop3A_176 = arith.constant 64 : index
        %parallel_loop3A_177 = tpu.vector_load %arg4[%parallel_loop3A_174, %parallel_loop3A_175, %parallel_loop3A_176] {strides = array<i32>} : memref<4x8x128xf32, #tpu.memory_space<vmem>>, vector<16xf32>,
        %parallel_loop3A_178 = arith.constant 64 : i32
        %parallel_loop3A_179 = vector.broadcast %parallel_loop3A_178 : i32 to vector<16xi32>
        %parallel_loop3A_180 = arith.addi %parallel_loop3A_179, %iota3A : vector<16xi32>
        tpu.vector_store_idx %arg6[%parallel_loop3A_180, %parallel_loop3A_141], %parallel_loop3A_177 : memref<128x33xf32, #tpu.memory_space<vmem>>[vector<16xi32>, vector<16xi32>], vector<16xf32>,
        %parallel_loop3A_181 = arith.index_cast %parallel_loop3A_143 : i32 to index
        %parallel_loop3A_182 = arith.index_cast %parallel_loop3A_145 : i32 to index
        %parallel_loop3A_183 = arith.constant 80 : index
        %parallel_loop3A_184 = tpu.vector_load %arg4[%parallel_loop3A_181, %parallel_loop3A_182, %parallel_loop3A_183] {strides = array<i32>} : memref<4x8x128xf32, #tpu.memory_space<vmem>>, vector<16xf32>,
        %parallel_loop3A_185 = arith.constant 80 : i32
        %parallel_loop3A_186 = vector.broadcast %parallel_loop3A_185 : i32 to vector<16xi32>
        %parallel_loop3A_187 = arith.addi %parallel_loop3A_186, %iota3A : vector<16xi32>
        tpu.vector_store_idx %arg6[%parallel_loop3A_187, %parallel_loop3A_141], %parallel_loop3A_184 : memref<128x33xf32, #tpu.memory_space<vmem>>[vector<16xi32>, vector<16xi32>], vector<16xf32>,
        %parallel_loop3A_188 = arith.index_cast %parallel_loop3A_143 : i32 to index
        %parallel_loop3A_189 = arith.index_cast %parallel_loop3A_145 : i32 to index
        %parallel_loop3A_190 = arith.constant 96 : index
        %parallel_loop3A_191 = tpu.vector_load %arg4[%parallel_loop3A_188, %parallel_loop3A_189, %parallel_loop3A_190] {strides = array<i32>} : memref<4x8x128xf32, #tpu.memory_space<vmem>>, vector<16xf32>,
        %parallel_loop3A_192 = arith.constant 96 : i32
        %parallel_loop3A_193 = vector.broadcast %parallel_loop3A_192 : i32 to vector<16xi32>
        %parallel_loop3A_194 = arith.addi %parallel_loop3A_193, %iota3A : vector<16xi32>
        tpu.vector_store_idx %arg6[%parallel_loop3A_194, %parallel_loop3A_141], %parallel_loop3A_191 : memref<128x33xf32, #tpu.memory_space<vmem>>[vector<16xi32>, vector<16xi32>], vector<16xf32>,
        %parallel_loop3A_195 = arith.index_cast %parallel_loop3A_143 : i32 to index
        %parallel_loop3A_196 = arith.index_cast %parallel_loop3A_145 : i32 to index
        %parallel_loop3A_197 = arith.constant 112 : index
        %parallel_loop3A_198 = tpu.vector_load %arg4[%parallel_loop3A_195, %parallel_loop3A_196, %parallel_loop3A_197] {strides = array<i32>} : memref<4x8x128xf32, #tpu.memory_space<vmem>>, vector<16xf32>,
        %parallel_loop3A_199 = arith.constant 112 : i32
        %parallel_loop3A_200 = vector.broadcast %parallel_loop3A_199 : i32 to vector<16xi32>
        %parallel_loop3A_201 = arith.addi %parallel_loop3A_200, %iota3A : vector<16xi32>
        tpu.vector_store_idx %arg6[%parallel_loop3A_201, %parallel_loop3A_141], %parallel_loop3A_198 : memref<128x33xf32, #tpu.memory_space<vmem>>[vector<16xi32>, vector<16xi32>], vector<16xf32>,
      } {sc.loop_unroll_factor = 4 : i64, sc.parallel_access}
      %mul3A_81 = arith.constant 32 : i32
      %mul3A_82 = arith.muli %mul3A_81, %mul3A_48 : i32
      %add3A_83 = arith.addi %add3A, %mul3A_82 : i32
      %mul3A_84 = arith.constant 128 : i32
      %mul3A_85 = arith.muli %add3A_83, %mul3A_84 : i32
      %dma_start3A_86 = arith.constant 0 : i32
      %dma_start3A_87 = arith.constant 0 : i32
      %dma_start3A_88 = tpu.memref_slice %arg6[%dma_start3A_86, %dma_start3A_87] : memref<128x33xf32, #tpu.memory_space<vmem>> -> memref<128x32xf32, #tpu.memory_space<vmem>>
      %dma_start3A_89 = arith.constant 0 : i32
      %dma_start3A_90 = tpu.memref_slice %arg3[%mul3A_85, %dma_start3A_89] : memref<1000000x32xf32, #tpu.memory_space<hbm>> -> memref<128x32xf32, #tpu.memory_space<hbm>>
      %dma_start3A_91 = arith.constant 0 : i32
      %dma_start3A_92 = tpu.memref_slice %arg3[%mul3A_85, %dma_start3A_91] : memref<1000000x32xf32, #tpu.memory_space<hbm>> -> memref<128x32xf32, #tpu.memory_space<hbm>>
      %dma_start3A_93 = arith.constant 0 : i32
      %dma_start3A_94 = arith.constant 0 : i32
      %dma_start3A_95 = tpu.memref_slice %arg6[%dma_start3A_93, %dma_start3A_94] : memref<128x33xf32, #tpu.memory_space<vmem>> -> memref<128x32xf32, #tpu.memory_space<vmem>>
      tpu.enqueue_dma source(%dma_start3A_95 : memref<128x32xf32, #tpu.memory_space<vmem>>) target(%dma_start3A_92 : memref<128x32xf32, #tpu.memory_space<hbm>>) target_semaphore(%arg10 : memref<!tpu.dma_semaphore, #tpu.memory_space<semaphore_mem>>)
      %lt3A_96 = arith.constant 121 : i32
      %lt3A_97 = arith.cmpi slt, %scan3A_45, %lt3A_96 : i32
      %convert_element_type3A_98 = arith.extui %lt3A_97 : i1 to i32
      %cond3A_99 = arith.constant 0 : i32
      %cond3A_100 = arith.cmpi ne, %convert_element_type3A_98, %cond3A_99 : i32
      scf.if %cond3A_100 {
        %add3A_136 = arith.constant 2 : i32
        %add3A_137 = arith.addi %mul3A_48, %add3A_136 : i32
        %mul3A_138 = arith.constant 32 : i32
        %mul3A_139 = arith.muli %mul3A_138, %add3A_137 : i32
        %add3A_140 = arith.addi %add3A, %mul3A_139 : i32
        %dma_start3A_141 = arith.constant 0 : i32
        %dma_start3A_142 = arith.constant 0 : i32
        %dma_start3A_143 = arith.constant 0 : i32
        %dma_start3A_144 = tpu.memref_slice %arg2[%dma_start3A_141, %add3A_140, %dma_start3A_142, %dma_start3A_143] : memref<4x7813x8x128xf32, #tpu.memory_space<hbm>> -> memref<4x1x8x128xf32, #tpu.memory_space<hbm>>
        %dma_start3A_145 = tpu.memref_squeeze %dma_start3A_144 : memref<4x1x8x128xf32, #tpu.memory_space<hbm>> -> memref<4x8x128xf32, #tpu.memory_space<hbm>>
        %dma_start3A_146 = arith.constant 0 : i32
        %dma_start3A_147 = arith.constant 0 : i32
        %dma_start3A_148 = arith.constant 0 : i32
        %dma_start3A_149 = tpu.memref_slice %arg2[%dma_start3A_146, %add3A_140, %dma_start3A_147, %dma_start3A_148] : memref<4x7813x8x128xf32, #tpu.memory_space<hbm>> -> memref<4x1x8x128xf32, #tpu.memory_space<hbm>>
        %dma_start3A_150 = tpu.memref_squeeze %dma_start3A_149 : memref<4x1x8x128xf32, #tpu.memory_space<hbm>> -> memref<4x8x128xf32, #tpu.memory_space<hbm>>
        tpu.enqueue_dma source(%dma_start3A_150 : memref<4x8x128xf32, #tpu.memory_space<hbm>>) target(%arg4 : memref<4x8x128xf32, #tpu.memory_space<vmem>>) target_semaphore(%arg8 : memref<!tpu.dma_semaphore, #tpu.memory_space<semaphore_mem>>)
      } else {
      }
      %dma_wait3A_101 = arith.constant 0 : i32
      %dma_wait3A_102 = arith.constant 0 : i32
      %dma_wait3A_103 = arith.constant 0 : i32
      %dma_wait3A_104 = arith.constant 0 : i32
      %dma_wait3A_105 = tpu.memref_slice %arg2[%dma_wait3A_102, %dma_wait3A_101, %dma_wait3A_103, %dma_wait3A_104] : memref<4x7813x8x128xf32, #tpu.memory_space<hbm>> -> memref<4x1x8x128xf32, #tpu.memory_space<hbm>>
      %dma_wait3A_106 = tpu.memref_squeeze %dma_wait3A_105 : memref<4x1x8x128xf32, #tpu.memory_space<hbm>> -> memref<4x8x128xf32, #tpu.memory_space<hbm>>
      %dma_wait3A_107 = arith.constant 0 : i32
      %dma_wait3A_108 = arith.constant 0 : i32
      %dma_wait3A_109 = arith.constant 0 : i32
      %dma_wait3A_110 = tpu.memref_slice %arg2[%dma_wait3A_107, %dma_wait3A_101, %dma_wait3A_108, %dma_wait3A_109] : memref<4x7813x8x128xf32, #tpu.memory_space<hbm>> -> memref<4x1x8x128xf32, #tpu.memory_space<hbm>>
      %dma_wait3A_111 = tpu.memref_squeeze %dma_wait3A_110 : memref<4x1x8x128xf32, #tpu.memory_space<hbm>> -> memref<4x8x128xf32, #tpu.memory_space<hbm>>
      tpu.wait_dma2 semaphore(%arg9 : memref<!tpu.dma_semaphore, #tpu.memory_space<semaphore_mem>>) src(%dma_wait3A_111 : memref<4x8x128xf32, #tpu.memory_space<hbm>>) dst(%arg5 : memref<4x8x128xf32, #tpu.memory_space<vmem>>)
      %gt3A_112 = arith.constant 0 : i32
      %gt3A_113 = arith.cmpi sgt, %scan3A_45, %gt3A_112 : i32
      %convert_element_type3A_114 = arith.extui %gt3A_113 : i1 to i32
      %cond3A_115 = arith.constant 0 : i32
      %cond3A_116 = arith.cmpi ne, %convert_element_type3A_114, %cond3A_115 : i32
      scf.if %cond3A_116 {
        %dma_wait3A_136 = arith.constant 0 : i32
        %dma_wait3A_137 = arith.constant 0 : i32
        %dma_wait3A_138 = tpu.memref_slice %arg7[%dma_wait3A_136, %dma_wait3A_137] : memref<128x33xf32, #tpu.memory_space<vmem>> -> memref<128x32xf32, #tpu.memory_space<vmem>>
        %dma_wait3A_139 = arith.constant 0 : i32
        %dma_wait3A_140 = arith.constant 0 : i32
        %dma_wait3A_141 = tpu.memref_slice %arg3[%dma_wait3A_139, %dma_wait3A_140] : memref<1000000x32xf32, #tpu.memory_space<hbm>> -> memref<128x32xf32, #tpu.memory_space<hbm>>
        %dma_wait3A_142 = arith.constant 0 : i32
        %dma_wait3A_143 = arith.constant 0 : i32
        %dma_wait3A_144 = tpu.memref_slice %arg3[%dma_wait3A_142, %dma_wait3A_143] : memref<1000000x32xf32, #tpu.memory_space<hbm>> -> memref<128x32xf32, #tpu.memory_space<hbm>>
        %dma_wait3A_145 = arith.constant 0 : i32
        %dma_wait3A_146 = arith.constant 0 : i32
        %dma_wait3A_147 = tpu.memref_slice %arg7[%dma_wait3A_145, %dma_wait3A_146] : memref<128x33xf32, #tpu.memory_space<vmem>> -> memref<128x32xf32, #tpu.memory_space<vmem>>
        tpu.wait_dma2 semaphore(%arg11 : memref<!tpu.dma_semaphore, #tpu.memory_space<semaphore_mem>>) src(%dma_wait3A_147 : memref<128x32xf32, #tpu.memory_space<vmem>>) dst(%dma_wait3A_144 : memref<128x32xf32, #tpu.memory_space<hbm>>)
      } else {
      }
      %parallel_loop3A_117 = arith.constant 0 : i32
      %parallel_loop3A_118 = arith.constant 32 : i32
      %parallel_loop3A_119 = arith.constant 1 : i32
      scf.for %parallel_loop3A_136 = %parallel_loop3A_117 to %parallel_loop3A_118 step %parallel_loop3A_119  : i32 {
        %parallel_loop3A_137 = arith.constant 0 : i32
        %parallel_loop3A_138 = vector.broadcast %parallel_loop3A_137 : i32 to vector<16xi32>
        %parallel_loop3A_139 = arith.muli %iota3A, %parallel_loop3A_138 : vector<16xi32>
        %parallel_loop3A_140 = vector.broadcast %parallel_loop3A_136 : i32 to vector<16xi32>
        %parallel_loop3A_141 = arith.addi %parallel_loop3A_139, %parallel_loop3A_140 : vector<16xi32>
        %parallel_loop3A_142 = arith.constant 3 : i32
        %parallel_loop3A_143 = arith.shrsi %parallel_loop3A_136, %parallel_loop3A_142 : i32
        %parallel_loop3A_144 = arith.constant 7 : i32
        %parallel_loop3A_145 = arith.andi %parallel_loop3A_136, %parallel_loop3A_144 : i32
        %parallel_loop3A_146 = arith.index_cast %parallel_loop3A_143 : i32 to index
        %parallel_loop3A_147 = arith.index_cast %parallel_loop3A_145 : i32 to index
        %parallel_loop3A_148 = arith.constant 0 : index
        %parallel_loop3A_149 = tpu.vector_load %arg5[%parallel_loop3A_146, %parallel_loop3A_147, %parallel_loop3A_148] {strides = array<i32>} : memref<4x8x128xf32, #tpu.memory_space<vmem>>, vector<16xf32>,
        %parallel_loop3A_150 = arith.constant 0 : i32
        %parallel_loop3A_151 = vector.broadcast %parallel_loop3A_150 : i32 to vector<16xi32>
        %parallel_loop3A_152 = arith.addi %parallel_loop3A_151, %iota3A : vector<16xi32>
        tpu.vector_store_idx %arg7[%parallel_loop3A_152, %parallel_loop3A_141], %parallel_loop3A_149 : memref<128x33xf32, #tpu.memory_space<vmem>>[vector<16xi32>, vector<16xi32>], vector<16xf32>,
        %parallel_loop3A_153 = arith.index_cast %parallel_loop3A_143 : i32 to index
        %parallel_loop3A_154 = arith.index_cast %parallel_loop3A_145 : i32 to index
        %parallel_loop3A_155 = arith.constant 16 : index
        %parallel_loop3A_156 = tpu.vector_load %arg5[%parallel_loop3A_153, %parallel_loop3A_154, %parallel_loop3A_155] {strides = array<i32>} : memref<4x8x128xf32, #tpu.memory_space<vmem>>, vector<16xf32>,
        %parallel_loop3A_157 = arith.constant 16 : i32
        %parallel_loop3A_158 = vector.broadcast %parallel_loop3A_157 : i32 to vector<16xi32>
        %parallel_loop3A_159 = arith.addi %parallel_loop3A_158, %iota3A : vector<16xi32>
        tpu.vector_store_idx %arg7[%parallel_loop3A_159, %parallel_loop3A_141], %parallel_loop3A_156 : memref<128x33xf32, #tpu.memory_space<vmem>>[vector<16xi32>, vector<16xi32>], vector<16xf32>,
        %parallel_loop3A_160 = arith.index_cast %parallel_loop3A_143 : i32 to index
        %parallel_loop3A_161 = arith.index_cast %parallel_loop3A_145 : i32 to index
        %parallel_loop3A_162 = arith.constant 32 : index
        %parallel_loop3A_163 = tpu.vector_load %arg5[%parallel_loop3A_160, %parallel_loop3A_161, %parallel_loop3A_162] {strides = array<i32>} : memref<4x8x128xf32, #tpu.memory_space<vmem>>, vector<16xf32>,
        %parallel_loop3A_164 = arith.constant 32 : i32
        %parallel_loop3A_165 = vector.broadcast %parallel_loop3A_164 : i32 to vector<16xi32>
        %parallel_loop3A_166 = arith.addi %parallel_loop3A_165, %iota3A : vector<16xi32>
        tpu.vector_store_idx %arg7[%parallel_loop3A_166, %parallel_loop3A_141], %parallel_loop3A_163 : memref<128x33xf32, #tpu.memory_space<vmem>>[vector<16xi32>, vector<16xi32>], vector<16xf32>,
        %parallel_loop3A_167 = arith.index_cast %parallel_loop3A_143 : i32 to index
        %parallel_loop3A_168 = arith.index_cast %parallel_loop3A_145 : i32 to index
        %parallel_loop3A_169 = arith.constant 48 : index
        %parallel_loop3A_170 = tpu.vector_load %arg5[%parallel_loop3A_167, %parallel_loop3A_168, %parallel_loop3A_169] {strides = array<i32>} : memref<4x8x128xf32, #tpu.memory_space<vmem>>, vector<16xf32>,
        %parallel_loop3A_171 = arith.constant 48 : i32
        %parallel_loop3A_172 = vector.broadcast %parallel_loop3A_171 : i32 to vector<16xi32>
        %parallel_loop3A_173 = arith.addi %parallel_loop3A_172, %iota3A : vector<16xi32>
        tpu.vector_store_idx %arg7[%parallel_loop3A_173, %parallel_loop3A_141], %parallel_loop3A_170 : memref<128x33xf32, #tpu.memory_space<vmem>>[vector<16xi32>, vector<16xi32>], vector<16xf32>,
        %parallel_loop3A_174 = arith.index_cast %parallel_loop3A_143 : i32 to index
        %parallel_loop3A_175 = arith.index_cast %parallel_loop3A_145 : i32 to index
        %parallel_loop3A_176 = arith.constant 64 : index
        %parallel_loop3A_177 = tpu.vector_load %arg5[%parallel_loop3A_174, %parallel_loop3A_175, %parallel_loop3A_176] {strides = array<i32>} : memref<4x8x128xf32, #tpu.memory_space<vmem>>, vector<16xf32>,
        %parallel_loop3A_178 = arith.constant 64 : i32
        %parallel_loop3A_179 = vector.broadcast %parallel_loop3A_178 : i32 to vector<16xi32>
        %parallel_loop3A_180 = arith.addi %parallel_loop3A_179, %iota3A : vector<16xi32>
        tpu.vector_store_idx %arg7[%parallel_loop3A_180, %parallel_loop3A_141], %parallel_loop3A_177 : memref<128x33xf32, #tpu.memory_space<vmem>>[vector<16xi32>, vector<16xi32>], vector<16xf32>,
        %parallel_loop3A_181 = arith.index_cast %parallel_loop3A_143 : i32 to index
        %parallel_loop3A_182 = arith.index_cast %parallel_loop3A_145 : i32 to index
        %parallel_loop3A_183 = arith.constant 80 : index
        %parallel_loop3A_184 = tpu.vector_load %arg5[%parallel_loop3A_181, %parallel_loop3A_182, %parallel_loop3A_183] {strides = array<i32>} : memref<4x8x128xf32, #tpu.memory_space<vmem>>, vector<16xf32>,
        %parallel_loop3A_185 = arith.constant 80 : i32
        %parallel_loop3A_186 = vector.broadcast %parallel_loop3A_185 : i32 to vector<16xi32>
        %parallel_loop3A_187 = arith.addi %parallel_loop3A_186, %iota3A : vector<16xi32>
        tpu.vector_store_idx %arg7[%parallel_loop3A_187, %parallel_loop3A_141], %parallel_loop3A_184 : memref<128x33xf32, #tpu.memory_space<vmem>>[vector<16xi32>, vector<16xi32>], vector<16xf32>,
        %parallel_loop3A_188 = arith.index_cast %parallel_loop3A_143 : i32 to index
        %parallel_loop3A_189 = arith.index_cast %parallel_loop3A_145 : i32 to index
        %parallel_loop3A_190 = arith.constant 96 : index
        %parallel_loop3A_191 = tpu.vector_load %arg5[%parallel_loop3A_188, %parallel_loop3A_189, %parallel_loop3A_190] {strides = array<i32>} : memref<4x8x128xf32, #tpu.memory_space<vmem>>, vector<16xf32>,
        %parallel_loop3A_192 = arith.constant 96 : i32
        %parallel_loop3A_193 = vector.broadcast %parallel_loop3A_192 : i32 to vector<16xi32>
        %parallel_loop3A_194 = arith.addi %parallel_loop3A_193, %iota3A : vector<16xi32>
        tpu.vector_store_idx %arg7[%parallel_loop3A_194, %parallel_loop3A_141], %parallel_loop3A_191 : memref<128x33xf32, #tpu.memory_space<vmem>>[vector<16xi32>, vector<16xi32>], vector<16xf32>,
        %parallel_loop3A_195 = arith.index_cast %parallel_loop3A_143 : i32 to index
        %parallel_loop3A_196 = arith.index_cast %parallel_loop3A_145 : i32 to index
        %parallel_loop3A_197 = arith.constant 112 : index
        %parallel_loop3A_198 = tpu.vector_load %arg5[%parallel_loop3A_195, %parallel_loop3A_196, %parallel_loop3A_197] {strides = array<i32>} : memref<4x8x128xf32, #tpu.memory_space<vmem>>, vector<16xf32>,
        %parallel_loop3A_199 = arith.constant 112 : i32
        %parallel_loop3A_200 = vector.broadcast %parallel_loop3A_199 : i32 to vector<16xi32>
        %parallel_loop3A_201 = arith.addi %parallel_loop3A_200, %iota3A : vector<16xi32>
        tpu.vector_store_idx %arg7[%parallel_loop3A_201, %parallel_loop3A_141], %parallel_loop3A_198 : memref<128x33xf32, #tpu.memory_space<vmem>>[vector<16xi32>, vector<16xi32>], vector<16xf32>,
      } {sc.loop_unroll_factor = 4 : i64, sc.parallel_access}
      %mul3A_120 = arith.constant 32 : i32
      %mul3A_121 = arith.muli %mul3A_120, %add3A_50 : i32
      %add3A_122 = arith.addi %add3A, %mul3A_121 : i32
      %mul3A_123 = arith.constant 128 : i32
      %mul3A_124 = arith.muli %add3A_122, %mul3A_123 : i32
      %dma_start3A_125 = arith.constant 0 : i32
      %dma_start3A_126 = arith.constant 0 : i32
      %dma_start3A_127 = tpu.memref_slice %arg7[%dma_start3A_125, %dma_start3A_126] : memref<128x33xf32, #tpu.memory_space<vmem>> -> memref<128x32xf32, #tpu.memory_space<vmem>>
      %dma_start3A_128 = arith.constant 0 : i32
      %dma_start3A_129 = tpu.memref_slice %arg3[%mul3A_124, %dma_start3A_128] : memref<1000000x32xf32, #tpu.memory_space<hbm>> -> memref<128x32xf32, #tpu.memory_space<hbm>>
      %dma_start3A_130 = arith.constant 0 : i32
      %dma_start3A_131 = tpu.memref_slice %arg3[%mul3A_124, %dma_start3A_130] : memref<1000000x32xf32, #tpu.memory_space<hbm>> -> memref<128x32xf32, #tpu.memory_space<hbm>>
      %dma_start3A_132 = arith.constant 0 : i32
      %dma_start3A_133 = arith.constant 0 : i32
      %dma_start3A_134 = tpu.memref_slice %arg7[%dma_start3A_132, %dma_start3A_133] : memref<128x33xf32, #tpu.memory_space<vmem>> -> memref<128x32xf32, #tpu.memory_space<vmem>>
      tpu.enqueue_dma source(%dma_start3A_134 : memref<128x32xf32, #tpu.memory_space<vmem>>) target(%dma_start3A_131 : memref<128x32xf32, #tpu.memory_space<hbm>>) target_semaphore(%arg11 : memref<!tpu.dma_semaphore, #tpu.memory_space<semaphore_mem>>)
      %scan3A_135 = arith.constant 0 : i32
      scf.yield %scan3A_135 : i32
    }
    %scan3A_15 = arith.constant 122 : i32
    %dma_wait3A = arith.constant 0 : i32
    %dma_wait3A_16 = arith.constant 0 : i32
    %dma_wait3A_17 = tpu.memref_slice %arg6[%dma_wait3A, %dma_wait3A_16] : memref<128x33xf32, #tpu.memory_space<vmem>> -> memref<128x32xf32, #tpu.memory_space<vmem>>
    %dma_wait3A_18 = arith.constant 0 : i32
    %dma_wait3A_19 = arith.constant 0 : i32
    %dma_wait3A_20 = tpu.memref_slice %arg3[%dma_wait3A_18, %dma_wait3A_19] : memref<1000000x32xf32, #tpu.memory_space<hbm>> -> memref<128x32xf32, #tpu.memory_space<hbm>>
    %dma_wait3A_21 = arith.constant 0 : i32
    %dma_wait3A_22 = arith.constant 0 : i32
    %dma_wait3A_23 = tpu.memref_slice %arg3[%dma_wait3A_21, %dma_wait3A_22] : memref<1000000x32xf32, #tpu.memory_space<hbm>> -> memref<128x32xf32, #tpu.memory_space<hbm>>
    %dma_wait3A_24 = arith.constant 0 : i32
    %dma_wait3A_25 = arith.constant 0 : i32
    %dma_wait3A_26 = tpu.memref_slice %arg6[%dma_wait3A_24, %dma_wait3A_25] : memref<128x33xf32, #tpu.memory_space<vmem>> -> memref<128x32xf32, #tpu.memory_space<vmem>>
    tpu.wait_dma2 semaphore(%arg10 : memref<!tpu.dma_semaphore, #tpu.memory_space<semaphore_mem>>) src(%dma_wait3A_26 : memref<128x32xf32, #tpu.memory_space<vmem>>) dst(%dma_wait3A_23 : memref<128x32xf32, #tpu.memory_space<hbm>>)
    %dma_wait3A_27 = arith.constant 0 : i32
    %dma_wait3A_28 = arith.constant 0 : i32
    %dma_wait3A_29 = tpu.memref_slice %arg7[%dma_wait3A_27, %dma_wait3A_28] : memref<128x33xf32, #tpu.memory_space<vmem>> -> memref<128x32xf32, #tpu.memory_space<vmem>>
    %dma_wait3A_30 = arith.constant 0 : i32
    %dma_wait3A_31 = arith.constant 0 : i32
    %dma_wait3A_32 = tpu.memref_slice %arg3[%dma_wait3A_30, %dma_wait3A_31] : memref<1000000x32xf32, #tpu.memory_space<hbm>> -> memref<128x32xf32, #tpu.memory_space<hbm>>
    %dma_wait3A_33 = arith.constant 0 : i32
    %dma_wait3A_34 = arith.constant 0 : i32
    %dma_wait3A_35 = tpu.memref_slice %arg3[%dma_wait3A_33, %dma_wait3A_34] : memref<1000000x32xf32, #tpu.memory_space<hbm>> -> memref<128x32xf32, #tpu.memory_space<hbm>>
    %dma_wait3A_36 = arith.constant 0 : i32
    %dma_wait3A_37 = arith.constant 0 : i32
    %dma_wait3A_38 = tpu.memref_slice %arg7[%dma_wait3A_36, %dma_wait3A_37] : memref<128x33xf32, #tpu.memory_space<vmem>> -> memref<128x32xf32, #tpu.memory_space<vmem>>
    tpu.wait_dma2 semaphore(%arg11 : memref<!tpu.dma_semaphore, #tpu.memory_space<semaphore_mem>>) src(%dma_wait3A_38 : memref<128x32xf32, #tpu.memory_space<vmem>>) dst(%dma_wait3A_35 : memref<128x32xf32, #tpu.memory_space<hbm>>)
    %lt3A = arith.constant 4 : i32
    %lt3A_39 = arith.cmpi slt, %add3A, %lt3A : i32
    %convert_element_type3A = arith.extui %lt3A_39 : i1 to i32
    %cond3A = arith.constant 0 : i32
    %cond3A_40 = arith.cmpi ne, %convert_element_type3A, %cond3A : i32
    scf.if %cond3A_40 {
      %add3A_45 = arith.constant 7808 : i32
      %add3A_46 = arith.addi %add3A_45, %add3A : i32
      "tpu.region"() ({
        %run_scoped3A = tpu.sem_alloc : memref<!tpu.dma_semaphore, #tpu.memory_space<semaphore_mem>>
        %dma_start3A_51 = arith.constant 0 : i32
        %dma_start3A_52 = arith.constant 0 : i32
        %dma_start3A_53 = arith.constant 0 : i32
        %dma_start3A_54 = tpu.memref_slice %arg2[%dma_start3A_51, %add3A_46, %dma_start3A_52, %dma_start3A_53] : memref<4x7813x8x128xf32, #tpu.memory_space<hbm>> -> memref<4x1x8x128xf32, #tpu.memory_space<hbm>>
        %dma_start3A_55 = tpu.memref_squeeze %dma_start3A_54 : memref<4x1x8x128xf32, #tpu.memory_space<hbm>> -> memref<4x8x128xf32, #tpu.memory_space<hbm>>
        %dma_start3A_56 = arith.constant 0 : i32
        %dma_start3A_57 = arith.constant 0 : i32
        %dma_start3A_58 = arith.constant 0 : i32
        %dma_start3A_59 = tpu.memref_slice %arg2[%dma_start3A_56, %add3A_46, %dma_start3A_57, %dma_start3A_58] : memref<4x7813x8x128xf32, #tpu.memory_space<hbm>> -> memref<4x1x8x128xf32, #tpu.memory_space<hbm>>
        %dma_start3A_60 = tpu.memref_squeeze %dma_start3A_59 : memref<4x1x8x128xf32, #tpu.memory_space<hbm>> -> memref<4x8x128xf32, #tpu.memory_space<hbm>>
        tpu.enqueue_dma source(%dma_start3A_60 : memref<4x8x128xf32, #tpu.memory_space<hbm>>) target(%arg4 : memref<4x8x128xf32, #tpu.memory_space<vmem>>) target_semaphore(%run_scoped3A : memref<!tpu.dma_semaphore, #tpu.memory_space<semaphore_mem>>)
        %dma_wait3A_61 = arith.constant 0 : i32
        %dma_wait3A_62 = arith.constant 0 : i32
        %dma_wait3A_63 = arith.constant 0 : i32
        %dma_wait3A_64 = tpu.memref_slice %arg2[%dma_wait3A_61, %add3A_46, %dma_wait3A_62, %dma_wait3A_63] : memref<4x7813x8x128xf32, #tpu.memory_space<hbm>> -> memref<4x1x8x128xf32, #tpu.memory_space<hbm>>
        %dma_wait3A_65 = tpu.memref_squeeze %dma_wait3A_64 : memref<4x1x8x128xf32, #tpu.memory_space<hbm>> -> memref<4x8x128xf32, #tpu.memory_space<hbm>>
        %dma_wait3A_66 = arith.constant 0 : i32
        %dma_wait3A_67 = arith.constant 0 : i32
        %dma_wait3A_68 = arith.constant 0 : i32
        %dma_wait3A_69 = tpu.memref_slice %arg2[%dma_wait3A_66, %add3A_46, %dma_wait3A_67, %dma_wait3A_68] : memref<4x7813x8x128xf32, #tpu.memory_space<hbm>> -> memref<4x1x8x128xf32, #tpu.memory_space<hbm>>
        %dma_wait3A_70 = tpu.memref_squeeze %dma_wait3A_69 : memref<4x1x8x128xf32, #tpu.memory_space<hbm>> -> memref<4x8x128xf32, #tpu.memory_space<hbm>>
        tpu.wait_dma2 semaphore(%run_scoped3A : memref<!tpu.dma_semaphore, #tpu.memory_space<semaphore_mem>>) src(%dma_wait3A_70 : memref<4x8x128xf32, #tpu.memory_space<hbm>>) dst(%arg4 : memref<4x8x128xf32, #tpu.memory_space<vmem>>)
        tpu.yield
      }) : () -> ()
      %parallel_loop3A = arith.constant 0 : i32
      %parallel_loop3A_47 = arith.constant 32 : i32
      %parallel_loop3A_48 = arith.constant 1 : i32
      scf.for %parallel_loop3A_51 = %parallel_loop3A to %parallel_loop3A_47 step %parallel_loop3A_48  : i32 {
        %parallel_loop3A_52 = arith.constant 0 : i32
        %parallel_loop3A_53 = vector.broadcast %parallel_loop3A_52 : i32 to vector<16xi32>
        %parallel_loop3A_54 = arith.muli %iota3A, %parallel_loop3A_53 : vector<16xi32>
        %parallel_loop3A_55 = vector.broadcast %parallel_loop3A_51 : i32 to vector<16xi32>
        %parallel_loop3A_56 = arith.addi %parallel_loop3A_54, %parallel_loop3A_55 : vector<16xi32>
        %parallel_loop3A_57 = arith.constant 3 : i32
        %parallel_loop3A_58 = arith.shrsi %parallel_loop3A_51, %parallel_loop3A_57 : i32
        %parallel_loop3A_59 = arith.constant 7 : i32
        %parallel_loop3A_60 = arith.andi %parallel_loop3A_51, %parallel_loop3A_59 : i32
        %parallel_loop3A_61 = arith.index_cast %parallel_loop3A_58 : i32 to index
        %parallel_loop3A_62 = arith.index_cast %parallel_loop3A_60 : i32 to index
        %parallel_loop3A_63 = arith.constant 0 : index
        %parallel_loop3A_64 = tpu.vector_load %arg4[%parallel_loop3A_61, %parallel_loop3A_62, %parallel_loop3A_63] {strides = array<i32>} : memref<4x8x128xf32, #tpu.memory_space<vmem>>, vector<16xf32>,
        %parallel_loop3A_65 = arith.constant 0 : i32
        %parallel_loop3A_66 = vector.broadcast %parallel_loop3A_65 : i32 to vector<16xi32>
        %parallel_loop3A_67 = arith.addi %parallel_loop3A_66, %iota3A : vector<16xi32>
        tpu.vector_store_idx %arg6[%parallel_loop3A_67, %parallel_loop3A_56], %parallel_loop3A_64 : memref<128x33xf32, #tpu.memory_space<vmem>>[vector<16xi32>, vector<16xi32>], vector<16xf32>,
        %parallel_loop3A_68 = arith.index_cast %parallel_loop3A_58 : i32 to index
        %parallel_loop3A_69 = arith.index_cast %parallel_loop3A_60 : i32 to index
        %parallel_loop3A_70 = arith.constant 16 : index
        %parallel_loop3A_71 = tpu.vector_load %arg4[%parallel_loop3A_68, %parallel_loop3A_69, %parallel_loop3A_70] {strides = array<i32>} : memref<4x8x128xf32, #tpu.memory_space<vmem>>, vector<16xf32>,
        %parallel_loop3A_72 = arith.constant 16 : i32
        %parallel_loop3A_73 = vector.broadcast %parallel_loop3A_72 : i32 to vector<16xi32>
        %parallel_loop3A_74 = arith.addi %parallel_loop3A_73, %iota3A : vector<16xi32>
        tpu.vector_store_idx %arg6[%parallel_loop3A_74, %parallel_loop3A_56], %parallel_loop3A_71 : memref<128x33xf32, #tpu.memory_space<vmem>>[vector<16xi32>, vector<16xi32>], vector<16xf32>,
        %parallel_loop3A_75 = arith.index_cast %parallel_loop3A_58 : i32 to index
        %parallel_loop3A_76 = arith.index_cast %parallel_loop3A_60 : i32 to index
        %parallel_loop3A_77 = arith.constant 32 : index
        %parallel_loop3A_78 = tpu.vector_load %arg4[%parallel_loop3A_75, %parallel_loop3A_76, %parallel_loop3A_77] {strides = array<i32>} : memref<4x8x128xf32, #tpu.memory_space<vmem>>, vector<16xf32>,
        %parallel_loop3A_79 = arith.constant 32 : i32
        %parallel_loop3A_80 = vector.broadcast %parallel_loop3A_79 : i32 to vector<16xi32>
        %parallel_loop3A_81 = arith.addi %parallel_loop3A_80, %iota3A : vector<16xi32>
        tpu.vector_store_idx %arg6[%parallel_loop3A_81, %parallel_loop3A_56], %parallel_loop3A_78 : memref<128x33xf32, #tpu.memory_space<vmem>>[vector<16xi32>, vector<16xi32>], vector<16xf32>,
        %parallel_loop3A_82 = arith.index_cast %parallel_loop3A_58 : i32 to index
        %parallel_loop3A_83 = arith.index_cast %parallel_loop3A_60 : i32 to index
        %parallel_loop3A_84 = arith.constant 48 : index
        %parallel_loop3A_85 = tpu.vector_load %arg4[%parallel_loop3A_82, %parallel_loop3A_83, %parallel_loop3A_84] {strides = array<i32>} : memref<4x8x128xf32, #tpu.memory_space<vmem>>, vector<16xf32>,
        %parallel_loop3A_86 = arith.constant 48 : i32
        %parallel_loop3A_87 = vector.broadcast %parallel_loop3A_86 : i32 to vector<16xi32>
        %parallel_loop3A_88 = arith.addi %parallel_loop3A_87, %iota3A : vector<16xi32>
        tpu.vector_store_idx %arg6[%parallel_loop3A_88, %parallel_loop3A_56], %parallel_loop3A_85 : memref<128x33xf32, #tpu.memory_space<vmem>>[vector<16xi32>, vector<16xi32>], vector<16xf32>,
        %parallel_loop3A_89 = arith.index_cast %parallel_loop3A_58 : i32 to index
        %parallel_loop3A_90 = arith.index_cast %parallel_loop3A_60 : i32 to index
        %parallel_loop3A_91 = arith.constant 64 : index
        %parallel_loop3A_92 = tpu.vector_load %arg4[%parallel_loop3A_89, %parallel_loop3A_90, %parallel_loop3A_91] {strides = array<i32>} : memref<4x8x128xf32, #tpu.memory_space<vmem>>, vector<16xf32>,
        %parallel_loop3A_93 = arith.constant 64 : i32
        %parallel_loop3A_94 = vector.broadcast %parallel_loop3A_93 : i32 to vector<16xi32>
        %parallel_loop3A_95 = arith.addi %parallel_loop3A_94, %iota3A : vector<16xi32>
        tpu.vector_store_idx %arg6[%parallel_loop3A_95, %parallel_loop3A_56], %parallel_loop3A_92 : memref<128x33xf32, #tpu.memory_space<vmem>>[vector<16xi32>, vector<16xi32>], vector<16xf32>,
        %parallel_loop3A_96 = arith.index_cast %parallel_loop3A_58 : i32 to index
        %parallel_loop3A_97 = arith.index_cast %parallel_loop3A_60 : i32 to index
        %parallel_loop3A_98 = arith.constant 80 : index
        %parallel_loop3A_99 = tpu.vector_load %arg4[%parallel_loop3A_96, %parallel_loop3A_97, %parallel_loop3A_98] {strides = array<i32>} : memref<4x8x128xf32, #tpu.memory_space<vmem>>, vector<16xf32>,
        %parallel_loop3A_100 = arith.constant 80 : i32
        %parallel_loop3A_101 = vector.broadcast %parallel_loop3A_100 : i32 to vector<16xi32>
        %parallel_loop3A_102 = arith.addi %parallel_loop3A_101, %iota3A : vector<16xi32>
        tpu.vector_store_idx %arg6[%parallel_loop3A_102, %parallel_loop3A_56], %parallel_loop3A_99 : memref<128x33xf32, #tpu.memory_space<vmem>>[vector<16xi32>, vector<16xi32>], vector<16xf32>,
        %parallel_loop3A_103 = arith.index_cast %parallel_loop3A_58 : i32 to index
        %parallel_loop3A_104 = arith.index_cast %parallel_loop3A_60 : i32 to index
        %parallel_loop3A_105 = arith.constant 96 : index
        %parallel_loop3A_106 = tpu.vector_load %arg4[%parallel_loop3A_103, %parallel_loop3A_104, %parallel_loop3A_105] {strides = array<i32>} : memref<4x8x128xf32, #tpu.memory_space<vmem>>, vector<16xf32>,
        %parallel_loop3A_107 = arith.constant 96 : i32
        %parallel_loop3A_108 = vector.broadcast %parallel_loop3A_107 : i32 to vector<16xi32>
        %parallel_loop3A_109 = arith.addi %parallel_loop3A_108, %iota3A : vector<16xi32>
        tpu.vector_store_idx %arg6[%parallel_loop3A_109, %parallel_loop3A_56], %parallel_loop3A_106 : memref<128x33xf32, #tpu.memory_space<vmem>>[vector<16xi32>, vector<16xi32>], vector<16xf32>,
        %parallel_loop3A_110 = arith.index_cast %parallel_loop3A_58 : i32 to index
        %parallel_loop3A_111 = arith.index_cast %parallel_loop3A_60 : i32 to index
        %parallel_loop3A_112 = arith.constant 112 : index
        %parallel_loop3A_113 = tpu.vector_load %arg4[%parallel_loop3A_110, %parallel_loop3A_111, %parallel_loop3A_112] {strides = array<i32>} : memref<4x8x128xf32, #tpu.memory_space<vmem>>, vector<16xf32>,
        %parallel_loop3A_114 = arith.constant 112 : i32
        %parallel_loop3A_115 = vector.broadcast %parallel_loop3A_114 : i32 to vector<16xi32>
        %parallel_loop3A_116 = arith.addi %parallel_loop3A_115, %iota3A : vector<16xi32>
        tpu.vector_store_idx %arg6[%parallel_loop3A_116, %parallel_loop3A_56], %parallel_loop3A_113 : memref<128x33xf32, #tpu.memory_space<vmem>>[vector<16xi32>, vector<16xi32>], vector<16xf32>,
      } {sc.loop_unroll_factor = 4 : i64, sc.parallel_access}
      %mul3A_49 = arith.constant 128 : i32
      %mul3A_50 = arith.muli %add3A_46, %mul3A_49 : i32
      "tpu.region"() ({
        %run_scoped3A = tpu.sem_alloc : memref<!tpu.dma_semaphore, #tpu.memory_space<semaphore_mem>>
        %dma_start3A_51 = arith.constant 0 : i32
        %dma_start3A_52 = arith.constant 0 : i32
        %dma_start3A_53 = tpu.memref_slice %arg6[%dma_start3A_51, %dma_start3A_52] : memref<128x33xf32, #tpu.memory_space<vmem>> -> memref<128x32xf32, #tpu.memory_space<vmem>>
        %dma_start3A_54 = arith.constant 0 : i32
        %dma_start3A_55 = tpu.memref_slice %arg3[%mul3A_50, %dma_start3A_54] : memref<1000000x32xf32, #tpu.memory_space<hbm>> -> memref<128x32xf32, #tpu.memory_space<hbm>>
        %dma_start3A_56 = arith.constant 0 : i32
        %dma_start3A_57 = tpu.memref_slice %arg3[%mul3A_50, %dma_start3A_56] : memref<1000000x32xf32, #tpu.memory_space<hbm>> -> memref<128x32xf32, #tpu.memory_space<hbm>>
        %dma_start3A_58 = arith.constant 0 : i32
        %dma_start3A_59 = arith.constant 0 : i32
        %dma_start3A_60 = tpu.memref_slice %arg6[%dma_start3A_58, %dma_start3A_59] : memref<128x33xf32, #tpu.memory_space<vmem>> -> memref<128x32xf32, #tpu.memory_space<vmem>>
        tpu.enqueue_dma source(%dma_start3A_60 : memref<128x32xf32, #tpu.memory_space<vmem>>) target(%dma_start3A_57 : memref<128x32xf32, #tpu.memory_space<hbm>>) target_semaphore(%run_scoped3A : memref<!tpu.dma_semaphore, #tpu.memory_space<semaphore_mem>>)
        %dma_wait3A_61 = arith.constant 0 : i32
        %dma_wait3A_62 = arith.constant 0 : i32
        %dma_wait3A_63 = tpu.memref_slice %arg6[%dma_wait3A_61, %dma_wait3A_62] : memref<128x33xf32, #tpu.memory_space<vmem>> -> memref<128x32xf32, #tpu.memory_space<vmem>>
        %dma_wait3A_64 = arith.constant 0 : i32
        %dma_wait3A_65 = tpu.memref_slice %arg3[%mul3A_50, %dma_wait3A_64] : memref<1000000x32xf32, #tpu.memory_space<hbm>> -> memref<128x32xf32, #tpu.memory_space<hbm>>
        %dma_wait3A_66 = arith.constant 0 : i32
        %dma_wait3A_67 = tpu.memref_slice %arg3[%mul3A_50, %dma_wait3A_66] : memref<1000000x32xf32, #tpu.memory_space<hbm>> -> memref<128x32xf32, #tpu.memory_space<hbm>>
        %dma_wait3A_68 = arith.constant 0 : i32
        %dma_wait3A_69 = arith.constant 0 : i32
        %dma_wait3A_70 = tpu.memref_slice %arg6[%dma_wait3A_68, %dma_wait3A_69] : memref<128x33xf32, #tpu.memory_space<vmem>> -> memref<128x32xf32, #tpu.memory_space<vmem>>
        tpu.wait_dma2 semaphore(%run_scoped3A : memref<!tpu.dma_semaphore, #tpu.memory_space<semaphore_mem>>) src(%dma_wait3A_70 : memref<128x32xf32, #tpu.memory_space<vmem>>) dst(%dma_wait3A_67 : memref<128x32xf32, #tpu.memory_space<hbm>>)
        tpu.yield
      }) : () -> ()
    } else {
    }
    %eq3A = arith.constant 4 : i32
    %eq3A_41 = arith.cmpi eq, %add3A, %eq3A : i32
    %convert_element_type3A_42 = arith.extui %eq3A_41 : i1 to i32
    %cond3A_43 = arith.constant 0 : i32
    %cond3A_44 = arith.cmpi ne, %convert_element_type3A_42, %cond3A_43 : i32
    scf.if %cond3A_44 {
      %run_scoped3A = arith.constant 7812 : i32
      "tpu.region"() ({
        %run_scoped3A_47 = tpu.sem_alloc : memref<!tpu.dma_semaphore, #tpu.memory_space<semaphore_mem>>
        %dma_start3A_48 = arith.constant 0 : i32
        %dma_start3A_49 = arith.constant 0 : i32
        %dma_start3A_50 = arith.constant 0 : i32
        %dma_start3A_51 = tpu.memref_slice %arg2[%dma_start3A_48, %run_scoped3A, %dma_start3A_49, %dma_start3A_50] : memref<4x7813x8x128xf32, #tpu.memory_space<hbm>> -> memref<4x1x8x128xf32, #tpu.memory_space<hbm>>
        %dma_start3A_52 = tpu.memref_squeeze %dma_start3A_51 : memref<4x1x8x128xf32, #tpu.memory_space<hbm>> -> memref<4x8x128xf32, #tpu.memory_space<hbm>>
        %dma_start3A_53 = arith.constant 0 : i32
        %dma_start3A_54 = arith.constant 0 : i32
        %dma_start3A_55 = arith.constant 0 : i32
        %dma_start3A_56 = tpu.memref_slice %arg2[%dma_start3A_53, %run_scoped3A, %dma_start3A_54, %dma_start3A_55] : memref<4x7813x8x128xf32, #tpu.memory_space<hbm>> -> memref<4x1x8x128xf32, #tpu.memory_space<hbm>>
        %dma_start3A_57 = tpu.memref_squeeze %dma_start3A_56 : memref<4x1x8x128xf32, #tpu.memory_space<hbm>> -> memref<4x8x128xf32, #tpu.memory_space<hbm>>
        tpu.enqueue_dma source(%dma_start3A_57 : memref<4x8x128xf32, #tpu.memory_space<hbm>>) target(%arg4 : memref<4x8x128xf32, #tpu.memory_space<vmem>>) target_semaphore(%run_scoped3A_47 : memref<!tpu.dma_semaphore, #tpu.memory_space<semaphore_mem>>)
        %dma_wait3A_58 = arith.constant 0 : i32
        %dma_wait3A_59 = arith.constant 0 : i32
        %dma_wait3A_60 = arith.constant 0 : i32
        %dma_wait3A_61 = tpu.memref_slice %arg2[%dma_wait3A_58, %run_scoped3A, %dma_wait3A_59, %dma_wait3A_60] : memref<4x7813x8x128xf32, #tpu.memory_space<hbm>> -> memref<4x1x8x128xf32, #tpu.memory_space<hbm>>
        %dma_wait3A_62 = tpu.memref_squeeze %dma_wait3A_61 : memref<4x1x8x128xf32, #tpu.memory_space<hbm>> -> memref<4x8x128xf32, #tpu.memory_space<hbm>>
        %dma_wait3A_63 = arith.constant 0 : i32
        %dma_wait3A_64 = arith.constant 0 : i32
        %dma_wait3A_65 = arith.constant 0 : i32
        %dma_wait3A_66 = tpu.memref_slice %arg2[%dma_wait3A_63, %run_scoped3A, %dma_wait3A_64, %dma_wait3A_65] : memref<4x7813x8x128xf32, #tpu.memory_space<hbm>> -> memref<4x1x8x128xf32, #tpu.memory_space<hbm>>
        %dma_wait3A_67 = tpu.memref_squeeze %dma_wait3A_66 : memref<4x1x8x128xf32, #tpu.memory_space<hbm>> -> memref<4x8x128xf32, #tpu.memory_space<hbm>>
        tpu.wait_dma2 semaphore(%run_scoped3A_47 : memref<!tpu.dma_semaphore, #tpu.memory_space<semaphore_mem>>) src(%dma_wait3A_67 : memref<4x8x128xf32, #tpu.memory_space<hbm>>) dst(%arg4 : memref<4x8x128xf32, #tpu.memory_space<vmem>>)
        tpu.yield
      }) : () -> ()
      %parallel_loop3A = arith.constant 0 : i32
      %parallel_loop3A_45 = arith.constant 32 : i32
      %parallel_loop3A_46 = arith.constant 1 : i32
      scf.for %parallel_loop3A_47 = %parallel_loop3A to %parallel_loop3A_45 step %parallel_loop3A_46  : i32 {
        %parallel_loop3A_48 = arith.constant 0 : i32
        %parallel_loop3A_49 = vector.broadcast %parallel_loop3A_48 : i32 to vector<16xi32>
        %parallel_loop3A_50 = arith.muli %iota3A, %parallel_loop3A_49 : vector<16xi32>
        %parallel_loop3A_51 = vector.broadcast %parallel_loop3A_47 : i32 to vector<16xi32>
        %parallel_loop3A_52 = arith.addi %parallel_loop3A_50, %parallel_loop3A_51 : vector<16xi32>
        %parallel_loop3A_53 = arith.constant 3 : i32
        %parallel_loop3A_54 = arith.shrsi %parallel_loop3A_47, %parallel_loop3A_53 : i32
        %parallel_loop3A_55 = arith.constant 7 : i32
        %parallel_loop3A_56 = arith.andi %parallel_loop3A_47, %parallel_loop3A_55 : i32
        %parallel_loop3A_57 = arith.index_cast %parallel_loop3A_54 : i32 to index
        %parallel_loop3A_58 = arith.index_cast %parallel_loop3A_56 : i32 to index
        %parallel_loop3A_59 = arith.constant 0 : index
        %parallel_loop3A_60 = tpu.vector_load %arg4[%parallel_loop3A_57, %parallel_loop3A_58, %parallel_loop3A_59] {strides = array<i32>} : memref<4x8x128xf32, #tpu.memory_space<vmem>>, vector<16xf32>,
        %parallel_loop3A_61 = arith.constant 0 : i32
        %parallel_loop3A_62 = vector.broadcast %parallel_loop3A_61 : i32 to vector<16xi32>
        %parallel_loop3A_63 = arith.addi %parallel_loop3A_62, %iota3A : vector<16xi32>
        tpu.vector_store_idx %arg6[%parallel_loop3A_63, %parallel_loop3A_52], %parallel_loop3A_60 : memref<128x33xf32, #tpu.memory_space<vmem>>[vector<16xi32>, vector<16xi32>], vector<16xf32>,
        %parallel_loop3A_64 = arith.index_cast %parallel_loop3A_54 : i32 to index
        %parallel_loop3A_65 = arith.index_cast %parallel_loop3A_56 : i32 to index
        %parallel_loop3A_66 = arith.constant 16 : index
        %parallel_loop3A_67 = tpu.vector_load %arg4[%parallel_loop3A_64, %parallel_loop3A_65, %parallel_loop3A_66] {strides = array<i32>} : memref<4x8x128xf32, #tpu.memory_space<vmem>>, vector<16xf32>,
        %parallel_loop3A_68 = arith.constant 16 : i32
        %parallel_loop3A_69 = vector.broadcast %parallel_loop3A_68 : i32 to vector<16xi32>
        %parallel_loop3A_70 = arith.addi %parallel_loop3A_69, %iota3A : vector<16xi32>
        tpu.vector_store_idx %arg6[%parallel_loop3A_70, %parallel_loop3A_52], %parallel_loop3A_67 : memref<128x33xf32, #tpu.memory_space<vmem>>[vector<16xi32>, vector<16xi32>], vector<16xf32>,
        %parallel_loop3A_71 = arith.index_cast %parallel_loop3A_54 : i32 to index
        %parallel_loop3A_72 = arith.index_cast %parallel_loop3A_56 : i32 to index
        %parallel_loop3A_73 = arith.constant 32 : index
        %parallel_loop3A_74 = tpu.vector_load %arg4[%parallel_loop3A_71, %parallel_loop3A_72, %parallel_loop3A_73] {strides = array<i32>} : memref<4x8x128xf32, #tpu.memory_space<vmem>>, vector<16xf32>,
        %parallel_loop3A_75 = arith.constant 32 : i32
        %parallel_loop3A_76 = vector.broadcast %parallel_loop3A_75 : i32 to vector<16xi32>
        %parallel_loop3A_77 = arith.addi %parallel_loop3A_76, %iota3A : vector<16xi32>
        tpu.vector_store_idx %arg6[%parallel_loop3A_77, %parallel_loop3A_52], %parallel_loop3A_74 : memref<128x33xf32, #tpu.memory_space<vmem>>[vector<16xi32>, vector<16xi32>], vector<16xf32>,
        %parallel_loop3A_78 = arith.index_cast %parallel_loop3A_54 : i32 to index
        %parallel_loop3A_79 = arith.index_cast %parallel_loop3A_56 : i32 to index
        %parallel_loop3A_80 = arith.constant 48 : index
        %parallel_loop3A_81 = tpu.vector_load %arg4[%parallel_loop3A_78, %parallel_loop3A_79, %parallel_loop3A_80] {strides = array<i32>} : memref<4x8x128xf32, #tpu.memory_space<vmem>>, vector<16xf32>,
        %parallel_loop3A_82 = arith.constant 48 : i32
        %parallel_loop3A_83 = vector.broadcast %parallel_loop3A_82 : i32 to vector<16xi32>
        %parallel_loop3A_84 = arith.addi %parallel_loop3A_83, %iota3A : vector<16xi32>
        tpu.vector_store_idx %arg6[%parallel_loop3A_84, %parallel_loop3A_52], %parallel_loop3A_81 : memref<128x33xf32, #tpu.memory_space<vmem>>[vector<16xi32>, vector<16xi32>], vector<16xf32>,
        %parallel_loop3A_85 = arith.index_cast %parallel_loop3A_54 : i32 to index
        %parallel_loop3A_86 = arith.index_cast %parallel_loop3A_56 : i32 to index
        %parallel_loop3A_87 = arith.constant 64 : index
        %parallel_loop3A_88 = tpu.vector_load %arg4[%parallel_loop3A_85, %parallel_loop3A_86, %parallel_loop3A_87] {strides = array<i32>} : memref<4x8x128xf32, #tpu.memory_space<vmem>>, vector<16xf32>,
        %parallel_loop3A_89 = arith.constant 64 : i32
        %parallel_loop3A_90 = vector.broadcast %parallel_loop3A_89 : i32 to vector<16xi32>
        %parallel_loop3A_91 = arith.addi %parallel_loop3A_90, %iota3A : vector<16xi32>
        tpu.vector_store_idx %arg6[%parallel_loop3A_91, %parallel_loop3A_52], %parallel_loop3A_88 : memref<128x33xf32, #tpu.memory_space<vmem>>[vector<16xi32>, vector<16xi32>], vector<16xf32>,
        %parallel_loop3A_92 = arith.index_cast %parallel_loop3A_54 : i32 to index
        %parallel_loop3A_93 = arith.index_cast %parallel_loop3A_56 : i32 to index
        %parallel_loop3A_94 = arith.constant 80 : index
        %parallel_loop3A_95 = tpu.vector_load %arg4[%parallel_loop3A_92, %parallel_loop3A_93, %parallel_loop3A_94] {strides = array<i32>} : memref<4x8x128xf32, #tpu.memory_space<vmem>>, vector<16xf32>,
        %parallel_loop3A_96 = arith.constant 80 : i32
        %parallel_loop3A_97 = vector.broadcast %parallel_loop3A_96 : i32 to vector<16xi32>
        %parallel_loop3A_98 = arith.addi %parallel_loop3A_97, %iota3A : vector<16xi32>
        tpu.vector_store_idx %arg6[%parallel_loop3A_98, %parallel_loop3A_52], %parallel_loop3A_95 : memref<128x33xf32, #tpu.memory_space<vmem>>[vector<16xi32>, vector<16xi32>], vector<16xf32>,
        %parallel_loop3A_99 = arith.index_cast %parallel_loop3A_54 : i32 to index
        %parallel_loop3A_100 = arith.index_cast %parallel_loop3A_56 : i32 to index
        %parallel_loop3A_101 = arith.constant 96 : index
        %parallel_loop3A_102 = tpu.vector_load %arg4[%parallel_loop3A_99, %parallel_loop3A_100, %parallel_loop3A_101] {strides = array<i32>} : memref<4x8x128xf32, #tpu.memory_space<vmem>>, vector<16xf32>,
        %parallel_loop3A_103 = arith.constant 96 : i32
        %parallel_loop3A_104 = vector.broadcast %parallel_loop3A_103 : i32 to vector<16xi32>
        %parallel_loop3A_105 = arith.addi %parallel_loop3A_104, %iota3A : vector<16xi32>
        tpu.vector_store_idx %arg6[%parallel_loop3A_105, %parallel_loop3A_52], %parallel_loop3A_102 : memref<128x33xf32, #tpu.memory_space<vmem>>[vector<16xi32>, vector<16xi32>], vector<16xf32>,
        %parallel_loop3A_106 = arith.index_cast %parallel_loop3A_54 : i32 to index
        %parallel_loop3A_107 = arith.index_cast %parallel_loop3A_56 : i32 to index
        %parallel_loop3A_108 = arith.constant 112 : index
        %parallel_loop3A_109 = tpu.vector_load %arg4[%parallel_loop3A_106, %parallel_loop3A_107, %parallel_loop3A_108] {strides = array<i32>} : memref<4x8x128xf32, #tpu.memory_space<vmem>>, vector<16xf32>,
        %parallel_loop3A_110 = arith.constant 112 : i32
        %parallel_loop3A_111 = vector.broadcast %parallel_loop3A_110 : i32 to vector<16xi32>
        %parallel_loop3A_112 = arith.addi %parallel_loop3A_111, %iota3A : vector<16xi32>
        tpu.vector_store_idx %arg6[%parallel_loop3A_112, %parallel_loop3A_52], %parallel_loop3A_109 : memref<128x33xf32, #tpu.memory_space<vmem>>[vector<16xi32>, vector<16xi32>], vector<16xf32>,
      } {sc.loop_unroll_factor = 4 : i64, sc.parallel_access}
      "tpu.region"() ({
        %run_scoped3A_47 = tpu.sem_alloc : memref<!tpu.dma_semaphore, #tpu.memory_space<semaphore_mem>>
        %dma_start3A_48 = arith.constant 0 : i32
        %dma_start3A_49 = arith.constant 0 : i32
        %dma_start3A_50 = tpu.memref_slice %arg6[%dma_start3A_48, %dma_start3A_49] : memref<128x33xf32, #tpu.memory_space<vmem>> -> memref<64x32xf32, #tpu.memory_space<vmem>>
        %dma_start3A_51 = arith.constant 999936 : i32
        %dma_start3A_52 = arith.constant 0 : i32
        %dma_start3A_53 = tpu.memref_slice %arg3[%dma_start3A_51, %dma_start3A_52] : memref<1000000x32xf32, #tpu.memory_space<hbm>> -> memref<64x32xf32, #tpu.memory_space<hbm>>
        %dma_start3A_54 = arith.constant 999936 : i32
        %dma_start3A_55 = arith.constant 0 : i32
        %dma_start3A_56 = tpu.memref_slice %arg3[%dma_start3A_54, %dma_start3A_55] : memref<1000000x32xf32, #tpu.memory_space<hbm>> -> memref<64x32xf32, #tpu.memory_space<hbm>>
        %dma_start3A_57 = arith.constant 0 : i32
        %dma_start3A_58 = arith.constant 0 : i32
        %dma_start3A_59 = tpu.memref_slice %arg6[%dma_start3A_57, %dma_start3A_58] : memref<128x33xf32, #tpu.memory_space<vmem>> -> memref<64x32xf32, #tpu.memory_space<vmem>>
        tpu.enqueue_dma source(%dma_start3A_59 : memref<64x32xf32, #tpu.memory_space<vmem>>) target(%dma_start3A_56 : memref<64x32xf32, #tpu.memory_space<hbm>>) target_semaphore(%run_scoped3A_47 : memref<!tpu.dma_semaphore, #tpu.memory_space<semaphore_mem>>)
        %dma_wait3A_60 = arith.constant 0 : i32
        %dma_wait3A_61 = arith.constant 0 : i32
        %dma_wait3A_62 = tpu.memref_slice %arg6[%dma_wait3A_60, %dma_wait3A_61] : memref<128x33xf32, #tpu.memory_space<vmem>> -> memref<64x32xf32, #tpu.memory_space<vmem>>
        %dma_wait3A_63 = arith.constant 999936 : i32
        %dma_wait3A_64 = arith.constant 0 : i32
        %dma_wait3A_65 = tpu.memref_slice %arg3[%dma_wait3A_63, %dma_wait3A_64] : memref<1000000x32xf32, #tpu.memory_space<hbm>> -> memref<64x32xf32, #tpu.memory_space<hbm>>
        %dma_wait3A_66 = arith.constant 999936 : i32
        %dma_wait3A_67 = arith.constant 0 : i32
        %dma_wait3A_68 = tpu.memref_slice %arg3[%dma_wait3A_66, %dma_wait3A_67] : memref<1000000x32xf32, #tpu.memory_space<hbm>> -> memref<64x32xf32, #tpu.memory_space<hbm>>
        %dma_wait3A_69 = arith.constant 0 : i32
        %dma_wait3A_70 = arith.constant 0 : i32
        %dma_wait3A_71 = tpu.memref_slice %arg6[%dma_wait3A_69, %dma_wait3A_70] : memref<128x33xf32, #tpu.memory_space<vmem>> -> memref<64x32xf32, #tpu.memory_space<vmem>>
        tpu.wait_dma2 semaphore(%run_scoped3A_47 : memref<!tpu.dma_semaphore, #tpu.memory_space<semaphore_mem>>) src(%dma_wait3A_71 : memref<64x32xf32, #tpu.memory_space<vmem>>) dst(%dma_wait3A_68 : memref<64x32xf32, #tpu.memory_space<hbm>>)
        tpu.yield
      }) : () -> ()
    } else {
    }
    return
  }
}

#map = affine_map<(d0, d1) -> (0, 0, 0)>
#map1 = affine_map<(d0, d1) -> (0, 0)>
#map2 = affine_map<(d0, d1) -> (0, 0, 0, 0)>
module attributes {stable_mosaic.version = 14 : i64} {
  func.func @_emb_kernel(%arg0: i32, %arg1: i32, %arg2: memref<32x128x200xi32, #tpu.memory_space<hbm>>, %arg3: memref<1000000x32xf32, #tpu.memory_space<hbm>>, %arg4: memref<32x25x32x1024xf32, #tpu.memory_space<hbm>>, %arg5: memref<128x201xi32, #tpu.memory_space<vmem>>, %arg6: memref<25x1024xi32, #tpu.memory_space<vmem>>, %arg7: memref<512x32xf32, #tpu.memory_space<vmem>>, %arg8: memref<512x32xf32, #tpu.memory_space<vmem>>, %arg9: memref<32x517xf32, #tpu.memory_space<vmem>>, %arg10: memref<32x517xf32, #tpu.memory_space<vmem>>, %arg11: memref<!tpu.dma_semaphore, #tpu.memory_space<semaphore_mem>>, %arg12: memref<!tpu.dma_semaphore, #tpu.memory_space<semaphore_mem>>, %arg13: memref<!tpu.dma_semaphore, #tpu.memory_space<semaphore_mem>>, %arg14: memref<!tpu.dma_semaphore, #tpu.memory_space<semaphore_mem>>) attributes {dimension_semantics = [#tpu.dimension_semantics<core_parallel>, #tpu.dimension_semantics<subcore_parallel>], iteration_bounds = array<i64: 2, 16>, scalar_prefetch = 0 : i64, scratch_operands = 10 : i64, tpu.core_type = #tpu.core_type<sc_vector_subcore>, window_params = [{transform_indices = #map}, {transform_indices = #map1}, {transform_indices = #map2}]} {
    %mul3A = arith.constant 2 : i32
    %mul3A_0 = arith.muli %arg1, %mul3A : i32
    %add3A = arith.addi %mul3A_0, %arg0 : i32
    "tpu.region"() ({
      %run_scoped3A = tpu.sem_alloc : memref<!tpu.dma_semaphore, #tpu.memory_space<semaphore_mem>>
      %dma_start3A_114 = arith.constant 0 : i32
      %dma_start3A_115 = arith.constant 0 : i32
      %dma_start3A_116 = tpu.memref_slice %arg5[%dma_start3A_114, %dma_start3A_115] : memref<128x201xi32, #tpu.memory_space<vmem>> -> memref<128x200xi32, #tpu.memory_space<vmem>>
      %dma_start3A_117 = arith.constant 0 : i32
      %dma_start3A_118 = arith.constant 0 : i32
      %dma_start3A_119 = tpu.memref_slice %arg2[%add3A, %dma_start3A_117, %dma_start3A_118] : memref<32x128x200xi32, #tpu.memory_space<hbm>> -> memref<1x128x200xi32, #tpu.memory_space<hbm>>
      %dma_start3A_120 = tpu.memref_squeeze %dma_start3A_119 : memref<1x128x200xi32, #tpu.memory_space<hbm>> -> memref<128x200xi32, #tpu.memory_space<hbm>>
      %dma_start3A_121 = arith.constant 0 : i32
      %dma_start3A_122 = arith.constant 0 : i32
      %dma_start3A_123 = tpu.memref_slice %arg5[%dma_start3A_121, %dma_start3A_122] : memref<128x201xi32, #tpu.memory_space<vmem>> -> memref<128x200xi32, #tpu.memory_space<vmem>>
      %dma_start3A_124 = arith.constant 0 : i32
      %dma_start3A_125 = arith.constant 0 : i32
      %dma_start3A_126 = tpu.memref_slice %arg2[%add3A, %dma_start3A_124, %dma_start3A_125] : memref<32x128x200xi32, #tpu.memory_space<hbm>> -> memref<1x128x200xi32, #tpu.memory_space<hbm>>
      %dma_start3A_127 = tpu.memref_squeeze %dma_start3A_126 : memref<1x128x200xi32, #tpu.memory_space<hbm>> -> memref<128x200xi32, #tpu.memory_space<hbm>>
      tpu.enqueue_dma source(%dma_start3A_127 : memref<128x200xi32, #tpu.memory_space<hbm>>) target(%dma_start3A_123 : memref<128x200xi32, #tpu.memory_space<vmem>>) target_semaphore(%run_scoped3A : memref<!tpu.dma_semaphore, #tpu.memory_space<semaphore_mem>>)
      %dma_wait3A_128 = arith.constant 0 : i32
      %dma_wait3A_129 = arith.constant 0 : i32
      %dma_wait3A_130 = tpu.memref_slice %arg5[%dma_wait3A_128, %dma_wait3A_129] : memref<128x201xi32, #tpu.memory_space<vmem>> -> memref<128x200xi32, #tpu.memory_space<vmem>>
      %dma_wait3A_131 = arith.constant 0 : i32
      %dma_wait3A_132 = arith.constant 0 : i32
      %dma_wait3A_133 = tpu.memref_slice %arg2[%add3A, %dma_wait3A_131, %dma_wait3A_132] : memref<32x128x200xi32, #tpu.memory_space<hbm>> -> memref<1x128x200xi32, #tpu.memory_space<hbm>>
      %dma_wait3A_134 = tpu.memref_squeeze %dma_wait3A_133 : memref<1x128x200xi32, #tpu.memory_space<hbm>> -> memref<128x200xi32, #tpu.memory_space<hbm>>
      %dma_wait3A_135 = arith.constant 0 : i32
      %dma_wait3A_136 = arith.constant 0 : i32
      %dma_wait3A_137 = tpu.memref_slice %arg5[%dma_wait3A_135, %dma_wait3A_136] : memref<128x201xi32, #tpu.memory_space<vmem>> -> memref<128x200xi32, #tpu.memory_space<vmem>>
      %dma_wait3A_138 = arith.constant 0 : i32
      %dma_wait3A_139 = arith.constant 0 : i32
      %dma_wait3A_140 = tpu.memref_slice %arg2[%add3A, %dma_wait3A_138, %dma_wait3A_139] : memref<32x128x200xi32, #tpu.memory_space<hbm>> -> memref<1x128x200xi32, #tpu.memory_space<hbm>>
      %dma_wait3A_141 = tpu.memref_squeeze %dma_wait3A_140 : memref<1x128x200xi32, #tpu.memory_space<hbm>> -> memref<128x200xi32, #tpu.memory_space<hbm>>
      tpu.wait_dma2 semaphore(%run_scoped3A : memref<!tpu.dma_semaphore, #tpu.memory_space<semaphore_mem>>) src(%dma_wait3A_141 : memref<128x200xi32, #tpu.memory_space<hbm>>) dst(%dma_wait3A_137 : memref<128x200xi32, #tpu.memory_space<vmem>>)
      tpu.yield
    }) : () -> ()
    %iota3A = tpu.iota {dimensions = array<i32: 0>} : vector<16xi32>
    %add3A_1 = arith.constant 0 : i32
    %add3A_2 = vector.broadcast %add3A_1 : i32 to vector<16xi32>
    %add3A_3 = arith.addi %add3A_2, %iota3A : vector<16xi32>
    %add3A_4 = arith.constant 16 : i32
    %add3A_5 = vector.broadcast %add3A_4 : i32 to vector<16xi32>
    %add3A_6 = arith.addi %add3A_5, %iota3A : vector<16xi32>
    %add3A_7 = arith.constant 32 : i32
    %add3A_8 = vector.broadcast %add3A_7 : i32 to vector<16xi32>
    %add3A_9 = arith.addi %add3A_8, %iota3A : vector<16xi32>
    %add3A_10 = arith.constant 48 : i32
    %add3A_11 = vector.broadcast %add3A_10 : i32 to vector<16xi32>
    %add3A_12 = arith.addi %add3A_11, %iota3A : vector<16xi32>
    %add3A_13 = arith.constant 64 : i32
    %add3A_14 = vector.broadcast %add3A_13 : i32 to vector<16xi32>
    %add3A_15 = arith.addi %add3A_14, %iota3A : vector<16xi32>
    %add3A_16 = arith.constant 80 : i32
    %add3A_17 = vector.broadcast %add3A_16 : i32 to vector<16xi32>
    %add3A_18 = arith.addi %add3A_17, %iota3A : vector<16xi32>
    %add3A_19 = arith.constant 96 : i32
    %add3A_20 = vector.broadcast %add3A_19 : i32 to vector<16xi32>
    %add3A_21 = arith.addi %add3A_20, %iota3A : vector<16xi32>
    %add3A_22 = arith.constant 112 : i32
    %add3A_23 = vector.broadcast %add3A_22 : i32 to vector<16xi32>
    %add3A_24 = arith.addi %add3A_23, %iota3A : vector<16xi32>
    %mul3A_25 = arith.constant 517 : i32
    %mul3A_26 = vector.broadcast %mul3A_25 : i32 to vector<16xi32>
    %mul3A_27 = arith.muli %iota3A, %mul3A_26 : vector<16xi32>
    %add3A_28 = arith.constant 8272 : i32
    %add3A_29 = vector.broadcast %add3A_28 : i32 to vector<16xi32>
    %add3A_30 = arith.addi %mul3A_27, %add3A_29 : vector<16xi32>
    %scan3A = arith.constant 0 : i32
    %scan3A_31 = arith.constant 0 : i32
    %scan3A_32 = arith.constant 25 : i32
    %scan3A_33 = arith.addi %scan3A_31, %scan3A_32 : i32
    %scan3A_34 = arith.constant 1 : i32
    %scan3A_35 = scf.for %scan3A_114 = %scan3A_31 to %scan3A_33 step %scan3A_34 iter_args(%scan3A_115 = %scan3A) -> (i32)  : i32 {
      %mul3A_116 = arith.constant 8 : i32
      %mul3A_117 = arith.muli %scan3A_114, %mul3A_116 : i32
      %add3A_118 = arith.constant 0 : i32
      %add3A_119 = arith.addi %mul3A_117, %add3A_118 : i32
      %mul3A_120 = arith.constant 0 : i32
      %mul3A_121 = vector.broadcast %mul3A_120 : i32 to vector<16xi32>
      %mul3A_122 = arith.muli %iota3A, %mul3A_121 : vector<16xi32>
      %add3A_123 = vector.broadcast %add3A_119 : i32 to vector<16xi32>
      %add3A_124 = arith.addi %mul3A_122, %add3A_123 : vector<16xi32>
      %gather3A = tpu.vector_load_idx %arg5[%add3A_3, %add3A_124] : memref<128x201xi32, #tpu.memory_space<vmem>>[vector<16xi32>, vector<16xi32>], vector<16xi32>,
      %swap3A = arith.index_cast %scan3A_114 : i32 to index
      %swap3A_125 = arith.constant 0 : index
      %swap3A_126 = tpu.vector_load %arg6[%swap3A, %swap3A_125] {strides = array<i32>} : memref<25x1024xi32, #tpu.memory_space<vmem>>, vector<16xi32>,
      tpu.vector_store %arg6[%swap3A, %swap3A_125], %gather3A {strides = array<i32>} : memref<25x1024xi32, #tpu.memory_space<vmem>>, vector<16xi32>,
      %gather3A_127 = tpu.vector_load_idx %arg5[%add3A_6, %add3A_124] : memref<128x201xi32, #tpu.memory_space<vmem>>[vector<16xi32>, vector<16xi32>], vector<16xi32>,
      %swap3A_128 = arith.index_cast %scan3A_114 : i32 to index
      %swap3A_129 = arith.constant 16 : index
      %swap3A_130 = tpu.vector_load %arg6[%swap3A_128, %swap3A_129] {strides = array<i32>} : memref<25x1024xi32, #tpu.memory_space<vmem>>, vector<16xi32>,
      tpu.vector_store %arg6[%swap3A_128, %swap3A_129], %gather3A_127 {strides = array<i32>} : memref<25x1024xi32, #tpu.memory_space<vmem>>, vector<16xi32>,
      %gather3A_131 = tpu.vector_load_idx %arg5[%add3A_9, %add3A_124] : memref<128x201xi32, #tpu.memory_space<vmem>>[vector<16xi32>, vector<16xi32>], vector<16xi32>,
      %swap3A_132 = arith.index_cast %scan3A_114 : i32 to index
      %swap3A_133 = arith.constant 32 : index
      %swap3A_134 = tpu.vector_load %arg6[%swap3A_132, %swap3A_133] {strides = array<i32>} : memref<25x1024xi32, #tpu.memory_space<vmem>>, vector<16xi32>,
      tpu.vector_store %arg6[%swap3A_132, %swap3A_133], %gather3A_131 {strides = array<i32>} : memref<25x1024xi32, #tpu.memory_space<vmem>>, vector<16xi32>,
      %gather3A_135 = tpu.vector_load_idx %arg5[%add3A_12, %add3A_124] : memref<128x201xi32, #tpu.memory_space<vmem>>[vector<16xi32>, vector<16xi32>], vector<16xi32>,
      %swap3A_136 = arith.index_cast %scan3A_114 : i32 to index
      %swap3A_137 = arith.constant 48 : index
      %swap3A_138 = tpu.vector_load %arg6[%swap3A_136, %swap3A_137] {strides = array<i32>} : memref<25x1024xi32, #tpu.memory_space<vmem>>, vector<16xi32>,
      tpu.vector_store %arg6[%swap3A_136, %swap3A_137], %gather3A_135 {strides = array<i32>} : memref<25x1024xi32, #tpu.memory_space<vmem>>, vector<16xi32>,
      %gather3A_139 = tpu.vector_load_idx %arg5[%add3A_15, %add3A_124] : memref<128x201xi32, #tpu.memory_space<vmem>>[vector<16xi32>, vector<16xi32>], vector<16xi32>,
      %swap3A_140 = arith.index_cast %scan3A_114 : i32 to index
      %swap3A_141 = arith.constant 64 : index
      %swap3A_142 = tpu.vector_load %arg6[%swap3A_140, %swap3A_141] {strides = array<i32>} : memref<25x1024xi32, #tpu.memory_space<vmem>>, vector<16xi32>,
      tpu.vector_store %arg6[%swap3A_140, %swap3A_141], %gather3A_139 {strides = array<i32>} : memref<25x1024xi32, #tpu.memory_space<vmem>>, vector<16xi32>,
      %gather3A_143 = tpu.vector_load_idx %arg5[%add3A_18, %add3A_124] : memref<128x201xi32, #tpu.memory_space<vmem>>[vector<16xi32>, vector<16xi32>], vector<16xi32>,
      %swap3A_144 = arith.index_cast %scan3A_114 : i32 to index
      %swap3A_145 = arith.constant 80 : index
      %swap3A_146 = tpu.vector_load %arg6[%swap3A_144, %swap3A_145] {strides = array<i32>} : memref<25x1024xi32, #tpu.memory_space<vmem>>, vector<16xi32>,
      tpu.vector_store %arg6[%swap3A_144, %swap3A_145], %gather3A_143 {strides = array<i32>} : memref<25x1024xi32, #tpu.memory_space<vmem>>, vector<16xi32>,
      %gather3A_147 = tpu.vector_load_idx %arg5[%add3A_21, %add3A_124] : memref<128x201xi32, #tpu.memory_space<vmem>>[vector<16xi32>, vector<16xi32>], vector<16xi32>,
      %swap3A_148 = arith.index_cast %scan3A_114 : i32 to index
      %swap3A_149 = arith.constant 96 : index
      %swap3A_150 = tpu.vector_load %arg6[%swap3A_148, %swap3A_149] {strides = array<i32>} : memref<25x1024xi32, #tpu.memory_space<vmem>>, vector<16xi32>,
      tpu.vector_store %arg6[%swap3A_148, %swap3A_149], %gather3A_147 {strides = array<i32>} : memref<25x1024xi32, #tpu.memory_space<vmem>>, vector<16xi32>,
      %gather3A_151 = tpu.vector_load_idx %arg5[%add3A_24, %add3A_124] : memref<128x201xi32, #tpu.memory_space<vmem>>[vector<16xi32>, vector<16xi32>], vector<16xi32>,
      %swap3A_152 = arith.index_cast %scan3A_114 : i32 to index
      %swap3A_153 = arith.constant 112 : index
      %swap3A_154 = tpu.vector_load %arg6[%swap3A_152, %swap3A_153] {strides = array<i32>} : memref<25x1024xi32, #tpu.memory_space<vmem>>, vector<16xi32>,
      tpu.vector_store %arg6[%swap3A_152, %swap3A_153], %gather3A_151 {strides = array<i32>} : memref<25x1024xi32, #tpu.memory_space<vmem>>, vector<16xi32>,
      %mul3A_155 = arith.constant 8 : i32
      %mul3A_156 = arith.muli %scan3A_114, %mul3A_155 : i32
      %add3A_157 = arith.constant 1 : i32
      %add3A_158 = arith.addi %mul3A_156, %add3A_157 : i32
      %mul3A_159 = arith.constant 0 : i32
      %mul3A_160 = vector.broadcast %mul3A_159 : i32 to vector<16xi32>
      %mul3A_161 = arith.muli %iota3A, %mul3A_160 : vector<16xi32>
      %add3A_162 = vector.broadcast %add3A_158 : i32 to vector<16xi32>
      %add3A_163 = arith.addi %mul3A_161, %add3A_162 : vector<16xi32>
      %gather3A_164 = tpu.vector_load_idx %arg5[%add3A_3, %add3A_163] : memref<128x201xi32, #tpu.memory_space<vmem>>[vector<16xi32>, vector<16xi32>], vector<16xi32>,
      %swap3A_165 = arith.index_cast %scan3A_114 : i32 to index
      %swap3A_166 = arith.constant 128 : index
      %swap3A_167 = tpu.vector_load %arg6[%swap3A_165, %swap3A_166] {strides = array<i32>} : memref<25x1024xi32, #tpu.memory_space<vmem>>, vector<16xi32>,
      tpu.vector_store %arg6[%swap3A_165, %swap3A_166], %gather3A_164 {strides = array<i32>} : memref<25x1024xi32, #tpu.memory_space<vmem>>, vector<16xi32>,
      %gather3A_168 = tpu.vector_load_idx %arg5[%add3A_6, %add3A_163] : memref<128x201xi32, #tpu.memory_space<vmem>>[vector<16xi32>, vector<16xi32>], vector<16xi32>,
      %swap3A_169 = arith.index_cast %scan3A_114 : i32 to index
      %swap3A_170 = arith.constant 144 : index
      %swap3A_171 = tpu.vector_load %arg6[%swap3A_169, %swap3A_170] {strides = array<i32>} : memref<25x1024xi32, #tpu.memory_space<vmem>>, vector<16xi32>,
      tpu.vector_store %arg6[%swap3A_169, %swap3A_170], %gather3A_168 {strides = array<i32>} : memref<25x1024xi32, #tpu.memory_space<vmem>>, vector<16xi32>,
      %gather3A_172 = tpu.vector_load_idx %arg5[%add3A_9, %add3A_163] : memref<128x201xi32, #tpu.memory_space<vmem>>[vector<16xi32>, vector<16xi32>], vector<16xi32>,
      %swap3A_173 = arith.index_cast %scan3A_114 : i32 to index
      %swap3A_174 = arith.constant 160 : index
      %swap3A_175 = tpu.vector_load %arg6[%swap3A_173, %swap3A_174] {strides = array<i32>} : memref<25x1024xi32, #tpu.memory_space<vmem>>, vector<16xi32>,
      tpu.vector_store %arg6[%swap3A_173, %swap3A_174], %gather3A_172 {strides = array<i32>} : memref<25x1024xi32, #tpu.memory_space<vmem>>, vector<16xi32>,
      %gather3A_176 = tpu.vector_load_idx %arg5[%add3A_12, %add3A_163] : memref<128x201xi32, #tpu.memory_space<vmem>>[vector<16xi32>, vector<16xi32>], vector<16xi32>,
      %swap3A_177 = arith.index_cast %scan3A_114 : i32 to index
      %swap3A_178 = arith.constant 176 : index
      %swap3A_179 = tpu.vector_load %arg6[%swap3A_177, %swap3A_178] {strides = array<i32>} : memref<25x1024xi32, #tpu.memory_space<vmem>>, vector<16xi32>,
      tpu.vector_store %arg6[%swap3A_177, %swap3A_178], %gather3A_176 {strides = array<i32>} : memref<25x1024xi32, #tpu.memory_space<vmem>>, vector<16xi32>,
      %gather3A_180 = tpu.vector_load_idx %arg5[%add3A_15, %add3A_163] : memref<128x201xi32, #tpu.memory_space<vmem>>[vector<16xi32>, vector<16xi32>], vector<16xi32>,
      %swap3A_181 = arith.index_cast %scan3A_114 : i32 to index
      %swap3A_182 = arith.constant 192 : index
      %swap3A_183 = tpu.vector_load %arg6[%swap3A_181, %swap3A_182] {strides = array<i32>} : memref<25x1024xi32, #tpu.memory_space<vmem>>, vector<16xi32>,
      tpu.vector_store %arg6[%swap3A_181, %swap3A_182], %gather3A_180 {strides = array<i32>} : memref<25x1024xi32, #tpu.memory_space<vmem>>, vector<16xi32>,
      %gather3A_184 = tpu.vector_load_idx %arg5[%add3A_18, %add3A_163] : memref<128x201xi32, #tpu.memory_space<vmem>>[vector<16xi32>, vector<16xi32>], vector<16xi32>,
      %swap3A_185 = arith.index_cast %scan3A_114 : i32 to index
      %swap3A_186 = arith.constant 208 : index
      %swap3A_187 = tpu.vector_load %arg6[%swap3A_185, %swap3A_186] {strides = array<i32>} : memref<25x1024xi32, #tpu.memory_space<vmem>>, vector<16xi32>,
      tpu.vector_store %arg6[%swap3A_185, %swap3A_186], %gather3A_184 {strides = array<i32>} : memref<25x1024xi32, #tpu.memory_space<vmem>>, vector<16xi32>,
      %gather3A_188 = tpu.vector_load_idx %arg5[%add3A_21, %add3A_163] : memref<128x201xi32, #tpu.memory_space<vmem>>[vector<16xi32>, vector<16xi32>], vector<16xi32>,
      %swap3A_189 = arith.index_cast %scan3A_114 : i32 to index
      %swap3A_190 = arith.constant 224 : index
      %swap3A_191 = tpu.vector_load %arg6[%swap3A_189, %swap3A_190] {strides = array<i32>} : memref<25x1024xi32, #tpu.memory_space<vmem>>, vector<16xi32>,
      tpu.vector_store %arg6[%swap3A_189, %swap3A_190], %gather3A_188 {strides = array<i32>} : memref<25x1024xi32, #tpu.memory_space<vmem>>, vector<16xi32>,
      %gather3A_192 = tpu.vector_load_idx %arg5[%add3A_24, %add3A_163] : memref<128x201xi32, #tpu.memory_space<vmem>>[vector<16xi32>, vector<16xi32>], vector<16xi32>,
      %swap3A_193 = arith.index_cast %scan3A_114 : i32 to index
      %swap3A_194 = arith.constant 240 : index
      %swap3A_195 = tpu.vector_load %arg6[%swap3A_193, %swap3A_194] {strides = array<i32>} : memref<25x1024xi32, #tpu.memory_space<vmem>>, vector<16xi32>,
      tpu.vector_store %arg6[%swap3A_193, %swap3A_194], %gather3A_192 {strides = array<i32>} : memref<25x1024xi32, #tpu.memory_space<vmem>>, vector<16xi32>,
      %mul3A_196 = arith.constant 8 : i32
      %mul3A_197 = arith.muli %scan3A_114, %mul3A_196 : i32
      %add3A_198 = arith.constant 2 : i32
      %add3A_199 = arith.addi %mul3A_197, %add3A_198 : i32
      %mul3A_200 = arith.constant 0 : i32
      %mul3A_201 = vector.broadcast %mul3A_200 : i32 to vector<16xi32>
      %mul3A_202 = arith.muli %iota3A, %mul3A_201 : vector<16xi32>
      %add3A_203 = vector.broadcast %add3A_199 : i32 to vector<16xi32>
      %add3A_204 = arith.addi %mul3A_202, %add3A_203 : vector<16xi32>
      %gather3A_205 = tpu.vector_load_idx %arg5[%add3A_3, %add3A_204] : memref<128x201xi32, #tpu.memory_space<vmem>>[vector<16xi32>, vector<16xi32>], vector<16xi32>,
      %swap3A_206 = arith.index_cast %scan3A_114 : i32 to index
      %swap3A_207 = arith.constant 256 : index
      %swap3A_208 = tpu.vector_load %arg6[%swap3A_206, %swap3A_207] {strides = array<i32>} : memref<25x1024xi32, #tpu.memory_space<vmem>>, vector<16xi32>,
      tpu.vector_store %arg6[%swap3A_206, %swap3A_207], %gather3A_205 {strides = array<i32>} : memref<25x1024xi32, #tpu.memory_space<vmem>>, vector<16xi32>,
      %gather3A_209 = tpu.vector_load_idx %arg5[%add3A_6, %add3A_204] : memref<128x201xi32, #tpu.memory_space<vmem>>[vector<16xi32>, vector<16xi32>], vector<16xi32>,
      %swap3A_210 = arith.index_cast %scan3A_114 : i32 to index
      %swap3A_211 = arith.constant 272 : index
      %swap3A_212 = tpu.vector_load %arg6[%swap3A_210, %swap3A_211] {strides = array<i32>} : memref<25x1024xi32, #tpu.memory_space<vmem>>, vector<16xi32>,
      tpu.vector_store %arg6[%swap3A_210, %swap3A_211], %gather3A_209 {strides = array<i32>} : memref<25x1024xi32, #tpu.memory_space<vmem>>, vector<16xi32>,
      %gather3A_213 = tpu.vector_load_idx %arg5[%add3A_9, %add3A_204] : memref<128x201xi32, #tpu.memory_space<vmem>>[vector<16xi32>, vector<16xi32>], vector<16xi32>,
      %swap3A_214 = arith.index_cast %scan3A_114 : i32 to index
      %swap3A_215 = arith.constant 288 : index
      %swap3A_216 = tpu.vector_load %arg6[%swap3A_214, %swap3A_215] {strides = array<i32>} : memref<25x1024xi32, #tpu.memory_space<vmem>>, vector<16xi32>,
      tpu.vector_store %arg6[%swap3A_214, %swap3A_215], %gather3A_213 {strides = array<i32>} : memref<25x1024xi32, #tpu.memory_space<vmem>>, vector<16xi32>,
      %gather3A_217 = tpu.vector_load_idx %arg5[%add3A_12, %add3A_204] : memref<128x201xi32, #tpu.memory_space<vmem>>[vector<16xi32>, vector<16xi32>], vector<16xi32>,
      %swap3A_218 = arith.index_cast %scan3A_114 : i32 to index
      %swap3A_219 = arith.constant 304 : index
      %swap3A_220 = tpu.vector_load %arg6[%swap3A_218, %swap3A_219] {strides = array<i32>} : memref<25x1024xi32, #tpu.memory_space<vmem>>, vector<16xi32>,
      tpu.vector_store %arg6[%swap3A_218, %swap3A_219], %gather3A_217 {strides = array<i32>} : memref<25x1024xi32, #tpu.memory_space<vmem>>, vector<16xi32>,
      %gather3A_221 = tpu.vector_load_idx %arg5[%add3A_15, %add3A_204] : memref<128x201xi32, #tpu.memory_space<vmem>>[vector<16xi32>, vector<16xi32>], vector<16xi32>,
      %swap3A_222 = arith.index_cast %scan3A_114 : i32 to index
      %swap3A_223 = arith.constant 320 : index
      %swap3A_224 = tpu.vector_load %arg6[%swap3A_222, %swap3A_223] {strides = array<i32>} : memref<25x1024xi32, #tpu.memory_space<vmem>>, vector<16xi32>,
      tpu.vector_store %arg6[%swap3A_222, %swap3A_223], %gather3A_221 {strides = array<i32>} : memref<25x1024xi32, #tpu.memory_space<vmem>>, vector<16xi32>,
      %gather3A_225 = tpu.vector_load_idx %arg5[%add3A_18, %add3A_204] : memref<128x201xi32, #tpu.memory_space<vmem>>[vector<16xi32>, vector<16xi32>], vector<16xi32>,
      %swap3A_226 = arith.index_cast %scan3A_114 : i32 to index
      %swap3A_227 = arith.constant 336 : index
      %swap3A_228 = tpu.vector_load %arg6[%swap3A_226, %swap3A_227] {strides = array<i32>} : memref<25x1024xi32, #tpu.memory_space<vmem>>, vector<16xi32>,
      tpu.vector_store %arg6[%swap3A_226, %swap3A_227], %gather3A_225 {strides = array<i32>} : memref<25x1024xi32, #tpu.memory_space<vmem>>, vector<16xi32>,
      %gather3A_229 = tpu.vector_load_idx %arg5[%add3A_21, %add3A_204] : memref<128x201xi32, #tpu.memory_space<vmem>>[vector<16xi32>, vector<16xi32>], vector<16xi32>,
      %swap3A_230 = arith.index_cast %scan3A_114 : i32 to index
      %swap3A_231 = arith.constant 352 : index
      %swap3A_232 = tpu.vector_load %arg6[%swap3A_230, %swap3A_231] {strides = array<i32>} : memref<25x1024xi32, #tpu.memory_space<vmem>>, vector<16xi32>,
      tpu.vector_store %arg6[%swap3A_230, %swap3A_231], %gather3A_229 {strides = array<i32>} : memref<25x1024xi32, #tpu.memory_space<vmem>>, vector<16xi32>,
      %gather3A_233 = tpu.vector_load_idx %arg5[%add3A_24, %add3A_204] : memref<128x201xi32, #tpu.memory_space<vmem>>[vector<16xi32>, vector<16xi32>], vector<16xi32>,
      %swap3A_234 = arith.index_cast %scan3A_114 : i32 to index
      %swap3A_235 = arith.constant 368 : index
      %swap3A_236 = tpu.vector_load %arg6[%swap3A_234, %swap3A_235] {strides = array<i32>} : memref<25x1024xi32, #tpu.memory_space<vmem>>, vector<16xi32>,
      tpu.vector_store %arg6[%swap3A_234, %swap3A_235], %gather3A_233 {strides = array<i32>} : memref<25x1024xi32, #tpu.memory_space<vmem>>, vector<16xi32>,
      %mul3A_237 = arith.constant 8 : i32
      %mul3A_238 = arith.muli %scan3A_114, %mul3A_237 : i32
      %add3A_239 = arith.constant 3 : i32
      %add3A_240 = arith.addi %mul3A_238, %add3A_239 : i32
      %mul3A_241 = arith.constant 0 : i32
      %mul3A_242 = vector.broadcast %mul3A_241 : i32 to vector<16xi32>
      %mul3A_243 = arith.muli %iota3A, %mul3A_242 : vector<16xi32>
      %add3A_244 = vector.broadcast %add3A_240 : i32 to vector<16xi32>
      %add3A_245 = arith.addi %mul3A_243, %add3A_244 : vector<16xi32>
      %gather3A_246 = tpu.vector_load_idx %arg5[%add3A_3, %add3A_245] : memref<128x201xi32, #tpu.memory_space<vmem>>[vector<16xi32>, vector<16xi32>], vector<16xi32>,
      %swap3A_247 = arith.index_cast %scan3A_114 : i32 to index
      %swap3A_248 = arith.constant 384 : index
      %swap3A_249 = tpu.vector_load %arg6[%swap3A_247, %swap3A_248] {strides = array<i32>} : memref<25x1024xi32, #tpu.memory_space<vmem>>, vector<16xi32>,
      tpu.vector_store %arg6[%swap3A_247, %swap3A_248], %gather3A_246 {strides = array<i32>} : memref<25x1024xi32, #tpu.memory_space<vmem>>, vector<16xi32>,
      %gather3A_250 = tpu.vector_load_idx %arg5[%add3A_6, %add3A_245] : memref<128x201xi32, #tpu.memory_space<vmem>>[vector<16xi32>, vector<16xi32>], vector<16xi32>,
      %swap3A_251 = arith.index_cast %scan3A_114 : i32 to index
      %swap3A_252 = arith.constant 400 : index
      %swap3A_253 = tpu.vector_load %arg6[%swap3A_251, %swap3A_252] {strides = array<i32>} : memref<25x1024xi32, #tpu.memory_space<vmem>>, vector<16xi32>,
      tpu.vector_store %arg6[%swap3A_251, %swap3A_252], %gather3A_250 {strides = array<i32>} : memref<25x1024xi32, #tpu.memory_space<vmem>>, vector<16xi32>,
      %gather3A_254 = tpu.vector_load_idx %arg5[%add3A_9, %add3A_245] : memref<128x201xi32, #tpu.memory_space<vmem>>[vector<16xi32>, vector<16xi32>], vector<16xi32>,
      %swap3A_255 = arith.index_cast %scan3A_114 : i32 to index
      %swap3A_256 = arith.constant 416 : index
      %swap3A_257 = tpu.vector_load %arg6[%swap3A_255, %swap3A_256] {strides = array<i32>} : memref<25x1024xi32, #tpu.memory_space<vmem>>, vector<16xi32>,
      tpu.vector_store %arg6[%swap3A_255, %swap3A_256], %gather3A_254 {strides = array<i32>} : memref<25x1024xi32, #tpu.memory_space<vmem>>, vector<16xi32>,
      %gather3A_258 = tpu.vector_load_idx %arg5[%add3A_12, %add3A_245] : memref<128x201xi32, #tpu.memory_space<vmem>>[vector<16xi32>, vector<16xi32>], vector<16xi32>,
      %swap3A_259 = arith.index_cast %scan3A_114 : i32 to index
      %swap3A_260 = arith.constant 432 : index
      %swap3A_261 = tpu.vector_load %arg6[%swap3A_259, %swap3A_260] {strides = array<i32>} : memref<25x1024xi32, #tpu.memory_space<vmem>>, vector<16xi32>,
      tpu.vector_store %arg6[%swap3A_259, %swap3A_260], %gather3A_258 {strides = array<i32>} : memref<25x1024xi32, #tpu.memory_space<vmem>>, vector<16xi32>,
      %gather3A_262 = tpu.vector_load_idx %arg5[%add3A_15, %add3A_245] : memref<128x201xi32, #tpu.memory_space<vmem>>[vector<16xi32>, vector<16xi32>], vector<16xi32>,
      %swap3A_263 = arith.index_cast %scan3A_114 : i32 to index
      %swap3A_264 = arith.constant 448 : index
      %swap3A_265 = tpu.vector_load %arg6[%swap3A_263, %swap3A_264] {strides = array<i32>} : memref<25x1024xi32, #tpu.memory_space<vmem>>, vector<16xi32>,
      tpu.vector_store %arg6[%swap3A_263, %swap3A_264], %gather3A_262 {strides = array<i32>} : memref<25x1024xi32, #tpu.memory_space<vmem>>, vector<16xi32>,
      %gather3A_266 = tpu.vector_load_idx %arg5[%add3A_18, %add3A_245] : memref<128x201xi32, #tpu.memory_space<vmem>>[vector<16xi32>, vector<16xi32>], vector<16xi32>,
      %swap3A_267 = arith.index_cast %scan3A_114 : i32 to index
      %swap3A_268 = arith.constant 464 : index
      %swap3A_269 = tpu.vector_load %arg6[%swap3A_267, %swap3A_268] {strides = array<i32>} : memref<25x1024xi32, #tpu.memory_space<vmem>>, vector<16xi32>,
      tpu.vector_store %arg6[%swap3A_267, %swap3A_268], %gather3A_266 {strides = array<i32>} : memref<25x1024xi32, #tpu.memory_space<vmem>>, vector<16xi32>,
      %gather3A_270 = tpu.vector_load_idx %arg5[%add3A_21, %add3A_245] : memref<128x201xi32, #tpu.memory_space<vmem>>[vector<16xi32>, vector<16xi32>], vector<16xi32>,
      %swap3A_271 = arith.index_cast %scan3A_114 : i32 to index
      %swap3A_272 = arith.constant 480 : index
      %swap3A_273 = tpu.vector_load %arg6[%swap3A_271, %swap3A_272] {strides = array<i32>} : memref<25x1024xi32, #tpu.memory_space<vmem>>, vector<16xi32>,
      tpu.vector_store %arg6[%swap3A_271, %swap3A_272], %gather3A_270 {strides = array<i32>} : memref<25x1024xi32, #tpu.memory_space<vmem>>, vector<16xi32>,
      %gather3A_274 = tpu.vector_load_idx %arg5[%add3A_24, %add3A_245] : memref<128x201xi32, #tpu.memory_space<vmem>>[vector<16xi32>, vector<16xi32>], vector<16xi32>,
      %swap3A_275 = arith.index_cast %scan3A_114 : i32 to index
      %swap3A_276 = arith.constant 496 : index
      %swap3A_277 = tpu.vector_load %arg6[%swap3A_275, %swap3A_276] {strides = array<i32>} : memref<25x1024xi32, #tpu.memory_space<vmem>>, vector<16xi32>,
      tpu.vector_store %arg6[%swap3A_275, %swap3A_276], %gather3A_274 {strides = array<i32>} : memref<25x1024xi32, #tpu.memory_space<vmem>>, vector<16xi32>,
      %mul3A_278 = arith.constant 8 : i32
      %mul3A_279 = arith.muli %scan3A_114, %mul3A_278 : i32
      %add3A_280 = arith.constant 4 : i32
      %add3A_281 = arith.addi %mul3A_279, %add3A_280 : i32
      %mul3A_282 = arith.constant 0 : i32
      %mul3A_283 = vector.broadcast %mul3A_282 : i32 to vector<16xi32>
      %mul3A_284 = arith.muli %iota3A, %mul3A_283 : vector<16xi32>
      %add3A_285 = vector.broadcast %add3A_281 : i32 to vector<16xi32>
      %add3A_286 = arith.addi %mul3A_284, %add3A_285 : vector<16xi32>
      %gather3A_287 = tpu.vector_load_idx %arg5[%add3A_3, %add3A_286] : memref<128x201xi32, #tpu.memory_space<vmem>>[vector<16xi32>, vector<16xi32>], vector<16xi32>,
      %swap3A_288 = arith.index_cast %scan3A_114 : i32 to index
      %swap3A_289 = arith.constant 512 : index
      %swap3A_290 = tpu.vector_load %arg6[%swap3A_288, %swap3A_289] {strides = array<i32>} : memref<25x1024xi32, #tpu.memory_space<vmem>>, vector<16xi32>,
      tpu.vector_store %arg6[%swap3A_288, %swap3A_289], %gather3A_287 {strides = array<i32>} : memref<25x1024xi32, #tpu.memory_space<vmem>>, vector<16xi32>,
      %gather3A_291 = tpu.vector_load_idx %arg5[%add3A_6, %add3A_286] : memref<128x201xi32, #tpu.memory_space<vmem>>[vector<16xi32>, vector<16xi32>], vector<16xi32>,
      %swap3A_292 = arith.index_cast %scan3A_114 : i32 to index
      %swap3A_293 = arith.constant 528 : index
      %swap3A_294 = tpu.vector_load %arg6[%swap3A_292, %swap3A_293] {strides = array<i32>} : memref<25x1024xi32, #tpu.memory_space<vmem>>, vector<16xi32>,
      tpu.vector_store %arg6[%swap3A_292, %swap3A_293], %gather3A_291 {strides = array<i32>} : memref<25x1024xi32, #tpu.memory_space<vmem>>, vector<16xi32>,
      %gather3A_295 = tpu.vector_load_idx %arg5[%add3A_9, %add3A_286] : memref<128x201xi32, #tpu.memory_space<vmem>>[vector<16xi32>, vector<16xi32>], vector<16xi32>,
      %swap3A_296 = arith.index_cast %scan3A_114 : i32 to index
      %swap3A_297 = arith.constant 544 : index
      %swap3A_298 = tpu.vector_load %arg6[%swap3A_296, %swap3A_297] {strides = array<i32>} : memref<25x1024xi32, #tpu.memory_space<vmem>>, vector<16xi32>,
      tpu.vector_store %arg6[%swap3A_296, %swap3A_297], %gather3A_295 {strides = array<i32>} : memref<25x1024xi32, #tpu.memory_space<vmem>>, vector<16xi32>,
      %gather3A_299 = tpu.vector_load_idx %arg5[%add3A_12, %add3A_286] : memref<128x201xi32, #tpu.memory_space<vmem>>[vector<16xi32>, vector<16xi32>], vector<16xi32>,
      %swap3A_300 = arith.index_cast %scan3A_114 : i32 to index
      %swap3A_301 = arith.constant 560 : index
      %swap3A_302 = tpu.vector_load %arg6[%swap3A_300, %swap3A_301] {strides = array<i32>} : memref<25x1024xi32, #tpu.memory_space<vmem>>, vector<16xi32>,
      tpu.vector_store %arg6[%swap3A_300, %swap3A_301], %gather3A_299 {strides = array<i32>} : memref<25x1024xi32, #tpu.memory_space<vmem>>, vector<16xi32>,
      %gather3A_303 = tpu.vector_load_idx %arg5[%add3A_15, %add3A_286] : memref<128x201xi32, #tpu.memory_space<vmem>>[vector<16xi32>, vector<16xi32>], vector<16xi32>,
      %swap3A_304 = arith.index_cast %scan3A_114 : i32 to index
      %swap3A_305 = arith.constant 576 : index
      %swap3A_306 = tpu.vector_load %arg6[%swap3A_304, %swap3A_305] {strides = array<i32>} : memref<25x1024xi32, #tpu.memory_space<vmem>>, vector<16xi32>,
      tpu.vector_store %arg6[%swap3A_304, %swap3A_305], %gather3A_303 {strides = array<i32>} : memref<25x1024xi32, #tpu.memory_space<vmem>>, vector<16xi32>,
      %gather3A_307 = tpu.vector_load_idx %arg5[%add3A_18, %add3A_286] : memref<128x201xi32, #tpu.memory_space<vmem>>[vector<16xi32>, vector<16xi32>], vector<16xi32>,
      %swap3A_308 = arith.index_cast %scan3A_114 : i32 to index
      %swap3A_309 = arith.constant 592 : index
      %swap3A_310 = tpu.vector_load %arg6[%swap3A_308, %swap3A_309] {strides = array<i32>} : memref<25x1024xi32, #tpu.memory_space<vmem>>, vector<16xi32>,
      tpu.vector_store %arg6[%swap3A_308, %swap3A_309], %gather3A_307 {strides = array<i32>} : memref<25x1024xi32, #tpu.memory_space<vmem>>, vector<16xi32>,
      %gather3A_311 = tpu.vector_load_idx %arg5[%add3A_21, %add3A_286] : memref<128x201xi32, #tpu.memory_space<vmem>>[vector<16xi32>, vector<16xi32>], vector<16xi32>,
      %swap3A_312 = arith.index_cast %scan3A_114 : i32 to index
      %swap3A_313 = arith.constant 608 : index
      %swap3A_314 = tpu.vector_load %arg6[%swap3A_312, %swap3A_313] {strides = array<i32>} : memref<25x1024xi32, #tpu.memory_space<vmem>>, vector<16xi32>,
      tpu.vector_store %arg6[%swap3A_312, %swap3A_313], %gather3A_311 {strides = array<i32>} : memref<25x1024xi32, #tpu.memory_space<vmem>>, vector<16xi32>,
      %gather3A_315 = tpu.vector_load_idx %arg5[%add3A_24, %add3A_286] : memref<128x201xi32, #tpu.memory_space<vmem>>[vector<16xi32>, vector<16xi32>], vector<16xi32>,
      %swap3A_316 = arith.index_cast %scan3A_114 : i32 to index
      %swap3A_317 = arith.constant 624 : index
      %swap3A_318 = tpu.vector_load %arg6[%swap3A_316, %swap3A_317] {strides = array<i32>} : memref<25x1024xi32, #tpu.memory_space<vmem>>, vector<16xi32>,
      tpu.vector_store %arg6[%swap3A_316, %swap3A_317], %gather3A_315 {strides = array<i32>} : memref<25x1024xi32, #tpu.memory_space<vmem>>, vector<16xi32>,
      %mul3A_319 = arith.constant 8 : i32
      %mul3A_320 = arith.muli %scan3A_114, %mul3A_319 : i32
      %add3A_321 = arith.constant 5 : i32
      %add3A_322 = arith.addi %mul3A_320, %add3A_321 : i32
      %mul3A_323 = arith.constant 0 : i32
      %mul3A_324 = vector.broadcast %mul3A_323 : i32 to vector<16xi32>
      %mul3A_325 = arith.muli %iota3A, %mul3A_324 : vector<16xi32>
      %add3A_326 = vector.broadcast %add3A_322 : i32 to vector<16xi32>
      %add3A_327 = arith.addi %mul3A_325, %add3A_326 : vector<16xi32>
      %gather3A_328 = tpu.vector_load_idx %arg5[%add3A_3, %add3A_327] : memref<128x201xi32, #tpu.memory_space<vmem>>[vector<16xi32>, vector<16xi32>], vector<16xi32>,
      %swap3A_329 = arith.index_cast %scan3A_114 : i32 to index
      %swap3A_330 = arith.constant 640 : index
      %swap3A_331 = tpu.vector_load %arg6[%swap3A_329, %swap3A_330] {strides = array<i32>} : memref<25x1024xi32, #tpu.memory_space<vmem>>, vector<16xi32>,
      tpu.vector_store %arg6[%swap3A_329, %swap3A_330], %gather3A_328 {strides = array<i32>} : memref<25x1024xi32, #tpu.memory_space<vmem>>, vector<16xi32>,
      %gather3A_332 = tpu.vector_load_idx %arg5[%add3A_6, %add3A_327] : memref<128x201xi32, #tpu.memory_space<vmem>>[vector<16xi32>, vector<16xi32>], vector<16xi32>,
      %swap3A_333 = arith.index_cast %scan3A_114 : i32 to index
      %swap3A_334 = arith.constant 656 : index
      %swap3A_335 = tpu.vector_load %arg6[%swap3A_333, %swap3A_334] {strides = array<i32>} : memref<25x1024xi32, #tpu.memory_space<vmem>>, vector<16xi32>,
      tpu.vector_store %arg6[%swap3A_333, %swap3A_334], %gather3A_332 {strides = array<i32>} : memref<25x1024xi32, #tpu.memory_space<vmem>>, vector<16xi32>,
      %gather3A_336 = tpu.vector_load_idx %arg5[%add3A_9, %add3A_327] : memref<128x201xi32, #tpu.memory_space<vmem>>[vector<16xi32>, vector<16xi32>], vector<16xi32>,
      %swap3A_337 = arith.index_cast %scan3A_114 : i32 to index
      %swap3A_338 = arith.constant 672 : index
      %swap3A_339 = tpu.vector_load %arg6[%swap3A_337, %swap3A_338] {strides = array<i32>} : memref<25x1024xi32, #tpu.memory_space<vmem>>, vector<16xi32>,
      tpu.vector_store %arg6[%swap3A_337, %swap3A_338], %gather3A_336 {strides = array<i32>} : memref<25x1024xi32, #tpu.memory_space<vmem>>, vector<16xi32>,
      %gather3A_340 = tpu.vector_load_idx %arg5[%add3A_12, %add3A_327] : memref<128x201xi32, #tpu.memory_space<vmem>>[vector<16xi32>, vector<16xi32>], vector<16xi32>,
      %swap3A_341 = arith.index_cast %scan3A_114 : i32 to index
      %swap3A_342 = arith.constant 688 : index
      %swap3A_343 = tpu.vector_load %arg6[%swap3A_341, %swap3A_342] {strides = array<i32>} : memref<25x1024xi32, #tpu.memory_space<vmem>>, vector<16xi32>,
      tpu.vector_store %arg6[%swap3A_341, %swap3A_342], %gather3A_340 {strides = array<i32>} : memref<25x1024xi32, #tpu.memory_space<vmem>>, vector<16xi32>,
      %gather3A_344 = tpu.vector_load_idx %arg5[%add3A_15, %add3A_327] : memref<128x201xi32, #tpu.memory_space<vmem>>[vector<16xi32>, vector<16xi32>], vector<16xi32>,
      %swap3A_345 = arith.index_cast %scan3A_114 : i32 to index
      %swap3A_346 = arith.constant 704 : index
      %swap3A_347 = tpu.vector_load %arg6[%swap3A_345, %swap3A_346] {strides = array<i32>} : memref<25x1024xi32, #tpu.memory_space<vmem>>, vector<16xi32>,
      tpu.vector_store %arg6[%swap3A_345, %swap3A_346], %gather3A_344 {strides = array<i32>} : memref<25x1024xi32, #tpu.memory_space<vmem>>, vector<16xi32>,
      %gather3A_348 = tpu.vector_load_idx %arg5[%add3A_18, %add3A_327] : memref<128x201xi32, #tpu.memory_space<vmem>>[vector<16xi32>, vector<16xi32>], vector<16xi32>,
      %swap3A_349 = arith.index_cast %scan3A_114 : i32 to index
      %swap3A_350 = arith.constant 720 : index
      %swap3A_351 = tpu.vector_load %arg6[%swap3A_349, %swap3A_350] {strides = array<i32>} : memref<25x1024xi32, #tpu.memory_space<vmem>>, vector<16xi32>,
      tpu.vector_store %arg6[%swap3A_349, %swap3A_350], %gather3A_348 {strides = array<i32>} : memref<25x1024xi32, #tpu.memory_space<vmem>>, vector<16xi32>,
      %gather3A_352 = tpu.vector_load_idx %arg5[%add3A_21, %add3A_327] : memref<128x201xi32, #tpu.memory_space<vmem>>[vector<16xi32>, vector<16xi32>], vector<16xi32>,
      %swap3A_353 = arith.index_cast %scan3A_114 : i32 to index
      %swap3A_354 = arith.constant 736 : index
      %swap3A_355 = tpu.vector_load %arg6[%swap3A_353, %swap3A_354] {strides = array<i32>} : memref<25x1024xi32, #tpu.memory_space<vmem>>, vector<16xi32>,
      tpu.vector_store %arg6[%swap3A_353, %swap3A_354], %gather3A_352 {strides = array<i32>} : memref<25x1024xi32, #tpu.memory_space<vmem>>, vector<16xi32>,
      %gather3A_356 = tpu.vector_load_idx %arg5[%add3A_24, %add3A_327] : memref<128x201xi32, #tpu.memory_space<vmem>>[vector<16xi32>, vector<16xi32>], vector<16xi32>,
      %swap3A_357 = arith.index_cast %scan3A_114 : i32 to index
      %swap3A_358 = arith.constant 752 : index
      %swap3A_359 = tpu.vector_load %arg6[%swap3A_357, %swap3A_358] {strides = array<i32>} : memref<25x1024xi32, #tpu.memory_space<vmem>>, vector<16xi32>,
      tpu.vector_store %arg6[%swap3A_357, %swap3A_358], %gather3A_356 {strides = array<i32>} : memref<25x1024xi32, #tpu.memory_space<vmem>>, vector<16xi32>,
      %mul3A_360 = arith.constant 8 : i32
      %mul3A_361 = arith.muli %scan3A_114, %mul3A_360 : i32
      %add3A_362 = arith.constant 6 : i32
      %add3A_363 = arith.addi %mul3A_361, %add3A_362 : i32
      %mul3A_364 = arith.constant 0 : i32
      %mul3A_365 = vector.broadcast %mul3A_364 : i32 to vector<16xi32>
      %mul3A_366 = arith.muli %iota3A, %mul3A_365 : vector<16xi32>
      %add3A_367 = vector.broadcast %add3A_363 : i32 to vector<16xi32>
      %add3A_368 = arith.addi %mul3A_366, %add3A_367 : vector<16xi32>
      %gather3A_369 = tpu.vector_load_idx %arg5[%add3A_3, %add3A_368] : memref<128x201xi32, #tpu.memory_space<vmem>>[vector<16xi32>, vector<16xi32>], vector<16xi32>,
      %swap3A_370 = arith.index_cast %scan3A_114 : i32 to index
      %swap3A_371 = arith.constant 768 : index
      %swap3A_372 = tpu.vector_load %arg6[%swap3A_370, %swap3A_371] {strides = array<i32>} : memref<25x1024xi32, #tpu.memory_space<vmem>>, vector<16xi32>,
      tpu.vector_store %arg6[%swap3A_370, %swap3A_371], %gather3A_369 {strides = array<i32>} : memref<25x1024xi32, #tpu.memory_space<vmem>>, vector<16xi32>,
      %gather3A_373 = tpu.vector_load_idx %arg5[%add3A_6, %add3A_368] : memref<128x201xi32, #tpu.memory_space<vmem>>[vector<16xi32>, vector<16xi32>], vector<16xi32>,
      %swap3A_374 = arith.index_cast %scan3A_114 : i32 to index
      %swap3A_375 = arith.constant 784 : index
      %swap3A_376 = tpu.vector_load %arg6[%swap3A_374, %swap3A_375] {strides = array<i32>} : memref<25x1024xi32, #tpu.memory_space<vmem>>, vector<16xi32>,
      tpu.vector_store %arg6[%swap3A_374, %swap3A_375], %gather3A_373 {strides = array<i32>} : memref<25x1024xi32, #tpu.memory_space<vmem>>, vector<16xi32>,
      %gather3A_377 = tpu.vector_load_idx %arg5[%add3A_9, %add3A_368] : memref<128x201xi32, #tpu.memory_space<vmem>>[vector<16xi32>, vector<16xi32>], vector<16xi32>,
      %swap3A_378 = arith.index_cast %scan3A_114 : i32 to index
      %swap3A_379 = arith.constant 800 : index
      %swap3A_380 = tpu.vector_load %arg6[%swap3A_378, %swap3A_379] {strides = array<i32>} : memref<25x1024xi32, #tpu.memory_space<vmem>>, vector<16xi32>,
      tpu.vector_store %arg6[%swap3A_378, %swap3A_379], %gather3A_377 {strides = array<i32>} : memref<25x1024xi32, #tpu.memory_space<vmem>>, vector<16xi32>,
      %gather3A_381 = tpu.vector_load_idx %arg5[%add3A_12, %add3A_368] : memref<128x201xi32, #tpu.memory_space<vmem>>[vector<16xi32>, vector<16xi32>], vector<16xi32>,
      %swap3A_382 = arith.index_cast %scan3A_114 : i32 to index
      %swap3A_383 = arith.constant 816 : index
      %swap3A_384 = tpu.vector_load %arg6[%swap3A_382, %swap3A_383] {strides = array<i32>} : memref<25x1024xi32, #tpu.memory_space<vmem>>, vector<16xi32>,
      tpu.vector_store %arg6[%swap3A_382, %swap3A_383], %gather3A_381 {strides = array<i32>} : memref<25x1024xi32, #tpu.memory_space<vmem>>, vector<16xi32>,
      %gather3A_385 = tpu.vector_load_idx %arg5[%add3A_15, %add3A_368] : memref<128x201xi32, #tpu.memory_space<vmem>>[vector<16xi32>, vector<16xi32>], vector<16xi32>,
      %swap3A_386 = arith.index_cast %scan3A_114 : i32 to index
      %swap3A_387 = arith.constant 832 : index
      %swap3A_388 = tpu.vector_load %arg6[%swap3A_386, %swap3A_387] {strides = array<i32>} : memref<25x1024xi32, #tpu.memory_space<vmem>>, vector<16xi32>,
      tpu.vector_store %arg6[%swap3A_386, %swap3A_387], %gather3A_385 {strides = array<i32>} : memref<25x1024xi32, #tpu.memory_space<vmem>>, vector<16xi32>,
      %gather3A_389 = tpu.vector_load_idx %arg5[%add3A_18, %add3A_368] : memref<128x201xi32, #tpu.memory_space<vmem>>[vector<16xi32>, vector<16xi32>], vector<16xi32>,
      %swap3A_390 = arith.index_cast %scan3A_114 : i32 to index
      %swap3A_391 = arith.constant 848 : index
      %swap3A_392 = tpu.vector_load %arg6[%swap3A_390, %swap3A_391] {strides = array<i32>} : memref<25x1024xi32, #tpu.memory_space<vmem>>, vector<16xi32>,
      tpu.vector_store %arg6[%swap3A_390, %swap3A_391], %gather3A_389 {strides = array<i32>} : memref<25x1024xi32, #tpu.memory_space<vmem>>, vector<16xi32>,
      %gather3A_393 = tpu.vector_load_idx %arg5[%add3A_21, %add3A_368] : memref<128x201xi32, #tpu.memory_space<vmem>>[vector<16xi32>, vector<16xi32>], vector<16xi32>,
      %swap3A_394 = arith.index_cast %scan3A_114 : i32 to index
      %swap3A_395 = arith.constant 864 : index
      %swap3A_396 = tpu.vector_load %arg6[%swap3A_394, %swap3A_395] {strides = array<i32>} : memref<25x1024xi32, #tpu.memory_space<vmem>>, vector<16xi32>,
      tpu.vector_store %arg6[%swap3A_394, %swap3A_395], %gather3A_393 {strides = array<i32>} : memref<25x1024xi32, #tpu.memory_space<vmem>>, vector<16xi32>,
      %gather3A_397 = tpu.vector_load_idx %arg5[%add3A_24, %add3A_368] : memref<128x201xi32, #tpu.memory_space<vmem>>[vector<16xi32>, vector<16xi32>], vector<16xi32>,
      %swap3A_398 = arith.index_cast %scan3A_114 : i32 to index
      %swap3A_399 = arith.constant 880 : index
      %swap3A_400 = tpu.vector_load %arg6[%swap3A_398, %swap3A_399] {strides = array<i32>} : memref<25x1024xi32, #tpu.memory_space<vmem>>, vector<16xi32>,
      tpu.vector_store %arg6[%swap3A_398, %swap3A_399], %gather3A_397 {strides = array<i32>} : memref<25x1024xi32, #tpu.memory_space<vmem>>, vector<16xi32>,
      %mul3A_401 = arith.constant 8 : i32
      %mul3A_402 = arith.muli %scan3A_114, %mul3A_401 : i32
      %add3A_403 = arith.constant 7 : i32
      %add3A_404 = arith.addi %mul3A_402, %add3A_403 : i32
      %mul3A_405 = arith.constant 0 : i32
      %mul3A_406 = vector.broadcast %mul3A_405 : i32 to vector<16xi32>
      %mul3A_407 = arith.muli %iota3A, %mul3A_406 : vector<16xi32>
      %add3A_408 = vector.broadcast %add3A_404 : i32 to vector<16xi32>
      %add3A_409 = arith.addi %mul3A_407, %add3A_408 : vector<16xi32>
      %gather3A_410 = tpu.vector_load_idx %arg5[%add3A_3, %add3A_409] : memref<128x201xi32, #tpu.memory_space<vmem>>[vector<16xi32>, vector<16xi32>], vector<16xi32>,
      %swap3A_411 = arith.index_cast %scan3A_114 : i32 to index
      %swap3A_412 = arith.constant 896 : index
      %swap3A_413 = tpu.vector_load %arg6[%swap3A_411, %swap3A_412] {strides = array<i32>} : memref<25x1024xi32, #tpu.memory_space<vmem>>, vector<16xi32>,
      tpu.vector_store %arg6[%swap3A_411, %swap3A_412], %gather3A_410 {strides = array<i32>} : memref<25x1024xi32, #tpu.memory_space<vmem>>, vector<16xi32>,
      %gather3A_414 = tpu.vector_load_idx %arg5[%add3A_6, %add3A_409] : memref<128x201xi32, #tpu.memory_space<vmem>>[vector<16xi32>, vector<16xi32>], vector<16xi32>,
      %swap3A_415 = arith.index_cast %scan3A_114 : i32 to index
      %swap3A_416 = arith.constant 912 : index
      %swap3A_417 = tpu.vector_load %arg6[%swap3A_415, %swap3A_416] {strides = array<i32>} : memref<25x1024xi32, #tpu.memory_space<vmem>>, vector<16xi32>,
      tpu.vector_store %arg6[%swap3A_415, %swap3A_416], %gather3A_414 {strides = array<i32>} : memref<25x1024xi32, #tpu.memory_space<vmem>>, vector<16xi32>,
      %gather3A_418 = tpu.vector_load_idx %arg5[%add3A_9, %add3A_409] : memref<128x201xi32, #tpu.memory_space<vmem>>[vector<16xi32>, vector<16xi32>], vector<16xi32>,
      %swap3A_419 = arith.index_cast %scan3A_114 : i32 to index
      %swap3A_420 = arith.constant 928 : index
      %swap3A_421 = tpu.vector_load %arg6[%swap3A_419, %swap3A_420] {strides = array<i32>} : memref<25x1024xi32, #tpu.memory_space<vmem>>, vector<16xi32>,
      tpu.vector_store %arg6[%swap3A_419, %swap3A_420], %gather3A_418 {strides = array<i32>} : memref<25x1024xi32, #tpu.memory_space<vmem>>, vector<16xi32>,
      %gather3A_422 = tpu.vector_load_idx %arg5[%add3A_12, %add3A_409] : memref<128x201xi32, #tpu.memory_space<vmem>>[vector<16xi32>, vector<16xi32>], vector<16xi32>,
      %swap3A_423 = arith.index_cast %scan3A_114 : i32 to index
      %swap3A_424 = arith.constant 944 : index
      %swap3A_425 = tpu.vector_load %arg6[%swap3A_423, %swap3A_424] {strides = array<i32>} : memref<25x1024xi32, #tpu.memory_space<vmem>>, vector<16xi32>,
      tpu.vector_store %arg6[%swap3A_423, %swap3A_424], %gather3A_422 {strides = array<i32>} : memref<25x1024xi32, #tpu.memory_space<vmem>>, vector<16xi32>,
      %gather3A_426 = tpu.vector_load_idx %arg5[%add3A_15, %add3A_409] : memref<128x201xi32, #tpu.memory_space<vmem>>[vector<16xi32>, vector<16xi32>], vector<16xi32>,
      %swap3A_427 = arith.index_cast %scan3A_114 : i32 to index
      %swap3A_428 = arith.constant 960 : index
      %swap3A_429 = tpu.vector_load %arg6[%swap3A_427, %swap3A_428] {strides = array<i32>} : memref<25x1024xi32, #tpu.memory_space<vmem>>, vector<16xi32>,
      tpu.vector_store %arg6[%swap3A_427, %swap3A_428], %gather3A_426 {strides = array<i32>} : memref<25x1024xi32, #tpu.memory_space<vmem>>, vector<16xi32>,
      %gather3A_430 = tpu.vector_load_idx %arg5[%add3A_18, %add3A_409] : memref<128x201xi32, #tpu.memory_space<vmem>>[vector<16xi32>, vector<16xi32>], vector<16xi32>,
      %swap3A_431 = arith.index_cast %scan3A_114 : i32 to index
      %swap3A_432 = arith.constant 976 : index
      %swap3A_433 = tpu.vector_load %arg6[%swap3A_431, %swap3A_432] {strides = array<i32>} : memref<25x1024xi32, #tpu.memory_space<vmem>>, vector<16xi32>,
      tpu.vector_store %arg6[%swap3A_431, %swap3A_432], %gather3A_430 {strides = array<i32>} : memref<25x1024xi32, #tpu.memory_space<vmem>>, vector<16xi32>,
      %gather3A_434 = tpu.vector_load_idx %arg5[%add3A_21, %add3A_409] : memref<128x201xi32, #tpu.memory_space<vmem>>[vector<16xi32>, vector<16xi32>], vector<16xi32>,
      %swap3A_435 = arith.index_cast %scan3A_114 : i32 to index
      %swap3A_436 = arith.constant 992 : index
      %swap3A_437 = tpu.vector_load %arg6[%swap3A_435, %swap3A_436] {strides = array<i32>} : memref<25x1024xi32, #tpu.memory_space<vmem>>, vector<16xi32>,
      tpu.vector_store %arg6[%swap3A_435, %swap3A_436], %gather3A_434 {strides = array<i32>} : memref<25x1024xi32, #tpu.memory_space<vmem>>, vector<16xi32>,
      %gather3A_438 = tpu.vector_load_idx %arg5[%add3A_24, %add3A_409] : memref<128x201xi32, #tpu.memory_space<vmem>>[vector<16xi32>, vector<16xi32>], vector<16xi32>,
      %swap3A_439 = arith.index_cast %scan3A_114 : i32 to index
      %swap3A_440 = arith.constant 1008 : index
      %swap3A_441 = tpu.vector_load %arg6[%swap3A_439, %swap3A_440] {strides = array<i32>} : memref<25x1024xi32, #tpu.memory_space<vmem>>, vector<16xi32>,
      tpu.vector_store %arg6[%swap3A_439, %swap3A_440], %gather3A_438 {strides = array<i32>} : memref<25x1024xi32, #tpu.memory_space<vmem>>, vector<16xi32>,
      %scan3A_442 = arith.constant 0 : i32
      scf.yield %scan3A_442 : i32
    }
    %scan3A_36 = arith.constant 25 : i32
    %dma_start3A = arith.constant 0 : i32
    %dma_start3A_37 = arith.constant 0 : i32
    %dma_start3A_38 = arith.constant 0 : i32
    %dma_start3A_39 = tpu.memref_slice %arg7[%dma_start3A_37, %dma_start3A_38] : memref<512x32xf32, #tpu.memory_space<vmem>> -> memref<128x32xf32, #tpu.memory_space<vmem>>
    %dma_start3A_40 = arith.constant 0 : i32
    %dma_start3A_41 = tpu.memref_slice %arg6[%dma_start3A, %dma_start3A_40] : memref<25x1024xi32, #tpu.memory_space<vmem>> -> memref<1x128xi32, #tpu.memory_space<vmem>>
    %dma_start3A_42 = tpu.memref_squeeze %dma_start3A_41 : memref<1x128xi32, #tpu.memory_space<vmem>> -> memref<128xi32, #tpu.memory_space<vmem>>
    %dma_start3A_43 = arith.constant 0 : i32
    %dma_start3A_44 = arith.constant 0 : i32
    %dma_start3A_45 = tpu.memref_slice %arg3[%dma_start3A_43, %dma_start3A_44] : memref<1000000x32xf32, #tpu.memory_space<hbm>> -> memref<1000000x32xf32, #tpu.memory_space<hbm>>
    tpu.enqueue_indirect_dma source(%dma_start3A_45 : memref<1000000x32xf32, #tpu.memory_space<hbm>>) target(%dma_start3A_39 : memref<128x32xf32, #tpu.memory_space<vmem>>) offsets(%dma_start3A_42 : memref<128xi32, #tpu.memory_space<vmem>>) semaphore(%arg11 : memref<!tpu.dma_semaphore, #tpu.memory_space<semaphore_mem>>)
    %dma_start3A_46 = arith.constant 0 : i32
    %dma_start3A_47 = arith.constant 128 : i32
    %dma_start3A_48 = arith.constant 0 : i32
    %dma_start3A_49 = tpu.memref_slice %arg7[%dma_start3A_47, %dma_start3A_48] : memref<512x32xf32, #tpu.memory_space<vmem>> -> memref<128x32xf32, #tpu.memory_space<vmem>>
    %dma_start3A_50 = arith.constant 128 : i32
    %dma_start3A_51 = tpu.memref_slice %arg6[%dma_start3A_46, %dma_start3A_50] : memref<25x1024xi32, #tpu.memory_space<vmem>> -> memref<1x128xi32, #tpu.memory_space<vmem>>
    %dma_start3A_52 = tpu.memref_squeeze %dma_start3A_51 : memref<1x128xi32, #tpu.memory_space<vmem>> -> memref<128xi32, #tpu.memory_space<vmem>>
    %dma_start3A_53 = arith.constant 0 : i32
    %dma_start3A_54 = arith.constant 0 : i32
    %dma_start3A_55 = tpu.memref_slice %arg3[%dma_start3A_53, %dma_start3A_54] : memref<1000000x32xf32, #tpu.memory_space<hbm>> -> memref<1000000x32xf32, #tpu.memory_space<hbm>>
    tpu.enqueue_indirect_dma source(%dma_start3A_55 : memref<1000000x32xf32, #tpu.memory_space<hbm>>) target(%dma_start3A_49 : memref<128x32xf32, #tpu.memory_space<vmem>>) offsets(%dma_start3A_52 : memref<128xi32, #tpu.memory_space<vmem>>) semaphore(%arg11 : memref<!tpu.dma_semaphore, #tpu.memory_space<semaphore_mem>>)
    %dma_start3A_56 = arith.constant 0 : i32
    %dma_start3A_57 = arith.constant 256 : i32
    %dma_start3A_58 = arith.constant 0 : i32
    %dma_start3A_59 = tpu.memref_slice %arg7[%dma_start3A_57, %dma_start3A_58] : memref<512x32xf32, #tpu.memory_space<vmem>> -> memref<128x32xf32, #tpu.memory_space<vmem>>
    %dma_start3A_60 = arith.constant 256 : i32
    %dma_start3A_61 = tpu.memref_slice %arg6[%dma_start3A_56, %dma_start3A_60] : memref<25x1024xi32, #tpu.memory_space<vmem>> -> memref<1x128xi32, #tpu.memory_space<vmem>>
    %dma_start3A_62 = tpu.memref_squeeze %dma_start3A_61 : memref<1x128xi32, #tpu.memory_space<vmem>> -> memref<128xi32, #tpu.memory_space<vmem>>
    %dma_start3A_63 = arith.constant 0 : i32
    %dma_start3A_64 = arith.constant 0 : i32
    %dma_start3A_65 = tpu.memref_slice %arg3[%dma_start3A_63, %dma_start3A_64] : memref<1000000x32xf32, #tpu.memory_space<hbm>> -> memref<1000000x32xf32, #tpu.memory_space<hbm>>
    tpu.enqueue_indirect_dma source(%dma_start3A_65 : memref<1000000x32xf32, #tpu.memory_space<hbm>>) target(%dma_start3A_59 : memref<128x32xf32, #tpu.memory_space<vmem>>) offsets(%dma_start3A_62 : memref<128xi32, #tpu.memory_space<vmem>>) semaphore(%arg11 : memref<!tpu.dma_semaphore, #tpu.memory_space<semaphore_mem>>)
    %dma_start3A_66 = arith.constant 0 : i32
    %dma_start3A_67 = arith.constant 384 : i32
    %dma_start3A_68 = arith.constant 0 : i32
    %dma_start3A_69 = tpu.memref_slice %arg7[%dma_start3A_67, %dma_start3A_68] : memref<512x32xf32, #tpu.memory_space<vmem>> -> memref<128x32xf32, #tpu.memory_space<vmem>>
    %dma_start3A_70 = arith.constant 384 : i32
    %dma_start3A_71 = tpu.memref_slice %arg6[%dma_start3A_66, %dma_start3A_70] : memref<25x1024xi32, #tpu.memory_space<vmem>> -> memref<1x128xi32, #tpu.memory_space<vmem>>
    %dma_start3A_72 = tpu.memref_squeeze %dma_start3A_71 : memref<1x128xi32, #tpu.memory_space<vmem>> -> memref<128xi32, #tpu.memory_space<vmem>>
    %dma_start3A_73 = arith.constant 0 : i32
    %dma_start3A_74 = arith.constant 0 : i32
    %dma_start3A_75 = tpu.memref_slice %arg3[%dma_start3A_73, %dma_start3A_74] : memref<1000000x32xf32, #tpu.memory_space<hbm>> -> memref<1000000x32xf32, #tpu.memory_space<hbm>>
    tpu.enqueue_indirect_dma source(%dma_start3A_75 : memref<1000000x32xf32, #tpu.memory_space<hbm>>) target(%dma_start3A_69 : memref<128x32xf32, #tpu.memory_space<vmem>>) offsets(%dma_start3A_72 : memref<128xi32, #tpu.memory_space<vmem>>) semaphore(%arg11 : memref<!tpu.dma_semaphore, #tpu.memory_space<semaphore_mem>>)
    %scan3A_76 = arith.constant 0 : i32
    %scan3A_77 = arith.constant 0 : i32
    %scan3A_78 = arith.constant 25 : i32
    %scan3A_79 = arith.addi %scan3A_77, %scan3A_78 : i32
    %scan3A_80 = arith.constant 1 : i32
    %scan3A_81 = scf.for %scan3A_114 = %scan3A_77 to %scan3A_79 step %scan3A_80 iter_args(%scan3A_115 = %scan3A_76) -> (i32)  : i32 {
      %mul3A_116 = arith.constant 2 : i32
      %mul3A_117 = arith.muli %mul3A_116, %scan3A_114 : i32
      %add3A_118 = arith.constant 1 : i32
      %add3A_119 = arith.addi %mul3A_117, %add3A_118 : i32
      %shift_right_arithmetic3A = arith.constant 1 : i32
      %shift_right_arithmetic3A_120 = arith.shrsi %add3A_119, %shift_right_arithmetic3A : i32
      %and3A = arith.constant 1 : i32
      %and3A_121 = arith.andi %add3A_119, %and3A : i32
      %mul3A_122 = arith.constant 512 : i32
      %mul3A_123 = arith.muli %and3A_121, %mul3A_122 : i32
      %add3A_124 = arith.constant 0 : i32
      %add3A_125 = arith.addi %mul3A_123, %add3A_124 : i32
      %dma_start3A_126 = arith.constant 0 : i32
      %dma_start3A_127 = arith.constant 0 : i32
      %dma_start3A_128 = tpu.memref_slice %arg8[%dma_start3A_126, %dma_start3A_127] : memref<512x32xf32, #tpu.memory_space<vmem>> -> memref<128x32xf32, #tpu.memory_space<vmem>>
      %dma_start3A_129 = tpu.memref_slice %arg6[%shift_right_arithmetic3A_120, %add3A_125] : memref<25x1024xi32, #tpu.memory_space<vmem>> -> memref<1x128xi32, #tpu.memory_space<vmem>>
      %dma_start3A_130 = tpu.memref_squeeze %dma_start3A_129 : memref<1x128xi32, #tpu.memory_space<vmem>> -> memref<128xi32, #tpu.memory_space<vmem>>
      %dma_start3A_131 = arith.constant 0 : i32
      %dma_start3A_132 = arith.constant 0 : i32
      %dma_start3A_133 = tpu.memref_slice %arg3[%dma_start3A_131, %dma_start3A_132] : memref<1000000x32xf32, #tpu.memory_space<hbm>> -> memref<1000000x32xf32, #tpu.memory_space<hbm>>
      tpu.enqueue_indirect_dma source(%dma_start3A_133 : memref<1000000x32xf32, #tpu.memory_space<hbm>>) target(%dma_start3A_128 : memref<128x32xf32, #tpu.memory_space<vmem>>) offsets(%dma_start3A_130 : memref<128xi32, #tpu.memory_space<vmem>>) semaphore(%arg12 : memref<!tpu.dma_semaphore, #tpu.memory_space<semaphore_mem>>)
      %add3A_134 = arith.constant 128 : i32
      %add3A_135 = arith.addi %mul3A_123, %add3A_134 : i32
      %dma_start3A_136 = arith.constant 128 : i32
      %dma_start3A_137 = arith.constant 0 : i32
      %dma_start3A_138 = tpu.memref_slice %arg8[%dma_start3A_136, %dma_start3A_137] : memref<512x32xf32, #tpu.memory_space<vmem>> -> memref<128x32xf32, #tpu.memory_space<vmem>>
      %dma_start3A_139 = tpu.memref_slice %arg6[%shift_right_arithmetic3A_120, %add3A_135] : memref<25x1024xi32, #tpu.memory_space<vmem>> -> memref<1x128xi32, #tpu.memory_space<vmem>>
      %dma_start3A_140 = tpu.memref_squeeze %dma_start3A_139 : memref<1x128xi32, #tpu.memory_space<vmem>> -> memref<128xi32, #tpu.memory_space<vmem>>
      %dma_start3A_141 = arith.constant 0 : i32
      %dma_start3A_142 = arith.constant 0 : i32
      %dma_start3A_143 = tpu.memref_slice %arg3[%dma_start3A_141, %dma_start3A_142] : memref<1000000x32xf32, #tpu.memory_space<hbm>> -> memref<1000000x32xf32, #tpu.memory_space<hbm>>
      tpu.enqueue_indirect_dma source(%dma_start3A_143 : memref<1000000x32xf32, #tpu.memory_space<hbm>>) target(%dma_start3A_138 : memref<128x32xf32, #tpu.memory_space<vmem>>) offsets(%dma_start3A_140 : memref<128xi32, #tpu.memory_space<vmem>>) semaphore(%arg12 : memref<!tpu.dma_semaphore, #tpu.memory_space<semaphore_mem>>)
      %add3A_144 = arith.constant 256 : i32
      %add3A_145 = arith.addi %mul3A_123, %add3A_144 : i32
      %dma_start3A_146 = arith.constant 256 : i32
      %dma_start3A_147 = arith.constant 0 : i32
      %dma_start3A_148 = tpu.memref_slice %arg8[%dma_start3A_146, %dma_start3A_147] : memref<512x32xf32, #tpu.memory_space<vmem>> -> memref<128x32xf32, #tpu.memory_space<vmem>>
      %dma_start3A_149 = tpu.memref_slice %arg6[%shift_right_arithmetic3A_120, %add3A_145] : memref<25x1024xi32, #tpu.memory_space<vmem>> -> memref<1x128xi32, #tpu.memory_space<vmem>>
      %dma_start3A_150 = tpu.memref_squeeze %dma_start3A_149 : memref<1x128xi32, #tpu.memory_space<vmem>> -> memref<128xi32, #tpu.memory_space<vmem>>
      %dma_start3A_151 = arith.constant 0 : i32
      %dma_start3A_152 = arith.constant 0 : i32
      %dma_start3A_153 = tpu.memref_slice %arg3[%dma_start3A_151, %dma_start3A_152] : memref<1000000x32xf32, #tpu.memory_space<hbm>> -> memref<1000000x32xf32, #tpu.memory_space<hbm>>
      tpu.enqueue_indirect_dma source(%dma_start3A_153 : memref<1000000x32xf32, #tpu.memory_space<hbm>>) target(%dma_start3A_148 : memref<128x32xf32, #tpu.memory_space<vmem>>) offsets(%dma_start3A_150 : memref<128xi32, #tpu.memory_space<vmem>>) semaphore(%arg12 : memref<!tpu.dma_semaphore, #tpu.memory_space<semaphore_mem>>)
      %add3A_154 = arith.constant 384 : i32
      %add3A_155 = arith.addi %mul3A_123, %add3A_154 : i32
      %dma_start3A_156 = arith.constant 384 : i32
      %dma_start3A_157 = arith.constant 0 : i32
      %dma_start3A_158 = tpu.memref_slice %arg8[%dma_start3A_156, %dma_start3A_157] : memref<512x32xf32, #tpu.memory_space<vmem>> -> memref<128x32xf32, #tpu.memory_space<vmem>>
      %dma_start3A_159 = tpu.memref_slice %arg6[%shift_right_arithmetic3A_120, %add3A_155] : memref<25x1024xi32, #tpu.memory_space<vmem>> -> memref<1x128xi32, #tpu.memory_space<vmem>>
      %dma_start3A_160 = tpu.memref_squeeze %dma_start3A_159 : memref<1x128xi32, #tpu.memory_space<vmem>> -> memref<128xi32, #tpu.memory_space<vmem>>
      %dma_start3A_161 = arith.constant 0 : i32
      %dma_start3A_162 = arith.constant 0 : i32
      %dma_start3A_163 = tpu.memref_slice %arg3[%dma_start3A_161, %dma_start3A_162] : memref<1000000x32xf32, #tpu.memory_space<hbm>> -> memref<1000000x32xf32, #tpu.memory_space<hbm>>
      tpu.enqueue_indirect_dma source(%dma_start3A_163 : memref<1000000x32xf32, #tpu.memory_space<hbm>>) target(%dma_start3A_158 : memref<128x32xf32, #tpu.memory_space<vmem>>) offsets(%dma_start3A_160 : memref<128xi32, #tpu.memory_space<vmem>>) semaphore(%arg12 : memref<!tpu.dma_semaphore, #tpu.memory_space<semaphore_mem>>)
      %dma_wait3A_164 = arith.constant 0 : i32
      %dma_wait3A_165 = arith.constant 0 : i32
      %dma_wait3A_166 = tpu.memref_slice %arg3[%dma_wait3A_164, %dma_wait3A_165] : memref<1000000x32xf32, #tpu.memory_space<hbm>> -> memref<512x32xf32, #tpu.memory_space<hbm>>
      %dma_wait3A_167 = arith.constant 0 : i32
      %dma_wait3A_168 = arith.constant 0 : i32
      %dma_wait3A_169 = tpu.memref_slice %arg3[%dma_wait3A_167, %dma_wait3A_168] : memref<1000000x32xf32, #tpu.memory_space<hbm>> -> memref<512x32xf32, #tpu.memory_space<hbm>>
      tpu.wait_dma2 semaphore(%arg11 : memref<!tpu.dma_semaphore, #tpu.memory_space<semaphore_mem>>) src(%dma_wait3A_169 : memref<512x32xf32, #tpu.memory_space<hbm>>) dst(%arg7 : memref<512x32xf32, #tpu.memory_space<vmem>>)
      %gt3A = arith.constant 0 : i32
      %gt3A_170 = arith.cmpi sgt, %scan3A_114, %gt3A : i32
      %convert_element_type3A = arith.extui %gt3A_170 : i1 to i32
      %cond3A = arith.constant 0 : i32
      %cond3A_171 = arith.cmpi ne, %convert_element_type3A, %cond3A : i32
      scf.if %cond3A_171 {
        %dma_wait3A_229 = arith.constant 0 : i32
        %dma_wait3A_230 = arith.constant 0 : i32
        %dma_wait3A_231 = arith.constant 0 : i32
        %dma_wait3A_232 = arith.constant 0 : i32
        %dma_wait3A_233 = tpu.memref_slice %arg9[%dma_wait3A_231, %dma_wait3A_232] : memref<32x517xf32, #tpu.memory_space<vmem>> -> memref<32x512xf32, #tpu.memory_space<vmem>>
        %dma_wait3A_234 = arith.constant 0 : i32
        %dma_wait3A_235 = arith.constant 0 : i32
        %dma_wait3A_236 = tpu.memref_slice %arg4[%dma_wait3A_234, %dma_wait3A_229, %dma_wait3A_230, %dma_wait3A_235] : memref<32x25x32x1024xf32, #tpu.memory_space<hbm>> -> memref<32x1x1x512xf32, #tpu.memory_space<hbm>>
        %dma_wait3A_237 = tpu.memref_squeeze %dma_wait3A_236 : memref<32x1x1x512xf32, #tpu.memory_space<hbm>> -> memref<32x512xf32, #tpu.memory_space<hbm>>
        %dma_wait3A_238 = arith.constant 0 : i32
        %dma_wait3A_239 = arith.constant 0 : i32
        %dma_wait3A_240 = tpu.memref_slice %arg4[%dma_wait3A_238, %dma_wait3A_229, %dma_wait3A_230, %dma_wait3A_239] : memref<32x25x32x1024xf32, #tpu.memory_space<hbm>> -> memref<32x1x1x512xf32, #tpu.memory_space<hbm>>
        %dma_wait3A_241 = tpu.memref_squeeze %dma_wait3A_240 : memref<32x1x1x512xf32, #tpu.memory_space<hbm>> -> memref<32x512xf32, #tpu.memory_space<hbm>>
        %dma_wait3A_242 = arith.constant 0 : i32
        %dma_wait3A_243 = arith.constant 0 : i32
        %dma_wait3A_244 = tpu.memref_slice %arg9[%dma_wait3A_242, %dma_wait3A_243] : memref<32x517xf32, #tpu.memory_space<vmem>> -> memref<32x512xf32, #tpu.memory_space<vmem>>
        tpu.wait_dma2 semaphore(%arg13 : memref<!tpu.dma_semaphore, #tpu.memory_space<semaphore_mem>>) src(%dma_wait3A_244 : memref<32x512xf32, #tpu.memory_space<vmem>>) dst(%dma_wait3A_241 : memref<32x512xf32, #tpu.memory_space<hbm>>)
      } else {
      }
      %parallel_loop3A = arith.constant 0 : i32
      %parallel_loop3A_172 = arith.constant 512 : i32
      %parallel_loop3A_173 = arith.constant 1 : i32
      scf.for %parallel_loop3A_229 = %parallel_loop3A to %parallel_loop3A_172 step %parallel_loop3A_173  : i32 {
        %parallel_loop3A_230 = arith.constant 0 : i32
        %parallel_loop3A_231 = vector.broadcast %parallel_loop3A_230 : i32 to vector<16xi32>
        %parallel_loop3A_232 = arith.muli %iota3A, %parallel_loop3A_231 : vector<16xi32>
        %parallel_loop3A_233 = vector.broadcast %parallel_loop3A_229 : i32 to vector<16xi32>
        %parallel_loop3A_234 = arith.addi %parallel_loop3A_232, %parallel_loop3A_233 : vector<16xi32>
        %parallel_loop3A_235 = arith.index_cast %parallel_loop3A_229 : i32 to index
        %parallel_loop3A_236 = arith.constant 0 : index
        %parallel_loop3A_237 = tpu.vector_load %arg7[%parallel_loop3A_235, %parallel_loop3A_236] {strides = array<i32>} : memref<512x32xf32, #tpu.memory_space<vmem>>, vector<16xf32>,
        tpu.vector_store_idx %arg9[%iota3A, %parallel_loop3A_234], %parallel_loop3A_237 : memref<32x517xf32, #tpu.memory_space<vmem>>[vector<16xi32>, vector<16xi32>], vector<16xf32>,
        %parallel_loop3A_238 = arith.index_cast %parallel_loop3A_229 : i32 to index
        %parallel_loop3A_239 = arith.constant 16 : index
        %parallel_loop3A_240 = tpu.vector_load %arg7[%parallel_loop3A_238, %parallel_loop3A_239] {strides = array<i32>} : memref<512x32xf32, #tpu.memory_space<vmem>>, vector<16xf32>,
        %parallel_loop3A_241 = arith.constant 16 : i32
        %parallel_loop3A_242 = vector.broadcast %parallel_loop3A_241 : i32 to vector<16xi32>
        %parallel_loop3A_243 = arith.addi %iota3A, %parallel_loop3A_242 : vector<16xi32>
        tpu.vector_store_idx %arg9[%parallel_loop3A_243, %parallel_loop3A_234], %parallel_loop3A_240 : memref<32x517xf32, #tpu.memory_space<vmem>>[vector<16xi32>, vector<16xi32>], vector<16xf32>,
      } {sc.loop_unroll_factor = 4 : i64, sc.parallel_access}
      %shift_right_arithmetic3A_174 = arith.constant 1 : i32
      %shift_right_arithmetic3A_175 = arith.shrsi %mul3A_117, %shift_right_arithmetic3A_174 : i32
      %and3A_176 = arith.constant 1 : i32
      %and3A_177 = arith.andi %mul3A_117, %and3A_176 : i32
      %mul3A_178 = arith.constant 512 : i32
      %mul3A_179 = arith.muli %and3A_177, %mul3A_178 : i32
      %dma_start3A_180 = arith.constant 0 : i32
      %dma_start3A_181 = arith.constant 0 : i32
      %dma_start3A_182 = tpu.memref_slice %arg9[%dma_start3A_180, %dma_start3A_181] : memref<32x517xf32, #tpu.memory_space<vmem>> -> memref<32x512xf32, #tpu.memory_space<vmem>>
      %dma_start3A_183 = arith.constant 0 : i32
      %dma_start3A_184 = tpu.memref_slice %arg4[%dma_start3A_183, %shift_right_arithmetic3A_175, %add3A, %mul3A_179] : memref<32x25x32x1024xf32, #tpu.memory_space<hbm>> -> memref<32x1x1x512xf32, #tpu.memory_space<hbm>>
      %dma_start3A_185 = tpu.memref_squeeze %dma_start3A_184 : memref<32x1x1x512xf32, #tpu.memory_space<hbm>> -> memref<32x512xf32, #tpu.memory_space<hbm>>
      %dma_start3A_186 = arith.constant 0 : i32
      %dma_start3A_187 = tpu.memref_slice %arg4[%dma_start3A_186, %shift_right_arithmetic3A_175, %add3A, %mul3A_179] : memref<32x25x32x1024xf32, #tpu.memory_space<hbm>> -> memref<32x1x1x512xf32, #tpu.memory_space<hbm>>
      %dma_start3A_188 = tpu.memref_squeeze %dma_start3A_187 : memref<32x1x1x512xf32, #tpu.memory_space<hbm>> -> memref<32x512xf32, #tpu.memory_space<hbm>>
      %dma_start3A_189 = arith.constant 0 : i32
      %dma_start3A_190 = arith.constant 0 : i32
      %dma_start3A_191 = tpu.memref_slice %arg9[%dma_start3A_189, %dma_start3A_190] : memref<32x517xf32, #tpu.memory_space<vmem>> -> memref<32x512xf32, #tpu.memory_space<vmem>>
      tpu.enqueue_dma source(%dma_start3A_191 : memref<32x512xf32, #tpu.memory_space<vmem>>) target(%dma_start3A_188 : memref<32x512xf32, #tpu.memory_space<hbm>>) target_semaphore(%arg13 : memref<!tpu.dma_semaphore, #tpu.memory_space<semaphore_mem>>)
      %lt3A = arith.constant 24 : i32
      %lt3A_192 = arith.cmpi slt, %scan3A_114, %lt3A : i32
      %convert_element_type3A_193 = arith.extui %lt3A_192 : i1 to i32
      %cond3A_194 = arith.constant 0 : i32
      %cond3A_195 = arith.cmpi ne, %convert_element_type3A_193, %cond3A_194 : i32
      scf.if %cond3A_195 {
        %add3A_229 = arith.constant 2 : i32
        %add3A_230 = arith.addi %mul3A_117, %add3A_229 : i32
        %shift_right_arithmetic3A_231 = arith.constant 1 : i32
        %shift_right_arithmetic3A_232 = arith.shrsi %add3A_230, %shift_right_arithmetic3A_231 : i32
        %and3A_233 = arith.constant 1 : i32
        %and3A_234 = arith.andi %add3A_230, %and3A_233 : i32
        %mul3A_235 = arith.constant 512 : i32
        %mul3A_236 = arith.muli %and3A_234, %mul3A_235 : i32
        %add3A_237 = arith.constant 0 : i32
        %add3A_238 = arith.addi %mul3A_236, %add3A_237 : i32
        %dma_start3A_239 = arith.constant 0 : i32
        %dma_start3A_240 = arith.constant 0 : i32
        %dma_start3A_241 = tpu.memref_slice %arg7[%dma_start3A_239, %dma_start3A_240] : memref<512x32xf32, #tpu.memory_space<vmem>> -> memref<128x32xf32, #tpu.memory_space<vmem>>
        %dma_start3A_242 = tpu.memref_slice %arg6[%shift_right_arithmetic3A_232, %add3A_238] : memref<25x1024xi32, #tpu.memory_space<vmem>> -> memref<1x128xi32, #tpu.memory_space<vmem>>
        %dma_start3A_243 = tpu.memref_squeeze %dma_start3A_242 : memref<1x128xi32, #tpu.memory_space<vmem>> -> memref<128xi32, #tpu.memory_space<vmem>>
        %dma_start3A_244 = arith.constant 0 : i32
        %dma_start3A_245 = arith.constant 0 : i32
        %dma_start3A_246 = tpu.memref_slice %arg3[%dma_start3A_244, %dma_start3A_245] : memref<1000000x32xf32, #tpu.memory_space<hbm>> -> memref<1000000x32xf32, #tpu.memory_space<hbm>>
        tpu.enqueue_indirect_dma source(%dma_start3A_246 : memref<1000000x32xf32, #tpu.memory_space<hbm>>) target(%dma_start3A_241 : memref<128x32xf32, #tpu.memory_space<vmem>>) offsets(%dma_start3A_243 : memref<128xi32, #tpu.memory_space<vmem>>) semaphore(%arg11 : memref<!tpu.dma_semaphore, #tpu.memory_space<semaphore_mem>>)
        %add3A_247 = arith.constant 128 : i32
        %add3A_248 = arith.addi %mul3A_236, %add3A_247 : i32
        %dma_start3A_249 = arith.constant 128 : i32
        %dma_start3A_250 = arith.constant 0 : i32
        %dma_start3A_251 = tpu.memref_slice %arg7[%dma_start3A_249, %dma_start3A_250] : memref<512x32xf32, #tpu.memory_space<vmem>> -> memref<128x32xf32, #tpu.memory_space<vmem>>
        %dma_start3A_252 = tpu.memref_slice %arg6[%shift_right_arithmetic3A_232, %add3A_248] : memref<25x1024xi32, #tpu.memory_space<vmem>> -> memref<1x128xi32, #tpu.memory_space<vmem>>
        %dma_start3A_253 = tpu.memref_squeeze %dma_start3A_252 : memref<1x128xi32, #tpu.memory_space<vmem>> -> memref<128xi32, #tpu.memory_space<vmem>>
        %dma_start3A_254 = arith.constant 0 : i32
        %dma_start3A_255 = arith.constant 0 : i32
        %dma_start3A_256 = tpu.memref_slice %arg3[%dma_start3A_254, %dma_start3A_255] : memref<1000000x32xf32, #tpu.memory_space<hbm>> -> memref<1000000x32xf32, #tpu.memory_space<hbm>>
        tpu.enqueue_indirect_dma source(%dma_start3A_256 : memref<1000000x32xf32, #tpu.memory_space<hbm>>) target(%dma_start3A_251 : memref<128x32xf32, #tpu.memory_space<vmem>>) offsets(%dma_start3A_253 : memref<128xi32, #tpu.memory_space<vmem>>) semaphore(%arg11 : memref<!tpu.dma_semaphore, #tpu.memory_space<semaphore_mem>>)
        %add3A_257 = arith.constant 256 : i32
        %add3A_258 = arith.addi %mul3A_236, %add3A_257 : i32
        %dma_start3A_259 = arith.constant 256 : i32
        %dma_start3A_260 = arith.constant 0 : i32
        %dma_start3A_261 = tpu.memref_slice %arg7[%dma_start3A_259, %dma_start3A_260] : memref<512x32xf32, #tpu.memory_space<vmem>> -> memref<128x32xf32, #tpu.memory_space<vmem>>
        %dma_start3A_262 = tpu.memref_slice %arg6[%shift_right_arithmetic3A_232, %add3A_258] : memref<25x1024xi32, #tpu.memory_space<vmem>> -> memref<1x128xi32, #tpu.memory_space<vmem>>
        %dma_start3A_263 = tpu.memref_squeeze %dma_start3A_262 : memref<1x128xi32, #tpu.memory_space<vmem>> -> memref<128xi32, #tpu.memory_space<vmem>>
        %dma_start3A_264 = arith.constant 0 : i32
        %dma_start3A_265 = arith.constant 0 : i32
        %dma_start3A_266 = tpu.memref_slice %arg3[%dma_start3A_264, %dma_start3A_265] : memref<1000000x32xf32, #tpu.memory_space<hbm>> -> memref<1000000x32xf32, #tpu.memory_space<hbm>>
        tpu.enqueue_indirect_dma source(%dma_start3A_266 : memref<1000000x32xf32, #tpu.memory_space<hbm>>) target(%dma_start3A_261 : memref<128x32xf32, #tpu.memory_space<vmem>>) offsets(%dma_start3A_263 : memref<128xi32, #tpu.memory_space<vmem>>) semaphore(%arg11 : memref<!tpu.dma_semaphore, #tpu.memory_space<semaphore_mem>>)
        %add3A_267 = arith.constant 384 : i32
        %add3A_268 = arith.addi %mul3A_236, %add3A_267 : i32
        %dma_start3A_269 = arith.constant 384 : i32
        %dma_start3A_270 = arith.constant 0 : i32
        %dma_start3A_271 = tpu.memref_slice %arg7[%dma_start3A_269, %dma_start3A_270] : memref<512x32xf32, #tpu.memory_space<vmem>> -> memref<128x32xf32, #tpu.memory_space<vmem>>
        %dma_start3A_272 = tpu.memref_slice %arg6[%shift_right_arithmetic3A_232, %add3A_268] : memref<25x1024xi32, #tpu.memory_space<vmem>> -> memref<1x128xi32, #tpu.memory_space<vmem>>
        %dma_start3A_273 = tpu.memref_squeeze %dma_start3A_272 : memref<1x128xi32, #tpu.memory_space<vmem>> -> memref<128xi32, #tpu.memory_space<vmem>>
        %dma_start3A_274 = arith.constant 0 : i32
        %dma_start3A_275 = arith.constant 0 : i32
        %dma_start3A_276 = tpu.memref_slice %arg3[%dma_start3A_274, %dma_start3A_275] : memref<1000000x32xf32, #tpu.memory_space<hbm>> -> memref<1000000x32xf32, #tpu.memory_space<hbm>>
        tpu.enqueue_indirect_dma source(%dma_start3A_276 : memref<1000000x32xf32, #tpu.memory_space<hbm>>) target(%dma_start3A_271 : memref<128x32xf32, #tpu.memory_space<vmem>>) offsets(%dma_start3A_273 : memref<128xi32, #tpu.memory_space<vmem>>) semaphore(%arg11 : memref<!tpu.dma_semaphore, #tpu.memory_space<semaphore_mem>>)
      } else {
      }
      %dma_wait3A_196 = arith.constant 0 : i32
      %dma_wait3A_197 = arith.constant 0 : i32
      %dma_wait3A_198 = tpu.memref_slice %arg3[%dma_wait3A_196, %dma_wait3A_197] : memref<1000000x32xf32, #tpu.memory_space<hbm>> -> memref<512x32xf32, #tpu.memory_space<hbm>>
      %dma_wait3A_199 = arith.constant 0 : i32
      %dma_wait3A_200 = arith.constant 0 : i32
      %dma_wait3A_201 = tpu.memref_slice %arg3[%dma_wait3A_199, %dma_wait3A_200] : memref<1000000x32xf32, #tpu.memory_space<hbm>> -> memref<512x32xf32, #tpu.memory_space<hbm>>
      tpu.wait_dma2 semaphore(%arg12 : memref<!tpu.dma_semaphore, #tpu.memory_space<semaphore_mem>>) src(%dma_wait3A_201 : memref<512x32xf32, #tpu.memory_space<hbm>>) dst(%arg8 : memref<512x32xf32, #tpu.memory_space<vmem>>)
      %gt3A_202 = arith.constant 0 : i32
      %gt3A_203 = arith.cmpi sgt, %scan3A_114, %gt3A_202 : i32
      %convert_element_type3A_204 = arith.extui %gt3A_203 : i1 to i32
      %cond3A_205 = arith.constant 0 : i32
      %cond3A_206 = arith.cmpi ne, %convert_element_type3A_204, %cond3A_205 : i32
      scf.if %cond3A_206 {
        %dma_wait3A_229 = arith.constant 0 : i32
        %dma_wait3A_230 = arith.constant 0 : i32
        %dma_wait3A_231 = arith.constant 0 : i32
        %dma_wait3A_232 = arith.constant 0 : i32
        %dma_wait3A_233 = tpu.memref_slice %arg10[%dma_wait3A_231, %dma_wait3A_232] : memref<32x517xf32, #tpu.memory_space<vmem>> -> memref<32x512xf32, #tpu.memory_space<vmem>>
        %dma_wait3A_234 = arith.constant 0 : i32
        %dma_wait3A_235 = arith.constant 0 : i32
        %dma_wait3A_236 = tpu.memref_slice %arg4[%dma_wait3A_234, %dma_wait3A_229, %dma_wait3A_230, %dma_wait3A_235] : memref<32x25x32x1024xf32, #tpu.memory_space<hbm>> -> memref<32x1x1x512xf32, #tpu.memory_space<hbm>>
        %dma_wait3A_237 = tpu.memref_squeeze %dma_wait3A_236 : memref<32x1x1x512xf32, #tpu.memory_space<hbm>> -> memref<32x512xf32, #tpu.memory_space<hbm>>
        %dma_wait3A_238 = arith.constant 0 : i32
        %dma_wait3A_239 = arith.constant 0 : i32
        %dma_wait3A_240 = tpu.memref_slice %arg4[%dma_wait3A_238, %dma_wait3A_229, %dma_wait3A_230, %dma_wait3A_239] : memref<32x25x32x1024xf32, #tpu.memory_space<hbm>> -> memref<32x1x1x512xf32, #tpu.memory_space<hbm>>
        %dma_wait3A_241 = tpu.memref_squeeze %dma_wait3A_240 : memref<32x1x1x512xf32, #tpu.memory_space<hbm>> -> memref<32x512xf32, #tpu.memory_space<hbm>>
        %dma_wait3A_242 = arith.constant 0 : i32
        %dma_wait3A_243 = arith.constant 0 : i32
        %dma_wait3A_244 = tpu.memref_slice %arg10[%dma_wait3A_242, %dma_wait3A_243] : memref<32x517xf32, #tpu.memory_space<vmem>> -> memref<32x512xf32, #tpu.memory_space<vmem>>
        tpu.wait_dma2 semaphore(%arg14 : memref<!tpu.dma_semaphore, #tpu.memory_space<semaphore_mem>>) src(%dma_wait3A_244 : memref<32x512xf32, #tpu.memory_space<vmem>>) dst(%dma_wait3A_241 : memref<32x512xf32, #tpu.memory_space<hbm>>)
      } else {
      }
      %parallel_loop3A_207 = arith.constant 0 : i32
      %parallel_loop3A_208 = arith.constant 512 : i32
      %parallel_loop3A_209 = arith.constant 1 : i32
      scf.for %parallel_loop3A_229 = %parallel_loop3A_207 to %parallel_loop3A_208 step %parallel_loop3A_209  : i32 {
        %parallel_loop3A_230 = arith.constant 0 : i32
        %parallel_loop3A_231 = vector.broadcast %parallel_loop3A_230 : i32 to vector<16xi32>
        %parallel_loop3A_232 = arith.muli %iota3A, %parallel_loop3A_231 : vector<16xi32>
        %parallel_loop3A_233 = vector.broadcast %parallel_loop3A_229 : i32 to vector<16xi32>
        %parallel_loop3A_234 = arith.addi %parallel_loop3A_232, %parallel_loop3A_233 : vector<16xi32>
        %parallel_loop3A_235 = arith.index_cast %parallel_loop3A_229 : i32 to index
        %parallel_loop3A_236 = arith.constant 0 : index
        %parallel_loop3A_237 = tpu.vector_load %arg8[%parallel_loop3A_235, %parallel_loop3A_236] {strides = array<i32>} : memref<512x32xf32, #tpu.memory_space<vmem>>, vector<16xf32>,
        tpu.vector_store_idx %arg10[%iota3A, %parallel_loop3A_234], %parallel_loop3A_237 : memref<32x517xf32, #tpu.memory_space<vmem>>[vector<16xi32>, vector<16xi32>], vector<16xf32>,
        %parallel_loop3A_238 = arith.index_cast %parallel_loop3A_229 : i32 to index
        %parallel_loop3A_239 = arith.constant 16 : index
        %parallel_loop3A_240 = tpu.vector_load %arg8[%parallel_loop3A_238, %parallel_loop3A_239] {strides = array<i32>} : memref<512x32xf32, #tpu.memory_space<vmem>>, vector<16xf32>,
        %parallel_loop3A_241 = arith.constant 16 : i32
        %parallel_loop3A_242 = vector.broadcast %parallel_loop3A_241 : i32 to vector<16xi32>
        %parallel_loop3A_243 = arith.addi %iota3A, %parallel_loop3A_242 : vector<16xi32>
        tpu.vector_store_idx %arg10[%parallel_loop3A_243, %parallel_loop3A_234], %parallel_loop3A_240 : memref<32x517xf32, #tpu.memory_space<vmem>>[vector<16xi32>, vector<16xi32>], vector<16xf32>,
      } {sc.loop_unroll_factor = 4 : i64, sc.parallel_access}
      %shift_right_arithmetic3A_210 = arith.constant 1 : i32
      %shift_right_arithmetic3A_211 = arith.shrsi %add3A_119, %shift_right_arithmetic3A_210 : i32
      %and3A_212 = arith.constant 1 : i32
      %and3A_213 = arith.andi %add3A_119, %and3A_212 : i32
      %mul3A_214 = arith.constant 512 : i32
      %mul3A_215 = arith.muli %and3A_213, %mul3A_214 : i32
      %dma_start3A_216 = arith.constant 0 : i32
      %dma_start3A_217 = arith.constant 0 : i32
      %dma_start3A_218 = tpu.memref_slice %arg10[%dma_start3A_216, %dma_start3A_217] : memref<32x517xf32, #tpu.memory_space<vmem>> -> memref<32x512xf32, #tpu.memory_space<vmem>>
      %dma_start3A_219 = arith.constant 0 : i32
      %dma_start3A_220 = tpu.memref_slice %arg4[%dma_start3A_219, %shift_right_arithmetic3A_211, %add3A, %mul3A_215] : memref<32x25x32x1024xf32, #tpu.memory_space<hbm>> -> memref<32x1x1x512xf32, #tpu.memory_space<hbm>>
      %dma_start3A_221 = tpu.memref_squeeze %dma_start3A_220 : memref<32x1x1x512xf32, #tpu.memory_space<hbm>> -> memref<32x512xf32, #tpu.memory_space<hbm>>
      %dma_start3A_222 = arith.constant 0 : i32
      %dma_start3A_223 = tpu.memref_slice %arg4[%dma_start3A_222, %shift_right_arithmetic3A_211, %add3A, %mul3A_215] : memref<32x25x32x1024xf32, #tpu.memory_space<hbm>> -> memref<32x1x1x512xf32, #tpu.memory_space<hbm>>
      %dma_start3A_224 = tpu.memref_squeeze %dma_start3A_223 : memref<32x1x1x512xf32, #tpu.memory_space<hbm>> -> memref<32x512xf32, #tpu.memory_space<hbm>>
      %dma_start3A_225 = arith.constant 0 : i32
      %dma_start3A_226 = arith.constant 0 : i32
      %dma_start3A_227 = tpu.memref_slice %arg10[%dma_start3A_225, %dma_start3A_226] : memref<32x517xf32, #tpu.memory_space<vmem>> -> memref<32x512xf32, #tpu.memory_space<vmem>>
      tpu.enqueue_dma source(%dma_start3A_227 : memref<32x512xf32, #tpu.memory_space<vmem>>) target(%dma_start3A_224 : memref<32x512xf32, #tpu.memory_space<hbm>>) target_semaphore(%arg14 : memref<!tpu.dma_semaphore, #tpu.memory_space<semaphore_mem>>)
      %scan3A_228 = arith.constant 0 : i32
      scf.yield %scan3A_228 : i32
    }
    %scan3A_82 = arith.constant 25 : i32
    %dma_wait3A = arith.constant 0 : i32
    %dma_wait3A_83 = arith.constant 0 : i32
    %dma_wait3A_84 = arith.constant 0 : i32
    %dma_wait3A_85 = arith.constant 0 : i32
    %dma_wait3A_86 = tpu.memref_slice %arg9[%dma_wait3A_84, %dma_wait3A_85] : memref<32x517xf32, #tpu.memory_space<vmem>> -> memref<32x512xf32, #tpu.memory_space<vmem>>
    %dma_wait3A_87 = arith.constant 0 : i32
    %dma_wait3A_88 = arith.constant 0 : i32
    %dma_wait3A_89 = tpu.memref_slice %arg4[%dma_wait3A_87, %dma_wait3A, %dma_wait3A_83, %dma_wait3A_88] : memref<32x25x32x1024xf32, #tpu.memory_space<hbm>> -> memref<32x1x1x512xf32, #tpu.memory_space<hbm>>
    %dma_wait3A_90 = tpu.memref_squeeze %dma_wait3A_89 : memref<32x1x1x512xf32, #tpu.memory_space<hbm>> -> memref<32x512xf32, #tpu.memory_space<hbm>>
    %dma_wait3A_91 = arith.constant 0 : i32
    %dma_wait3A_92 = arith.constant 0 : i32
    %dma_wait3A_93 = tpu.memref_slice %arg4[%dma_wait3A_91, %dma_wait3A, %dma_wait3A_83, %dma_wait3A_92] : memref<32x25x32x1024xf32, #tpu.memory_space<hbm>> -> memref<32x1x1x512xf32, #tpu.memory_space<hbm>>
    %dma_wait3A_94 = tpu.memref_squeeze %dma_wait3A_93 : memref<32x1x1x512xf32, #tpu.memory_space<hbm>> -> memref<32x512xf32, #tpu.memory_space<hbm>>
    %dma_wait3A_95 = arith.constant 0 : i32
    %dma_wait3A_96 = arith.constant 0 : i32
    %dma_wait3A_97 = tpu.memref_slice %arg9[%dma_wait3A_95, %dma_wait3A_96] : memref<32x517xf32, #tpu.memory_space<vmem>> -> memref<32x512xf32, #tpu.memory_space<vmem>>
    tpu.wait_dma2 semaphore(%arg13 : memref<!tpu.dma_semaphore, #tpu.memory_space<semaphore_mem>>) src(%dma_wait3A_97 : memref<32x512xf32, #tpu.memory_space<vmem>>) dst(%dma_wait3A_94 : memref<32x512xf32, #tpu.memory_space<hbm>>)
    %dma_wait3A_98 = arith.constant 0 : i32
    %dma_wait3A_99 = arith.constant 0 : i32
    %dma_wait3A_100 = arith.constant 0 : i32
    %dma_wait3A_101 = arith.constant 0 : i32
    %dma_wait3A_102 = tpu.memref_slice %arg10[%dma_wait3A_100, %dma_wait3A_101] : memref<32x517xf32, #tpu.memory_space<vmem>> -> memref<32x512xf32, #tpu.memory_space<vmem>>
    %dma_wait3A_103 = arith.constant 0 : i32
    %dma_wait3A_104 = arith.constant 0 : i32
    %dma_wait3A_105 = tpu.memref_slice %arg4[%dma_wait3A_103, %dma_wait3A_98, %dma_wait3A_99, %dma_wait3A_104] : memref<32x25x32x1024xf32, #tpu.memory_space<hbm>> -> memref<32x1x1x512xf32, #tpu.memory_space<hbm>>
    %dma_wait3A_106 = tpu.memref_squeeze %dma_wait3A_105 : memref<32x1x1x512xf32, #tpu.memory_space<hbm>> -> memref<32x512xf32, #tpu.memory_space<hbm>>
    %dma_wait3A_107 = arith.constant 0 : i32
    %dma_wait3A_108 = arith.constant 0 : i32
    %dma_wait3A_109 = tpu.memref_slice %arg4[%dma_wait3A_107, %dma_wait3A_98, %dma_wait3A_99, %dma_wait3A_108] : memref<32x25x32x1024xf32, #tpu.memory_space<hbm>> -> memref<32x1x1x512xf32, #tpu.memory_space<hbm>>
    %dma_wait3A_110 = tpu.memref_squeeze %dma_wait3A_109 : memref<32x1x1x512xf32, #tpu.memory_space<hbm>> -> memref<32x512xf32, #tpu.memory_space<hbm>>
    %dma_wait3A_111 = arith.constant 0 : i32
    %dma_wait3A_112 = arith.constant 0 : i32
    %dma_wait3A_113 = tpu.memref_slice %arg10[%dma_wait3A_111, %dma_wait3A_112] : memref<32x517xf32, #tpu.memory_space<vmem>> -> memref<32x512xf32, #tpu.memory_space<vmem>>
    tpu.wait_dma2 semaphore(%arg14 : memref<!tpu.dma_semaphore, #tpu.memory_space<semaphore_mem>>) src(%dma_wait3A_113 : memref<32x512xf32, #tpu.memory_space<vmem>>) dst(%dma_wait3A_110 : memref<32x512xf32, #tpu.memory_space<hbm>>)
    return
  }
}

</mosaic_0001>

<sc_bundles>
// kernel: kernel.4.cloned.1.call-start
scs
__scs_entry_jumppad:
0x0: {  	(pc) =	sbr.rel $0x88, $3  }
0x1: {  	(tag) =	ssettag $0x0;
	lr =	simm.s32 $0x1  }
0x2: {  	[smem:$0x3F9F] =	sst lr;
	_ =	strace $0xD0000000  }
0x3: {  	_ = 	snop  }
0x4: {  	_ = 	snop  }
0x5: {  	_ = 	snop  }
0x6: {  	_ = 	snop  }
0x7: {  	_ = 	snop  }
__scs_overlays_trampoline_lowered:
0x8: {  	[smem:$0x3FAE] =	sst s0  }
0x9: {  	[smem:$0x3FAF] =	sst s1  }
0xa: {  	[smem:$0x3FB0] =	sst s2  }
0xb: {  	[smem:$0x3FB1] =	sst s3  }
0xc: {  	[smem:$0x3FB2] =	sst s4  }
0xd: {  	[smem:$0x3FB3] =	sst s5  }
0xe: {  	[smem:$0x3FB4] =	sst s6  }
0xf: {  	[smem:$0x3FB5] =	sst s7  }
0x10: {  	[smem:$0x3FB6] =	sst s8  }
0x11: {  	[smem:$0x3FB7] =	sst s9;
	s0 =	simm.s32 @!p0 $0x0  }
0x12: {  	s1 =	sld [smem:$0x3F9D];
	s0 =	simm.s32 @p0 $0x1  }
0x13: {  	[smem:$0x3FB8] =	sst s0;
	s0 =	simm.s32 @!p1 $0x0  }
0x14: {  	s2 =	sld [smem:$0x3F9C];
	s0 =	simm.s32 @p1 $0x1  }
0x15: {  	[smem:$0x3FB9] =	sst s0;
	s0 =	simm.s32 @!p2 $0x0  }
0x16: {  	s3 =	sld [smem:$0x3FDB];
	s0 =	simm.s32 @p2 $0x1  }
0x17: {  	s4 =	simm.s32 $0x1BF5;
	[smem:$0x3FBB] =	sst s0  }
0x18: {  	s0 =	sld [smem:$0x3F9E];
	_ =	swait.ge [sflag:s4], $0x0  }
0x19: {  	s7 =	sld [smem:$0x3F9F]  }
0x1a: {  	s8 =	sadd.s32 $0xFFFFE003, lr  }
0x1b: {  	s9 =	sadd.s32 $0xFFFFFEF7, lr;
	s5 =	simm.s32 $0xFFFFFFFF;
	p2 =	slt.u32 s8, $0xFFFFF086  }
0x1c: {  	p1 =	slt.u32 s9, $0xF7A;
	s5 =	simm.s32 @!p2 $0x0  }
0x1d: {  	s5 =	simm.s32 @p1 $0x1;
	p0 =	seq.s32 s7, s2  }
0x1e: {  	s7 =	smul.u32 @!p0 $0xF7A, s2;
	p2 =	seq.s32 @!p0 s5, $0x0  }
0x1f: {  	s9 =	smul.u32 $0xF7A, s1;
	s8 =	simm.s32 @!p0 $0x1BF5;
	p2 =	por !p2, p0  }
0x20: {  	[sflag:s8] =	ssyncset.s32 @!p0 $0xFFFFF086;
	s6 =	sadd.s32 @!p0 s3, s7;
	s7 =	simm.s32 @!p0 $0x108  }
0x21: {  	s3 =	sadd.s32 s3, s9;
	s6 =	sadd.s32 @!p0 $0x88, s6;
	s7 =	simm.s32 @p2 $0x1082  }
0x22: {  	[simem:s7], [sflag:s8] =	dma.local @!p0 [hbm:s6], $0xF7A  }
0x23: {  	s9 =	sor.u32 $0xD0000000, s2;
	s6 =	simm.s32 $0x108;
	_ =	swait.ge @!p0 [sflag:s8], $0x0  }
0x24: {  	s3 =	sadd.s32 $0x88, s3;
	s6 =	simm.s32 @!p1 $0x1082;
	[sflag:s4] =	ssyncset.s32 $0xFFFFF086  }
0x25: {  	[simem:s6], [sflag:s4] =	dma.local [hbm:s3], $0xF7A  }
0x26: {  	[smem:$0x3F9F] =	sst s1;
	(tag) =	ssettag s2;
	_ =	strace s9  }
0x27: {  	s1 =	sld [smem:$0x3FAF]  }
0x28: {  	s2 =	sld [smem:$0x3FB0]  }
0x29: {  	s4 =	sld [smem:$0x3FB2]  }
0x2a: {  	p0 =	seq.s32 s5, $0x0;
	s5 =	sld [smem:$0x3FB3]  }
0x2b: {  	s6 =	sld [smem:$0x3FB4]  }
0x2c: {  	s7 =	sld [smem:$0x3FB5]  }
0x2d: {  	s3 =	simm.s32 $0x108;
	s8 =	sld [smem:$0x3FB6]  }
0x2e: {  	s3 =	simm.s32 @!p0 $0x1082;
	s9 =	sld [smem:$0x3FB7]  }
0x2f: {  	lr =	sadd.s32 s0, s3;
	s0 =	sld [smem:$0x3FAE]  }
0x30: {  	s3 =	sld [smem:$0x3FB1]  }
0x31: {  	[smem:$0x3FBA] =	sst s10  }
0x32: {  	s10 =	sld [smem:$0x3FB8];
	_ =	sdelay $0x3  }
0x33: {  	p0 =	seq.s32 s10, $0x1;
	s10 =	sld [smem:$0x3FBA];
	_ =	sdelay $0x3  }
0x34: {  	[smem:$0x3FBA] =	sst s10  }
0x35: {  	s10 =	sld [smem:$0x3FB9];
	_ =	sdelay $0x3  }
0x36: {  	p1 =	seq.s32 s10, $0x1;
	s10 =	sld [smem:$0x3FBA];
	_ =	sdelay $0x3  }
0x37: {  	[smem:$0x3FBA] =	sst s10  }
0x38: {  	s10 =	sld [smem:$0x3FBB]  }
0x39: {  	_ = 	snop;
	(pc) =	sbr.ind lr, $3  }
0x3a: {  	_ = 	snop  }
0x3b: {  	_ = 	snop  }
0x3c: {  	p2 =	seq.s32 s10, $0x1;
	s10 =	sld [smem:$0x3FBA]  }
0x3d: {  	_ =	shalt  }
0x3e: {  	_ =	shalt  }
0x3f: {  	_ =	shalt  }
0x40: {  	_ =	shalt  }
0x41: {  	_ =	shalt  }
0x42: {  	_ =	shalt  }
0x43: {  	_ =	shalt  }
0x44: {  	_ =	shalt  }
0x45: {  	_ =	shalt  }
0x46: {  	_ =	shalt  }
0x47: {  	_ =	shalt  }
0x48: {  	_ =	shalt  }
0x49: {  	_ =	shalt  }
0x4a: {  	_ =	shalt  }
0x4b: {  	_ =	shalt  }
0x4c: {  	_ =	shalt  }
0x4d: {  	_ =	shalt  }
0x4e: {  	_ =	shalt  }
0x4f: {  	_ =	shalt  }
0x50: {  	_ =	shalt  }
0x51: {  	_ =	shalt  }
0x52: {  	_ =	shalt  }
0x53: {  	_ =	shalt  }
0x54: {  	_ =	shalt  }
0x55: {  	_ =	shalt  }
0x56: {  	_ =	shalt  }
0x57: {  	_ =	shalt  }
0x58: {  	_ =	shalt  }
0x59: {  	_ =	shalt  }
0x5a: {  	_ =	shalt  }
0x5b: {  	_ =	shalt  }
0x5c: {  	_ =	shalt  }
0x5d: {  	_ =	shalt  }
0x5e: {  	_ =	shalt  }
0x5f: {  	_ =	shalt  }
0x60: {  	_ =	shalt  }
0x61: {  	_ =	shalt  }
0x62: {  	_ =	shalt  }
0x63: {  	_ =	shalt  }
0x64: {  	_ =	shalt  }
0x65: {  	_ =	shalt  }
0x66: {  	_ =	shalt  }
0x67: {  	_ =	shalt  }
0x68: {  	_ =	shalt  }
0x69: {  	_ =	shalt  }
0x6a: {  	_ =	shalt  }
0x6b: {  	_ =	shalt  }
0x6c: {  	_ =	shalt  }
0x6d: {  	_ =	shalt  }
0x6e: {  	_ =	shalt  }
0x6f: {  	_ =	shalt  }
0x70: {  	_ =	shalt  }
0x71: {  	_ =	shalt  }
0x72: {  	_ =	shalt  }
0x73: {  	_ =	shalt  }
0x74: {  	_ =	shalt  }
0x75: {  	_ =	shalt  }
0x76: {  	_ =	shalt  }
0x77: {  	_ =	shalt  }
0x78: {  	_ =	shalt  }
0x79: {  	_ =	shalt  }
0x7a: {  	_ =	shalt  }
0x7b: {  	_ =	shalt  }
0x7c: {  	_ =	shalt  }
0x7d: {  	_ =	shalt  }
0x7e: {  	_ =	shalt  }
0x7f: {  	_ =	shalt  }
0x80: {  	_ =	shalt  }
0x81: {  	_ =	shalt  }
0x82: {  	_ =	shalt  }
0x83: {  	_ =	shalt  }
0x84: {  	_ =	shalt  }
0x85: {  	_ =	shalt  }
0x86: {  	_ =	shalt  }
0x87: {  	_ =	shalt  }
.Lfunc_end0:
.L_simem_size_0:
called_computation_lowered:
.L_overlay_start_0:
0x88: {  	s2 =	sld [smem:$0x3FD9]  }
0x89: {  	s3 =	sld [smem:$0x3FFE];
	_ =	sdelay $0x1  }
0x8a: {  	s1 =	srdreg.scid  }
0x8b: {  	s0 =	sand.u32 $0x1, s1  }
0x8c: {  	s16 =	sshll.u32 s0, $0xA;
	s2 =	sadd.s32 s3, s2  }
0x8d: {  	s2 =	sadd.s32 s2, s16  }
0x8e: {  	[smem:$0x3FC6] =	sst s2  }
0x8f: {  	_ = 	snop  }
0x90: {  	(tm) =	ssettm $0x1  }
0x91: {  	s17 =	sld [smem:$0x3FFB];
	_ =	sdelay $0x3  }
0x92: {  	_ =	strace s17  }
0x93: {  	s2 =	sld [smem:$0x3FFC];
	_ =	sdelay $0x3  }
0x94: {  	_ =	strace s2  }
0x95: {  	s2 =	sld [smem:$0x3FFD];
	_ =	sdelay $0x3  }
0x96: {  	_ =	strace s2  }
0x97: {  	_ =	strace $0x8FFFFFFF  }
0x98: {  	s18 =	sld [smem:$0x3FDB];
	_ =	sdelay $0x1  }
0x99: {  	s19 =	simm.s32 $_scs_section_size  }
0x9a: {  	s4 =	simm.s32 $_size__tile_overlayer_lowered;
	s5 =	simm.s32 $_tile_overlayer_lowered  }
0x9b: {  	s22 =	simm.s32 $0x1BFF;
	s21 =	sshll.u32 s5, $0x1;
	s2 =	sadd.s32 s19, s18  }
0x9c: {  	s6 =	simm.s32 $0x0;
	s20 =	sshll.u32 s4, $0x1;
	s4 =	sadd.s32 s21, s2  }
0x9d: {  	[timem:s6], [sflag:s22] =	dma.local [hbm:s4], s20  }
0x9e: {  	_ =	swait.ge [sflag:s22], s20  }
0x9f: {  	s3 =	ssub.s32 $0x0, s20;
	[sflag:s22] =	ssyncset.done $0x0  }
0xa0: {  	[sflag:s22] =	ssyncadd.s32 s3;
	_ =	sdelay $0x1  }
0xa1: {  	s23 =	simm.s32 $0x1B8B  }
0xa2: {  	_ =	swait.ge [sflag:s23], $0x1  }
0xa3: {  	[sflag:s23] =	ssyncset.done $0x0  }
0xa4: {  	s25 =	simm.s32 $0x1B8E;
	s24 =	sld [smem:$0x3FFE];
	[sflag:s23] =	ssyncadd.s32 $0xFFFFFFFF  }
0xa5: {  	s26 =	simm.s32 $execute0_lowered;
	[smem:$0x3FD2] =	sst s25  }
0xa6: {  	s4 =	sshll.u32 s26, $0x1;
	_ =	strace $0x80000046;
	[dreg:$0x1] =	wrdreg $0xFFFFFFFF  }
0xa7: {  	s28 =	simm.s32 $_size_execute0_lowered;
	s2 =	sadd.s32 s2, s4;
	[dreg:$0x0] =	wrdreg $0x0  }
0xa8: {  	s4 =	sshll.u32 s28, $0x1;
	[dreg:$0x2] =	wrdreg s2  }
0xa9: {  	[dreg:$0x3] =	wrdreg s4  }
0xaa: {  	[dreg:$0x4] =	wrdreg $0xC0  }
0xab: {  	_ =	task [dreg:s6], $0x5FFFF  }
0xac: {  	[dreg:$0x1] =	wrdreg $0xFFFFFFFF  }
0xad: {  	[dreg:$0x0] =	wrdreg $0x60  }
0xae: {  	[dreg:$0x2] =	wrdreg s24  }
0xaf: {  	[dreg:$0x3] =	wrdreg $0x9  }
0xb0: {  	_ =	task.clear_ibuf [dreg:s6], $0x4FFFF;
	_ =	strace $0x90000046  }
0xb1: {  	s29 =	simm.s32 $0x9;
	_ =	strace $0x80000048  }
0xb2: {  	_ =	swait.ge [sflag:s29], $0x1  }
0xb3: {  	[sflag:s29] =	ssyncadd.s32 $0xFFFFFFFF  }
0xb4: {  	_ =	strace $0x90000048  }
0xb5: {  	_ =	sfence  }
0xb6: {  	s30 =	sld [smem:$0x0];
	_ =	sdelay $0x2  }
0xb7: {  	s31 =	sshll.u32 s1, $0xD;
	s1 =	sshrl.u32 s1, $0x2  }
0xb8: {  	s3 =	sand.u32 $0x4000, s31;
	s1 =	sadd.s32 s1, s30  }
0xb9: {  	s0 =	sor.u32 s3, s0;
	s1 =	sshll.u32 s1, $0x11  }
0xba: {  	s0 =	sor.u32 s1, s0  }
0xbb: {  	s0 =	sadd.s32 $0x8F2B, s0  }
0xbc: {  	[sflag:s0] =	ssyncadd.remote.s32 $0x1  }
0xbd: {  	_ =	sfence.sel $0xFFFF  }
0xbe: {  	[dreg:$0x0] =	wrdreg $0xFFFFFFFF;
	(pc) =	sbr.abs _section_cstart, $3  }
0xbf: {  	[dreg:$0x1] =	wrdreg $0xFFFFFFFF  }
0xc0: {  	_ =	task.clear_ibuf [dreg:s6], $0x2FFFF;
	_ =	strace $0x9FFFFFFF  }
0xc1: {  	(tm) =	ssettm $0x7FFFFFFF  }
tec
execute0_lowered:
.L_overlay_start_1:
0x0: {  	(tag) =	ssettag $0x1  }
0x1: {  	s0 =	rddreg [dreg:$0x0];
	s2 =	simm.s32 $0x0  }
0x2: {  	s1 =	srdreg.scid;
	s10 =	stileid.u32;
	s14 =	simm.s32 $0x400  }
0x3: {  	s15 =	simm.s32 $0x7A1400;
	s17 =	simm.s32 $0x1;
	s18 =	simm.s32 $0x2000  }
0x4: {  	s19 =	simm.s32 $0x2;
	s20 =	simm.s32 $0x4;
	s21 =	simm.s32 $0x3400  }
0x5: {  	[smem:$0x7FF] =	sst s2;
	s1 =	sand.u32 $0x1, s1;
	s4 =	sshll.u32 s10, $0x1  }
0x6: {  	s3 =	sadd.s32 $0xA00, s0;
	s30 =	sadd.s32 $0xF4C00, s0;
	s11 =	sadd.s32 $0x7A1C00, s0  }
0x7: {  	p0 =	sgt.u32 s10, $0x1;
	_ =	strace $0x80000047;
	s5 =	ssub.s32 $0x2, s1  }
0x8: {  	s1 =	sor.u32 s1, s4;
	s4 =	sadd.s32 $0x3D1400, s0;
	[dreg:$0x5] =	wrdreg s30  }
0x9: {  	s6 =	sshrl.u32 s5, $0x1;
	s7 =	sshll.u32 s1, $0x7;
	s8 =	sor.u32 $0x1E80, s1  }
0xa: {  	v0 =	vlaneseq.u32;
	s26 =	sor.u32 $0x40, s1;
	s28 =	sshll.u32 s1, $0x9;
	s13 =	sor.u32 $0x20, s1  }
.Ltmp0:
0xb: {  	v0 =	vmul.u32 $0x28, v0;
	p1 =	sne.s32 s1, $0x4;
	s1 =	simm.s32 $0x0;
	(pc) =	sbr.rel .LBB2_1-.Ltmp0, $4  }
0xc: {  	s25 =	sadd.s32 s3, s7;
	[dreg:$0x3] =	wrdreg s26;
	s9 =	sshll.u32 s8, $0x7  }
0xd: {  	v1 =	vadd.s32 $0x280, v0;
	s5 =	ssub.s32 s5, s6;
	[dreg:$0x2] =	wrdreg s25;
	s29 =	sadd.s32 s3, s9  }
0xe: {  	v2 =	vadd.s32 $0x500, v0;
	v3 =	vadd.s32 $0x780, v0;
	v4 =	vadd.s32 $0xA00, v0;
	s8 =	sshll.u32 s8, $0x9;
	s31 =	smax.u32 s5, $0x1;
	[dreg:$0x4] =	wrdreg s29  }
0xf: {  	v5 =	vadd.s32 $0xC80, v0;
	v6 =	vadd.s32 $0xF00, v0;
	v7 =	vadd.s32 $0x1180, v0;
	s7 =	sadd.s32 s4, s28;
	s9 =	sadd.s32 s4, s8;
	[dreg:$0x6] =	wrdreg s31  }
.LBB2_27:
0x10: {  	s1 =	sadd.s32 $0x1, s1;
	s0 =	rddreg [dreg:$0x6]  }
0x11: {  	p2 =	sne.s32 s1, s0  }
.Ltmp1:
0x12: {  	_ = 	snop;
	(pc) =	sbr.rel @!p2 .LBB2_28-.Ltmp1, $1  }
0x13: {  	_ =	sdelay $0x3  }
.LBB2_1:
0x14: {  	[dreg:$0x7] =	wrdreg s1  }
0x15: {  	s0 =	rddreg [dreg:$0x2];
	s25 =	simm.s32 $0x0  }
0x16: {  	[tilespmem:s2], [sflag:$0x1] =	stream.strided.gather [hbm4b:s0+s14], $0x1000, s15, s14, $0x38;
	[tilespmem:$0x4800] =	vst v63  }
.LBB2_2:
0x17: {  	s28 =	sshll.u32 s25, $0x6  }
0x18: {  	s26 =	sor.u32 s13, s28  }
0x19: {  	s0 =	sshll.u32 s26, $0x7  }
0x1a: {  	s1 =	simm.s32 $0x1000;
	s0 =	sadd.s32 s3, s0  }
0x1b: {  	[tilespmem:s1], [sflag:$0x2] =	stream.strided.gather [hbm4b:s0+s14], $0x1000, s15, s14, $0x38;
	[tilespmem:$0x4800] =	vst v63  }
0x1c: {  	_ =	swait.ge [sflag:s17], $0x1000  }
0x1d: {  	p2 =	seq.s32 s25, $0x0;
	s23 =	simm.s32 $0x0;
	[sflag:s17] =	ssyncset.done $0x0  }
0x1e: {  	s5 =	simm.s32 $0x2;
	s0 =	simm.s32 @!p2 $0x3;
	[sflag:s17] =	ssyncadd.s32 $0xFFFFF000  }
0x1f: {  	s8 =	simm.s32 $0x100;
	s10 =	simm.s32 $0x0;
	_ =	swait.ge @!p2 [sflag:s0], $0x1000  }
0x20: {  	v8 =	vmov s5;
	s24 =	sand.u32 $0x300, s8;
	s1 =	sand.u32 $0xC00, s23;
	[sflag:s0] =	ssyncset.done @!p2 $0x0  }
0x21: {  	v9 =	vmov s10;
	v17 =	vand.u32 $0x1E, v8;
	s5 =	sor.u32 s24, s1;
	[sflag:s0] =	ssyncadd.s32 @!p2 $0xFFFFF000  }
0x22: {  	s10 =	simm.s32 $0x40;
	v8 =	vand.u32 $0x1C, v9;
	v10 =	vadd.s32 v0, v17;
	v9 =	vld [tilespmem:s5+$0x0]  }
0x23: {  	s6 =	simm.s32 $0x180;
	s12 =	simm.s32 $0x3;
	v13 =	vadd.s32 v0, v8;
	v11 =	vld [tilespmem:s10+$0xFFFFFFC0]  }
0x24: {  	v12 =	vmov s12;
	s0 =	sand.u32 $0x380, s6  }
0x25: {  	v19 =	vand.u32 $0x1F, v12;
	s29 =	sor.u32 s0, s1  }
0x26: {  	v12 =	vadd.s32 v0, v19;
	v14 =	vld [tilespmem:s29+$0x0]  }
0x27: {  	[tilespmem:v10+s18+$0x0] =	vst.idx.msk $0xffff, v9  }
0x28: {  	[tilespmem:v13+s18+$0x0] =	vst.idx.msk $0xffff, v11;
	v11 =	vadd.s32 v1, v17;
	v10 =	vld [tilespmem:s5+$0x10]  }
0x29: {  	v13 =	vadd.s32 v1, v8;
	v15 =	vld [tilespmem:s10+$0xFFFFFFD0]  }
0x2a: {  	s16 =	simm.s32 $0x1;
	s22 =	simm.s32 $0x80  }
0x2b: {  	s23 =	sand.u32 $0x280, s22;
	v9 =	vmov s16;
	[tilespmem:v12+s18+$0x0] =	vst.idx.msk $0xffff, v14  }
0x2c: {  	s30 =	sor.u32 s23, s1;
	v14 =	vadd.s32 v1, v19;
	v9 =	vand.u32 $0x1D, v9;
	v12 =	vld [tilespmem:s29+$0x10]  }
0x2d: {  	v18 =	vld [tilespmem:s30+$0x0];
	v16 =	vadd.s32 v0, v9;
	[tilespmem:v11+s18+$0x0] =	vst.idx.msk $0xffff, v10  }
0x2e: {  	[tilespmem:v13+s18+$0x0] =	vst.idx.msk $0xffff, v15;
	v11 =	vadd.s32 v2, v17;
	v10 =	vld [tilespmem:s5+$0x20]  }
0x2f: {  	v15 =	vadd.s32 v2, v8;
	v13 =	vld [tilespmem:s10+$0xFFFFFFE0];
	_ =	sdelay $0x1  }
0x30: {  	[tilespmem:v14+s18+$0x0] =	vst.idx.msk $0xffff, v12  }
0x31: {  	v14 =	vadd.s32 v2, v19;
	[tilespmem:v16+s18+$0x0] =	vst.idx.msk $0xffff, v18;
	v12 =	vld [tilespmem:s29+$0x20]  }
0x32: {  	v16 =	vadd.s32 v1, v9;
	v18 =	vld [tilespmem:s30+$0x10];
	[tilespmem:v11+s18+$0x0] =	vst.idx.msk $0xffff, v10  }
0x33: {  	[tilespmem:v15+s18+$0x0] =	vst.idx.msk $0xffff, v13;
	v11 =	vadd.s32 v3, v17;
	v10 =	vld [tilespmem:s5+$0x30]  }
0x34: {  	v15 =	vadd.s32 v3, v8;
	v13 =	vld [tilespmem:s10+$0xFFFFFFF0];
	_ =	sdelay $0x1  }
0x35: {  	[tilespmem:v14+s18+$0x0] =	vst.idx.msk $0xffff, v12  }
0x36: {  	v14 =	vadd.s32 v3, v19;
	[tilespmem:v16+s18+$0x0] =	vst.idx.msk $0xffff, v18;
	v12 =	vld [tilespmem:s29+$0x30]  }
0x37: {  	s24 =	simm.s32 $0x4;
	[tilespmem:v11+s18+$0x0] =	vst.idx.msk $0xffff, v10  }
0x38: {  	s31 =	simm.s32 $0x240;
	s8 =	simm.s32 $0x380;
	s12 =	simm.s32 $0x7;
	v18 =	vadd.s32 v2, v9;
	v16 =	vld [tilespmem:s30+$0x20];
	[tilespmem:v15+s18+$0x0] =	vst.idx.msk $0xffff, v13;
	v10 =	vmov s24  }
0x39: {  	v20 =	vadd.s32 v4, v8;
	s22 =	simm.s32 $0x280;
	s6 =	simm.s32 $0x5;
	s1 =	simm.s32 $0x200;
	v21 =	vld [tilespmem:s10+$0x0];
	v10 =	vand.u32 $0x1C, v10  }
0x3a: {  	s8 =	sand.u32 $0x380, s8;
	s22 =	sand.u32 $0x280, s22;
	v22 =	vld [tilespmem:s31+$0xFFFFFFC0];
	s23 =	sand.u32 $0xC00, s1;
	v11 =	vmov s6;
	v23 =	vadd.s32 v0, v10  }
0x3b: {  	s1 =	sor.u32 s22, s23;
	s16 =	simm.s32 $0x6;
	s24 =	simm.s32 $0x300;
	v15 =	vld [tilespmem:s5+$0x40];
	[tilespmem:v14+s18+$0x0] =	vst.idx.msk $0xffff, v12;
	v14 =	vadd.s32 v4, v17;
	v12 =	vmov s12;
	v11 =	vand.u32 $0x1D, v11  }
0x3c: {  	s0 =	sor.u32 s8, s23;
	v26 =	vld [tilespmem:s1+$0x0];
	s12 =	sand.u32 $0x300, s24;
	v13 =	vand.u32 $0x1F, v12;
	v25 =	vadd.s32 v0, v11;
	v12 =	vmov s16  }
0x3d: {  	[tilespmem:v18+s18+$0x0] =	vst.idx.msk $0xffff, v16;
	v18 =	vld [tilespmem:s0+$0x0];
	s8 =	sor.u32 s12, s23;
	v12 =	vand.u32 $0x1E, v12;
	v16 =	vadd.s32 v0, v13  }
0x3e: {  	[tilespmem:v20+s18+$0x0] =	vst.idx.msk $0xffff, v21;
	v20 =	vld [tilespmem:s8+$0x0];
	v21 =	vadd.s32 v0, v12  }
0x3f: {  	v24 =	vld [tilespmem:s29+$0x40];
	[tilespmem:v23+s18+$0x0] =	vst.idx.msk $0xffff, v22;
	v23 =	vadd.s32 v4, v19  }
0x40: {  	[tilespmem:v14+s18+$0x0] =	vst.idx.msk $0xffff, v15;
	v14 =	vadd.s32 v1, v10;
	v15 =	vld [tilespmem:s31+$0xFFFFFFD0]  }
0x41: {  	[tilespmem:v25+s18+$0x0] =	vst.idx.msk $0xffff, v26;
	v25 =	vld [tilespmem:s30+$0x30];
	v26 =	vadd.s32 v3, v9  }
0x42: {  	v27 =	vadd.s32 v1, v11;
	v28 =	vld [tilespmem:s1+$0x10];
	[tilespmem:v16+s18+$0x0] =	vst.idx.msk $0xffff, v18  }
0x43: {  	v18 =	vadd.s32 v1, v13;
	v16 =	vld [tilespmem:s0+$0x10];
	[tilespmem:v21+s18+$0x0] =	vst.idx.msk $0xffff, v20  }
0x44: {  	v21 =	vadd.s32 v1, v12;
	v20 =	vld [tilespmem:s8+$0x10];
	[tilespmem:v23+s18+$0x0] =	vst.idx.msk $0xffff, v24  }
0x45: {  	v22 =	vld [tilespmem:s10+$0x10];
	[tilespmem:v14+s18+$0x0] =	vst.idx.msk $0xffff, v15;
	v14 =	vadd.s32 v5, v8  }
0x46: {  	[tilespmem:v26+s18+$0x0] =	vst.idx.msk $0xffff, v25;
	v24 =	vadd.s32 v5, v17;
	v15 =	vld [tilespmem:s5+$0x50]  }
0x47: {  	v26 =	vadd.s32 v4, v9;
	[tilespmem:v27+s18+$0x0] =	vst.idx.msk $0xffff, v28;
	v25 =	vld [tilespmem:s30+$0x40]  }
0x48: {  	v27 =	vadd.s32 v2, v10;
	v23 =	vld [tilespmem:s31+$0xFFFFFFE0];
	[tilespmem:v18+s18+$0x0] =	vst.idx.msk $0xffff, v16  }
0x49: {  	v29 =	vadd.s32 v5, v19;
	v30 =	vld [tilespmem:s29+$0x50];
	[tilespmem:v21+s18+$0x0] =	vst.idx.msk $0xffff, v20  }
0x4a: {  	v18 =	vadd.s32 v2, v13;
	v16 =	vld [tilespmem:s0+$0x20];
	[tilespmem:v14+s18+$0x0] =	vst.idx.msk $0xffff, v22  }
0x4b: {  	v21 =	vadd.s32 v2, v12;
	v20 =	vld [tilespmem:s8+$0x20];
	[tilespmem:v24+s18+$0x0] =	vst.idx.msk $0xffff, v15  }
0x4c: {  	v22 =	vadd.s32 v6, v8;
	[tilespmem:v26+s18+$0x0] =	vst.idx.msk $0xffff, v25;
	v14 =	vld [tilespmem:s10+$0x20]  }
0x4d: {  	v25 =	vadd.s32 v5, v9;
	[tilespmem:v27+s18+$0x0] =	vst.idx.msk $0xffff, v23;
	v23 =	vld [tilespmem:s30+$0x50]  }
0x4e: {  	v24 =	vadd.s32 v6, v17;
	[tilespmem:v29+s18+$0x0] =	vst.idx.msk $0xffff, v30;
	v15 =	vld [tilespmem:s5+$0x60]  }
0x4f: {  	v33 =	vadd.s32 v2, v11;
	v28 =	vld [tilespmem:s1+$0x20];
	[tilespmem:v18+s18+$0x0] =	vst.idx.msk $0xffff, v16  }
0x50: {  	v27 =	vadd.s32 v3, v10;
	v26 =	vld [tilespmem:s31+$0xFFFFFFF0];
	[tilespmem:v21+s18+$0x0] =	vst.idx.msk $0xffff, v20  }
0x51: {  	v32 =	vadd.s32 v3, v12;
	v31 =	vld [tilespmem:s8+$0x30];
	[tilespmem:v22+s18+$0x0] =	vst.idx.msk $0xffff, v14  }
0x52: {  	[tilespmem:v25+s18+$0x0] =	vst.idx.msk $0xffff, v23;
	v25 =	vadd.s32 v7, v17;
	v17 =	vld [tilespmem:s29+$0x60]  }
0x53: {  	[tilespmem:v24+s18+$0x0] =	vst.idx.msk $0xffff, v15;
	v18 =	vld [tilespmem:s10+$0x30]  }
0x54: {  	[tilespmem:v33+s18+$0x0] =	vst.idx.msk $0xffff, v28;
	v21 =	vld [tilespmem:s5+$0x70]  }
0x55: {  	v16 =	vadd.s32 v4, v10;
	v22 =	vadd.s32 v6, v9;
	[tilespmem:v27+s18+$0x0] =	vst.idx.msk $0xffff, v26;
	v20 =	vld [tilespmem:s30+$0x60]  }
0x56: {  	v15 =	vadd.s32 v7, v19;
	v26 =	vld [tilespmem:s0+$0x30];
	v27 =	vadd.s32 v3, v13;
	[tilespmem:v32+s18+$0x0] =	vst.idx.msk $0xffff, v31  }
0x57: {  	s22 =	simm.s32 $0x8;
	v14 =	vadd.s32 v7, v13;
	v19 =	vadd.s32 v6, v19;
	v24 =	vadd.s32 v4, v12;
	s5 =	simm.s32 $0x580;
	s10 =	simm.s32 $0x440;
	v23 =	vld [tilespmem:s8+$0x40]  }
.LBB2_3:
0x58: {  	s12 =	sadd.s32 $0xFFFFFE80, s5;
	v30 =	vadd.s32 v7, v8  }
0x59: {  	v28 =	vmov s22;
	s23 =	sadd.s32 $0x1, s22;
	s24 =	sadd.s32 $0x3, s22;
	v29 =	vld [tilespmem:s31+$0x0];
	v31 =	vadd.s32 v7, v9;
	[tilespmem:v25+s18+$0x0] =	vst.idx.msk $0xffff, v21;
	v8 =	vmovc v10;
	v9 =	vmov v11;
	s6 =	smov.u32 s22  }
0x5a: {  	s6 =	sand.u32 $0xC00, s12;
	v21 =	vld [tilespmem:s10+$0xFFFFFFC0];
	v10 =	vand.u32 $0x1C, v28;
	v11 =	vmov s23;
	s12 =	sadd.s32 $0xFFFFFF00, s5;
	s23 =	sadd.s32 $0x2, s22;
	v25 =	vmov s24;
	[tilespmem:v22+s18+$0x0] =	vst.idx.msk $0xffff, v20  }
0x5b: {  	s16 =	sadd.s32 $0xFFFFFF80, s5;
	v20 =	vadd.s32 v0, v10;
	s24 =	sand.u32 $0x280, s12;
	v11 =	vand.u32 $0x1D, v11;
	v22 =	vand.u32 $0x1F, v25;
	s12 =	sadd.s32 $0x4, s22;
	[tilespmem:v27+s18+$0x0] =	vst.idx.msk $0xffff, v26;
	v25 =	vld [tilespmem:s30+$0x70]  }
0x5c: {  	s16 =	sand.u32 $0x300, s16;
	v26 =	vadd.s32 v4, v10;
	v28 =	vmov s23;
	s23 =	sand.u32 $0x380, s5;
	s24 =	sor.u32 s24, s6;
	v27 =	vadd.s32 v0, v11;
	v32 =	vld [tilespmem:s0+$0x40];
	[tilespmem:v19+s18+$0x0] =	vst.idx.msk $0xffff, v17  }
0x5d: {  	p3 =	slt.u32 s22, $0x1C;
	s30 =	smov.u32 s1;
	v17 =	vand.u32 $0x1E, v28;
	s23 =	sor.u32 s23, s6;
	v19 =	vadd.s32 v7, v22;
	[tilespmem:v24+s18+$0x0] =	vst.idx.msk $0xffff, v23;
	v23 =	vld [tilespmem:s29+$0x70]  }
0x5e: {  	v28 =	vadd.s32 v0, v22;
	s1 =	smov.u32 s24;
	s29 =	smov.u32 s0;
	s0 =	smov.u32 s23;
	v24 =	vld [tilespmem:s24+$0x0];
	[tilespmem:v16+s18+$0x0] =	vst.idx.msk $0xffff, v29;
	v16 =	vmov v26  }
0x5f: {  	s22 =	sor.u32 s16, s6;
	v26 =	vld [tilespmem:s0+$0x0];
	[tilespmem:v30+s18+$0x0] =	vst.idx.msk $0xffff, v18  }
0x60: {  	v29 =	vadd.s32 v0, v17;
	v18 =	vld [tilespmem:s22+$0x0];
	[tilespmem:v31+s18+$0x0] =	vst.idx.msk $0xffff, v25  }
0x61: {  	v25 =	vadd.s32 v4, v13;
	[tilespmem:v20+s18+$0x0] =	vst.idx.msk $0xffff, v21;
	v20 =	vadd.s32 v1, v10;
	v21 =	vld [tilespmem:s31+$0x10]  }
0x62: {  	v30 =	vld [tilespmem:s10+$0xFFFFFFD0];
	[tilespmem:v15+s18+$0x0] =	vst.idx.msk $0xffff, v23;
	v15 =	vmov v14;
	v14 =	vmov v19  }
0x63: {  	v19 =	vadd.s32 v1, v11;
	[tilespmem:v27+s18+$0x0] =	vst.idx.msk $0xffff, v24;
	v23 =	vld [tilespmem:s30+$0x30];
	v24 =	vadd.s32 v3, v9  }
0x64: {  	v27 =	vld [tilespmem:s1+$0x10];
	[tilespmem:v28+s18+$0x0] =	vst.idx.msk $0xffff, v26  }
0x65: {  	v26 =	vadd.s32 v1, v22;
	[tilespmem:v29+s18+$0x0] =	vst.idx.msk $0xffff, v18;
	v18 =	vld [tilespmem:s0+$0x10]  }
0x66: {  	v29 =	vadd.s32 v1, v17;
	v28 =	vld [tilespmem:s22+$0x10];
	[tilespmem:v25+s18+$0x0] =	vst.idx.msk $0xffff, v32  }
0x67: {  	[tilespmem:v20+s18+$0x0] =	vst.idx.msk $0xffff, v30;
	v20 =	vadd.s32 v5, v8;
	v25 =	vld [tilespmem:s8+$0x50]  }
0x68: {  	v30 =	vld [tilespmem:s10+$0xFFFFFFE0];
	[tilespmem:v24+s18+$0x0] =	vst.idx.msk $0xffff, v23;
	v23 =	vadd.s32 v5, v12  }
0x69: {  	v24 =	vadd.s32 v4, v9;
	[tilespmem:v19+s18+$0x0] =	vst.idx.msk $0xffff, v27;
	v19 =	vld [tilespmem:s30+$0x40]  }
0x6a: {  	v27 =	vadd.s32 v2, v10;
	v31 =	vld [tilespmem:s1+$0x20];
	[tilespmem:v26+s18+$0x0] =	vst.idx.msk $0xffff, v18  }
0x6b: {  	v26 =	vadd.s32 v2, v22;
	[tilespmem:v29+s18+$0x0] =	vst.idx.msk $0xffff, v28;
	v18 =	vld [tilespmem:s0+$0x20]  }
0x6c: {  	v29 =	vadd.s32 v2, v17;
	v28 =	vld [tilespmem:s22+$0x20];
	[tilespmem:v20+s18+$0x0] =	vst.idx.msk $0xffff, v21  }
0x6d: {  	v21 =	vadd.s32 v6, v8;
	v20 =	vld [tilespmem:s31+$0x20];
	[tilespmem:v23+s18+$0x0] =	vst.idx.msk $0xffff, v25;
	v23 =	vadd.s32 v5, v13  }
0x6e: {  	[tilespmem:v24+s18+$0x0] =	vst.idx.msk $0xffff, v19;
	v19 =	vld [tilespmem:s8+$0x60];
	v24 =	vadd.s32 v6, v12  }
0x6f: {  	[tilespmem:v27+s18+$0x0] =	vst.idx.msk $0xffff, v30;
	v25 =	vld [tilespmem:s30+$0x50];
	v27 =	vadd.s32 v5, v9  }
0x70: {  	v32 =	vadd.s32 v3, v10;
	v30 =	vld [tilespmem:s10+$0xFFFFFFF0];
	[tilespmem:v26+s18+$0x0] =	vst.idx.msk $0xffff, v18  }
0x71: {  	[tilespmem:v29+s18+$0x0] =	vst.idx.msk $0xffff, v28;
	v28 =	vld [tilespmem:s29+$0x50]  }
0x72: {  	v33 =	vadd.s32 v3, v17;
	v29 =	vld [tilespmem:s22+$0x30];
	[tilespmem:v21+s18+$0x0] =	vst.idx.msk $0xffff, v20  }
0x73: {  	v34 =	vadd.s32 v2, v11;
	v18 =	vld [tilespmem:s31+$0x30];
	[tilespmem:v24+s18+$0x0] =	vst.idx.msk $0xffff, v19;
	v19 =	vadd.s32 v6, v13;
	v13 =	vmov v22;
	s31 =	smov.u32 s10  }
.Ltmp2:
0x74: {  	[tilespmem:v27+s18+$0x0] =	vst.idx.msk $0xffff, v25;
	v21 =	vld [tilespmem:s8+$0x70];
	v25 =	vadd.s32 v7, v12;
	v12 =	vmov v17;
	s8 =	smov.u32 s22;
	(pc) =	sbr.rel @p3 .LBB2_3-.Ltmp2, $4  }
0x75: {  	v22 =	vadd.s32 v6, v9;
	[tilespmem:v32+s18+$0x0] =	vst.idx.msk $0xffff, v30;
	v20 =	vld [tilespmem:s30+$0x60]  }
0x76: {  	v27 =	vadd.s32 v3, v13;
	v26 =	vld [tilespmem:s0+$0x30];
	[tilespmem:v23+s18+$0x0] =	vst.idx.msk $0xffff, v28  }
0x77: {  	[tilespmem:v33+s18+$0x0] =	vst.idx.msk $0xffff, v29;
	v17 =	vld [tilespmem:s29+$0x60]  }
0x78: {  	s5 =	sadd.s32 $0x200, s5;
	s10 =	sadd.s32 $0x200, s10;
	s22 =	smov.u32 s12;
	v24 =	vadd.s32 v4, v12;
	[tilespmem:v34+s18+$0x0] =	vst.idx.msk $0xffff, v31;
	v23 =	vld [tilespmem:s8+$0x40]  }
0x79: {  	v28 =	vld [tilespmem:s1+$0x30];
	v29 =	vadd.s32 v3, v11;
	_ =	sdelay $0x3  }
0x7a: {  	v30 =	vld [tilespmem:s31+$0x0];
	[tilespmem:v27+s18+$0x0] =	vst.idx.msk $0xffff, v26  }
0x7b: {  	v42 =	vadd.s32 v4, v13;
	v41 =	vld [tilespmem:s0+$0x40];
	[tilespmem:v29+s18+$0x0] =	vst.idx.msk $0xffff, v28  }
0x7c: {  	v40 =	vadd.s32 v4, v11;
	v39 =	vld [tilespmem:s1+$0x40];
	_ =	sdelay $0x1  }
0x7d: {  	[tilespmem:v24+s18+$0x0] =	vst.idx.msk $0xffff, v23  }
0x7e: {  	v44 =	vadd.s32 v5, v12;
	[tilespmem:v16+s18+$0x0] =	vst.idx.msk $0xffff, v30;
	v43 =	vld [tilespmem:s8+$0x50]  }
0x7f: {  	v46 =	vadd.s32 v5, v10;
	v45 =	vld [tilespmem:s31+$0x10];
	[tilespmem:v42+s18+$0x0] =	vst.idx.msk $0xffff, v41  }
0x80: {  	v48 =	vadd.s32 v5, v13;
	v49 =	vld [tilespmem:s0+$0x50];
	[tilespmem:v40+s18+$0x0] =	vst.idx.msk $0xffff, v39  }
0x81: {  	v47 =	vadd.s32 v5, v11;
	[tilespmem:v25+s18+$0x0] =	vst.idx.msk $0xffff, v21;
	v27 =	vld [tilespmem:s1+$0x50]  }
0x82: {  	[tilespmem:v22+s18+$0x0] =	vst.idx.msk $0xffff, v20  }
0x83: {  	v8 =	vadd.s32 v7, v8;
	[tilespmem:v44+s18+$0x0] =	vst.idx.msk $0xffff, v43  }
0x84: {  	v50 =	vadd.s32 v6, v12;
	[tilespmem:v46+s18+$0x0] =	vst.idx.msk $0xffff, v45;
	v16 =	vld [tilespmem:s8+$0x60]  }
0x85: {  	v52 =	vadd.s32 v6, v10;
	v51 =	vld [tilespmem:s31+$0x20];
	[tilespmem:v48+s18+$0x0] =	vst.idx.msk $0xffff, v49  }
0x86: {  	v55 =	vadd.s32 v6, v13;
	v56 =	vld [tilespmem:s0+$0x60];
	[tilespmem:v47+s18+$0x0] =	vst.idx.msk $0xffff, v27  }
0x87: {  	v54 =	vadd.s32 v6, v11;
	[tilespmem:v19+s18+$0x0] =	vst.idx.msk $0xffff, v17;
	v53 =	vld [tilespmem:s1+$0x60]  }
0x88: {  	v9 =	vadd.s32 v7, v9;
	v57 =	vld [tilespmem:s30+$0x70];
	[tilespmem:v8+s18+$0x0] =	vst.idx.msk $0xffff, v18  }
0x89: {  	v8 =	vld [tilespmem:s29+$0x70];
	[tilespmem:v50+s18+$0x0] =	vst.idx.msk $0xffff, v16  }
0x8a: {  	v58 =	vadd.s32 v7, v12;
	[tilespmem:v52+s18+$0x0] =	vst.idx.msk $0xffff, v51;
	v16 =	vld [tilespmem:s8+$0x70]  }
0x8b: {  	v60 =	vadd.s32 v7, v10;
	v59 =	vld [tilespmem:s31+$0x30];
	[tilespmem:v55+s18+$0x0] =	vst.idx.msk $0xffff, v56  }
0x8c: {  	v63 =	vld [tilespmem:s0+$0x70];
	[tilespmem:v54+s18+$0x0] =	vst.idx.msk $0xffff, v53  }
0x8d: {  	v61 =	vadd.s32 v7, v11;
	[tilespmem:v9+s18+$0x0] =	vst.idx.msk $0xffff, v57;
	v62 =	vld [tilespmem:s1+$0x70]  }
0x8e: {  	[tilespmem:v15+s18+$0x0] =	vst.idx.msk $0xffff, v8  }
0x8f: {  	[tilespmem:v58+s18+$0x0] =	vst.idx.msk $0xffff, v16  }
0x90: {  	s31 =	sshll.u32 s25, $0xF;
	[tilespmem:v60+s18+$0x0] =	vst.idx.msk $0xffff, v59  }
0x91: {  	s5 =	simm.s32 $0x4;
	s0 =	sadd.s32 s31, s7;
	[tilespmem:v14+s18+$0x0] =	vst.idx.msk $0xffff, v63  }
0x92: {  	s8 =	simm.s32 $0x2028;
	s10 =	sadd.s32 $0x0, s0;
	s1 =	simm.s32 $0x2000;
	[tilespmem:v61+s18+$0x0] =	vst.idx.msk $0xffff, v62  }
.LBB2_5:
0x93: {  	[hbm4b:s10+s2] =	stream.linear.scatter [tilespmem:s1], [sflag:$0x3], $0x20, $0x38;
	[tilespmem:$0x4800] =	vst v63  }
0x94: {  	s6 =	smov.u32 s5;
	s1 =	smov.u32 s8;
	p3 =	sne.s32 s5, $0x1FC  }
.Ltmp3:
0x95: {  	s5 =	sadd.s32 $0x4, s5;
	(pc) =	sbr.rel @p3 .LBB2_5-.Ltmp3, $2  }
0x96: {  	_ =	sdelay $0x2  }
0x97: {  	s8 =	sadd.s32 $0x28, s8;
	s10 =	sadd.s32 s6, s0  }
0x98: {  	p3 =	sne.s32 s25, $0x79  }
.Ltmp4:
0x99: {  	_ = 	snop;
	(pc) =	sbr.rel @p3 .LBB2_8-.Ltmp4, $2  }
0x9a: {  	_ =	sdelay $0x2  }
0x9b: {  	[hbm4b:s10+s2] =	stream.linear.scatter [tilespmem:s1], [sflag:$0x3], $0x20, $0x38;
	[tilespmem:$0x4800] =	vst v63  }
.Ltmp5:
0x9c: {  	(pc) =	sbr.rel .LBB2_9-.Ltmp5, $4  }
0x9d: {  	_ = 	snop  }
0x9e: {  	_ =	swait.ge [sflag:s19], $0x1000  }
0x9f: {  	[sflag:s19] =	ssyncset.done $0x0  }
0xa0: {  	[sflag:s19] =	ssyncadd.s32 $0xFFFFF000  }
.LBB2_8:
0xa1: {  	s0 =	rddreg [dreg:$0x3]  }
0xa2: {  	s0 =	sadd.s32 s0, s28  }
0xa3: {  	s0 =	sshll.u32 s0, $0x7  }
.Ltmp6:
0xa4: {  	s0 =	sadd.s32 s3, s0;
	(pc) =	sbr.rel @p2 .LBB2_10-.Ltmp6, $4  }
0xa5: {  	[tilespmem:s2], [sflag:$0x1] =	stream.strided.gather [hbm4b:s0+s14], $0x1000, s15, s14, $0x38;
	[tilespmem:$0x4800] =	vst v63  }
0xa6: {  	_ =	swait.ge [sflag:s19], $0x1000  }
0xa7: {  	[sflag:s19] =	ssyncset.done $0x0  }
0xa8: {  	[sflag:s19] =	ssyncadd.s32 $0xFFFFF000  }
.LBB2_9:
0xa9: {  	_ =	swait.ge [sflag:s20], $0x1000  }
0xaa: {  	[sflag:s20] =	ssyncset.done $0x0  }
0xab: {  	[sflag:s20] =	ssyncadd.s32 $0xFFFFF000  }
.LBB2_10:
0xac: {  	s0 =	simm.s32 $0x0;
	s1 =	simm.s32 $0x180  }
0xad: {  	s5 =	simm.s32 $0x3;
	s24 =	simm.s32 $0x2;
	s0 =	sand.u32 $0xC00, s0  }
0xae: {  	s6 =	simm.s32 $0x100;
	v8 =	vmov s5;
	s1 =	sand.u32 $0x380, s1;
	s0 =	sor.u32 $0x1000, s0  }
0xaf: {  	s6 =	sand.u32 $0x300, s6;
	v10 =	vand.u32 $0x1F, v8;
	v8 =	vmov s24;
	s5 =	sor.u32 s1, s0  }
0xb0: {  	s10 =	simm.s32 $0x1;
	s8 =	simm.s32 $0x80;
	v9 =	vadd.s32 v0, v10;
	v11 =	vand.u32 $0x1E, v8;
	s30 =	sor.u32 s6, s0;
	v12 =	vld [tilespmem:s5+$0x0]  }
0xb1: {  	s12 =	sand.u32 $0x280, s8;
	v8 =	vmov s10;
	v13 =	vadd.s32 v0, v11;
	v14 =	vld [tilespmem:s30+$0x0]  }
0xb2: {  	s28 =	sor.u32 s12, s0;
	v8 =	vand.u32 $0x1D, v8  }
0xb3: {  	v16 =	vld [tilespmem:s28+$0x0];
	v15 =	vadd.s32 v0, v8;
	_ =	sdelay $0x1  }
0xb4: {  	s16 =	simm.s32 $0x0;
	[tilespmem:v9+s21+$0x0] =	vst.idx.msk $0xffff, v12  }
0xb5: {  	v17 =	vadd.s32 v1, v10;
	v9 =	vmov s16;
	[tilespmem:v13+s21+$0x0] =	vst.idx.msk $0xffff, v14;
	v12 =	vld [tilespmem:s5+$0x10]  }
0xb6: {  	s29 =	simm.s32 $0x1040;
	v14 =	vadd.s32 v1, v11;
	v9 =	vand.u32 $0x1C, v9;
	v13 =	vld [tilespmem:s30+$0x10]  }
0xb7: {  	[tilespmem:v15+s21+$0x0] =	vst.idx.msk $0xffff, v16;
	v15 =	vld [tilespmem:s29+$0xFFFFFFC0];
	v18 =	vadd.s32 v0, v9  }
0xb8: {  	v16 =	vadd.s32 v1, v8;
	v19 =	vld [tilespmem:s28+$0x10];
	_ =	sdelay $0x1  }
0xb9: {  	[tilespmem:v17+s21+$0x0] =	vst.idx.msk $0xffff, v12  }
0xba: {  	v17 =	vadd.s32 v2, v10;
	[tilespmem:v14+s21+$0x0] =	vst.idx.msk $0xffff, v13;
	v12 =	vld [tilespmem:s5+$0x20]  }
0xbb: {  	v14 =	vadd.s32 v2, v11;
	[tilespmem:v18+s21+$0x0] =	vst.idx.msk $0xffff, v15;
	v13 =	vld [tilespmem:s30+$0x20]  }
0xbc: {  	[tilespmem:v16+s21+$0x0] =	vst.idx.msk $0xffff, v19;
	v16 =	vadd.s32 v1, v9;
	v15 =	vld [tilespmem:s29+$0xFFFFFFD0];
	_ =	sdelay $0x2  }
0xbd: {  	s22 =	simm.s32 $0x200;
	v18 =	vld [tilespmem:s28+$0x20];
	[tilespmem:v17+s21+$0x0] =	vst.idx.msk $0xffff, v12;
	v12 =	vadd.s32 v2, v8  }
0xbe: {  	s24 =	simm.s32 $0x7;
	s0 =	simm.s32 $0x380;
	s1 =	sand.u32 $0xC00, s22;
	v19 =	vadd.s32 v3, v10;
	[tilespmem:v14+s21+$0x0] =	vst.idx.msk $0xffff, v13;
	v17 =	vld [tilespmem:s5+$0x30]  }
0xbf: {  	s1 =	sor.u32 $0x1000, s1;
	s0 =	sand.u32 $0x380, s0;
	v13 =	vmov s24;
	[tilespmem:v16+s21+$0x0] =	vst.idx.msk $0xffff, v15  }
0xc0: {  	s0 =	sor.u32 s0, s1;
	v20 =	vadd.s32 v2, v9;
	v14 =	vand.u32 $0x1F, v13;
	v16 =	vld [tilespmem:s29+$0xFFFFFFE0]  }
0xc1: {  	s23 =	simm.s32 $0x5;
	v25 =	vld [tilespmem:s0+$0x0];
	v24 =	vadd.s32 v0, v14  }
0xc2: {  	s10 =	simm.s32 $0x280;
	s22 =	simm.s32 $0x300;
	v26 =	vadd.s32 v3, v11;
	s16 =	simm.s32 $0x6;
	v15 =	vld [tilespmem:s30+$0x30];
	[tilespmem:v12+s21+$0x0] =	vst.idx.msk $0xffff, v18  }
0xc3: {  	s12 =	sand.u32 $0x280, s10;
	v13 =	vmov s16;
	v12 =	vmov s23;
	v18 =	vadd.s32 v3, v8;
	s23 =	sand.u32 $0x300, s22;
	[tilespmem:v19+s21+$0x0] =	vst.idx.msk $0xffff, v17;
	v17 =	vld [tilespmem:s28+$0x30]  }
0xc4: {  	v21 =	vadd.s32 v4, v10;
	s31 =	sor.u32 s12, s1;
	v13 =	vand.u32 $0x1E, v13;
	s1 =	sor.u32 s23, s1;
	v19 =	vld [tilespmem:s5+$0x40]  }
0xc5: {  	s24 =	simm.s32 $0x4;
	v12 =	vand.u32 $0x1D, v12;
	[tilespmem:v20+s21+$0x0] =	vst.idx.msk $0xffff, v16;
	v16 =	vadd.s32 v0, v13;
	v20 =	vld [tilespmem:s1+$0x0]  }
0xc6: {  	v23 =	vld [tilespmem:s31+$0x0];
	v22 =	vadd.s32 v0, v12;
	[tilespmem:v24+s21+$0x0] =	vst.idx.msk $0xffff, v25;
	v24 =	vmov s24  }
0xc7: {  	s8 =	simm.s32 $0x1240;
	[tilespmem:v26+s21+$0x0] =	vst.idx.msk $0xffff, v15;
	v15 =	vand.u32 $0x1C, v24  }
0xc8: {  	v28 =	vld [tilespmem:s8+$0xFFFFFFC0];
	v26 =	vadd.s32 v0, v15;
	[tilespmem:v18+s21+$0x0] =	vst.idx.msk $0xffff, v17  }
0xc9: {  	v18 =	vadd.s32 v4, v8;
	[tilespmem:v21+s21+$0x0] =	vst.idx.msk $0xffff, v19;
	v17 =	vld [tilespmem:s28+$0x40]  }
0xca: {  	[tilespmem:v16+s21+$0x0] =	vst.idx.msk $0xffff, v20;
	v16 =	vld [tilespmem:s0+$0x10];
	v20 =	vadd.s32 v1, v14  }
0xcb: {  	[tilespmem:v22+s21+$0x0] =	vst.idx.msk $0xffff, v23;
	v21 =	vadd.s32 v5, v10;
	v19 =	vld [tilespmem:s5+$0x50]  }
0xcc: {  	v22 =	vadd.s32 v1, v12;
	v23 =	vld [tilespmem:s31+$0x10]  }
0xcd: {  	v25 =	vadd.s32 v1, v13;
	v24 =	vld [tilespmem:s1+$0x10];
	[tilespmem:v26+s21+$0x0] =	vst.idx.msk $0xffff, v28  }
0xce: {  	v27 =	vld [tilespmem:s29+$0xFFFFFFF0];
	[tilespmem:v18+s21+$0x0] =	vst.idx.msk $0xffff, v17  }
0xcf: {  	v26 =	vld [tilespmem:s8+$0xFFFFFFD0];
	v17 =	vadd.s32 v3, v9;
	[tilespmem:v20+s21+$0x0] =	vst.idx.msk $0xffff, v16  }
0xd0: {  	v18 =	vld [tilespmem:s30+$0x40];
	v16 =	vadd.s32 v4, v11;
	[tilespmem:v21+s21+$0x0] =	vst.idx.msk $0xffff, v19  }
0xd1: {  	[tilespmem:v22+s21+$0x0] =	vst.idx.msk $0xffff, v23;
	v21 =	vld [tilespmem:s28+$0x50];
	v22 =	vadd.s32 v5, v8  }
0xd2: {  	[tilespmem:v25+s21+$0x0] =	vst.idx.msk $0xffff, v24;
	v20 =	vld [tilespmem:s0+$0x20];
	v23 =	vadd.s32 v2, v14  }
0xd3: {  	v25 =	vadd.s32 v2, v13;
	v24 =	vld [tilespmem:s1+$0x20]  }
0xd4: {  	v28 =	vadd.s32 v1, v15;
	v19 =	vld [tilespmem:s31+$0x20];
	[tilespmem:v17+s21+$0x0] =	vst.idx.msk $0xffff, v27  }
0xd5: {  	v17 =	vadd.s32 v4, v9;
	[tilespmem:v16+s21+$0x0] =	vst.idx.msk $0xffff, v18;
	v27 =	vld [tilespmem:s29+$0x0]  }
0xd6: {  	v18 =	vld [tilespmem:s5+$0x60];
	[tilespmem:v22+s21+$0x0] =	vst.idx.msk $0xffff, v21;
	v21 =	vadd.s32 v6, v10  }
0xd7: {  	[tilespmem:v23+s21+$0x0] =	vst.idx.msk $0xffff, v20;
	v20 =	vld [tilespmem:s30+$0x50];
	v22 =	vadd.s32 v5, v11  }
0xd8: {  	[tilespmem:v25+s21+$0x0] =	vst.idx.msk $0xffff, v24;
	v23 =	vld [tilespmem:s0+$0x30];
	v24 =	vadd.s32 v3, v14  }
0xd9: {  	v31 =	vadd.s32 v3, v13;
	[tilespmem:v28+s21+$0x0] =	vst.idx.msk $0xffff, v26;
	v30 =	vld [tilespmem:s1+$0x30]  }
0xda: {  	v28 =	vld [tilespmem:s8+$0xFFFFFFE0];
	[tilespmem:v17+s21+$0x0] =	vst.idx.msk $0xffff, v27  }
0xdb: {  	v29 =	vadd.s32 v2, v15;
	v26 =	vadd.s32 v6, v11;
	[tilespmem:v21+s21+$0x0] =	vst.idx.msk $0xffff, v18;
	v25 =	vld [tilespmem:s29+$0x10]  }
0xdc: {  	v16 =	vadd.s32 v6, v12;
	v21 =	vadd.s32 v5, v9;
	[tilespmem:v22+s21+$0x0] =	vst.idx.msk $0xffff, v20;
	v20 =	vld [tilespmem:s5+$0x70]  }
0xdd: {  	v17 =	vadd.s32 v6, v8;
	v27 =	vadd.s32 v2, v12;
	[tilespmem:v24+s21+$0x0] =	vst.idx.msk $0xffff, v23;
	v23 =	vld [tilespmem:s30+$0x60]  }
0xde: {  	s10 =	simm.s32 $0x580;
	s22 =	simm.s32 $0x8;
	v18 =	vadd.s32 v6, v9;
	v24 =	vadd.s32 v4, v14;
	s5 =	simm.s32 $0x1440;
	[tilespmem:v31+s21+$0x0] =	vst.idx.msk $0xffff, v30;
	v22 =	vld [tilespmem:s0+$0x40]  }
.LBB2_11:
0xdf: {  	s6 =	sadd.s32 $0xFFFFFE80, s10  }
0xe0: {  	v30 =	vmov s22;
	s12 =	sadd.s32 $0x1, s22;
	s16 =	sadd.s32 $0x3, s22;
	[tilespmem:v29+s21+$0x0] =	vst.idx.msk $0xffff, v28;
	v28 =	vld [tilespmem:s28+$0x60];
	v29 =	vadd.s32 v7, v10;
	v10 =	vmov v14;
	s23 =	smov.u32 s22  }
0xe1: {  	s24 =	sadd.s32 $0xFFFFFF00, s10;
	s6 =	sand.u32 $0xC00, s6;
	v30 =	vand.u32 $0x1C, v30;
	v14 =	vmov s12;
	v31 =	vmov s16;
	s12 =	sadd.s32 $0x4, s22;
	v32 =	vld [tilespmem:s8+$0xFFFFFFF0];
	[tilespmem:v21+s21+$0x0] =	vst.idx.msk $0xffff, v25  }
0xe2: {  	s16 =	sand.u32 $0x280, s24;
	s23 =	sadd.s32 $0x2, s23;
	s24 =	sadd.s32 $0xFFFFFF80, s10;
	v21 =	vadd.s32 v0, v30;
	v25 =	vand.u32 $0x1D, v14;
	v14 =	vand.u32 $0x1F, v31;
	[tilespmem:v27+s21+$0x0] =	vst.idx.msk $0xffff, v19;
	v19 =	vld [tilespmem:s29+$0x20]  }
0xe3: {  	p2 =	slt.u32 s22, $0x1C;
	v34 =	vadd.s32 v3, v12;
	s6 =	sor.u32 $0x1000, s6;
	v31 =	vmov s23;
	s23 =	sand.u32 $0x300, s24;
	v27 =	vadd.s32 v6, v25;
	v33 =	vld [tilespmem:s31+$0x30];
	[tilespmem:v26+s21+$0x0] =	vst.idx.msk $0xffff, v23  }
0xe4: {  	s22 =	sand.u32 $0x380, s10;
	s16 =	sor.u32 s16, s6;
	v23 =	vadd.s32 v0, v25;
	v26 =	vand.u32 $0x1E, v31;
	[tilespmem:v24+s21+$0x0] =	vst.idx.msk $0xffff, v22;
	v22 =	vld [tilespmem:s30+$0x70];
	v24 =	vadd.s32 v7, v11;
	s30 =	smov.u32 s1  }
0xe5: {  	s22 =	sor.u32 s22, s6;
	v35 =	vadd.s32 v0, v26;
	v11 =	vmovc v13;
	v31 =	vld [tilespmem:s16+$0x0];
	[tilespmem:v17+s21+$0x0] =	vst.idx.msk $0xffff, v28;
	v17 =	vmov v16;
	v16 =	vmov v27  }
0xe6: {  	v36 =	vadd.s32 v7, v8;
	v8 =	vmov v12;
	s1 =	sor.u32 s23, s6;
	v27 =	vadd.s32 v0, v14;
	v28 =	vld [tilespmem:s28+$0x70];
	[tilespmem:v29+s21+$0x0] =	vst.idx.msk $0xffff, v20;
	s28 =	smov.u32 s31;
	s31 =	smov.u32 s16  }
0xe7: {  	v12 =	vmov v25;
	v13 =	vmov v26;
	v20 =	vld [tilespmem:s22+$0x0];
	[tilespmem:v18+s21+$0x0] =	vst.idx.msk $0xffff, v19  }
0xe8: {  	v19 =	vadd.s32 v7, v9;
	v9 =	vmov v15;
	v15 =	vmov v30;
	v18 =	vld [tilespmem:s1+$0x0];
	[tilespmem:v34+s21+$0x0] =	vst.idx.msk $0xffff, v33  }
0xe9: {  	v25 =	vld [tilespmem:s29+$0x30];
	[tilespmem:v24+s21+$0x0] =	vst.idx.msk $0xffff, v22;
	s29 =	smov.u32 s8;
	s8 =	smov.u32 s5  }
0xea: {  	v22 =	vadd.s32 v1, v12;
	v24 =	vadd.s32 v4, v8;
	[tilespmem:v23+s21+$0x0] =	vst.idx.msk $0xffff, v31;
	v23 =	vld [tilespmem:s28+$0x40]  }
0xeb: {  	v29 =	vadd.s32 v5, v10;
	v26 =	vld [tilespmem:s0+$0x50];
	[tilespmem:v36+s21+$0x0] =	vst.idx.msk $0xffff, v28  }
0xec: {  	v28 =	vld [tilespmem:s31+$0x10];
	[tilespmem:v27+s21+$0x0] =	vst.idx.msk $0xffff, v20  }
0xed: {  	v20 =	vadd.s32 v1, v14;
	[tilespmem:v35+s21+$0x0] =	vst.idx.msk $0xffff, v18;
	v18 =	vld [tilespmem:s22+$0x10]  }
0xee: {  	v30 =	vadd.s32 v1, v13;
	v31 =	vadd.s32 v4, v9;
	v27 =	vld [tilespmem:s1+$0x10];
	[tilespmem:v19+s21+$0x0] =	vst.idx.msk $0xffff, v25  }
0xef: {  	v25 =	vld [tilespmem:s5+$0xFFFFFFC0];
	[tilespmem:v24+s21+$0x0] =	vst.idx.msk $0xffff, v23  }
0xf0: {  	v23 =	vadd.s32 v3, v9;
	v24 =	vld [tilespmem:s30+$0x40];
	[tilespmem:v29+s21+$0x0] =	vst.idx.msk $0xffff, v26  }
0xf1: {  	v26 =	vadd.s32 v5, v8;
	[tilespmem:v22+s21+$0x0] =	vst.idx.msk $0xffff, v28;
	v22 =	vld [tilespmem:s28+$0x50]  }
0xf2: {  	v19 =	vld [tilespmem:s31+$0x20];
	[tilespmem:v20+s21+$0x0] =	vst.idx.msk $0xffff, v18;
	v18 =	vadd.s32 v4, v11  }
0xf3: {  	[tilespmem:v30+s21+$0x0] =	vst.idx.msk $0xffff, v27;
	v20 =	vld [tilespmem:s22+$0x20];
	v27 =	vadd.s32 v2, v14  }
0xf4: {  	v28 =	vadd.s32 v2, v13;
	[tilespmem:v21+s21+$0x0] =	vst.idx.msk $0xffff, v25;
	v25 =	vld [tilespmem:s1+$0x20];
	v21 =	vadd.s32 v5, v9  }
0xf5: {  	v30 =	vadd.s32 v1, v15;
	v29 =	vld [tilespmem:s5+$0xFFFFFFD0];
	[tilespmem:v23+s21+$0x0] =	vst.idx.msk $0xffff, v32  }
0xf6: {  	v23 =	vld [tilespmem:s29+$0x0];
	[tilespmem:v26+s21+$0x0] =	vst.idx.msk $0xffff, v22  }
0xf7: {  	[tilespmem:v18+s21+$0x0] =	vst.idx.msk $0xffff, v24;
	v22 =	vld [tilespmem:s0+$0x60];
	v24 =	vadd.s32 v6, v10  }
0xf8: {  	v26 =	vadd.s32 v5, v11;
	[tilespmem:v27+s21+$0x0] =	vst.idx.msk $0xffff, v20;
	v20 =	vld [tilespmem:s30+$0x50]  }
0xf9: {  	v33 =	vadd.s32 v3, v14;
	[tilespmem:v28+s21+$0x0] =	vst.idx.msk $0xffff, v25;
	v32 =	vld [tilespmem:s22+$0x30]  }
0xfa: {  	v34 =	vadd.s32 v3, v13;
	v18 =	vadd.s32 v6, v9;
	[tilespmem:v30+s21+$0x0] =	vst.idx.msk $0xffff, v29;
	v30 =	vld [tilespmem:s1+$0x30]  }
.Ltmp7:
0xfb: {  	v29 =	vadd.s32 v2, v15;
	v28 =	vld [tilespmem:s5+$0xFFFFFFE0];
	[tilespmem:v31+s21+$0x0] =	vst.idx.msk $0xffff, v23;
	(pc) =	sbr.rel @p2 .LBB2_11-.Ltmp7, $4  }
0xfc: {  	v25 =	vld [tilespmem:s29+$0x10];
	[tilespmem:v24+s21+$0x0] =	vst.idx.msk $0xffff, v22  }
0xfd: {  	v27 =	vadd.s32 v2, v12;
	[tilespmem:v26+s21+$0x0] =	vst.idx.msk $0xffff, v20;
	v20 =	vld [tilespmem:s0+$0x70];
	s0 =	smov.u32 s22  }
0xfe: {  	v26 =	vadd.s32 v6, v11;
	[tilespmem:v33+s21+$0x0] =	vst.idx.msk $0xffff, v32;
	v23 =	vld [tilespmem:s30+$0x60]  }
0xff: {  	s10 =	sadd.s32 $0x200, s10;
	s5 =	sadd.s32 $0x200, s5;
	v24 =	vadd.s32 v4, v14;
	s22 =	smov.u32 s12;
	[tilespmem:v34+s21+$0x0] =	vst.idx.msk $0xffff, v30;
	v22 =	vld [tilespmem:s0+$0x40]  }
0x100: {  	_ =	sdelay $0x3  }
0x101: {  	[tilespmem:v27+s21+$0x0] =	vst.idx.msk $0xffff, v19  }
0x102: {  	[tilespmem:v29+s21+$0x0] =	vst.idx.msk $0xffff, v28;
	v35 =	vadd.s32 v3, v12;
	v19 =	vld [tilespmem:s31+$0x30]  }
0x103: {  	v36 =	vadd.s32 v3, v15;
	v28 =	vld [tilespmem:s8+$0xFFFFFFF0];
	_ =	sdelay $0x3  }
0x104: {  	v37 =	vld [tilespmem:s1+$0x40];
	v38 =	vadd.s32 v4, v13;
	[tilespmem:v35+s21+$0x0] =	vst.idx.msk $0xffff, v19  }
0x105: {  	v40 =	vadd.s32 v4, v12;
	[tilespmem:v36+s21+$0x0] =	vst.idx.msk $0xffff, v28;
	v39 =	vld [tilespmem:s31+$0x40]  }
0x106: {  	v41 =	vadd.s32 v4, v15;
	[tilespmem:v21+s21+$0x0] =	vst.idx.msk $0xffff, v25;
	v42 =	vld [tilespmem:s8+$0x0]  }
0x107: {  	v43 =	vld [tilespmem:s28+$0x60];
	[tilespmem:v26+s21+$0x0] =	vst.idx.msk $0xffff, v23  }
0x108: {  	v10 =	vadd.s32 v7, v10;
	[tilespmem:v24+s21+$0x0] =	vst.idx.msk $0xffff, v22  }
0x109: {  	v44 =	vadd.s32 v5, v14;
	v22 =	vld [tilespmem:s0+$0x50];
	[tilespmem:v38+s21+$0x0] =	vst.idx.msk $0xffff, v37  }
0x10a: {  	v45 =	vadd.s32 v5, v13;
	v19 =	vld [tilespmem:s1+$0x50];
	[tilespmem:v40+s21+$0x0] =	vst.idx.msk $0xffff, v39  }
0x10b: {  	v47 =	vadd.s32 v5, v12;
	[tilespmem:v41+s21+$0x0] =	vst.idx.msk $0xffff, v42;
	v46 =	vld [tilespmem:s31+$0x50]  }
0x10c: {  	v48 =	vadd.s32 v5, v15;
	[tilespmem:v17+s21+$0x0] =	vst.idx.msk $0xffff, v43;
	v21 =	vld [tilespmem:s8+$0x10]  }
0x10d: {  	v49 =	vld [tilespmem:s29+$0x20];
	[tilespmem:v10+s21+$0x0] =	vst.idx.msk $0xffff, v20  }
0x10e: {  	v11 =	vadd.s32 v7, v11;
	v50 =	vld [tilespmem:s30+$0x70];
	[tilespmem:v44+s21+$0x0] =	vst.idx.msk $0xffff, v22  }
0x10f: {  	v52 =	vadd.s32 v6, v14;
	v51 =	vld [tilespmem:s0+$0x60];
	[tilespmem:v45+s21+$0x0] =	vst.idx.msk $0xffff, v19  }
0x110: {  	v53 =	vadd.s32 v6, v13;
	v19 =	vld [tilespmem:s1+$0x60];
	[tilespmem:v47+s21+$0x0] =	vst.idx.msk $0xffff, v46  }
0x111: {  	[tilespmem:v48+s21+$0x0] =	vst.idx.msk $0xffff, v21;
	v54 =	vld [tilespmem:s31+$0x60]  }
0x112: {  	v55 =	vadd.s32 v6, v15;
	[tilespmem:v18+s21+$0x0] =	vst.idx.msk $0xffff, v49;
	v56 =	vld [tilespmem:s8+$0x20]  }
0x113: {  	v8 =	vadd.s32 v7, v8;
	v57 =	vld [tilespmem:s28+$0x70];
	[tilespmem:v11+s21+$0x0] =	vst.idx.msk $0xffff, v50  }
0x114: {  	v9 =	vadd.s32 v7, v9;
	v58 =	vld [tilespmem:s29+$0x30];
	[tilespmem:v52+s21+$0x0] =	vst.idx.msk $0xffff, v51  }
0x115: {  	v60 =	vadd.s32 v7, v14;
	v59 =	vld [tilespmem:s0+$0x70];
	[tilespmem:v53+s21+$0x0] =	vst.idx.msk $0xffff, v19  }
0x116: {  	v61 =	vadd.s32 v7, v13;
	v19 =	vld [tilespmem:s1+$0x70];
	[tilespmem:v16+s21+$0x0] =	vst.idx.msk $0xffff, v54  }
0x117: {  	v62 =	vadd.s32 v7, v12;
	[tilespmem:v55+s21+$0x0] =	vst.idx.msk $0xffff, v56;
	v16 =	vld [tilespmem:s31+$0x70]  }
0x118: {  	[tilespmem:v8+s21+$0x0] =	vst.idx.msk $0xffff, v57;
	v8 =	vadd.s32 v7, v15;
	v63 =	vld [tilespmem:s8+$0x30]  }
0x119: {  	[tilespmem:v9+s21+$0x0] =	vst.idx.msk $0xffff, v58  }
0x11a: {  	[tilespmem:v60+s21+$0x0] =	vst.idx.msk $0xffff, v59  }
0x11b: {  	[tilespmem:v61+s21+$0x0] =	vst.idx.msk $0xffff, v19;
	s31 =	sshll.u32 s26, $0x9  }
0x11c: {  	s5 =	simm.s32 $0x4;
	s0 =	sadd.s32 s4, s31;
	[tilespmem:v62+s21+$0x0] =	vst.idx.msk $0xffff, v16  }
0x11d: {  	s1 =	simm.s32 $0x3400;
	s8 =	simm.s32 $0x3428;
	s10 =	sadd.s32 $0x0, s0;
	[tilespmem:v8+s21+$0x0] =	vst.idx.msk $0xffff, v63  }
.LBB2_13:
0x11e: {  	[hbm4b:s10+s2] =	stream.linear.scatter [tilespmem:s1], [sflag:$0x4], $0x20, $0x38;
	[tilespmem:$0x4800] =	vst v63  }
0x11f: {  	s6 =	smov.u32 s5;
	s1 =	smov.u32 s8;
	p2 =	sne.s32 s5, $0x1FC  }
.Ltmp8:
0x120: {  	s5 =	sadd.s32 $0x4, s5;
	(pc) =	sbr.rel @p2 .LBB2_13-.Ltmp8, $2  }
0x121: {  	_ =	sdelay $0x2  }
0x122: {  	s8 =	sadd.s32 $0x28, s8;
	s10 =	sadd.s32 s6, s0  }
0x123: {  	s25 =	sadd.s32 $0x1, s25  }
0x124: {  	p2 =	sne.s32 s25, $0x7A  }
.Ltmp9:
0x125: {  	_ = 	snop;
	(pc) =	sbr.rel @p2 .LBB2_2-.Ltmp9, $2  }
0x126: {  	_ =	sdelay $0x2  }
0x127: {  	[hbm4b:s10+s2] =	stream.linear.scatter [tilespmem:s1], [sflag:$0x4], $0x20, $0x38;
	[tilespmem:$0x4800] =	vst v63  }
0x128: {  	s0 =	simm.s32 $0x3  }
0x129: {  	_ =	swait.ge [sflag:s0], $0x1000  }
.Ltmp10:
0x12a: {  	[sflag:s0] =	ssyncset.done $0x0;
	(pc) =	sbr.rel @p0 .LBB2_21-.Ltmp10, $4  }
0x12b: {  	[sflag:s0] =	ssyncadd.s32 $0xFFFFF000  }
0x12c: {  	_ =	swait.ge [sflag:s20], $0x1000  }
0x12d: {  	[sflag:s20] =	ssyncset.done $0x0  }
0x12e: {  	s29 =	simm.s32 $0x5;
	[sflag:s20] =	ssyncadd.s32 $0xFFFFF000  }
0x12f: {  	s0 =	simm.s32 $0x0;
	s1 =	rddreg [dreg:$0x4];
	s25 =	simm.s32 $0x0  }
0x130: {  	[tilespmem:s0], [sflag:$0x5] =	stream.strided.gather [hbm4b:s1+s14], $0x1000, s15, s14, $0x38;
	[tilespmem:$0x4800] =	vst v63  }
0x131: {  	s5 =	simm.s32 $0x2;
	s6 =	simm.s32 $0x100;
	_ =	swait.ge [sflag:s29], $0x1000  }
0x132: {  	s1 =	sand.u32 $0xC00, s25;
	v8 =	vmov s5;
	s26 =	sand.u32 $0x300, s6;
	[sflag:s29] =	ssyncset.done $0x0  }
0x133: {  	v9 =	vmov s0;
	v17 =	vand.u32 $0x1E, v8;
	s5 =	sor.u32 s26, s1;
	[sflag:s29] =	ssyncadd.s32 $0xFFFFF000  }
0x134: {  	s10 =	simm.s32 $0x40;
	v8 =	vand.u32 $0x1C, v9;
	v10 =	vadd.s32 v0, v17;
	v9 =	vld [tilespmem:s5+$0x0]  }
0x135: {  	s30 =	simm.s32 $0x180;
	s31 =	simm.s32 $0x3;
	v13 =	vadd.s32 v0, v8;
	v11 =	vld [tilespmem:s10+$0xFFFFFFC0]  }
0x136: {  	v12 =	vmov s31;
	s0 =	sand.u32 $0x380, s30  }
0x137: {  	v19 =	vand.u32 $0x1F, v12;
	s25 =	sor.u32 s0, s1  }
0x138: {  	v12 =	vadd.s32 v0, v19;
	v14 =	vld [tilespmem:s25+$0x0]  }
0x139: {  	[tilespmem:v10+s18+$0x0] =	vst.idx.msk $0xffff, v9  }
0x13a: {  	[tilespmem:v13+s18+$0x0] =	vst.idx.msk $0xffff, v11;
	v11 =	vadd.s32 v1, v17;
	v10 =	vld [tilespmem:s5+$0x10]  }
0x13b: {  	v13 =	vadd.s32 v1, v8;
	v15 =	vld [tilespmem:s10+$0xFFFFFFD0]  }
0x13c: {  	s8 =	simm.s32 $0x80;
	s6 =	simm.s32 $0x1  }
0x13d: {  	s12 =	sand.u32 $0x280, s8;
	[tilespmem:v12+s18+$0x0] =	vst.idx.msk $0xffff, v14;
	v9 =	vmov s6  }
0x13e: {  	s26 =	sor.u32 s12, s1;
	v14 =	vadd.s32 v1, v19;
	v12 =	vld [tilespmem:s25+$0x10];
	v9 =	vand.u32 $0x1D, v9  }
0x13f: {  	v18 =	vld [tilespmem:s26+$0x0];
	v16 =	vadd.s32 v0, v9;
	[tilespmem:v11+s18+$0x0] =	vst.idx.msk $0xffff, v10  }
0x140: {  	[tilespmem:v13+s18+$0x0] =	vst.idx.msk $0xffff, v15;
	v11 =	vadd.s32 v2, v17;
	v10 =	vld [tilespmem:s5+$0x20]  }
0x141: {  	v15 =	vadd.s32 v2, v8;
	v13 =	vld [tilespmem:s10+$0xFFFFFFE0];
	_ =	sdelay $0x1  }
0x142: {  	[tilespmem:v14+s18+$0x0] =	vst.idx.msk $0xffff, v12  }
0x143: {  	v14 =	vadd.s32 v2, v19;
	v12 =	vld [tilespmem:s25+$0x20];
	[tilespmem:v16+s18+$0x0] =	vst.idx.msk $0xffff, v18  }
0x144: {  	v16 =	vadd.s32 v1, v9;
	v18 =	vld [tilespmem:s26+$0x10];
	[tilespmem:v11+s18+$0x0] =	vst.idx.msk $0xffff, v10  }
0x145: {  	[tilespmem:v15+s18+$0x0] =	vst.idx.msk $0xffff, v13;
	v11 =	vadd.s32 v3, v17;
	v10 =	vld [tilespmem:s5+$0x30]  }
0x146: {  	v15 =	vadd.s32 v3, v8;
	v13 =	vld [tilespmem:s10+$0xFFFFFFF0];
	_ =	sdelay $0x1  }
0x147: {  	[tilespmem:v14+s18+$0x0] =	vst.idx.msk $0xffff, v12  }
0x148: {  	v14 =	vadd.s32 v3, v19;
	v12 =	vld [tilespmem:s25+$0x30];
	[tilespmem:v16+s18+$0x0] =	vst.idx.msk $0xffff, v18  }
0x149: {  	s16 =	simm.s32 $0x4;
	[tilespmem:v11+s18+$0x0] =	vst.idx.msk $0xffff, v10  }
0x14a: {  	s28 =	simm.s32 $0x240;
	s22 =	simm.s32 $0x200;
	s23 =	simm.s32 $0x5;
	v18 =	vadd.s32 v2, v9;
	v16 =	vld [tilespmem:s26+$0x20];
	[tilespmem:v15+s18+$0x0] =	vst.idx.msk $0xffff, v13;
	v10 =	vmov s16  }
0x14b: {  	s24 =	simm.s32 $0x6;
	s8 =	simm.s32 $0x7;
	s12 =	simm.s32 $0x280;
	v20 =	vadd.s32 v4, v8;
	v21 =	vld [tilespmem:s10+$0x0];
	v10 =	vand.u32 $0x1C, v10  }
0x14c: {  	s30 =	sand.u32 $0x280, s12;
	v22 =	vld [tilespmem:s28+$0xFFFFFFC0];
	s6 =	simm.s32 $0x380;
	s16 =	sand.u32 $0xC00, s22;
	v11 =	vmov s23;
	v23 =	vadd.s32 v0, v10  }
0x14d: {  	s31 =	simm.s32 $0x300;
	s6 =	sand.u32 $0x380, s6;
	[tilespmem:v14+s18+$0x0] =	vst.idx.msk $0xffff, v12;
	v14 =	vadd.s32 v4, v17;
	v12 =	vmov s8;
	v15 =	vld [tilespmem:s5+$0x40];
	v11 =	vand.u32 $0x1D, v11;
	s1 =	sor.u32 s30, s16  }
0x14e: {  	s8 =	sand.u32 $0x300, s31;
	v13 =	vand.u32 $0x1F, v12;
	v12 =	vmov s24;
	s0 =	sor.u32 s6, s16;
	v25 =	vadd.s32 v0, v11;
	v26 =	vld [tilespmem:s1+$0x0]  }
0x14f: {  	[tilespmem:v18+s18+$0x0] =	vst.idx.msk $0xffff, v16;
	s8 =	sor.u32 s8, s16;
	v12 =	vand.u32 $0x1E, v12;
	v16 =	vadd.s32 v0, v13;
	v18 =	vld [tilespmem:s0+$0x0]  }
0x150: {  	[tilespmem:v20+s18+$0x0] =	vst.idx.msk $0xffff, v21;
	v20 =	vld [tilespmem:s8+$0x0];
	v21 =	vadd.s32 v0, v12  }
0x151: {  	v24 =	vld [tilespmem:s25+$0x40];
	[tilespmem:v23+s18+$0x0] =	vst.idx.msk $0xffff, v22;
	v23 =	vadd.s32 v4, v19  }
0x152: {  	[tilespmem:v14+s18+$0x0] =	vst.idx.msk $0xffff, v15;
	v14 =	vadd.s32 v1, v10;
	v15 =	vld [tilespmem:s28+$0xFFFFFFD0]  }
0x153: {  	[tilespmem:v25+s18+$0x0] =	vst.idx.msk $0xffff, v26;
	v25 =	vld [tilespmem:s26+$0x30];
	v26 =	vadd.s32 v3, v9  }
0x154: {  	v27 =	vadd.s32 v1, v11;
	[tilespmem:v16+s18+$0x0] =	vst.idx.msk $0xffff, v18;
	v28 =	vld [tilespmem:s1+$0x10]  }
0x155: {  	v18 =	vadd.s32 v1, v13;
	v16 =	vld [tilespmem:s0+$0x10];
	[tilespmem:v21+s18+$0x0] =	vst.idx.msk $0xffff, v20  }
0x156: {  	v21 =	vadd.s32 v1, v12;
	v20 =	vld [tilespmem:s8+$0x10];
	[tilespmem:v23+s18+$0x0] =	vst.idx.msk $0xffff, v24  }
0x157: {  	v22 =	vld [tilespmem:s10+$0x10];
	[tilespmem:v14+s18+$0x0] =	vst.idx.msk $0xffff, v15;
	v14 =	vadd.s32 v5, v8  }
0x158: {  	[tilespmem:v26+s18+$0x0] =	vst.idx.msk $0xffff, v25;
	v24 =	vadd.s32 v5, v17;
	v15 =	vld [tilespmem:s5+$0x50]  }
0x159: {  	v26 =	vadd.s32 v4, v9;
	[tilespmem:v27+s18+$0x0] =	vst.idx.msk $0xffff, v28;
	v25 =	vld [tilespmem:s26+$0x40]  }
0x15a: {  	v27 =	vadd.s32 v2, v10;
	[tilespmem:v18+s18+$0x0] =	vst.idx.msk $0xffff, v16;
	v23 =	vld [tilespmem:s28+$0xFFFFFFE0]  }
0x15b: {  	v29 =	vadd.s32 v5, v19;
	v30 =	vld [tilespmem:s25+$0x50];
	[tilespmem:v21+s18+$0x0] =	vst.idx.msk $0xffff, v20  }
0x15c: {  	v18 =	vadd.s32 v2, v13;
	v16 =	vld [tilespmem:s0+$0x20];
	[tilespmem:v14+s18+$0x0] =	vst.idx.msk $0xffff, v22  }
0x15d: {  	v21 =	vadd.s32 v2, v12;
	v20 =	vld [tilespmem:s8+$0x20];
	[tilespmem:v24+s18+$0x0] =	vst.idx.msk $0xffff, v15  }
0x15e: {  	v22 =	vadd.s32 v6, v8;
	[tilespmem:v26+s18+$0x0] =	vst.idx.msk $0xffff, v25;
	v14 =	vld [tilespmem:s10+$0x20]  }
0x15f: {  	v25 =	vadd.s32 v5, v9;
	[tilespmem:v27+s18+$0x0] =	vst.idx.msk $0xffff, v23;
	v23 =	vld [tilespmem:s26+$0x50]  }
0x160: {  	v24 =	vadd.s32 v6, v17;
	[tilespmem:v29+s18+$0x0] =	vst.idx.msk $0xffff, v30;
	v15 =	vld [tilespmem:s5+$0x60]  }
0x161: {  	v33 =	vadd.s32 v2, v11;
	v28 =	vld [tilespmem:s1+$0x20];
	[tilespmem:v18+s18+$0x0] =	vst.idx.msk $0xffff, v16  }
0x162: {  	v27 =	vadd.s32 v3, v10;
	v26 =	vld [tilespmem:s28+$0xFFFFFFF0];
	[tilespmem:v21+s18+$0x0] =	vst.idx.msk $0xffff, v20  }
0x163: {  	v32 =	vadd.s32 v3, v12;
	v31 =	vld [tilespmem:s8+$0x30];
	[tilespmem:v22+s18+$0x0] =	vst.idx.msk $0xffff, v14  }
0x164: {  	[tilespmem:v25+s18+$0x0] =	vst.idx.msk $0xffff, v23;
	v25 =	vadd.s32 v7, v17;
	v17 =	vld [tilespmem:s25+$0x60]  }
0x165: {  	[tilespmem:v24+s18+$0x0] =	vst.idx.msk $0xffff, v15;
	v18 =	vld [tilespmem:s10+$0x30]  }
0x166: {  	[tilespmem:v33+s18+$0x0] =	vst.idx.msk $0xffff, v28;
	v21 =	vld [tilespmem:s5+$0x70]  }
0x167: {  	v16 =	vadd.s32 v4, v10;
	v22 =	vadd.s32 v6, v9;
	[tilespmem:v27+s18+$0x0] =	vst.idx.msk $0xffff, v26;
	v20 =	vld [tilespmem:s26+$0x60]  }
0x168: {  	v15 =	vadd.s32 v7, v19;
	v26 =	vld [tilespmem:s0+$0x30];
	v27 =	vadd.s32 v3, v13;
	[tilespmem:v32+s18+$0x0] =	vst.idx.msk $0xffff, v31  }
0x169: {  	s22 =	simm.s32 $0x8;
	v14 =	vadd.s32 v7, v13;
	v19 =	vadd.s32 v6, v19;
	v24 =	vadd.s32 v4, v12;
	s5 =	simm.s32 $0x580;
	s10 =	simm.s32 $0x440;
	v23 =	vld [tilespmem:s8+$0x40]  }
.LBB2_17:
0x16a: {  	s6 =	sadd.s32 $0xFFFFFE80, s5;
	v30 =	vadd.s32 v7, v8  }
0x16b: {  	v28 =	vmov s22;
	s12 =	sadd.s32 $0x1, s22;
	s16 =	sadd.s32 $0x3, s22;
	v29 =	vld [tilespmem:s28+$0x0];
	v31 =	vadd.s32 v7, v9;
	[tilespmem:v25+s18+$0x0] =	vst.idx.msk $0xffff, v21;
	v8 =	vmovc v10;
	v9 =	vmov v11;
	s23 =	smov.u32 s22  }
0x16c: {  	s6 =	sand.u32 $0xC00, s6;
	v21 =	vld [tilespmem:s10+$0xFFFFFFC0];
	v10 =	vand.u32 $0x1C, v28;
	v11 =	vmov s12;
	s12 =	sadd.s32 $0xFFFFFF00, s5;
	s23 =	sadd.s32 $0x2, s22;
	v25 =	vmov s16;
	[tilespmem:v22+s18+$0x0] =	vst.idx.msk $0xffff, v20  }
0x16d: {  	s24 =	sadd.s32 $0xFFFFFF80, s5;
	v20 =	vadd.s32 v0, v10;
	s16 =	sand.u32 $0x280, s12;
	v11 =	vand.u32 $0x1D, v11;
	v22 =	vand.u32 $0x1F, v25;
	s12 =	sadd.s32 $0x4, s22;
	[tilespmem:v27+s18+$0x0] =	vst.idx.msk $0xffff, v26;
	v25 =	vld [tilespmem:s26+$0x70]  }
0x16e: {  	v26 =	vadd.s32 v4, v10;
	v28 =	vmov s23;
	s23 =	sand.u32 $0x300, s24;
	s24 =	sand.u32 $0x380, s5;
	s16 =	sor.u32 s16, s6;
	v27 =	vadd.s32 v0, v11;
	v32 =	vld [tilespmem:s0+$0x40];
	[tilespmem:v19+s18+$0x0] =	vst.idx.msk $0xffff, v17  }
0x16f: {  	p2 =	slt.u32 s22, $0x1C;
	s26 =	smov.u32 s1;
	v17 =	vand.u32 $0x1E, v28;
	s24 =	sor.u32 s24, s6;
	v19 =	vadd.s32 v7, v22;
	[tilespmem:v24+s18+$0x0] =	vst.idx.msk $0xffff, v23;
	v23 =	vld [tilespmem:s25+$0x70]  }
0x170: {  	v28 =	vadd.s32 v0, v22;
	s1 =	smov.u32 s16;
	s25 =	smov.u32 s0;
	s0 =	smov.u32 s24;
	v24 =	vld [tilespmem:s16+$0x0];
	[tilespmem:v16+s18+$0x0] =	vst.idx.msk $0xffff, v29;
	v16 =	vmov v26  }
0x171: {  	s22 =	sor.u32 s23, s6;
	v26 =	vld [tilespmem:s0+$0x0];
	[tilespmem:v30+s18+$0x0] =	vst.idx.msk $0xffff, v18  }
0x172: {  	v29 =	vadd.s32 v0, v17;
	v18 =	vld [tilespmem:s22+$0x0];
	[tilespmem:v31+s18+$0x0] =	vst.idx.msk $0xffff, v25  }
0x173: {  	v25 =	vadd.s32 v4, v13;
	[tilespmem:v20+s18+$0x0] =	vst.idx.msk $0xffff, v21;
	v20 =	vadd.s32 v1, v10;
	v21 =	vld [tilespmem:s28+$0x10]  }
0x174: {  	v30 =	vld [tilespmem:s10+$0xFFFFFFD0];
	[tilespmem:v15+s18+$0x0] =	vst.idx.msk $0xffff, v23;
	v15 =	vmov v14;
	v14 =	vmov v19  }
0x175: {  	v19 =	vadd.s32 v1, v11;
	[tilespmem:v27+s18+$0x0] =	vst.idx.msk $0xffff, v24;
	v23 =	vld [tilespmem:s26+$0x30];
	v24 =	vadd.s32 v3, v9  }
0x176: {  	v27 =	vld [tilespmem:s1+$0x10];
	[tilespmem:v28+s18+$0x0] =	vst.idx.msk $0xffff, v26  }
0x177: {  	v26 =	vadd.s32 v1, v22;
	[tilespmem:v29+s18+$0x0] =	vst.idx.msk $0xffff, v18;
	v18 =	vld [tilespmem:s0+$0x10]  }
0x178: {  	v29 =	vadd.s32 v1, v17;
	v28 =	vld [tilespmem:s22+$0x10];
	[tilespmem:v25+s18+$0x0] =	vst.idx.msk $0xffff, v32  }
0x179: {  	[tilespmem:v20+s18+$0x0] =	vst.idx.msk $0xffff, v30;
	v20 =	vadd.s32 v5, v8;
	v25 =	vld [tilespmem:s8+$0x50]  }
0x17a: {  	v30 =	vld [tilespmem:s10+$0xFFFFFFE0];
	[tilespmem:v24+s18+$0x0] =	vst.idx.msk $0xffff, v23;
	v23 =	vadd.s32 v5, v12  }
0x17b: {  	v24 =	vadd.s32 v4, v9;
	[tilespmem:v19+s18+$0x0] =	vst.idx.msk $0xffff, v27;
	v19 =	vld [tilespmem:s26+$0x40]  }
0x17c: {  	v27 =	vadd.s32 v2, v10;
	v31 =	vld [tilespmem:s1+$0x20];
	[tilespmem:v26+s18+$0x0] =	vst.idx.msk $0xffff, v18  }
0x17d: {  	v26 =	vadd.s32 v2, v22;
	[tilespmem:v29+s18+$0x0] =	vst.idx.msk $0xffff, v28;
	v18 =	vld [tilespmem:s0+$0x20]  }
0x17e: {  	v29 =	vadd.s32 v2, v17;
	v28 =	vld [tilespmem:s22+$0x20];
	[tilespmem:v20+s18+$0x0] =	vst.idx.msk $0xffff, v21  }
0x17f: {  	v21 =	vadd.s32 v6, v8;
	v20 =	vld [tilespmem:s28+$0x20];
	[tilespmem:v23+s18+$0x0] =	vst.idx.msk $0xffff, v25;
	v23 =	vadd.s32 v5, v13  }
0x180: {  	[tilespmem:v24+s18+$0x0] =	vst.idx.msk $0xffff, v19;
	v19 =	vld [tilespmem:s8+$0x60];
	v24 =	vadd.s32 v6, v12  }
0x181: {  	[tilespmem:v27+s18+$0x0] =	vst.idx.msk $0xffff, v30;
	v25 =	vld [tilespmem:s26+$0x50];
	v27 =	vadd.s32 v5, v9  }
0x182: {  	v32 =	vadd.s32 v3, v10;
	v30 =	vld [tilespmem:s10+$0xFFFFFFF0];
	[tilespmem:v26+s18+$0x0] =	vst.idx.msk $0xffff, v18  }
0x183: {  	[tilespmem:v29+s18+$0x0] =	vst.idx.msk $0xffff, v28;
	v28 =	vld [tilespmem:s25+$0x50]  }
0x184: {  	v33 =	vadd.s32 v3, v17;
	v29 =	vld [tilespmem:s22+$0x30];
	[tilespmem:v21+s18+$0x0] =	vst.idx.msk $0xffff, v20  }
0x185: {  	v34 =	vadd.s32 v2, v11;
	v18 =	vld [tilespmem:s28+$0x30];
	[tilespmem:v24+s18+$0x0] =	vst.idx.msk $0xffff, v19;
	v19 =	vadd.s32 v6, v13;
	v13 =	vmov v22;
	s28 =	smov.u32 s10  }
.Ltmp11:
0x186: {  	[tilespmem:v27+s18+$0x0] =	vst.idx.msk $0xffff, v25;
	v21 =	vld [tilespmem:s8+$0x70];
	v25 =	vadd.s32 v7, v12;
	v12 =	vmov v17;
	s8 =	smov.u32 s22;
	(pc) =	sbr.rel @p2 .LBB2_17-.Ltmp11, $4  }
0x187: {  	v22 =	vadd.s32 v6, v9;
	[tilespmem:v32+s18+$0x0] =	vst.idx.msk $0xffff, v30;
	v20 =	vld [tilespmem:s26+$0x60]  }
0x188: {  	v27 =	vadd.s32 v3, v13;
	v26 =	vld [tilespmem:s0+$0x30];
	[tilespmem:v23+s18+$0x0] =	vst.idx.msk $0xffff, v28  }
0x189: {  	[tilespmem:v33+s18+$0x0] =	vst.idx.msk $0xffff, v29;
	v17 =	vld [tilespmem:s25+$0x60]  }
0x18a: {  	s5 =	sadd.s32 $0x200, s5;
	s10 =	sadd.s32 $0x200, s10;
	s22 =	smov.u32 s12;
	v24 =	vadd.s32 v4, v12;
	[tilespmem:v34+s18+$0x0] =	vst.idx.msk $0xffff, v31;
	v23 =	vld [tilespmem:s8+$0x40]  }
0x18b: {  	v28 =	vld [tilespmem:s1+$0x30];
	v29 =	vadd.s32 v3, v11;
	_ =	sdelay $0x3  }
0x18c: {  	v30 =	vld [tilespmem:s28+$0x0];
	[tilespmem:v27+s18+$0x0] =	vst.idx.msk $0xffff, v26  }
0x18d: {  	v42 =	vadd.s32 v4, v13;
	v41 =	vld [tilespmem:s0+$0x40];
	[tilespmem:v29+s18+$0x0] =	vst.idx.msk $0xffff, v28  }
0x18e: {  	v40 =	vadd.s32 v4, v11;
	v39 =	vld [tilespmem:s1+$0x40];
	_ =	sdelay $0x1  }
0x18f: {  	[tilespmem:v24+s18+$0x0] =	vst.idx.msk $0xffff, v23  }
0x190: {  	v44 =	vadd.s32 v5, v12;
	[tilespmem:v16+s18+$0x0] =	vst.idx.msk $0xffff, v30;
	v43 =	vld [tilespmem:s8+$0x50]  }
0x191: {  	v46 =	vadd.s32 v5, v10;
	v45 =	vld [tilespmem:s28+$0x10];
	[tilespmem:v42+s18+$0x0] =	vst.idx.msk $0xffff, v41  }
0x192: {  	v48 =	vadd.s32 v5, v13;
	v49 =	vld [tilespmem:s0+$0x50];
	[tilespmem:v40+s18+$0x0] =	vst.idx.msk $0xffff, v39  }
0x193: {  	v47 =	vadd.s32 v5, v11;
	[tilespmem:v25+s18+$0x0] =	vst.idx.msk $0xffff, v21;
	v27 =	vld [tilespmem:s1+$0x50]  }
0x194: {  	[tilespmem:v22+s18+$0x0] =	vst.idx.msk $0xffff, v20  }
0x195: {  	v8 =	vadd.s32 v7, v8;
	[tilespmem:v44+s18+$0x0] =	vst.idx.msk $0xffff, v43  }
0x196: {  	v50 =	vadd.s32 v6, v12;
	[tilespmem:v46+s18+$0x0] =	vst.idx.msk $0xffff, v45;
	v16 =	vld [tilespmem:s8+$0x60]  }
0x197: {  	v52 =	vadd.s32 v6, v10;
	v51 =	vld [tilespmem:s28+$0x20];
	[tilespmem:v48+s18+$0x0] =	vst.idx.msk $0xffff, v49  }
0x198: {  	v55 =	vadd.s32 v6, v13;
	v56 =	vld [tilespmem:s0+$0x60];
	[tilespmem:v47+s18+$0x0] =	vst.idx.msk $0xffff, v27  }
0x199: {  	v54 =	vadd.s32 v6, v11;
	[tilespmem:v19+s18+$0x0] =	vst.idx.msk $0xffff, v17;
	v53 =	vld [tilespmem:s1+$0x60]  }
0x19a: {  	v9 =	vadd.s32 v7, v9;
	v57 =	vld [tilespmem:s26+$0x70];
	[tilespmem:v8+s18+$0x0] =	vst.idx.msk $0xffff, v18  }
0x19b: {  	v8 =	vld [tilespmem:s25+$0x70];
	[tilespmem:v50+s18+$0x0] =	vst.idx.msk $0xffff, v16  }
0x19c: {  	v58 =	vadd.s32 v7, v12;
	[tilespmem:v52+s18+$0x0] =	vst.idx.msk $0xffff, v51;
	v16 =	vld [tilespmem:s8+$0x70]  }
0x19d: {  	v60 =	vadd.s32 v7, v10;
	v59 =	vld [tilespmem:s28+$0x30];
	[tilespmem:v55+s18+$0x0] =	vst.idx.msk $0xffff, v56  }
0x19e: {  	v63 =	vld [tilespmem:s0+$0x70];
	[tilespmem:v54+s18+$0x0] =	vst.idx.msk $0xffff, v53  }
0x19f: {  	v61 =	vadd.s32 v7, v11;
	[tilespmem:v9+s18+$0x0] =	vst.idx.msk $0xffff, v57;
	v62 =	vld [tilespmem:s1+$0x70]  }
0x1a0: {  	[tilespmem:v15+s18+$0x0] =	vst.idx.msk $0xffff, v8  }
0x1a1: {  	[tilespmem:v58+s18+$0x0] =	vst.idx.msk $0xffff, v16  }
0x1a2: {  	[tilespmem:v60+s18+$0x0] =	vst.idx.msk $0xffff, v59  }
0x1a3: {  	s5 =	simm.s32 $0x2028;
	[tilespmem:v14+s18+$0x0] =	vst.idx.msk $0xffff, v63  }
0x1a4: {  	s8 =	sadd.s32 $0x0, s9;
	s0 =	simm.s32 $0x2000;
	s1 =	simm.s32 $0x4;
	[tilespmem:v61+s18+$0x0] =	vst.idx.msk $0xffff, v62  }
.LBB2_19:
0x1a5: {  	[hbm4b:s8+s2] =	stream.linear.scatter [tilespmem:s0], [sflag:$0x5], $0x20, $0x38;
	[tilespmem:$0x4800] =	vst v63  }
0x1a6: {  	s6 =	smov.u32 s1;
	s0 =	smov.u32 s5;
	p2 =	sne.s32 s1, $0x1FC  }
.Ltmp12:
0x1a7: {  	s1 =	sadd.s32 $0x4, s1;
	(pc) =	sbr.rel @p2 .LBB2_19-.Ltmp12, $2  }
0x1a8: {  	_ =	sdelay $0x2  }
0x1a9: {  	s5 =	sadd.s32 $0x28, s5;
	s8 =	sadd.s32 s6, s9  }
0x1aa: {  	[hbm4b:s8+s2] =	stream.linear.scatter [tilespmem:s0], [sflag:$0x5], $0x20, $0x38;
	[tilespmem:$0x4800] =	vst v63  }
0x1ab: {  	_ =	swait.ge [sflag:s29], $0x1000  }
0x1ac: {  	[sflag:s29] =	ssyncset.done $0x0  }
0x1ad: {  	[sflag:s29] =	ssyncadd.s32 $0xFFFFF000  }
.LBB2_21:
.Ltmp13:
0x1ae: {  	(pc) =	sbr.rel @p1 .LBB2_27-.Ltmp13, $2  }
0x1af: {  	_ =	sdelay $0x2  }
0x1b0: {  	s1 =	rddreg [dreg:$0x7]  }
0x1b1: {  	s0 =	simm.s32 $0x0;
	s1 =	rddreg [dreg:$0x5];
	s25 =	simm.s32 $0x0  }
0x1b2: {  	[tilespmem:s0], [sflag:$0x5] =	stream.strided.gather [hbm4b:s1+s14], $0x1000, s15, s14, $0x38;
	[tilespmem:$0x4800] =	vst v63  }
0x1b3: {  	s5 =	simm.s32 $0x2;
	s6 =	simm.s32 $0x100;
	_ =	swait.ge [sflag:s29], $0x1000  }
0x1b4: {  	s1 =	sand.u32 $0xC00, s25;
	v8 =	vmov s5;
	s26 =	sand.u32 $0x300, s6;
	[sflag:s29] =	ssyncset.done $0x0  }
0x1b5: {  	v9 =	vmov s0;
	v17 =	vand.u32 $0x1E, v8;
	s5 =	sor.u32 s26, s1;
	[sflag:s29] =	ssyncadd.s32 $0xFFFFF000  }
0x1b6: {  	s10 =	simm.s32 $0x40;
	v8 =	vand.u32 $0x1C, v9;
	v10 =	vadd.s32 v0, v17;
	v9 =	vld [tilespmem:s5+$0x0]  }
0x1b7: {  	s30 =	simm.s32 $0x180;
	s31 =	simm.s32 $0x3;
	v13 =	vadd.s32 v0, v8;
	v11 =	vld [tilespmem:s10+$0xFFFFFFC0]  }
0x1b8: {  	v12 =	vmov s31;
	s0 =	sand.u32 $0x380, s30  }
0x1b9: {  	v19 =	vand.u32 $0x1F, v12;
	s25 =	sor.u32 s0, s1  }
0x1ba: {  	v12 =	vadd.s32 v0, v19;
	v14 =	vld [tilespmem:s25+$0x0]  }
0x1bb: {  	[tilespmem:v10+s18+$0x0] =	vst.idx.msk $0xffff, v9  }
0x1bc: {  	[tilespmem:v13+s18+$0x0] =	vst.idx.msk $0xffff, v11;
	v11 =	vadd.s32 v1, v17;
	v10 =	vld [tilespmem:s5+$0x10]  }
0x1bd: {  	v13 =	vadd.s32 v1, v8;
	v15 =	vld [tilespmem:s10+$0xFFFFFFD0]  }
0x1be: {  	s8 =	simm.s32 $0x80;
	s6 =	simm.s32 $0x1  }
0x1bf: {  	s12 =	sand.u32 $0x280, s8;
	[tilespmem:v12+s18+$0x0] =	vst.idx.msk $0xffff, v14;
	v9 =	vmov s6  }
0x1c0: {  	s26 =	sor.u32 s12, s1;
	v14 =	vadd.s32 v1, v19;
	v12 =	vld [tilespmem:s25+$0x10];
	v9 =	vand.u32 $0x1D, v9  }
0x1c1: {  	v18 =	vld [tilespmem:s26+$0x0];
	v16 =	vadd.s32 v0, v9;
	[tilespmem:v11+s18+$0x0] =	vst.idx.msk $0xffff, v10  }
0x1c2: {  	[tilespmem:v13+s18+$0x0] =	vst.idx.msk $0xffff, v15;
	v11 =	vadd.s32 v2, v17;
	v10 =	vld [tilespmem:s5+$0x20]  }
0x1c3: {  	v15 =	vadd.s32 v2, v8;
	v13 =	vld [tilespmem:s10+$0xFFFFFFE0];
	_ =	sdelay $0x1  }
0x1c4: {  	[tilespmem:v14+s18+$0x0] =	vst.idx.msk $0xffff, v12  }
0x1c5: {  	v14 =	vadd.s32 v2, v19;
	v12 =	vld [tilespmem:s25+$0x20];
	[tilespmem:v16+s18+$0x0] =	vst.idx.msk $0xffff, v18  }
0x1c6: {  	v16 =	vadd.s32 v1, v9;
	v18 =	vld [tilespmem:s26+$0x10];
	[tilespmem:v11+s18+$0x0] =	vst.idx.msk $0xffff, v10  }
0x1c7: {  	[tilespmem:v15+s18+$0x0] =	vst.idx.msk $0xffff, v13;
	v11 =	vadd.s32 v3, v17;
	v10 =	vld [tilespmem:s5+$0x30]  }
0x1c8: {  	v15 =	vadd.s32 v3, v8;
	v13 =	vld [tilespmem:s10+$0xFFFFFFF0];
	_ =	sdelay $0x1  }
0x1c9: {  	[tilespmem:v14+s18+$0x0] =	vst.idx.msk $0xffff, v12  }
0x1ca: {  	v14 =	vadd.s32 v3, v19;
	v12 =	vld [tilespmem:s25+$0x30];
	[tilespmem:v16+s18+$0x0] =	vst.idx.msk $0xffff, v18  }
0x1cb: {  	s16 =	simm.s32 $0x4;
	[tilespmem:v11+s18+$0x0] =	vst.idx.msk $0xffff, v10  }
0x1cc: {  	s28 =	simm.s32 $0x240;
	s22 =	simm.s32 $0x200;
	s23 =	simm.s32 $0x5;
	v18 =	vadd.s32 v2, v9;
	v16 =	vld [tilespmem:s26+$0x20];
	[tilespmem:v15+s18+$0x0] =	vst.idx.msk $0xffff, v13;
	v10 =	vmov s16  }
0x1cd: {  	s24 =	simm.s32 $0x6;
	s8 =	simm.s32 $0x7;
	s12 =	simm.s32 $0x280;
	v20 =	vadd.s32 v4, v8;
	v21 =	vld [tilespmem:s10+$0x0];
	v10 =	vand.u32 $0x1C, v10  }
0x1ce: {  	s30 =	sand.u32 $0x280, s12;
	v22 =	vld [tilespmem:s28+$0xFFFFFFC0];
	s6 =	simm.s32 $0x380;
	s16 =	sand.u32 $0xC00, s22;
	v11 =	vmov s23;
	v23 =	vadd.s32 v0, v10  }
0x1cf: {  	s31 =	simm.s32 $0x300;
	s6 =	sand.u32 $0x380, s6;
	[tilespmem:v14+s18+$0x0] =	vst.idx.msk $0xffff, v12;
	v14 =	vadd.s32 v4, v17;
	v12 =	vmov s8;
	v15 =	vld [tilespmem:s5+$0x40];
	v11 =	vand.u32 $0x1D, v11;
	s1 =	sor.u32 s30, s16  }
0x1d0: {  	s8 =	sand.u32 $0x300, s31;
	v13 =	vand.u32 $0x1F, v12;
	v12 =	vmov s24;
	s0 =	sor.u32 s6, s16;
	v25 =	vadd.s32 v0, v11;
	v26 =	vld [tilespmem:s1+$0x0]  }
0x1d1: {  	[tilespmem:v18+s18+$0x0] =	vst.idx.msk $0xffff, v16;
	s8 =	sor.u32 s8, s16;
	v12 =	vand.u32 $0x1E, v12;
	v16 =	vadd.s32 v0, v13;
	v18 =	vld [tilespmem:s0+$0x0]  }
0x1d2: {  	[tilespmem:v20+s18+$0x0] =	vst.idx.msk $0xffff, v21;
	v20 =	vld [tilespmem:s8+$0x0];
	v21 =	vadd.s32 v0, v12  }
0x1d3: {  	v24 =	vld [tilespmem:s25+$0x40];
	[tilespmem:v23+s18+$0x0] =	vst.idx.msk $0xffff, v22;
	v23 =	vadd.s32 v4, v19  }
0x1d4: {  	[tilespmem:v14+s18+$0x0] =	vst.idx.msk $0xffff, v15;
	v14 =	vadd.s32 v1, v10;
	v15 =	vld [tilespmem:s28+$0xFFFFFFD0]  }
0x1d5: {  	[tilespmem:v25+s18+$0x0] =	vst.idx.msk $0xffff, v26;
	v25 =	vld [tilespmem:s26+$0x30];
	v26 =	vadd.s32 v3, v9  }
0x1d6: {  	v27 =	vadd.s32 v1, v11;
	[tilespmem:v16+s18+$0x0] =	vst.idx.msk $0xffff, v18;
	v28 =	vld [tilespmem:s1+$0x10]  }
0x1d7: {  	v18 =	vadd.s32 v1, v13;
	v16 =	vld [tilespmem:s0+$0x10];
	[tilespmem:v21+s18+$0x0] =	vst.idx.msk $0xffff, v20  }
0x1d8: {  	v21 =	vadd.s32 v1, v12;
	v20 =	vld [tilespmem:s8+$0x10];
	[tilespmem:v23+s18+$0x0] =	vst.idx.msk $0xffff, v24  }
0x1d9: {  	v22 =	vld [tilespmem:s10+$0x10];
	[tilespmem:v14+s18+$0x0] =	vst.idx.msk $0xffff, v15;
	v14 =	vadd.s32 v5, v8  }
0x1da: {  	[tilespmem:v26+s18+$0x0] =	vst.idx.msk $0xffff, v25;
	v24 =	vadd.s32 v5, v17;
	v15 =	vld [tilespmem:s5+$0x50]  }
0x1db: {  	v26 =	vadd.s32 v4, v9;
	[tilespmem:v27+s18+$0x0] =	vst.idx.msk $0xffff, v28;
	v25 =	vld [tilespmem:s26+$0x40]  }
0x1dc: {  	v27 =	vadd.s32 v2, v10;
	[tilespmem:v18+s18+$0x0] =	vst.idx.msk $0xffff, v16;
	v23 =	vld [tilespmem:s28+$0xFFFFFFE0]  }
0x1dd: {  	v29 =	vadd.s32 v5, v19;
	v30 =	vld [tilespmem:s25+$0x50];
	[tilespmem:v21+s18+$0x0] =	vst.idx.msk $0xffff, v20  }
0x1de: {  	v18 =	vadd.s32 v2, v13;
	v16 =	vld [tilespmem:s0+$0x20];
	[tilespmem:v14+s18+$0x0] =	vst.idx.msk $0xffff, v22  }
0x1df: {  	v21 =	vadd.s32 v2, v12;
	v20 =	vld [tilespmem:s8+$0x20];
	[tilespmem:v24+s18+$0x0] =	vst.idx.msk $0xffff, v15  }
0x1e0: {  	v22 =	vadd.s32 v6, v8;
	[tilespmem:v26+s18+$0x0] =	vst.idx.msk $0xffff, v25;
	v14 =	vld [tilespmem:s10+$0x20]  }
0x1e1: {  	v25 =	vadd.s32 v5, v9;
	[tilespmem:v27+s18+$0x0] =	vst.idx.msk $0xffff, v23;
	v23 =	vld [tilespmem:s26+$0x50]  }
0x1e2: {  	v24 =	vadd.s32 v6, v17;
	[tilespmem:v29+s18+$0x0] =	vst.idx.msk $0xffff, v30;
	v15 =	vld [tilespmem:s5+$0x60]  }
0x1e3: {  	v33 =	vadd.s32 v2, v11;
	v28 =	vld [tilespmem:s1+$0x20];
	[tilespmem:v18+s18+$0x0] =	vst.idx.msk $0xffff, v16  }
0x1e4: {  	v27 =	vadd.s32 v3, v10;
	v26 =	vld [tilespmem:s28+$0xFFFFFFF0];
	[tilespmem:v21+s18+$0x0] =	vst.idx.msk $0xffff, v20  }
0x1e5: {  	v32 =	vadd.s32 v3, v12;
	v31 =	vld [tilespmem:s8+$0x30];
	[tilespmem:v22+s18+$0x0] =	vst.idx.msk $0xffff, v14  }
0x1e6: {  	[tilespmem:v25+s18+$0x0] =	vst.idx.msk $0xffff, v23;
	v25 =	vadd.s32 v7, v17;
	v17 =	vld [tilespmem:s25+$0x60]  }
0x1e7: {  	[tilespmem:v24+s18+$0x0] =	vst.idx.msk $0xffff, v15;
	v18 =	vld [tilespmem:s10+$0x30]  }
0x1e8: {  	[tilespmem:v33+s18+$0x0] =	vst.idx.msk $0xffff, v28;
	v21 =	vld [tilespmem:s5+$0x70]  }
0x1e9: {  	v16 =	vadd.s32 v4, v10;
	v22 =	vadd.s32 v6, v9;
	[tilespmem:v27+s18+$0x0] =	vst.idx.msk $0xffff, v26;
	v20 =	vld [tilespmem:s26+$0x60]  }
0x1ea: {  	v15 =	vadd.s32 v7, v19;
	v26 =	vld [tilespmem:s0+$0x30];
	v27 =	vadd.s32 v3, v13;
	[tilespmem:v32+s18+$0x0] =	vst.idx.msk $0xffff, v31  }
0x1eb: {  	s22 =	simm.s32 $0x8;
	v14 =	vadd.s32 v7, v13;
	v19 =	vadd.s32 v6, v19;
	v24 =	vadd.s32 v4, v12;
	s5 =	simm.s32 $0x580;
	s10 =	simm.s32 $0x440;
	v23 =	vld [tilespmem:s8+$0x40]  }
.LBB2_23:
0x1ec: {  	s6 =	sadd.s32 $0xFFFFFE80, s5;
	v30 =	vadd.s32 v7, v8  }
0x1ed: {  	v28 =	vmov s22;
	s12 =	sadd.s32 $0x1, s22;
	s16 =	sadd.s32 $0x3, s22;
	v29 =	vld [tilespmem:s28+$0x0];
	v31 =	vadd.s32 v7, v9;
	[tilespmem:v25+s18+$0x0] =	vst.idx.msk $0xffff, v21;
	v8 =	vmovc v10;
	v9 =	vmov v11;
	s23 =	smov.u32 s22  }
0x1ee: {  	s6 =	sand.u32 $0xC00, s6;
	v21 =	vld [tilespmem:s10+$0xFFFFFFC0];
	v10 =	vand.u32 $0x1C, v28;
	v11 =	vmov s12;
	s12 =	sadd.s32 $0xFFFFFF00, s5;
	s23 =	sadd.s32 $0x2, s22;
	v25 =	vmov s16;
	[tilespmem:v22+s18+$0x0] =	vst.idx.msk $0xffff, v20  }
0x1ef: {  	s24 =	sadd.s32 $0xFFFFFF80, s5;
	v20 =	vadd.s32 v0, v10;
	s16 =	sand.u32 $0x280, s12;
	v11 =	vand.u32 $0x1D, v11;
	v22 =	vand.u32 $0x1F, v25;
	s12 =	sadd.s32 $0x4, s22;
	[tilespmem:v27+s18+$0x0] =	vst.idx.msk $0xffff, v26;
	v25 =	vld [tilespmem:s26+$0x70]  }
0x1f0: {  	v26 =	vadd.s32 v4, v10;
	v28 =	vmov s23;
	s23 =	sand.u32 $0x300, s24;
	s24 =	sand.u32 $0x380, s5;
	s16 =	sor.u32 s16, s6;
	v27 =	vadd.s32 v0, v11;
	v32 =	vld [tilespmem:s0+$0x40];
	[tilespmem:v19+s18+$0x0] =	vst.idx.msk $0xffff, v17  }
0x1f1: {  	p2 =	slt.u32 s22, $0x1C;
	s26 =	smov.u32 s1;
	v17 =	vand.u32 $0x1E, v28;
	s24 =	sor.u32 s24, s6;
	v19 =	vadd.s32 v7, v22;
	[tilespmem:v24+s18+$0x0] =	vst.idx.msk $0xffff, v23;
	v23 =	vld [tilespmem:s25+$0x70]  }
0x1f2: {  	v28 =	vadd.s32 v0, v22;
	s1 =	smov.u32 s16;
	s25 =	smov.u32 s0;
	s0 =	smov.u32 s24;
	v24 =	vld [tilespmem:s16+$0x0];
	[tilespmem:v16+s18+$0x0] =	vst.idx.msk $0xffff, v29;
	v16 =	vmov v26  }
0x1f3: {  	s22 =	sor.u32 s23, s6;
	v26 =	vld [tilespmem:s0+$0x0];
	[tilespmem:v30+s18+$0x0] =	vst.idx.msk $0xffff, v18  }
0x1f4: {  	v29 =	vadd.s32 v0, v17;
	v18 =	vld [tilespmem:s22+$0x0];
	[tilespmem:v31+s18+$0x0] =	vst.idx.msk $0xffff, v25  }
0x1f5: {  	v25 =	vadd.s32 v4, v13;
	[tilespmem:v20+s18+$0x0] =	vst.idx.msk $0xffff, v21;
	v20 =	vadd.s32 v1, v10;
	v21 =	vld [tilespmem:s28+$0x10]  }
0x1f6: {  	v30 =	vld [tilespmem:s10+$0xFFFFFFD0];
	[tilespmem:v15+s18+$0x0] =	vst.idx.msk $0xffff, v23;
	v15 =	vmov v14;
	v14 =	vmov v19  }
0x1f7: {  	v19 =	vadd.s32 v1, v11;
	[tilespmem:v27+s18+$0x0] =	vst.idx.msk $0xffff, v24;
	v23 =	vld [tilespmem:s26+$0x30];
	v24 =	vadd.s32 v3, v9  }
0x1f8: {  	v27 =	vld [tilespmem:s1+$0x10];
	[tilespmem:v28+s18+$0x0] =	vst.idx.msk $0xffff, v26  }
0x1f9: {  	v26 =	vadd.s32 v1, v22;
	[tilespmem:v29+s18+$0x0] =	vst.idx.msk $0xffff, v18;
	v18 =	vld [tilespmem:s0+$0x10]  }
0x1fa: {  	v29 =	vadd.s32 v1, v17;
	v28 =	vld [tilespmem:s22+$0x10];
	[tilespmem:v25+s18+$0x0] =	vst.idx.msk $0xffff, v32  }
0x1fb: {  	[tilespmem:v20+s18+$0x0] =	vst.idx.msk $0xffff, v30;
	v20 =	vadd.s32 v5, v8;
	v25 =	vld [tilespmem:s8+$0x50]  }
0x1fc: {  	v30 =	vld [tilespmem:s10+$0xFFFFFFE0];
	[tilespmem:v24+s18+$0x0] =	vst.idx.msk $0xffff, v23;
	v23 =	vadd.s32 v5, v12  }
0x1fd: {  	v24 =	vadd.s32 v4, v9;
	[tilespmem:v19+s18+$0x0] =	vst.idx.msk $0xffff, v27;
	v19 =	vld [tilespmem:s26+$0x40]  }
0x1fe: {  	v27 =	vadd.s32 v2, v10;
	v31 =	vld [tilespmem:s1+$0x20];
	[tilespmem:v26+s18+$0x0] =	vst.idx.msk $0xffff, v18  }
0x1ff: {  	v26 =	vadd.s32 v2, v22;
	[tilespmem:v29+s18+$0x0] =	vst.idx.msk $0xffff, v28;
	v18 =	vld [tilespmem:s0+$0x20]  }
0x200: {  	v29 =	vadd.s32 v2, v17;
	v28 =	vld [tilespmem:s22+$0x20];
	[tilespmem:v20+s18+$0x0] =	vst.idx.msk $0xffff, v21  }
0x201: {  	v21 =	vadd.s32 v6, v8;
	v20 =	vld [tilespmem:s28+$0x20];
	[tilespmem:v23+s18+$0x0] =	vst.idx.msk $0xffff, v25;
	v23 =	vadd.s32 v5, v13  }
0x202: {  	[tilespmem:v24+s18+$0x0] =	vst.idx.msk $0xffff, v19;
	v19 =	vld [tilespmem:s8+$0x60];
	v24 =	vadd.s32 v6, v12  }
0x203: {  	[tilespmem:v27+s18+$0x0] =	vst.idx.msk $0xffff, v30;
	v25 =	vld [tilespmem:s26+$0x50];
	v27 =	vadd.s32 v5, v9  }
0x204: {  	v32 =	vadd.s32 v3, v10;
	v30 =	vld [tilespmem:s10+$0xFFFFFFF0];
	[tilespmem:v26+s18+$0x0] =	vst.idx.msk $0xffff, v18  }
0x205: {  	[tilespmem:v29+s18+$0x0] =	vst.idx.msk $0xffff, v28;
	v28 =	vld [tilespmem:s25+$0x50]  }
0x206: {  	v33 =	vadd.s32 v3, v17;
	v29 =	vld [tilespmem:s22+$0x30];
	[tilespmem:v21+s18+$0x0] =	vst.idx.msk $0xffff, v20  }
0x207: {  	v34 =	vadd.s32 v2, v11;
	v18 =	vld [tilespmem:s28+$0x30];
	[tilespmem:v24+s18+$0x0] =	vst.idx.msk $0xffff, v19;
	v19 =	vadd.s32 v6, v13;
	v13 =	vmov v22;
	s28 =	smov.u32 s10  }
.Ltmp14:
0x208: {  	[tilespmem:v27+s18+$0x0] =	vst.idx.msk $0xffff, v25;
	v21 =	vld [tilespmem:s8+$0x70];
	v25 =	vadd.s32 v7, v12;
	v12 =	vmov v17;
	s8 =	smov.u32 s22;
	(pc) =	sbr.rel @p2 .LBB2_23-.Ltmp14, $4  }
0x209: {  	v22 =	vadd.s32 v6, v9;
	[tilespmem:v32+s18+$0x0] =	vst.idx.msk $0xffff, v30;
	v20 =	vld [tilespmem:s26+$0x60]  }
0x20a: {  	v27 =	vadd.s32 v3, v13;
	v26 =	vld [tilespmem:s0+$0x30];
	[tilespmem:v23+s18+$0x0] =	vst.idx.msk $0xffff, v28  }
0x20b: {  	[tilespmem:v33+s18+$0x0] =	vst.idx.msk $0xffff, v29;
	v17 =	vld [tilespmem:s25+$0x60]  }
0x20c: {  	s5 =	sadd.s32 $0x200, s5;
	s10 =	sadd.s32 $0x200, s10;
	s22 =	smov.u32 s12;
	v24 =	vadd.s32 v4, v12;
	[tilespmem:v34+s18+$0x0] =	vst.idx.msk $0xffff, v31;
	v23 =	vld [tilespmem:s8+$0x40]  }
0x20d: {  	v28 =	vld [tilespmem:s1+$0x30];
	v29 =	vadd.s32 v3, v11;
	_ =	sdelay $0x3  }
0x20e: {  	v30 =	vld [tilespmem:s28+$0x0];
	[tilespmem:v27+s18+$0x0] =	vst.idx.msk $0xffff, v26  }
0x20f: {  	v42 =	vadd.s32 v4, v13;
	v41 =	vld [tilespmem:s0+$0x40];
	[tilespmem:v29+s18+$0x0] =	vst.idx.msk $0xffff, v28  }
0x210: {  	v40 =	vadd.s32 v4, v11;
	v39 =	vld [tilespmem:s1+$0x40];
	_ =	sdelay $0x1  }
0x211: {  	[tilespmem:v24+s18+$0x0] =	vst.idx.msk $0xffff, v23  }
0x212: {  	v44 =	vadd.s32 v5, v12;
	[tilespmem:v16+s18+$0x0] =	vst.idx.msk $0xffff, v30;
	v43 =	vld [tilespmem:s8+$0x50]  }
0x213: {  	v46 =	vadd.s32 v5, v10;
	v45 =	vld [tilespmem:s28+$0x10];
	[tilespmem:v42+s18+$0x0] =	vst.idx.msk $0xffff, v41  }
0x214: {  	v48 =	vadd.s32 v5, v13;
	v49 =	vld [tilespmem:s0+$0x50];
	[tilespmem:v40+s18+$0x0] =	vst.idx.msk $0xffff, v39  }
0x215: {  	v47 =	vadd.s32 v5, v11;
	[tilespmem:v25+s18+$0x0] =	vst.idx.msk $0xffff, v21;
	v27 =	vld [tilespmem:s1+$0x50]  }
0x216: {  	[tilespmem:v22+s18+$0x0] =	vst.idx.msk $0xffff, v20  }
0x217: {  	v8 =	vadd.s32 v7, v8;
	[tilespmem:v44+s18+$0x0] =	vst.idx.msk $0xffff, v43  }
0x218: {  	v50 =	vadd.s32 v6, v12;
	[tilespmem:v46+s18+$0x0] =	vst.idx.msk $0xffff, v45;
	v16 =	vld [tilespmem:s8+$0x60]  }
0x219: {  	v52 =	vadd.s32 v6, v10;
	v51 =	vld [tilespmem:s28+$0x20];
	[tilespmem:v48+s18+$0x0] =	vst.idx.msk $0xffff, v49  }
0x21a: {  	v55 =	vadd.s32 v6, v13;
	v56 =	vld [tilespmem:s0+$0x60];
	[tilespmem:v47+s18+$0x0] =	vst.idx.msk $0xffff, v27  }
0x21b: {  	v54 =	vadd.s32 v6, v11;
	[tilespmem:v19+s18+$0x0] =	vst.idx.msk $0xffff, v17;
	v53 =	vld [tilespmem:s1+$0x60]  }
0x21c: {  	v9 =	vadd.s32 v7, v9;
	v57 =	vld [tilespmem:s26+$0x70];
	[tilespmem:v8+s18+$0x0] =	vst.idx.msk $0xffff, v18  }
0x21d: {  	v8 =	vld [tilespmem:s25+$0x70];
	[tilespmem:v50+s18+$0x0] =	vst.idx.msk $0xffff, v16  }
0x21e: {  	v58 =	vadd.s32 v7, v12;
	[tilespmem:v52+s18+$0x0] =	vst.idx.msk $0xffff, v51;
	v16 =	vld [tilespmem:s8+$0x70]  }
0x21f: {  	v60 =	vadd.s32 v7, v10;
	v59 =	vld [tilespmem:s28+$0x30];
	[tilespmem:v55+s18+$0x0] =	vst.idx.msk $0xffff, v56  }
0x220: {  	v63 =	vld [tilespmem:s0+$0x70];
	[tilespmem:v54+s18+$0x0] =	vst.idx.msk $0xffff, v53  }
0x221: {  	v61 =	vadd.s32 v7, v11;
	[tilespmem:v9+s18+$0x0] =	vst.idx.msk $0xffff, v57;
	v62 =	vld [tilespmem:s1+$0x70]  }
0x222: {  	[tilespmem:v15+s18+$0x0] =	vst.idx.msk $0xffff, v8  }
0x223: {  	[tilespmem:v58+s18+$0x0] =	vst.idx.msk $0xffff, v16  }
0x224: {  	[tilespmem:v60+s18+$0x0] =	vst.idx.msk $0xffff, v59  }
0x225: {  	s5 =	simm.s32 $0x2028;
	[tilespmem:v14+s18+$0x0] =	vst.idx.msk $0xffff, v63  }
0x226: {  	s8 =	sadd.s32 $0x0, s11;
	s0 =	simm.s32 $0x2000;
	s1 =	simm.s32 $0x4;
	[tilespmem:v61+s18+$0x0] =	vst.idx.msk $0xffff, v62  }
.LBB2_25:
0x227: {  	[hbm4b:s8+s2] =	stream.linear.scatter [tilespmem:s0], [sflag:$0x5], $0x20, $0x38;
	[tilespmem:$0x4800] =	vst v63  }
0x228: {  	s6 =	smov.u32 s1;
	s0 =	smov.u32 s5;
	p2 =	sne.s32 s1, $0xFC  }
.Ltmp15:
0x229: {  	s1 =	sadd.s32 $0x4, s1;
	(pc) =	sbr.rel @p2 .LBB2_25-.Ltmp15, $2  }
0x22a: {  	_ =	sdelay $0x2  }
0x22b: {  	s5 =	sadd.s32 $0x28, s5;
	s8 =	sadd.s32 s6, s11  }
.Ltmp16:
0x22c: {  	(pc) =	sbr.rel .LBB2_27-.Ltmp16, $4  }
0x22d: {  	[hbm4b:s8+s2] =	stream.linear.scatter [tilespmem:s0], [sflag:$0x5], $0x20, $0x38;
	[tilespmem:$0x4800] =	vst v63  }
0x22e: {  	_ =	swait.ge [sflag:s29], $0x800  }
0x22f: {  	[sflag:s29] =	ssyncset.done $0x0  }
0x230: {  	s1 =	rddreg [dreg:$0x7];
	[sflag:s29] =	ssyncadd.s32 $0xFFFFF800  }
.LBB2_28:
0x231: {  	_ =	sfence.sel $0x180000  }
0x232: {  	[bflag:$0x0] =	sbarrier.arrive $0xFFFF  }
0x233: {  	_ =	strace $0x90000047  }
0x234: {  	s0 =	stileid.u32;
	[bflag:$0x2] =	sbarrier.arrive $0xFFFF  }
0x235: {  	p0 =	sne.s32 s0, $0x0;
	s0 =	rddreg [dreg:$0x1]  }
0x236: {  	s0 =	sadd.s32 @!p0 $0x100000, s0  }
0x237: {  	[sflag:s0] =	ssyncadd.tile.s32 @!p0 $0x1;
	_ =	shalt  }
.Lfunc_end2:
_tile_overlayer_lowered:
.L_overlay_start_2:
0x238: {  	(tag) =	ssettag $0x2  }
0x239: {  	s0 =	rddreg [dreg:$0x0];
	s2 =	stileid.u32  }
0x23a: {  	s1 =	rddreg [dreg:$0x1];
	p0 =	sne.s32 s2, $0x0  }
0x23b: {  	s3 =	rddreg [dreg:$0x2];
	[bflag:$0x3] =	sbarrier.arrive $0xFFFF;
	s2 =	simm.s32 @!p0 $0x1C05  }
0x23c: {  	[timem:s3], [sflag:s2] =	dma.local @!p0 [hbm:s0], s1  }
0x23d: {  	s0 =	simm.s32 @!p0 $0x5  }
0x23e: {  	_ =	swait.ge @!p0 [sflag:s0], s1  }
0x23f: {  	s1 =	ssub.s32 @!p0 $0x0, s1;
	[sflag:s0] =	ssyncset.done @!p0 $0x0  }
0x240: {  	[sflag:s0] =	ssyncadd.s32 @!p0 s1  }
0x241: {  	[bflag:$0x3] =	sbarrier.arrive $0xFFFF  }
0x242: {  	_ =	shalt  }

// kernel: kernel.7.cloned.1.call-start
scs
__scs_entry_jumppad:
0x0: {  	(pc) =	sbr.rel $0x88, $3  }
0x1: {  	(tag) =	ssettag $0x0;
	lr =	simm.s32 $0x1  }
0x2: {  	[smem:$0x3F9F] =	sst lr;
	_ =	strace $0xD0000000  }
0x3: {  	_ = 	snop  }
0x4: {  	_ = 	snop  }
0x5: {  	_ = 	snop  }
0x6: {  	_ = 	snop  }
0x7: {  	_ = 	snop  }
__scs_overlays_trampoline_lowered:
0x8: {  	[smem:$0x3FAE] =	sst s0  }
0x9: {  	[smem:$0x3FAF] =	sst s1  }
0xa: {  	[smem:$0x3FB0] =	sst s2  }
0xb: {  	[smem:$0x3FB1] =	sst s3  }
0xc: {  	[smem:$0x3FB2] =	sst s4  }
0xd: {  	[smem:$0x3FB3] =	sst s5  }
0xe: {  	[smem:$0x3FB4] =	sst s6  }
0xf: {  	[smem:$0x3FB5] =	sst s7  }
0x10: {  	[smem:$0x3FB6] =	sst s8  }
0x11: {  	[smem:$0x3FB7] =	sst s9;
	s0 =	simm.s32 @!p0 $0x0  }
0x12: {  	s1 =	sld [smem:$0x3F9D];
	s0 =	simm.s32 @p0 $0x1  }
0x13: {  	[smem:$0x3FB8] =	sst s0;
	s0 =	simm.s32 @!p1 $0x0  }
0x14: {  	s2 =	sld [smem:$0x3F9C];
	s0 =	simm.s32 @p1 $0x1  }
0x15: {  	[smem:$0x3FB9] =	sst s0;
	s0 =	simm.s32 @!p2 $0x0  }
0x16: {  	s3 =	sld [smem:$0x3FDB];
	s0 =	simm.s32 @p2 $0x1  }
0x17: {  	s4 =	simm.s32 $0x1BF5;
	[smem:$0x3FBB] =	sst s0  }
0x18: {  	s0 =	sld [smem:$0x3F9E];
	_ =	swait.ge [sflag:s4], $0x0  }
0x19: {  	s7 =	sld [smem:$0x3F9F]  }
0x1a: {  	s8 =	sadd.s32 $0xFFFFE003, lr  }
0x1b: {  	s9 =	sadd.s32 $0xFFFFFEF7, lr;
	s5 =	simm.s32 $0xFFFFFFFF;
	p2 =	slt.u32 s8, $0xFFFFF086  }
0x1c: {  	p1 =	slt.u32 s9, $0xF7A;
	s5 =	simm.s32 @!p2 $0x0  }
0x1d: {  	s5 =	simm.s32 @p1 $0x1;
	p0 =	seq.s32 s7, s2  }
0x1e: {  	s7 =	smul.u32 @!p0 $0xF7A, s2;
	p2 =	seq.s32 @!p0 s5, $0x0  }
0x1f: {  	s9 =	smul.u32 $0xF7A, s1;
	s8 =	simm.s32 @!p0 $0x1BF5;
	p2 =	por !p2, p0  }
0x20: {  	[sflag:s8] =	ssyncset.s32 @!p0 $0xFFFFF086;
	s6 =	sadd.s32 @!p0 s3, s7;
	s7 =	simm.s32 @!p0 $0x108  }
0x21: {  	s3 =	sadd.s32 s3, s9;
	s6 =	sadd.s32 @!p0 $0x88, s6;
	s7 =	simm.s32 @p2 $0x1082  }
0x22: {  	[simem:s7], [sflag:s8] =	dma.local @!p0 [hbm:s6], $0xF7A  }
0x23: {  	s9 =	sor.u32 $0xD0000000, s2;
	s6 =	simm.s32 $0x108;
	_ =	swait.ge @!p0 [sflag:s8], $0x0  }
0x24: {  	s3 =	sadd.s32 $0x88, s3;
	s6 =	simm.s32 @!p1 $0x1082;
	[sflag:s4] =	ssyncset.s32 $0xFFFFF086  }
0x25: {  	[simem:s6], [sflag:s4] =	dma.local [hbm:s3], $0xF7A  }
0x26: {  	[smem:$0x3F9F] =	sst s1;
	(tag) =	ssettag s2;
	_ =	strace s9  }
0x27: {  	s1 =	sld [smem:$0x3FAF]  }
0x28: {  	s2 =	sld [smem:$0x3FB0]  }
0x29: {  	s4 =	sld [smem:$0x3FB2]  }
0x2a: {  	p0 =	seq.s32 s5, $0x0;
	s5 =	sld [smem:$0x3FB3]  }
0x2b: {  	s6 =	sld [smem:$0x3FB4]  }
0x2c: {  	s7 =	sld [smem:$0x3FB5]  }
0x2d: {  	s3 =	simm.s32 $0x108;
	s8 =	sld [smem:$0x3FB6]  }
0x2e: {  	s3 =	simm.s32 @!p0 $0x1082;
	s9 =	sld [smem:$0x3FB7]  }
0x2f: {  	lr =	sadd.s32 s0, s3;
	s0 =	sld [smem:$0x3FAE]  }
0x30: {  	s3 =	sld [smem:$0x3FB1]  }
0x31: {  	[smem:$0x3FBA] =	sst s10  }
0x32: {  	s10 =	sld [smem:$0x3FB8];
	_ =	sdelay $0x3  }
0x33: {  	p0 =	seq.s32 s10, $0x1;
	s10 =	sld [smem:$0x3FBA];
	_ =	sdelay $0x3  }
0x34: {  	[smem:$0x3FBA] =	sst s10  }
0x35: {  	s10 =	sld [smem:$0x3FB9];
	_ =	sdelay $0x3  }
0x36: {  	p1 =	seq.s32 s10, $0x1;
	s10 =	sld [smem:$0x3FBA];
	_ =	sdelay $0x3  }
0x37: {  	[smem:$0x3FBA] =	sst s10  }
0x38: {  	s10 =	sld [smem:$0x3FBB]  }
0x39: {  	_ = 	snop;
	(pc) =	sbr.ind lr, $3  }
0x3a: {  	_ = 	snop  }
0x3b: {  	_ = 	snop  }
0x3c: {  	p2 =	seq.s32 s10, $0x1;
	s10 =	sld [smem:$0x3FBA]  }
0x3d: {  	_ =	shalt  }
0x3e: {  	_ =	shalt  }
0x3f: {  	_ =	shalt  }
0x40: {  	_ =	shalt  }
0x41: {  	_ =	shalt  }
0x42: {  	_ =	shalt  }
0x43: {  	_ =	shalt  }
0x44: {  	_ =	shalt  }
0x45: {  	_ =	shalt  }
0x46: {  	_ =	shalt  }
0x47: {  	_ =	shalt  }
0x48: {  	_ =	shalt  }
0x49: {  	_ =	shalt  }
0x4a: {  	_ =	shalt  }
0x4b: {  	_ =	shalt  }
0x4c: {  	_ =	shalt  }
0x4d: {  	_ =	shalt  }
0x4e: {  	_ =	shalt  }
0x4f: {  	_ =	shalt  }
0x50: {  	_ =	shalt  }
0x51: {  	_ =	shalt  }
0x52: {  	_ =	shalt  }
0x53: {  	_ =	shalt  }
0x54: {  	_ =	shalt  }
0x55: {  	_ =	shalt  }
0x56: {  	_ =	shalt  }
0x57: {  	_ =	shalt  }
0x58: {  	_ =	shalt  }
0x59: {  	_ =	shalt  }
0x5a: {  	_ =	shalt  }
0x5b: {  	_ =	shalt  }
0x5c: {  	_ =	shalt  }
0x5d: {  	_ =	shalt  }
0x5e: {  	_ =	shalt  }
0x5f: {  	_ =	shalt  }
0x60: {  	_ =	shalt  }
0x61: {  	_ =	shalt  }
0x62: {  	_ =	shalt  }
0x63: {  	_ =	shalt  }
0x64: {  	_ =	shalt  }
0x65: {  	_ =	shalt  }
0x66: {  	_ =	shalt  }
0x67: {  	_ =	shalt  }
0x68: {  	_ =	shalt  }
0x69: {  	_ =	shalt  }
0x6a: {  	_ =	shalt  }
0x6b: {  	_ =	shalt  }
0x6c: {  	_ =	shalt  }
0x6d: {  	_ =	shalt  }
0x6e: {  	_ =	shalt  }
0x6f: {  	_ =	shalt  }
0x70: {  	_ =	shalt  }
0x71: {  	_ =	shalt  }
0x72: {  	_ =	shalt  }
0x73: {  	_ =	shalt  }
0x74: {  	_ =	shalt  }
0x75: {  	_ =	shalt  }
0x76: {  	_ =	shalt  }
0x77: {  	_ =	shalt  }
0x78: {  	_ =	shalt  }
0x79: {  	_ =	shalt  }
0x7a: {  	_ =	shalt  }
0x7b: {  	_ =	shalt  }
0x7c: {  	_ =	shalt  }
0x7d: {  	_ =	shalt  }
0x7e: {  	_ =	shalt  }
0x7f: {  	_ =	shalt  }
0x80: {  	_ =	shalt  }
0x81: {  	_ =	shalt  }
0x82: {  	_ =	shalt  }
0x83: {  	_ =	shalt  }
0x84: {  	_ =	shalt  }
0x85: {  	_ =	shalt  }
0x86: {  	_ =	shalt  }
0x87: {  	_ =	shalt  }
.Lfunc_end0:
.L_simem_size_0:
called_computation.1_lowered:
.L_overlay_start_0:
0x88: {  	s2 =	sld [smem:$0x3FD9]  }
0x89: {  	s3 =	sld [smem:$0x3FFE];
	_ =	sdelay $0x1  }
0x8a: {  	s1 =	srdreg.scid  }
0x8b: {  	s0 =	sand.u32 $0x1, s1  }
0x8c: {  	s17 =	sshll.u32 s0, $0xA;
	s2 =	sadd.s32 s3, s2  }
0x8d: {  	s2 =	sadd.s32 s2, s17  }
0x8e: {  	[smem:$0x3FC6] =	sst s2  }
0x8f: {  	_ = 	snop  }
0x90: {  	s2 =	sld [smem:$0x3FD0];
	(tm) =	ssettm $0x1  }
0x91: {  	s18 =	sld [smem:$0x3FFB];
	_ =	sdelay $0x3  }
0x92: {  	_ =	strace s18  }
0x93: {  	s3 =	sld [smem:$0x3FFC];
	_ =	sdelay $0x3  }
0x94: {  	_ =	strace s3  }
0x95: {  	s3 =	sld [smem:$0x3FFD];
	_ =	sdelay $0x3  }
0x96: {  	_ =	strace s3  }
0x97: {  	_ =	strace $0x8FFFFFFF  }
0x98: {  	s19 =	sld [smem:$0x3FDB];
	_ =	sdelay $0x1  }
0x99: {  	s4 =	simm.s32 $_scs_section_size  }
0x9a: {  	s5 =	simm.s32 $_size__tile_overlayer_lowered;
	s6 =	simm.s32 $_tile_overlayer_lowered  }
0x9b: {  	s22 =	simm.s32 $0x1BFF;
	s21 =	sshll.u32 s6, $0x1;
	s3 =	sadd.s32 s4, s19  }
0x9c: {  	s7 =	simm.s32 $0x0;
	s20 =	sshll.u32 s5, $0x1;
	s5 =	sadd.s32 s21, s3  }
0x9d: {  	[timem:s7], [sflag:s22] =	dma.local [hbm:s5], s20  }
0x9e: {  	_ =	swait.ge [sflag:s22], s20  }
0x9f: {  	s4 =	ssub.s32 $0x0, s20;
	[sflag:s22] =	ssyncset.done $0x0  }
0xa0: {  	[sflag:s22] =	ssyncadd.s32 s4;
	_ =	sdelay $0x1  }
0xa1: {  	s23 =	simm.s32 $0x1B8B  }
0xa2: {  	_ =	swait.ge [sflag:s23], $0x1  }
0xa3: {  	[sflag:s23] =	ssyncset.done $0x0  }
0xa4: {  	s25 =	simm.s32 $0x1B8E;
	s24 =	sld [smem:$0x3FFE];
	[sflag:s23] =	ssyncadd.s32 $0xFFFFFFFF  }
0xa5: {  	s26 =	simm.s32 $execute0_lowered;
	[smem:$0x3FD2] =	sst s25  }
0xa6: {  	s5 =	sshll.u32 s26, $0x1;
	_ =	strace $0x80000049;
	[dreg:$0x1] =	wrdreg $0xFFFFFFFF  }
0xa7: {  	s28 =	simm.s32 $_size_execute0_lowered;
	s3 =	sadd.s32 s3, s5;
	[dreg:$0x0] =	wrdreg $0x0  }
0xa8: {  	s5 =	sshll.u32 s28, $0x1;
	[dreg:$0x2] =	wrdreg s3  }
0xa9: {  	[dreg:$0x3] =	wrdreg s5  }
0xaa: {  	[dreg:$0x4] =	wrdreg $0xC0  }
0xab: {  	_ =	task [dreg:s7], $0x5FFFF  }
0xac: {  	[dreg:$0x1] =	wrdreg $0xFFFFFFFF  }
0xad: {  	[dreg:$0x0] =	wrdreg $0x60  }
0xae: {  	[dreg:$0x2] =	wrdreg s24  }
0xaf: {  	[dreg:$0x3] =	wrdreg s2  }
0xb0: {  	[dreg:$0x4] =	wrdreg $0x9  }
0xb1: {  	_ =	task.clear_ibuf [dreg:s7], $0x5FFFF;
	_ =	strace $0x90000049  }
0xb2: {  	s29 =	simm.s32 $0x9;
	_ =	strace $0x8000004B  }
0xb3: {  	_ =	swait.ge [sflag:s29], $0x1  }
0xb4: {  	[sflag:s29] =	ssyncadd.s32 $0xFFFFFFFF  }
0xb5: {  	_ =	strace $0x9000004B  }
0xb6: {  	_ =	sfence  }
0xb7: {  	s30 =	sld [smem:$0x0];
	_ =	sdelay $0x2  }
0xb8: {  	s31 =	sshll.u32 s1, $0xD;
	s1 =	sshrl.u32 s1, $0x2  }
0xb9: {  	s3 =	sand.u32 $0x4000, s31;
	s1 =	sadd.s32 s1, s30  }
0xba: {  	s0 =	sor.u32 s3, s0;
	s1 =	sshll.u32 s1, $0x11  }
0xbb: {  	s0 =	sor.u32 s1, s0  }
0xbc: {  	s0 =	sadd.s32 $0x8F2B, s0  }
0xbd: {  	[sflag:s0] =	ssyncadd.remote.s32 $0x1  }
0xbe: {  	_ =	sfence.sel $0xFFFF  }
0xbf: {  	[dreg:$0x0] =	wrdreg $0xFFFFFFFF;
	(pc) =	sbr.abs _section_cstart, $3  }
0xc0: {  	[dreg:$0x1] =	wrdreg $0xFFFFFFFF  }
0xc1: {  	_ =	task.clear_ibuf [dreg:s7], $0x2FFFF;
	_ =	strace $0x9FFFFFFF  }
0xc2: {  	(tm) =	ssettm $0x7FFFFFFF  }
0xc3: {  	_ =	shalt  }
tec
execute0_lowered:
.L_overlay_start_1:
0x0: {  	(tag) =	ssettag $0x1  }
0x1: {  	v0 =	vlaneseq.u32  }
0x2: {  	v27 =	vmul.u32 $0xD0, v0;
	_ =	sdelay $0x1  }
0x3: {  	s3 =	stileid.u32;
	v0 =	vadd.s32 $0xD03, v27  }
0x4: {  	s0 =	rddreg [dreg:$0x0];
	s4 =	sshll.u32 s3, $0x1;
	s3 =	simm.s32 $0x0;
	[tilespmem:$0x1FE10] =	vst v0;
	v0 =	vadd.s32 $0x3403, v27  }
0x5: {  	[smem:$0x7FF] =	sst s3;
	[tilespmem:$0x1FE20] =	vst v0  }
0x6: {  	s2 =	rddreg [dreg:$0x1];
	v3 =	vadd.s32 $0xD00, v27;
	_ =	strace $0x8000004A;
	[tilespmem:$0x1FE30] =	vst v27  }
0x7: {  	v22 =	vadd.s32 $0x1A00, v27;
	[tilespmem:$0x1FE40] =	vst v3  }
0x8: {  	v4 =	vadd.s32 $0x2700, v27;
	[tilespmem:$0x1FE50] =	vst v22  }
0x9: {  	v5 =	vadd.s32 $0x3400, v27;
	[tilespmem:$0x1FE60] =	vst v4  }
0xa: {  	v6 =	vadd.s32 $0x4100, v27;
	[tilespmem:$0x1FE70] =	vst v5  }
0xb: {  	v7 =	vadd.s32 $0x4E00, v27;
	[tilespmem:$0x1FE80] =	vst v6  }
0xc: {  	v8 =	vadd.s32 $0x5B00, v27;
	[tilespmem:$0x1FE90] =	vst v7  }
0xd: {  	v9 =	vor.u32 $0x1, v27;
	[tilespmem:$0x1FEA0] =	vst v8  }
0xe: {  	v10 =	vadd.s32 $0xD01, v27;
	[tilespmem:$0x1FEB0] =	vst v9  }
0xf: {  	v11 =	vadd.s32 $0x1A01, v27;
	[tilespmem:$0x1FEC0] =	vst v10  }
0x10: {  	v12 =	vadd.s32 $0x2701, v27;
	[tilespmem:$0x1FED0] =	vst v11  }
0x11: {  	v13 =	vadd.s32 $0x3401, v27;
	[tilespmem:$0x1FEE0] =	vst v12  }
0x12: {  	v14 =	vadd.s32 $0x4101, v27;
	[tilespmem:$0x1FEF0] =	vst v13  }
0x13: {  	v15 =	vadd.s32 $0x4E01, v27;
	v16 =	vadd.s32 $0x5B01, v27;
	v17 =	vor.u32 $0x2, v27;
	[tilespmem:$0x1FF00] =	vst v14  }
0x14: {  	v18 =	vadd.s32 $0xD02, v27;
	v20 =	vadd.s32 $0x1A02, v27;
	v19 =	vadd.s32 $0x2702, v27;
	[tilespmem:$0x1FF10] =	vst v15  }
0x15: {  	v21 =	vadd.s32 $0x3402, v27;
	v28 =	vadd.s32 $0x4102, v27;
	v26 =	vadd.s32 $0x4E02, v27;
	[tilespmem:$0x1FF20] =	vst v16  }
0x16: {  	v1 =	vadd.s32 $0x5B02, v27;
	v24 =	vor.u32 $0x3, v27;
	v23 =	vadd.s32 $0x1A03, v27;
	[tilespmem:$0x1FF30] =	vst v17  }
0x17: {  	v63 =	vadd.s32 $0x2703, v27;
	v29 =	vadd.s32 $0x4103, v27;
	v31 =	vadd.s32 $0x5B03, v27;
	[tilespmem:$0x1FF40] =	vst v18  }
0x18: {  	v32 =	vor.u32 $0x4, v27;
	v33 =	vadd.s32 $0xD04, v27;
	v34 =	vadd.s32 $0x1A04, v27;
	[tilespmem:$0x1FF50] =	vst v20  }
0x19: {  	s1 =	srdreg.scid;
	s12 =	simm.s32 $0xCC00;
	v35 =	vadd.s32 $0x2704, v27;
	v36 =	vadd.s32 $0x3404, v27;
	v37 =	vadd.s32 $0x4104, v27;
	[tilespmem:$0x1FF60] =	vst v19  }
0x1a: {  	s14 =	simm.s32 $0xDC00;
	s16 =	simm.s32 $0xEC00;
	s18 =	simm.s32 $0xFC00;
	v38 =	vadd.s32 $0x4E04, v27;
	v39 =	vadd.s32 $0x5B04, v27;
	v40 =	vor.u32 $0x5, v27;
	[tilespmem:$0x1FF70] =	vst v21  }
0x1b: {  	s10 =	simm.s32 $0x80;
	s19 =	simm.s32 $0x10C00;
	s20 =	simm.s32 $0x11C00;
	v41 =	vadd.s32 $0xD05, v27;
	v42 =	vadd.s32 $0x1A05, v27;
	v43 =	vadd.s32 $0x2705, v27;
	[tilespmem:$0x1FF80] =	vst v28  }
0x1c: {  	s21 =	simm.s32 $0x12C00;
	s22 =	simm.s32 $0x13C00;
	s1 =	sand.u32 $0x1, s1;
	v44 =	vadd.s32 $0x3405, v27;
	v45 =	vadd.s32 $0x4105, v27;
	v46 =	vadd.s32 $0x4E05, v27;
	[tilespmem:$0x1FF90] =	vst v26  }
0x1d: {  	s23 =	simm.s32 $0x1;
	s24 =	simm.s32 $0x14C00;
	s6 =	sor.u32 s1, s4;
	v47 =	vadd.s32 $0x5B05, v27;
	v48 =	vor.u32 $0x6, v27;
	v2 =	vadd.s32 $0x4E07, v27;
	[tilespmem:$0x1FFA0] =	vst v1  }
0x1e: {  	s25 =	simm.s32 $0x2;
	s1 =	ssub.s32 $0x2, s1;
	s4 =	smul.u32 $0xC80, s6;
	v49 =	vadd.s32 $0xD06, v27;
	v50 =	vadd.s32 $0x1A06, v27;
	v25 =	vadd.s32 $0x5B07, v27;
	[tilespmem:$0x1FFB0] =	vst v2  }
0x1f: {  	s26 =	simm.s32 $0x4;
	s28 =	simm.s32 $0x18D00;
	s31 =	sshrl.u32 s1, $0x1;
	v51 =	vadd.s32 $0x2706, v27;
	v52 =	vadd.s32 $0x3406, v27;
	v30 =	vadd.s32 $0x4107, v27;
	[tilespmem:$0x1FFC0] =	vst v25  }
0x20: {  	v53 =	vadd.s32 $0x4106, v27;
	v54 =	vadd.s32 $0x4E06, v27;
	v60 =	vadd.s32 $0x3407, v27;
	s5 =	sadd.s32 s4, s0;
	s4 =	sadd.s32 $0x3D1400, s0;
	s0 =	ssub.s32 s1, s31;
	[tilespmem:$0x1FFD0] =	vst v30  }
0x21: {  	s7 =	sadd.s32 $0x40, s2;
	s6 =	sshll.u32 s6, $0x7;
	v55 =	vadd.s32 $0x5B06, v27;
	v56 =	vor.u32 $0x7, v27;
	v57 =	vadd.s32 $0xD07, v27;
	s0 =	smax.u32 s0, $0x1;
	[tilespmem:$0x1FFE0] =	vst v60  }
0x22: {  	v58 =	vadd.s32 $0x1A07, v27;
	v59 =	vadd.s32 $0x2707, v27;
	v0 =	vadd.s32 $0x4E03, v27;
	s1 =	simm.s32 $0x0;
	s5 =	sadd.s32 $0x7A1E00, s5;
	[tilespmem:$0x1FFF0] =	vst v63;
	[dreg:$0x3] =	wrdreg s0  }
.LBB2_1:
0x23: {  	v2 =	vmovc v63;
	v63 =	vmov v59;
	v62 =	vmov v58;
	v61 =	vmov v57  }
0x24: {  	v60 =	vmovc v56;
	v59 =	vmovc v55;
	v58 =	vmov v54;
	v57 =	vmov v53;
	v56 =	vmov v52  }
0x25: {  	v55 =	vmovc v51;
	v54 =	vmovc v50;
	v53 =	vmov v49;
	v52 =	vmov v48;
	v51 =	vmov v47  }
0x26: {  	v50 =	vmovc v46;
	v49 =	vmovc v45;
	v48 =	vmov v44;
	v47 =	vmov v43;
	v46 =	vmov v42  }
0x27: {  	v45 =	vmovc v41;
	v44 =	vmovc v40;
	v43 =	vmov v39;
	v42 =	vmov v38;
	v41 =	vmov v37  }
0x28: {  	[dreg:$0x4] =	wrdreg s1;
	v40 =	vmovc v36;
	v39 =	vmovc v35;
	v38 =	vmov v34;
	v37 =	vmov v33;
	v36 =	vmov v32;
	v33 =	vld [tilespmem:$0x1FE10];
	s1 =	simm.s32 $0x19  }
0x29: {  	v35 =	vmovc v31;
	v34 =	vmovc v0;
	v32 =	vmov v29;
	v31 =	vld [tilespmem:$0x1FE20];
	v29 =	vmov v23;
	s11 =	sadd.s32 $0x0, s5;
	s8 =	simm.s32 $0xD0;
	s0 =	simm.s32 $0x0;
	v0 =	vmov v2  }
.LBB2_2:
0x2a: {  	[tilespmem:s0], [sflag:$0x5] =	stream.linear.gather [hbm4b:s11+s3], $0xC8, $0x38;
	[tilespmem:$0x1CE00] =	vst v63  }
0x2b: {  	s11 =	smov.u32 s1;
	s0 =	smov.u32 s8;
	p0 =	sne.s32 s1, $0xC67  }
.Ltmp0:
0x2c: {  	s1 =	sadd.s32 $0x19, s1;
	(pc) =	sbr.rel @p0 .LBB2_2-.Ltmp0, $2  }
0x2d: {  	_ =	sdelay $0x2  }
0x2e: {  	s8 =	sadd.s32 $0xD0, s8;
	s11 =	sadd.s32 s11, s5  }
0x2f: {  	s1 =	simm.s32 $0x0  }
0x30: {  	v1 =	vmov s1  }
0x31: {  	v1 =	vshrl.u32 v1, $0x3  }
0x32: {  	v1 =	vshll.u32 v1, $0x3  }
0x33: {  	v2 =	vbroadcast v1, $0x0;
	_ =	sdelay $0x1  }
0x34: {  	[tilespmem:s0], [sflag:$0x5] =	stream.linear.gather [hbm4b:s11+s3], $0xC8, $0x38;
	v1 =	vadd.s32 v27, v2;
	[tilespmem:$0x1CE00] =	vst v63  }
0x35: {  	s29 =	simm.s32 $0x5  }
0x36: {  	_ =	swait.ge [sflag:s29], $0x6400  }
0x37: {  	[sflag:s29] =	ssyncset.done $0x0  }
0x38: {  	[sflag:s29] =	ssyncadd.s32 $0xFFFF9C00  }
0x39: {  	v1 =	vld.idx.msk [tilespmem:v1+s3+$0x0], $0xffff  }
0x3a: {  	v30 =	vmov v3;
	v3 =	vadd.s32 v3, v2;
	_ =	sdelay $0x2  }
0x3b: {  	s31 =	simm.s32 $0x6A00  }
0x3c: {  	[tilespmem:s31+$0xFFFFFE00] =	vst v1  }
0x3d: {  	v1 =	vld.idx.msk [tilespmem:v3+s3+$0x0], $0xffff  }
0x3e: {  	v3 =	vadd.s32 v22, v2;
	_ =	sdelay $0x3  }
0x3f: {  	[tilespmem:s31+$0xFFFFFE10] =	vst v1  }
0x40: {  	v1 =	vld.idx.msk [tilespmem:v3+s3+$0x0], $0xffff  }
0x41: {  	v3 =	vadd.s32 v4, v2;
	_ =	sdelay $0x3  }
0x42: {  	[tilespmem:s31+$0xFFFFFE20] =	vst v1  }
0x43: {  	v1 =	vld.idx.msk [tilespmem:v3+s3+$0x0], $0xffff  }
0x44: {  	v3 =	vadd.s32 v5, v2;
	_ =	sdelay $0x3  }
0x45: {  	[tilespmem:s31+$0xFFFFFE30] =	vst v1  }
0x46: {  	v1 =	vld.idx.msk [tilespmem:v3+s3+$0x0], $0xffff  }
0x47: {  	v3 =	vadd.s32 v6, v2;
	_ =	sdelay $0x3  }
0x48: {  	[tilespmem:s31+$0xFFFFFE40] =	vst v1  }
0x49: {  	v1 =	vld.idx.msk [tilespmem:v3+s3+$0x0], $0xffff  }
0x4a: {  	v3 =	vadd.s32 v7, v2;
	_ =	sdelay $0x3  }
0x4b: {  	[tilespmem:s31+$0xFFFFFE50] =	vst v1  }
0x4c: {  	v1 =	vld.idx.msk [tilespmem:v3+s3+$0x0], $0xffff  }
0x4d: {  	v3 =	vadd.s32 v8, v2;
	_ =	sdelay $0x3  }
0x4e: {  	[tilespmem:s31+$0xFFFFFE60] =	vst v1  }
0x4f: {  	v1 =	vld.idx.msk [tilespmem:v3+s3+$0x0], $0xffff  }
0x50: {  	v3 =	vadd.s32 v9, v2;
	_ =	sdelay $0x3  }
0x51: {  	[tilespmem:s31+$0xFFFFFE70] =	vst v1  }
0x52: {  	v1 =	vld.idx.msk [tilespmem:v3+s3+$0x0], $0xffff  }
0x53: {  	v3 =	vadd.s32 v10, v2;
	_ =	sdelay $0x3  }
0x54: {  	[tilespmem:s31+$0xFFFFFE80] =	vst v1  }
0x55: {  	v1 =	vld.idx.msk [tilespmem:v3+s3+$0x0], $0xffff  }
0x56: {  	v3 =	vadd.s32 v11, v2;
	_ =	sdelay $0x3  }
0x57: {  	[tilespmem:s31+$0xFFFFFE90] =	vst v1  }
0x58: {  	v1 =	vld.idx.msk [tilespmem:v3+s3+$0x0], $0xffff  }
0x59: {  	v3 =	vadd.s32 v12, v2;
	_ =	sdelay $0x3  }
0x5a: {  	[tilespmem:s31+$0xFFFFFEA0] =	vst v1  }
0x5b: {  	v1 =	vld.idx.msk [tilespmem:v3+s3+$0x0], $0xffff  }
0x5c: {  	v3 =	vadd.s32 v13, v2;
	_ =	sdelay $0x3  }
0x5d: {  	[tilespmem:s31+$0xFFFFFEB0] =	vst v1  }
0x5e: {  	v1 =	vld.idx.msk [tilespmem:v3+s3+$0x0], $0xffff  }
0x5f: {  	v3 =	vadd.s32 v14, v2;
	_ =	sdelay $0x3  }
0x60: {  	[tilespmem:s31+$0xFFFFFEC0] =	vst v1  }
0x61: {  	v1 =	vld.idx.msk [tilespmem:v3+s3+$0x0], $0xffff  }
0x62: {  	v3 =	vadd.s32 v15, v2;
	_ =	sdelay $0x3  }
0x63: {  	[tilespmem:s31+$0xFFFFFED0] =	vst v1  }
0x64: {  	v1 =	vld.idx.msk [tilespmem:v3+s3+$0x0], $0xffff  }
0x65: {  	v3 =	vadd.s32 v16, v2;
	_ =	sdelay $0x3  }
0x66: {  	[tilespmem:s31+$0xFFFFFEE0] =	vst v1  }
0x67: {  	v1 =	vld.idx.msk [tilespmem:v3+s3+$0x0], $0xffff  }
0x68: {  	v3 =	vadd.s32 v17, v2;
	_ =	sdelay $0x3  }
0x69: {  	[tilespmem:s31+$0xFFFFFEF0] =	vst v1  }
0x6a: {  	v1 =	vld.idx.msk [tilespmem:v3+s3+$0x0], $0xffff  }
0x6b: {  	v3 =	vadd.s32 v18, v2;
	_ =	sdelay $0x3  }
0x6c: {  	[tilespmem:s31+$0xFFFFFF00] =	vst v1  }
0x6d: {  	v1 =	vld.idx.msk [tilespmem:v3+s3+$0x0], $0xffff  }
0x6e: {  	v3 =	vadd.s32 v20, v2;
	_ =	sdelay $0x3  }
0x6f: {  	[tilespmem:s31+$0xFFFFFF10] =	vst v1  }
0x70: {  	v1 =	vld.idx.msk [tilespmem:v3+s3+$0x0], $0xffff  }
0x71: {  	v3 =	vadd.s32 v19, v2;
	_ =	sdelay $0x3  }
0x72: {  	[tilespmem:s31+$0xFFFFFF20] =	vst v1  }
0x73: {  	v1 =	vld.idx.msk [tilespmem:v3+s3+$0x0], $0xffff  }
0x74: {  	v3 =	vadd.s32 v21, v2;
	_ =	sdelay $0x3  }
0x75: {  	[tilespmem:s31+$0xFFFFFF30] =	vst v1  }
0x76: {  	v1 =	vld.idx.msk [tilespmem:v3+s3+$0x0], $0xffff  }
0x77: {  	v3 =	vadd.s32 v28, v2;
	_ =	sdelay $0x3  }
0x78: {  	[tilespmem:s31+$0xFFFFFF40] =	vst v1  }
0x79: {  	v1 =	vld.idx.msk [tilespmem:v3+s3+$0x0], $0xffff  }
0x7a: {  	v3 =	vadd.s32 v26, v2  }
0x7b: {  	v23 =	vmov v28;
	v28 =	vmov v27;
	v27 =	vld [tilespmem:$0x1FFA0];
	_ =	sdelay $0x2  }
0x7c: {  	[tilespmem:s31+$0xFFFFFF50] =	vst v1  }
0x7d: {  	v1 =	vld.idx.msk [tilespmem:v3+s3+$0x0], $0xffff  }
0x7e: {  	v3 =	vadd.s32 v27, v2;
	_ =	sdelay $0x3  }
0x7f: {  	[tilespmem:s31+$0xFFFFFF60] =	vst v1  }
0x80: {  	v1 =	vld.idx.msk [tilespmem:v3+s3+$0x0], $0xffff  }
0x81: {  	v3 =	vadd.s32 v24, v2;
	_ =	sdelay $0x3  }
0x82: {  	[tilespmem:s31+$0xFFFFFF70] =	vst v1  }
0x83: {  	v1 =	vld.idx.msk [tilespmem:v3+s3+$0x0], $0xffff  }
0x84: {  	v3 =	vadd.s32 v33, v2;
	_ =	sdelay $0x3  }
0x85: {  	[tilespmem:s31+$0xFFFFFF80] =	vst v1  }
0x86: {  	v1 =	vld.idx.msk [tilespmem:v3+s3+$0x0], $0xffff  }
0x87: {  	v3 =	vadd.s32 v29, v2;
	_ =	sdelay $0x3  }
0x88: {  	[tilespmem:s31+$0xFFFFFF90] =	vst v1  }
0x89: {  	v1 =	vld.idx.msk [tilespmem:v3+s3+$0x0], $0xffff  }
0x8a: {  	v3 =	vadd.s32 v0, v2;
	_ =	sdelay $0x3  }
0x8b: {  	[tilespmem:s31+$0xFFFFFFA0] =	vst v1  }
0x8c: {  	v1 =	vld.idx.msk [tilespmem:v3+s3+$0x0], $0xffff  }
0x8d: {  	v3 =	vadd.s32 v31, v2;
	_ =	sdelay $0x3  }
0x8e: {  	[tilespmem:s31+$0xFFFFFFB0] =	vst v1  }
0x8f: {  	v1 =	vld.idx.msk [tilespmem:v3+s3+$0x0], $0xffff  }
0x90: {  	v3 =	vadd.s32 v32, v2;
	_ =	sdelay $0x3  }
0x91: {  	[tilespmem:s31+$0xFFFFFFC0] =	vst v1  }
0x92: {  	v1 =	vld.idx.msk [tilespmem:v3+s3+$0x0], $0xffff  }
0x93: {  	v3 =	vadd.s32 v34, v2;
	_ =	sdelay $0x3  }
0x94: {  	[tilespmem:s31+$0xFFFFFFD0] =	vst v1  }
0x95: {  	v1 =	vld.idx.msk [tilespmem:v3+s3+$0x0], $0xffff  }
0x96: {  	v3 =	vadd.s32 v35, v2;
	_ =	sdelay $0x3  }
0x97: {  	[tilespmem:s31+$0xFFFFFFE0] =	vst v1  }
0x98: {  	v1 =	vld.idx.msk [tilespmem:v3+s3+$0x0], $0xffff  }
0x99: {  	v3 =	vadd.s32 v36, v2;
	_ =	sdelay $0x3  }
0x9a: {  	[tilespmem:s31+$0xFFFFFFF0] =	vst v1  }
0x9b: {  	v1 =	vld.idx.msk [tilespmem:v3+s3+$0x0], $0xffff  }
0x9c: {  	v3 =	vadd.s32 v37, v2;
	_ =	sdelay $0x3  }
0x9d: {  	[tilespmem:s31+$0x0] =	vst v1  }
0x9e: {  	v1 =	vld.idx.msk [tilespmem:v3+s3+$0x0], $0xffff  }
0x9f: {  	v3 =	vadd.s32 v38, v2;
	_ =	sdelay $0x3  }
0xa0: {  	[tilespmem:s31+$0x10] =	vst v1  }
0xa1: {  	v1 =	vld.idx.msk [tilespmem:v3+s3+$0x0], $0xffff  }
0xa2: {  	v3 =	vadd.s32 v39, v2;
	_ =	sdelay $0x3  }
0xa3: {  	[tilespmem:s31+$0x20] =	vst v1  }
0xa4: {  	v1 =	vld.idx.msk [tilespmem:v3+s3+$0x0], $0xffff  }
0xa5: {  	v3 =	vadd.s32 v40, v2;
	_ =	sdelay $0x3  }
0xa6: {  	[tilespmem:s31+$0x30] =	vst v1  }
0xa7: {  	v1 =	vld.idx.msk [tilespmem:v3+s3+$0x0], $0xffff  }
0xa8: {  	v3 =	vadd.s32 v41, v2;
	_ =	sdelay $0x3  }
0xa9: {  	[tilespmem:s31+$0x40] =	vst v1  }
0xaa: {  	v1 =	vld.idx.msk [tilespmem:v3+s3+$0x0], $0xffff  }
0xab: {  	v3 =	vadd.s32 v42, v2;
	_ =	sdelay $0x3  }
0xac: {  	[tilespmem:s31+$0x50] =	vst v1  }
0xad: {  	v1 =	vld.idx.msk [tilespmem:v3+s3+$0x0], $0xffff  }
0xae: {  	v3 =	vadd.s32 v43, v2;
	_ =	sdelay $0x3  }
0xaf: {  	[tilespmem:s31+$0x60] =	vst v1  }
0xb0: {  	v1 =	vld.idx.msk [tilespmem:v3+s3+$0x0], $0xffff  }
0xb1: {  	v3 =	vadd.s32 v44, v2;
	_ =	sdelay $0x3  }
0xb2: {  	[tilespmem:s31+$0x70] =	vst v1  }
0xb3: {  	v1 =	vld.idx.msk [tilespmem:v3+s3+$0x0], $0xffff  }
0xb4: {  	v3 =	vadd.s32 v45, v2;
	_ =	sdelay $0x3  }
0xb5: {  	[tilespmem:s31+$0x80] =	vst v1  }
0xb6: {  	v1 =	vld.idx.msk [tilespmem:v3+s3+$0x0], $0xffff  }
0xb7: {  	v3 =	vadd.s32 v46, v2;
	_ =	sdelay $0x3  }
0xb8: {  	[tilespmem:s31+$0x90] =	vst v1  }
0xb9: {  	v1 =	vld.idx.msk [tilespmem:v3+s3+$0x0], $0xffff  }
0xba: {  	v3 =	vadd.s32 v47, v2;
	_ =	sdelay $0x3  }
0xbb: {  	[tilespmem:s31+$0xA0] =	vst v1  }
0xbc: {  	v1 =	vld.idx.msk [tilespmem:v3+s3+$0x0], $0xffff  }
0xbd: {  	v3 =	vadd.s32 v48, v2;
	_ =	sdelay $0x3  }
0xbe: {  	[tilespmem:s31+$0xB0] =	vst v1  }
0xbf: {  	v1 =	vld.idx.msk [tilespmem:v3+s3+$0x0], $0xffff  }
0xc0: {  	v3 =	vadd.s32 v49, v2;
	_ =	sdelay $0x3  }
0xc1: {  	[tilespmem:s31+$0xC0] =	vst v1  }
0xc2: {  	v1 =	vld.idx.msk [tilespmem:v3+s3+$0x0], $0xffff  }
0xc3: {  	v3 =	vadd.s32 v50, v2;
	_ =	sdelay $0x3  }
0xc4: {  	[tilespmem:s31+$0xD0] =	vst v1  }
0xc5: {  	v1 =	vld.idx.msk [tilespmem:v3+s3+$0x0], $0xffff  }
0xc6: {  	v3 =	vadd.s32 v51, v2;
	_ =	sdelay $0x3  }
0xc7: {  	[tilespmem:s31+$0xE0] =	vst v1  }
0xc8: {  	v1 =	vld.idx.msk [tilespmem:v3+s3+$0x0], $0xffff  }
0xc9: {  	v3 =	vadd.s32 v52, v2;
	_ =	sdelay $0x3  }
0xca: {  	[tilespmem:s31+$0xF0] =	vst v1  }
0xcb: {  	v1 =	vld.idx.msk [tilespmem:v3+s3+$0x0], $0xffff  }
0xcc: {  	v3 =	vadd.s32 v53, v2;
	_ =	sdelay $0x3  }
0xcd: {  	[tilespmem:s31+$0x100] =	vst v1  }
0xce: {  	v1 =	vld.idx.msk [tilespmem:v3+s3+$0x0], $0xffff  }
0xcf: {  	v3 =	vadd.s32 v54, v2;
	_ =	sdelay $0x3  }
0xd0: {  	[tilespmem:s31+$0x110] =	vst v1  }
0xd1: {  	v1 =	vld.idx.msk [tilespmem:v3+s3+$0x0], $0xffff  }
0xd2: {  	v3 =	vadd.s32 v55, v2;
	_ =	sdelay $0x3  }
0xd3: {  	[tilespmem:s31+$0x120] =	vst v1  }
0xd4: {  	v1 =	vld.idx.msk [tilespmem:v3+s3+$0x0], $0xffff  }
0xd5: {  	v3 =	vadd.s32 v56, v2;
	_ =	sdelay $0x3  }
0xd6: {  	[tilespmem:s31+$0x130] =	vst v1  }
0xd7: {  	v1 =	vld.idx.msk [tilespmem:v3+s3+$0x0], $0xffff  }
0xd8: {  	v3 =	vadd.s32 v57, v2;
	_ =	sdelay $0x3  }
0xd9: {  	[tilespmem:s31+$0x140] =	vst v1  }
0xda: {  	v1 =	vld.idx.msk [tilespmem:v3+s3+$0x0], $0xffff  }
0xdb: {  	v3 =	vadd.s32 v58, v2;
	_ =	sdelay $0x3  }
0xdc: {  	[tilespmem:s31+$0x150] =	vst v1  }
0xdd: {  	v1 =	vld.idx.msk [tilespmem:v3+s3+$0x0], $0xffff  }
0xde: {  	v3 =	vadd.s32 v59, v2;
	_ =	sdelay $0x3  }
0xdf: {  	[tilespmem:s31+$0x160] =	vst v1  }
0xe0: {  	v1 =	vld.idx.msk [tilespmem:v3+s3+$0x0], $0xffff  }
0xe1: {  	v3 =	vadd.s32 v60, v2;
	_ =	sdelay $0x3  }
0xe2: {  	[tilespmem:s31+$0x170] =	vst v1  }
0xe3: {  	v1 =	vld.idx.msk [tilespmem:v3+s3+$0x0], $0xffff  }
0xe4: {  	v3 =	vadd.s32 v61, v2;
	_ =	sdelay $0x3  }
0xe5: {  	[tilespmem:s31+$0x180] =	vst v1  }
0xe6: {  	v1 =	vld.idx.msk [tilespmem:v3+s3+$0x0], $0xffff  }
0xe7: {  	v3 =	vadd.s32 v62, v2;
	_ =	sdelay $0x3  }
0xe8: {  	[tilespmem:s31+$0x190] =	vst v1  }
0xe9: {  	v1 =	vld.idx.msk [tilespmem:v3+s3+$0x0], $0xffff  }
0xea: {  	v3 =	vadd.s32 v63, v2;
	_ =	sdelay $0x3  }
0xeb: {  	[tilespmem:s31+$0x1A0] =	vst v1  }
0xec: {  	v1 =	vld.idx.msk [tilespmem:v3+s3+$0x0], $0xffff  }
0xed: {  	v3 =	vld [tilespmem:$0x1FFE0];
	_ =	sdelay $0x4  }
0xee: {  	v3 =	vadd.s32 v3, v2;
	_ =	sdelay $0x3  }
0xef: {  	[tilespmem:s31+$0x1B0] =	vst v1  }
0xf0: {  	v1 =	vld.idx.msk [tilespmem:v3+s3+$0x0], $0xffff  }
0xf1: {  	v3 =	vld [tilespmem:$0x1FFD0];
	_ =	sdelay $0x4  }
0xf2: {  	v3 =	vadd.s32 v3, v2  }
0xf3: {  	v0 =	vld [tilespmem:$0x1FFB0];
	_ =	sdelay $0x2  }
0xf4: {  	[tilespmem:s31+$0x1C0] =	vst v1  }
0xf5: {  	v1 =	vld.idx.msk [tilespmem:v3+s3+$0x0], $0xffff  }
0xf6: {  	v25 =	vmov v24;
	v24 =	vld [tilespmem:$0x1FFC0];
	v3 =	vadd.s32 v0, v2;
	_ =	sdelay $0x3  }
0xf7: {  	s30 =	simm.s32 $0x8;
	[tilespmem:s31+$0x1D0] =	vst v1  }
0xf8: {  	s1 =	simm.s32 $0x10;
	v1 =	vadd.s32 v24, v2;
	v2 =	vmov s30;
	v3 =	vld.idx.msk [tilespmem:v3+s3+$0x0], $0xffff  }
.LBB2_4:
0xf9: {  	_ =	sdelay $0x1  }
0xfa: {  	v2 =	vshrl.u32 v2, $0x3  }
0xfb: {  	v2 =	vshll.u32 v2, $0x3  }
0xfc: {  	v2 =	vbroadcast v2, $0x0;
	[tilespmem:s31+$0x1E0] =	vst v3  }
0xfd: {  	v1 =	vld.idx.msk [tilespmem:v1+s3+$0x0], $0xffff  }
0xfe: {  	v3 =	vadd.s32 v28, v2;
	_ =	sdelay $0x3  }
0xff: {  	[tilespmem:s31+$0x1F0] =	vst v1  }
0x100: {  	v1 =	vld.idx.msk [tilespmem:v3+s3+$0x0], $0xffff  }
0x101: {  	v3 =	vadd.s32 v30, v2;
	_ =	sdelay $0x2  }
0x102: {  	s31 =	sadd.s32 $0x400, s31  }
0x103: {  	[tilespmem:s31+$0xFFFFFE00] =	vst v1  }
0x104: {  	v1 =	vld.idx.msk [tilespmem:v3+s3+$0x0], $0xffff  }
0x105: {  	v3 =	vadd.s32 v22, v2;
	_ =	sdelay $0x3  }
0x106: {  	[tilespmem:s31+$0xFFFFFE10] =	vst v1  }
0x107: {  	v1 =	vld.idx.msk [tilespmem:v3+s3+$0x0], $0xffff  }
0x108: {  	v3 =	vadd.s32 v4, v2;
	_ =	sdelay $0x3  }
0x109: {  	[tilespmem:s31+$0xFFFFFE20] =	vst v1  }
0x10a: {  	v1 =	vld.idx.msk [tilespmem:v3+s3+$0x0], $0xffff  }
0x10b: {  	v3 =	vadd.s32 v5, v2;
	_ =	sdelay $0x3  }
0x10c: {  	[tilespmem:s31+$0xFFFFFE30] =	vst v1  }
0x10d: {  	v1 =	vld.idx.msk [tilespmem:v3+s3+$0x0], $0xffff  }
0x10e: {  	v3 =	vadd.s32 v6, v2;
	_ =	sdelay $0x3  }
0x10f: {  	[tilespmem:s31+$0xFFFFFE40] =	vst v1  }
0x110: {  	v1 =	vld.idx.msk [tilespmem:v3+s3+$0x0], $0xffff  }
0x111: {  	v3 =	vadd.s32 v7, v2;
	_ =	sdelay $0x3  }
0x112: {  	[tilespmem:s31+$0xFFFFFE50] =	vst v1  }
0x113: {  	v1 =	vld.idx.msk [tilespmem:v3+s3+$0x0], $0xffff  }
0x114: {  	v3 =	vadd.s32 v8, v2;
	_ =	sdelay $0x3  }
0x115: {  	[tilespmem:s31+$0xFFFFFE60] =	vst v1  }
0x116: {  	v1 =	vld.idx.msk [tilespmem:v3+s3+$0x0], $0xffff  }
0x117: {  	v3 =	vadd.s32 v9, v2;
	_ =	sdelay $0x3  }
0x118: {  	[tilespmem:s31+$0xFFFFFE70] =	vst v1  }
0x119: {  	v1 =	vld.idx.msk [tilespmem:v3+s3+$0x0], $0xffff  }
0x11a: {  	v3 =	vadd.s32 v10, v2;
	_ =	sdelay $0x3  }
0x11b: {  	[tilespmem:s31+$0xFFFFFE80] =	vst v1  }
0x11c: {  	v1 =	vld.idx.msk [tilespmem:v3+s3+$0x0], $0xffff  }
0x11d: {  	v3 =	vadd.s32 v11, v2;
	_ =	sdelay $0x3  }
0x11e: {  	[tilespmem:s31+$0xFFFFFE90] =	vst v1  }
0x11f: {  	v1 =	vld.idx.msk [tilespmem:v3+s3+$0x0], $0xffff  }
0x120: {  	v3 =	vadd.s32 v12, v2;
	_ =	sdelay $0x3  }
0x121: {  	[tilespmem:s31+$0xFFFFFEA0] =	vst v1  }
0x122: {  	v1 =	vld.idx.msk [tilespmem:v3+s3+$0x0], $0xffff  }
0x123: {  	v3 =	vadd.s32 v13, v2;
	_ =	sdelay $0x3  }
0x124: {  	[tilespmem:s31+$0xFFFFFEB0] =	vst v1  }
0x125: {  	v1 =	vld.idx.msk [tilespmem:v3+s3+$0x0], $0xffff  }
0x126: {  	v3 =	vadd.s32 v14, v2;
	_ =	sdelay $0x3  }
0x127: {  	[tilespmem:s31+$0xFFFFFEC0] =	vst v1  }
0x128: {  	v1 =	vld.idx.msk [tilespmem:v3+s3+$0x0], $0xffff  }
0x129: {  	v3 =	vadd.s32 v15, v2;
	_ =	sdelay $0x3  }
0x12a: {  	[tilespmem:s31+$0xFFFFFED0] =	vst v1  }
0x12b: {  	v1 =	vld.idx.msk [tilespmem:v3+s3+$0x0], $0xffff  }
0x12c: {  	v3 =	vadd.s32 v16, v2;
	_ =	sdelay $0x3  }
0x12d: {  	[tilespmem:s31+$0xFFFFFEE0] =	vst v1  }
0x12e: {  	v1 =	vld.idx.msk [tilespmem:v3+s3+$0x0], $0xffff  }
0x12f: {  	v3 =	vadd.s32 v17, v2;
	_ =	sdelay $0x3  }
0x130: {  	[tilespmem:s31+$0xFFFFFEF0] =	vst v1  }
0x131: {  	v1 =	vld.idx.msk [tilespmem:v3+s3+$0x0], $0xffff  }
0x132: {  	v3 =	vadd.s32 v18, v2;
	_ =	sdelay $0x3  }
0x133: {  	[tilespmem:s31+$0xFFFFFF00] =	vst v1  }
0x134: {  	v1 =	vld.idx.msk [tilespmem:v3+s3+$0x0], $0xffff  }
0x135: {  	v3 =	vadd.s32 v20, v2;
	_ =	sdelay $0x3  }
0x136: {  	[tilespmem:s31+$0xFFFFFF10] =	vst v1  }
0x137: {  	v1 =	vld.idx.msk [tilespmem:v3+s3+$0x0], $0xffff  }
0x138: {  	v3 =	vadd.s32 v19, v2;
	_ =	sdelay $0x3  }
0x139: {  	[tilespmem:s31+$0xFFFFFF20] =	vst v1  }
0x13a: {  	v1 =	vld.idx.msk [tilespmem:v3+s3+$0x0], $0xffff  }
0x13b: {  	v3 =	vadd.s32 v21, v2;
	_ =	sdelay $0x3  }
0x13c: {  	[tilespmem:s31+$0xFFFFFF30] =	vst v1  }
0x13d: {  	v1 =	vld.idx.msk [tilespmem:v3+s3+$0x0], $0xffff  }
0x13e: {  	v3 =	vadd.s32 v23, v2;
	_ =	sdelay $0x3  }
0x13f: {  	[tilespmem:s31+$0xFFFFFF40] =	vst v1  }
0x140: {  	v1 =	vld.idx.msk [tilespmem:v3+s3+$0x0], $0xffff  }
0x141: {  	v3 =	vadd.s32 v26, v2;
	_ =	sdelay $0x3  }
0x142: {  	[tilespmem:s31+$0xFFFFFF50] =	vst v1  }
0x143: {  	v1 =	vld.idx.msk [tilespmem:v3+s3+$0x0], $0xffff  }
0x144: {  	v3 =	vadd.s32 v27, v2;
	_ =	sdelay $0x3  }
0x145: {  	[tilespmem:s31+$0xFFFFFF60] =	vst v1  }
0x146: {  	v1 =	vld.idx.msk [tilespmem:v3+s3+$0x0], $0xffff  }
0x147: {  	v3 =	vadd.s32 v25, v2;
	_ =	sdelay $0x3  }
0x148: {  	[tilespmem:s31+$0xFFFFFF70] =	vst v1  }
0x149: {  	v1 =	vld.idx.msk [tilespmem:v3+s3+$0x0], $0xffff  }
0x14a: {  	v3 =	vadd.s32 v33, v2;
	_ =	sdelay $0x3  }
0x14b: {  	[tilespmem:s31+$0xFFFFFF80] =	vst v1  }
0x14c: {  	v1 =	vld.idx.msk [tilespmem:v3+s3+$0x0], $0xffff  }
0x14d: {  	v3 =	vadd.s32 v29, v2;
	_ =	sdelay $0x3  }
0x14e: {  	[tilespmem:s31+$0xFFFFFF90] =	vst v1  }
0x14f: {  	v1 =	vld.idx.msk [tilespmem:v3+s3+$0x0], $0xffff  }
0x150: {  	v3 =	vld [tilespmem:$0x1FFF0];
	_ =	sdelay $0x4  }
0x151: {  	v3 =	vadd.s32 v3, v2;
	_ =	sdelay $0x3  }
0x152: {  	[tilespmem:s31+$0xFFFFFFA0] =	vst v1  }
0x153: {  	v1 =	vld.idx.msk [tilespmem:v3+s3+$0x0], $0xffff  }
0x154: {  	v3 =	vadd.s32 v31, v2;
	_ =	sdelay $0x3  }
0x155: {  	[tilespmem:s31+$0xFFFFFFB0] =	vst v1  }
0x156: {  	v1 =	vld.idx.msk [tilespmem:v3+s3+$0x0], $0xffff  }
0x157: {  	v3 =	vadd.s32 v32, v2;
	_ =	sdelay $0x3  }
0x158: {  	[tilespmem:s31+$0xFFFFFFC0] =	vst v1  }
0x159: {  	v1 =	vld.idx.msk [tilespmem:v3+s3+$0x0], $0xffff  }
0x15a: {  	v3 =	vadd.s32 v34, v2;
	_ =	sdelay $0x3  }
0x15b: {  	[tilespmem:s31+$0xFFFFFFD0] =	vst v1  }
0x15c: {  	v1 =	vld.idx.msk [tilespmem:v3+s3+$0x0], $0xffff  }
0x15d: {  	v3 =	vadd.s32 v35, v2;
	_ =	sdelay $0x3  }
0x15e: {  	[tilespmem:s31+$0xFFFFFFE0] =	vst v1  }
0x15f: {  	v1 =	vld.idx.msk [tilespmem:v3+s3+$0x0], $0xffff  }
0x160: {  	v3 =	vadd.s32 v36, v2;
	_ =	sdelay $0x3  }
0x161: {  	[tilespmem:s31+$0xFFFFFFF0] =	vst v1  }
0x162: {  	v1 =	vld.idx.msk [tilespmem:v3+s3+$0x0], $0xffff  }
0x163: {  	v3 =	vadd.s32 v37, v2;
	_ =	sdelay $0x3  }
0x164: {  	[tilespmem:s31+$0x0] =	vst v1  }
0x165: {  	v1 =	vld.idx.msk [tilespmem:v3+s3+$0x0], $0xffff  }
0x166: {  	v3 =	vadd.s32 v38, v2;
	_ =	sdelay $0x3  }
0x167: {  	[tilespmem:s31+$0x10] =	vst v1  }
0x168: {  	v1 =	vld.idx.msk [tilespmem:v3+s3+$0x0], $0xffff  }
0x169: {  	v3 =	vadd.s32 v39, v2;
	_ =	sdelay $0x3  }
0x16a: {  	[tilespmem:s31+$0x20] =	vst v1  }
0x16b: {  	v1 =	vld.idx.msk [tilespmem:v3+s3+$0x0], $0xffff  }
0x16c: {  	v3 =	vadd.s32 v40, v2;
	_ =	sdelay $0x3  }
0x16d: {  	[tilespmem:s31+$0x30] =	vst v1  }
0x16e: {  	v1 =	vld.idx.msk [tilespmem:v3+s3+$0x0], $0xffff  }
0x16f: {  	v3 =	vadd.s32 v41, v2;
	_ =	sdelay $0x3  }
0x170: {  	[tilespmem:s31+$0x40] =	vst v1  }
0x171: {  	v1 =	vld.idx.msk [tilespmem:v3+s3+$0x0], $0xffff  }
0x172: {  	v3 =	vadd.s32 v42, v2;
	_ =	sdelay $0x3  }
0x173: {  	[tilespmem:s31+$0x50] =	vst v1  }
0x174: {  	v1 =	vld.idx.msk [tilespmem:v3+s3+$0x0], $0xffff  }
0x175: {  	v3 =	vadd.s32 v43, v2;
	_ =	sdelay $0x3  }
0x176: {  	[tilespmem:s31+$0x60] =	vst v1  }
0x177: {  	v1 =	vld.idx.msk [tilespmem:v3+s3+$0x0], $0xffff  }
0x178: {  	v3 =	vadd.s32 v44, v2;
	_ =	sdelay $0x3  }
0x179: {  	[tilespmem:s31+$0x70] =	vst v1  }
0x17a: {  	v1 =	vld.idx.msk [tilespmem:v3+s3+$0x0], $0xffff  }
0x17b: {  	v3 =	vadd.s32 v45, v2;
	_ =	sdelay $0x3  }
0x17c: {  	[tilespmem:s31+$0x80] =	vst v1  }
0x17d: {  	v1 =	vld.idx.msk [tilespmem:v3+s3+$0x0], $0xffff  }
0x17e: {  	v3 =	vadd.s32 v46, v2;
	_ =	sdelay $0x3  }
0x17f: {  	[tilespmem:s31+$0x90] =	vst v1  }
0x180: {  	v1 =	vld.idx.msk [tilespmem:v3+s3+$0x0], $0xffff  }
0x181: {  	v3 =	vadd.s32 v47, v2;
	_ =	sdelay $0x3  }
0x182: {  	[tilespmem:s31+$0xA0] =	vst v1  }
0x183: {  	v1 =	vld.idx.msk [tilespmem:v3+s3+$0x0], $0xffff  }
0x184: {  	v3 =	vadd.s32 v48, v2;
	_ =	sdelay $0x3  }
0x185: {  	[tilespmem:s31+$0xB0] =	vst v1  }
0x186: {  	v1 =	vld.idx.msk [tilespmem:v3+s3+$0x0], $0xffff  }
0x187: {  	v3 =	vadd.s32 v49, v2;
	_ =	sdelay $0x3  }
0x188: {  	[tilespmem:s31+$0xC0] =	vst v1  }
0x189: {  	v1 =	vld.idx.msk [tilespmem:v3+s3+$0x0], $0xffff  }
0x18a: {  	v3 =	vadd.s32 v50, v2;
	_ =	sdelay $0x3  }
0x18b: {  	[tilespmem:s31+$0xD0] =	vst v1  }
0x18c: {  	v1 =	vld.idx.msk [tilespmem:v3+s3+$0x0], $0xffff  }
0x18d: {  	v3 =	vadd.s32 v51, v2;
	_ =	sdelay $0x3  }
0x18e: {  	[tilespmem:s31+$0xE0] =	vst v1  }
0x18f: {  	v1 =	vld.idx.msk [tilespmem:v3+s3+$0x0], $0xffff  }
0x190: {  	v3 =	vadd.s32 v52, v2;
	_ =	sdelay $0x3  }
0x191: {  	[tilespmem:s31+$0xF0] =	vst v1  }
0x192: {  	v1 =	vld.idx.msk [tilespmem:v3+s3+$0x0], $0xffff  }
0x193: {  	v3 =	vadd.s32 v53, v2;
	_ =	sdelay $0x3  }
0x194: {  	[tilespmem:s31+$0x100] =	vst v1  }
0x195: {  	v1 =	vld.idx.msk [tilespmem:v3+s3+$0x0], $0xffff  }
0x196: {  	v3 =	vadd.s32 v54, v2;
	_ =	sdelay $0x3  }
0x197: {  	[tilespmem:s31+$0x110] =	vst v1  }
0x198: {  	v1 =	vld.idx.msk [tilespmem:v3+s3+$0x0], $0xffff  }
0x199: {  	v3 =	vadd.s32 v55, v2;
	_ =	sdelay $0x3  }
0x19a: {  	[tilespmem:s31+$0x120] =	vst v1  }
0x19b: {  	v1 =	vld.idx.msk [tilespmem:v3+s3+$0x0], $0xffff  }
0x19c: {  	v3 =	vadd.s32 v56, v2;
	_ =	sdelay $0x3  }
0x19d: {  	[tilespmem:s31+$0x130] =	vst v1  }
0x19e: {  	v1 =	vld.idx.msk [tilespmem:v3+s3+$0x0], $0xffff  }
0x19f: {  	v3 =	vadd.s32 v57, v2;
	_ =	sdelay $0x3  }
0x1a0: {  	[tilespmem:s31+$0x140] =	vst v1  }
0x1a1: {  	v1 =	vld.idx.msk [tilespmem:v3+s3+$0x0], $0xffff  }
0x1a2: {  	v3 =	vadd.s32 v58, v2;
	_ =	sdelay $0x3  }
0x1a3: {  	[tilespmem:s31+$0x150] =	vst v1  }
0x1a4: {  	v1 =	vld.idx.msk [tilespmem:v3+s3+$0x0], $0xffff  }
0x1a5: {  	v3 =	vadd.s32 v59, v2;
	_ =	sdelay $0x3  }
0x1a6: {  	[tilespmem:s31+$0x160] =	vst v1  }
0x1a7: {  	v1 =	vld.idx.msk [tilespmem:v3+s3+$0x0], $0xffff  }
0x1a8: {  	v3 =	vadd.s32 v60, v2;
	_ =	sdelay $0x3  }
0x1a9: {  	[tilespmem:s31+$0x170] =	vst v1  }
0x1aa: {  	v1 =	vld.idx.msk [tilespmem:v3+s3+$0x0], $0xffff  }
0x1ab: {  	v3 =	vadd.s32 v61, v2;
	_ =	sdelay $0x3  }
0x1ac: {  	[tilespmem:s31+$0x180] =	vst v1  }
0x1ad: {  	v1 =	vld.idx.msk [tilespmem:v3+s3+$0x0], $0xffff  }
0x1ae: {  	v3 =	vadd.s32 v62, v2;
	_ =	sdelay $0x3  }
0x1af: {  	[tilespmem:s31+$0x190] =	vst v1  }
0x1b0: {  	v1 =	vld.idx.msk [tilespmem:v3+s3+$0x0], $0xffff  }
0x1b1: {  	v3 =	vadd.s32 v63, v2;
	_ =	sdelay $0x3  }
0x1b2: {  	[tilespmem:s31+$0x1A0] =	vst v1  }
0x1b3: {  	v1 =	vld.idx.msk [tilespmem:v3+s3+$0x0], $0xffff  }
0x1b4: {  	v3 =	vld [tilespmem:$0x1FFE0];
	_ =	sdelay $0x4  }
0x1b5: {  	v3 =	vadd.s32 v3, v2;
	_ =	sdelay $0x3  }
0x1b6: {  	[tilespmem:s31+$0x1B0] =	vst v1  }
0x1b7: {  	v1 =	vld.idx.msk [tilespmem:v3+s3+$0x0], $0xffff  }
0x1b8: {  	v3 =	vld [tilespmem:$0x1FFD0];
	_ =	sdelay $0x4  }
0x1b9: {  	v3 =	vadd.s32 v3, v2;
	_ =	sdelay $0x3  }
0x1ba: {  	[tilespmem:s31+$0x1C0] =	vst v1  }
0x1bb: {  	v1 =	vld.idx.msk [tilespmem:v3+s3+$0x0], $0xffff  }
0x1bc: {  	p0 =	sne.s32 s1, $0xC0;
	v3 =	vadd.s32 v0, v2  }
.Ltmp1:
0x1bd: {  	_ = 	snop;
	(pc) =	sbr.rel @p0 .LBB2_4-.Ltmp1, $3  }
0x1be: {  	_ =	sdelay $0x1  }
0x1bf: {  	[tilespmem:s31+$0x1D0] =	vst v1  }
0x1c0: {  	v1 =	vadd.s32 v24, v2;
	v2 =	vmov s1;
	s1 =	sadd.s32 $0x8, s1;
	v3 =	vld.idx.msk [tilespmem:v3+s3+$0x0], $0xffff  }
0x1c1: {  	_ =	sdelay $0x1  }
0x1c2: {  	v2 =	vshrl.u32 v2, $0x3  }
0x1c3: {  	v2 =	vshll.u32 v2, $0x3  }
0x1c4: {  	v2 =	vbroadcast v2, $0x0;
	[tilespmem:s31+$0x1E0] =	vst v3  }
0x1c5: {  	v1 =	vld.idx.msk [tilespmem:v1+s3+$0x0], $0xffff  }
0x1c6: {  	v3 =	vadd.s32 v28, v2;
	_ =	sdelay $0x3  }
0x1c7: {  	[tilespmem:s31+$0x1F0] =	vst v1  }
0x1c8: {  	v1 =	vld.idx.msk [tilespmem:v3+s3+$0x0], $0xffff  }
0x1c9: {  	v3 =	vadd.s32 v30, v2;
	_ =	sdelay $0x2  }
0x1ca: {  	s0 =	sadd.s32 $0x400, s31  }
0x1cb: {  	[tilespmem:s0+$0xFFFFFE00] =	vst v1  }
0x1cc: {  	v1 =	vld.idx.msk [tilespmem:v3+s3+$0x0], $0xffff  }
0x1cd: {  	v3 =	vadd.s32 v22, v2;
	_ =	sdelay $0x3  }
0x1ce: {  	[tilespmem:s0+$0xFFFFFE10] =	vst v1  }
0x1cf: {  	v1 =	vld.idx.msk [tilespmem:v3+s3+$0x0], $0xffff  }
0x1d0: {  	v3 =	vadd.s32 v4, v2;
	_ =	sdelay $0x3  }
0x1d1: {  	[tilespmem:s0+$0xFFFFFE20] =	vst v1  }
0x1d2: {  	v1 =	vld.idx.msk [tilespmem:v3+s3+$0x0], $0xffff  }
0x1d3: {  	v3 =	vadd.s32 v5, v2;
	_ =	sdelay $0x3  }
0x1d4: {  	[tilespmem:s0+$0xFFFFFE30] =	vst v1  }
0x1d5: {  	v1 =	vld.idx.msk [tilespmem:v3+s3+$0x0], $0xffff  }
0x1d6: {  	v3 =	vadd.s32 v6, v2;
	_ =	sdelay $0x3  }
0x1d7: {  	[tilespmem:s0+$0xFFFFFE40] =	vst v1  }
0x1d8: {  	v1 =	vld.idx.msk [tilespmem:v3+s3+$0x0], $0xffff  }
0x1d9: {  	v3 =	vadd.s32 v7, v2;
	_ =	sdelay $0x3  }
0x1da: {  	[tilespmem:s0+$0xFFFFFE50] =	vst v1  }
0x1db: {  	v1 =	vld.idx.msk [tilespmem:v3+s3+$0x0], $0xffff  }
0x1dc: {  	v3 =	vadd.s32 v8, v2;
	_ =	sdelay $0x3  }
0x1dd: {  	[tilespmem:s0+$0xFFFFFE60] =	vst v1  }
0x1de: {  	v1 =	vld.idx.msk [tilespmem:v3+s3+$0x0], $0xffff  }
0x1df: {  	v3 =	vadd.s32 v9, v2;
	_ =	sdelay $0x3  }
0x1e0: {  	[tilespmem:s0+$0xFFFFFE70] =	vst v1  }
0x1e1: {  	v1 =	vld.idx.msk [tilespmem:v3+s3+$0x0], $0xffff  }
0x1e2: {  	v3 =	vadd.s32 v10, v2;
	_ =	sdelay $0x3  }
0x1e3: {  	[tilespmem:s0+$0xFFFFFE80] =	vst v1  }
0x1e4: {  	v1 =	vld.idx.msk [tilespmem:v3+s3+$0x0], $0xffff  }
0x1e5: {  	v3 =	vadd.s32 v11, v2;
	_ =	sdelay $0x3  }
0x1e6: {  	[tilespmem:s0+$0xFFFFFE90] =	vst v1  }
0x1e7: {  	v1 =	vld.idx.msk [tilespmem:v3+s3+$0x0], $0xffff  }
0x1e8: {  	v3 =	vadd.s32 v12, v2;
	_ =	sdelay $0x3  }
0x1e9: {  	[tilespmem:s0+$0xFFFFFEA0] =	vst v1  }
0x1ea: {  	v1 =	vld.idx.msk [tilespmem:v3+s3+$0x0], $0xffff  }
0x1eb: {  	v3 =	vadd.s32 v13, v2;
	_ =	sdelay $0x3  }
0x1ec: {  	[tilespmem:s0+$0xFFFFFEB0] =	vst v1  }
0x1ed: {  	v1 =	vld.idx.msk [tilespmem:v3+s3+$0x0], $0xffff  }
0x1ee: {  	v3 =	vadd.s32 v14, v2;
	_ =	sdelay $0x3  }
0x1ef: {  	[tilespmem:s0+$0xFFFFFEC0] =	vst v1  }
0x1f0: {  	v1 =	vld.idx.msk [tilespmem:v3+s3+$0x0], $0xffff  }
0x1f1: {  	v3 =	vadd.s32 v15, v2;
	_ =	sdelay $0x3  }
0x1f2: {  	[tilespmem:s0+$0xFFFFFED0] =	vst v1  }
0x1f3: {  	v1 =	vld.idx.msk [tilespmem:v3+s3+$0x0], $0xffff  }
0x1f4: {  	v3 =	vadd.s32 v16, v2;
	_ =	sdelay $0x3  }
0x1f5: {  	[tilespmem:s0+$0xFFFFFEE0] =	vst v1  }
0x1f6: {  	v1 =	vld.idx.msk [tilespmem:v3+s3+$0x0], $0xffff  }
0x1f7: {  	v3 =	vadd.s32 v17, v2;
	_ =	sdelay $0x3  }
0x1f8: {  	[tilespmem:s0+$0xFFFFFEF0] =	vst v1  }
0x1f9: {  	v1 =	vld.idx.msk [tilespmem:v3+s3+$0x0], $0xffff  }
0x1fa: {  	v3 =	vadd.s32 v18, v2;
	_ =	sdelay $0x3  }
0x1fb: {  	[tilespmem:s0+$0xFFFFFF00] =	vst v1  }
0x1fc: {  	v1 =	vld.idx.msk [tilespmem:v3+s3+$0x0], $0xffff  }
0x1fd: {  	v3 =	vadd.s32 v20, v2;
	_ =	sdelay $0x3  }
0x1fe: {  	[tilespmem:s0+$0xFFFFFF10] =	vst v1  }
0x1ff: {  	v1 =	vld.idx.msk [tilespmem:v3+s3+$0x0], $0xffff  }
0x200: {  	v3 =	vadd.s32 v19, v2;
	_ =	sdelay $0x3  }
0x201: {  	[tilespmem:s0+$0xFFFFFF20] =	vst v1  }
0x202: {  	v1 =	vld.idx.msk [tilespmem:v3+s3+$0x0], $0xffff  }
0x203: {  	v3 =	vadd.s32 v21, v2;
	_ =	sdelay $0x3  }
0x204: {  	[tilespmem:s0+$0xFFFFFF30] =	vst v1  }
0x205: {  	v1 =	vld.idx.msk [tilespmem:v3+s3+$0x0], $0xffff  }
0x206: {  	v3 =	vadd.s32 v23, v2;
	_ =	sdelay $0x3  }
0x207: {  	[tilespmem:s0+$0xFFFFFF40] =	vst v1  }
0x208: {  	v1 =	vld.idx.msk [tilespmem:v3+s3+$0x0], $0xffff  }
0x209: {  	v3 =	vadd.s32 v26, v2;
	_ =	sdelay $0x3  }
0x20a: {  	[tilespmem:s0+$0xFFFFFF50] =	vst v1  }
0x20b: {  	v1 =	vld.idx.msk [tilespmem:v3+s3+$0x0], $0xffff  }
0x20c: {  	v3 =	vadd.s32 v27, v2;
	_ =	sdelay $0x3  }
0x20d: {  	[tilespmem:s0+$0xFFFFFF60] =	vst v1  }
0x20e: {  	v1 =	vld.idx.msk [tilespmem:v3+s3+$0x0], $0xffff  }
0x20f: {  	v3 =	vadd.s32 v25, v2;
	_ =	sdelay $0x3  }
0x210: {  	[tilespmem:s0+$0xFFFFFF70] =	vst v1  }
0x211: {  	v1 =	vld.idx.msk [tilespmem:v3+s3+$0x0], $0xffff  }
0x212: {  	v3 =	vadd.s32 v33, v2;
	_ =	sdelay $0x3  }
0x213: {  	[tilespmem:s0+$0xFFFFFF80] =	vst v1  }
0x214: {  	v1 =	vld.idx.msk [tilespmem:v3+s3+$0x0], $0xffff  }
0x215: {  	v3 =	vadd.s32 v29, v2  }
0x216: {  	v21 =	vld [tilespmem:$0x1FFF0];
	_ =	sdelay $0x2  }
0x217: {  	[tilespmem:s0+$0xFFFFFF90] =	vst v1  }
0x218: {  	v1 =	vld.idx.msk [tilespmem:v3+s3+$0x0], $0xffff  }
0x219: {  	v3 =	vadd.s32 v21, v2;
	_ =	sdelay $0x3  }
0x21a: {  	[tilespmem:s0+$0xFFFFFFA0] =	vst v1  }
0x21b: {  	v1 =	vld.idx.msk [tilespmem:v3+s3+$0x0], $0xffff  }
0x21c: {  	v3 =	vadd.s32 v31, v2;
	_ =	sdelay $0x3  }
0x21d: {  	[tilespmem:s0+$0xFFFFFFB0] =	vst v1  }
0x21e: {  	v1 =	vld.idx.msk [tilespmem:v3+s3+$0x0], $0xffff  }
0x21f: {  	v3 =	vadd.s32 v32, v2;
	_ =	sdelay $0x3  }
0x220: {  	[tilespmem:s0+$0xFFFFFFC0] =	vst v1  }
0x221: {  	v1 =	vld.idx.msk [tilespmem:v3+s3+$0x0], $0xffff  }
0x222: {  	v3 =	vadd.s32 v34, v2;
	_ =	sdelay $0x3  }
0x223: {  	[tilespmem:s0+$0xFFFFFFD0] =	vst v1  }
0x224: {  	v1 =	vld.idx.msk [tilespmem:v3+s3+$0x0], $0xffff  }
0x225: {  	v3 =	vadd.s32 v35, v2;
	_ =	sdelay $0x3  }
0x226: {  	[tilespmem:s0+$0xFFFFFFE0] =	vst v1  }
0x227: {  	v1 =	vld.idx.msk [tilespmem:v3+s3+$0x0], $0xffff  }
0x228: {  	v3 =	vadd.s32 v36, v2;
	_ =	sdelay $0x3  }
0x229: {  	[tilespmem:s0+$0xFFFFFFF0] =	vst v1  }
0x22a: {  	v1 =	vld.idx.msk [tilespmem:v3+s3+$0x0], $0xffff  }
0x22b: {  	v3 =	vadd.s32 v37, v2;
	_ =	sdelay $0x3  }
0x22c: {  	[tilespmem:s0+$0x0] =	vst v1  }
0x22d: {  	v1 =	vld.idx.msk [tilespmem:v3+s3+$0x0], $0xffff  }
0x22e: {  	v3 =	vadd.s32 v38, v2;
	_ =	sdelay $0x3  }
0x22f: {  	[tilespmem:s0+$0x10] =	vst v1  }
0x230: {  	v1 =	vld.idx.msk [tilespmem:v3+s3+$0x0], $0xffff  }
0x231: {  	v3 =	vadd.s32 v39, v2;
	_ =	sdelay $0x3  }
0x232: {  	[tilespmem:s0+$0x20] =	vst v1  }
0x233: {  	v1 =	vld.idx.msk [tilespmem:v3+s3+$0x0], $0xffff  }
0x234: {  	v3 =	vadd.s32 v40, v2;
	_ =	sdelay $0x3  }
0x235: {  	[tilespmem:s0+$0x30] =	vst v1  }
0x236: {  	v1 =	vld.idx.msk [tilespmem:v3+s3+$0x0], $0xffff  }
0x237: {  	v3 =	vadd.s32 v41, v2;
	_ =	sdelay $0x3  }
0x238: {  	[tilespmem:s0+$0x40] =	vst v1  }
0x239: {  	v1 =	vld.idx.msk [tilespmem:v3+s3+$0x0], $0xffff  }
0x23a: {  	v3 =	vadd.s32 v42, v2;
	_ =	sdelay $0x3  }
0x23b: {  	[tilespmem:s0+$0x50] =	vst v1  }
0x23c: {  	v1 =	vld.idx.msk [tilespmem:v3+s3+$0x0], $0xffff  }
0x23d: {  	v3 =	vadd.s32 v43, v2;
	_ =	sdelay $0x3  }
0x23e: {  	[tilespmem:s0+$0x60] =	vst v1  }
0x23f: {  	v1 =	vld.idx.msk [tilespmem:v3+s3+$0x0], $0xffff  }
0x240: {  	v3 =	vadd.s32 v44, v2;
	_ =	sdelay $0x3  }
0x241: {  	[tilespmem:s0+$0x70] =	vst v1  }
0x242: {  	v1 =	vld.idx.msk [tilespmem:v3+s3+$0x0], $0xffff  }
0x243: {  	v3 =	vadd.s32 v45, v2;
	_ =	sdelay $0x3  }
0x244: {  	[tilespmem:s0+$0x80] =	vst v1  }
0x245: {  	v1 =	vld.idx.msk [tilespmem:v3+s3+$0x0], $0xffff  }
0x246: {  	v3 =	vadd.s32 v46, v2;
	_ =	sdelay $0x3  }
0x247: {  	[tilespmem:s0+$0x90] =	vst v1  }
0x248: {  	v1 =	vld.idx.msk [tilespmem:v3+s3+$0x0], $0xffff  }
0x249: {  	v3 =	vadd.s32 v47, v2;
	_ =	sdelay $0x3  }
0x24a: {  	[tilespmem:s0+$0xA0] =	vst v1  }
0x24b: {  	v1 =	vld.idx.msk [tilespmem:v3+s3+$0x0], $0xffff  }
0x24c: {  	v3 =	vadd.s32 v48, v2;
	_ =	sdelay $0x3  }
0x24d: {  	[tilespmem:s0+$0xB0] =	vst v1  }
0x24e: {  	v1 =	vld.idx.msk [tilespmem:v3+s3+$0x0], $0xffff  }
0x24f: {  	v3 =	vadd.s32 v49, v2;
	_ =	sdelay $0x3  }
0x250: {  	[tilespmem:s0+$0xC0] =	vst v1  }
0x251: {  	v1 =	vld.idx.msk [tilespmem:v3+s3+$0x0], $0xffff  }
0x252: {  	v3 =	vadd.s32 v50, v2;
	_ =	sdelay $0x3  }
0x253: {  	[tilespmem:s0+$0xD0] =	vst v1  }
0x254: {  	v1 =	vld.idx.msk [tilespmem:v3+s3+$0x0], $0xffff  }
0x255: {  	v3 =	vadd.s32 v51, v2;
	_ =	sdelay $0x3  }
0x256: {  	[tilespmem:s0+$0xE0] =	vst v1  }
0x257: {  	v1 =	vld.idx.msk [tilespmem:v3+s3+$0x0], $0xffff  }
0x258: {  	v3 =	vadd.s32 v52, v2;
	_ =	sdelay $0x3  }
0x259: {  	[tilespmem:s0+$0xF0] =	vst v1  }
0x25a: {  	v1 =	vld.idx.msk [tilespmem:v3+s3+$0x0], $0xffff  }
0x25b: {  	v3 =	vadd.s32 v53, v2;
	_ =	sdelay $0x3  }
0x25c: {  	[tilespmem:s0+$0x100] =	vst v1  }
0x25d: {  	v1 =	vld.idx.msk [tilespmem:v3+s3+$0x0], $0xffff  }
0x25e: {  	v3 =	vadd.s32 v54, v2;
	_ =	sdelay $0x3  }
0x25f: {  	[tilespmem:s0+$0x110] =	vst v1  }
0x260: {  	v1 =	vld.idx.msk [tilespmem:v3+s3+$0x0], $0xffff  }
0x261: {  	v3 =	vadd.s32 v55, v2;
	_ =	sdelay $0x3  }
0x262: {  	[tilespmem:s0+$0x120] =	vst v1  }
0x263: {  	v1 =	vld.idx.msk [tilespmem:v3+s3+$0x0], $0xffff  }
0x264: {  	v3 =	vadd.s32 v56, v2;
	_ =	sdelay $0x3  }
0x265: {  	[tilespmem:s0+$0x130] =	vst v1  }
0x266: {  	v1 =	vld.idx.msk [tilespmem:v3+s3+$0x0], $0xffff  }
0x267: {  	v3 =	vadd.s32 v57, v2;
	_ =	sdelay $0x3  }
0x268: {  	[tilespmem:s0+$0x140] =	vst v1  }
0x269: {  	v1 =	vld.idx.msk [tilespmem:v3+s3+$0x0], $0xffff  }
0x26a: {  	v3 =	vadd.s32 v58, v2;
	_ =	sdelay $0x3  }
0x26b: {  	[tilespmem:s0+$0x150] =	vst v1  }
0x26c: {  	v1 =	vld.idx.msk [tilespmem:v3+s3+$0x0], $0xffff  }
0x26d: {  	v3 =	vadd.s32 v59, v2;
	_ =	sdelay $0x3  }
0x26e: {  	[tilespmem:s0+$0x160] =	vst v1  }
0x26f: {  	v1 =	vld.idx.msk [tilespmem:v3+s3+$0x0], $0xffff  }
0x270: {  	v3 =	vadd.s32 v60, v2;
	_ =	sdelay $0x3  }
0x271: {  	[tilespmem:s0+$0x170] =	vst v1  }
0x272: {  	v1 =	vld.idx.msk [tilespmem:v3+s3+$0x0], $0xffff  }
0x273: {  	v3 =	vadd.s32 v61, v2;
	_ =	sdelay $0x3  }
0x274: {  	[tilespmem:s0+$0x180] =	vst v1  }
0x275: {  	v1 =	vld.idx.msk [tilespmem:v3+s3+$0x0], $0xffff  }
0x276: {  	v3 =	vadd.s32 v62, v2;
	_ =	sdelay $0x3  }
0x277: {  	[tilespmem:s0+$0x190] =	vst v1  }
0x278: {  	v1 =	vld.idx.msk [tilespmem:v3+s3+$0x0], $0xffff  }
0x279: {  	v3 =	vadd.s32 v63, v2  }
0x27a: {  	v33 =	vld [tilespmem:$0x1FFE0];
	_ =	sdelay $0x2  }
0x27b: {  	[tilespmem:s0+$0x1A0] =	vst v1  }
0x27c: {  	v1 =	vld.idx.msk [tilespmem:v3+s3+$0x0], $0xffff  }
0x27d: {  	v3 =	vadd.s32 v33, v2  }
0x27e: {  	v30 =	vld [tilespmem:$0x1FFD0];
	_ =	sdelay $0x2  }
0x27f: {  	[tilespmem:s0+$0x1B0] =	vst v1  }
0x280: {  	v1 =	vld.idx.msk [tilespmem:v3+s3+$0x0], $0xffff  }
0x281: {  	v3 =	vadd.s32 v30, v2;
	_ =	sdelay $0x3  }
0x282: {  	[tilespmem:s0+$0x1C0] =	vst v1  }
0x283: {  	v1 =	vld.idx.msk [tilespmem:v3+s3+$0x0], $0xffff  }
0x284: {  	v3 =	vadd.s32 v0, v2;
	_ =	sdelay $0x3  }
0x285: {  	[tilespmem:s0+$0x1D0] =	vst v1  }
0x286: {  	v1 =	vld.idx.msk [tilespmem:v3+s3+$0x0], $0xffff  }
0x287: {  	v2 =	vadd.s32 v24, v2;
	_ =	sdelay $0x3  }
0x288: {  	[tilespmem:s0+$0x1E0] =	vst v1  }
0x289: {  	v1 =	vld.idx.msk [tilespmem:v2+s3+$0x0], $0xffff;
	_ =	sdelay $0x4  }
0x28a: {  	s15 =	simm.s32 $0x6800;
	v22 =	vmov v32;
	v23 =	vmov v34;
	[tilespmem:s0+$0x1F0] =	vst v1  }
0x28b: {  	v26 =	vmovc v37;
	v31 =	vmovc v35;
	v32 =	vmov v36;
	v34 =	vmov v38;
	v35 =	vmov v39;
	[tilespmem:s12], [sflag:$0x1] =	stream.indirect.gather [hbm4b:s4+s10], $0x20, s15, s10, $0xb8;
	[tilespmem:$0x1CE00] =	vst v63  }
0x28c: {  	s17 =	simm.s32 $0x6880;
	v36 =	vmovc v40;
	v37 =	vmovc v41;
	v38 =	vmov v42;
	v39 =	vmov v43;
	v40 =	vmov v44  }
0x28d: {  	v41 =	vmovc v45;
	v42 =	vmovc v46;
	v43 =	vmov v47;
	v44 =	vmov v48;
	v45 =	vmov v49;
	[tilespmem:s14], [sflag:$0x1] =	stream.indirect.gather [hbm4b:s4+s10], $0x20, s17, s10, $0xb8;
	[tilespmem:$0x1CE00] =	vst v63  }
0x28e: {  	s29 =	simm.s32 $0x6900;
	v46 =	vmovc v50;
	v47 =	vmovc v51;
	v48 =	vmov v52;
	v49 =	vmov v53;
	v50 =	vmov v54  }
0x28f: {  	v51 =	vmovc v55;
	v52 =	vmovc v56;
	v53 =	vmov v57;
	v54 =	vmov v58;
	v55 =	vmov v59;
	[tilespmem:s16], [sflag:$0x1] =	stream.indirect.gather [hbm4b:s4+s10], $0x20, s29, s10, $0xb8;
	[tilespmem:$0x1CE00] =	vst v63  }
0x290: {  	s30 =	simm.s32 $0x6980;
	s1 =	simm.s32 $0x0;
	s31 =	simm.s32 $0x0;
	v56 =	vmovc v60;
	v57 =	vmovc v61;
	v58 =	vmov v62;
	v59 =	vmov v63;
	v61 =	vmov v25  }
0x291: {  	v62 =	vmovc v29;
	v29 =	vmovc v22;
	v63 =	vmov v21;
	v33 =	vmov v26;
	v0 =	vmov v23;
	[tilespmem:s18], [sflag:$0x1] =	stream.indirect.gather [hbm4b:s4+s10], $0x20, s30, s10, $0xb8;
	[tilespmem:$0x1CE00] =	vst v63  }
.LBB2_6:
0x292: {  	s0 =	sshll.u32 s31, $0xC  }
0x293: {  	s11 =	sshrl.u32 s0, $0x2  }
0x294: {  	s8 =	sadd.s32 $0x6A00, s11  }
0x295: {  	[tilespmem:s19], [sflag:$0x2] =	stream.indirect.gather [hbm4b:s4+s10], $0x20, s8, s10, $0xb8;
	[tilespmem:$0x1CE00] =	vst v63  }
0x296: {  	s9 =	sadd.s32 $0x6A80, s11  }
0x297: {  	[tilespmem:s20], [sflag:$0x2] =	stream.indirect.gather [hbm4b:s4+s10], $0x20, s9, s10, $0xb8;
	[tilespmem:$0x1CE00] =	vst v63  }
0x298: {  	s13 =	sadd.s32 $0x6B00, s11  }
0x299: {  	[tilespmem:s21], [sflag:$0x2] =	stream.indirect.gather [hbm4b:s4+s10], $0x20, s13, s10, $0xb8;
	[tilespmem:$0x1CE00] =	vst v63  }
0x29a: {  	s15 =	sadd.s32 $0x6B80, s11  }
0x29b: {  	[tilespmem:s22], [sflag:$0x2] =	stream.indirect.gather [hbm4b:s4+s10], $0x20, s15, s10, $0xb8;
	[tilespmem:$0x1CE00] =	vst v63  }
0x29c: {  	_ =	swait.ge [sflag:s23], $0x4000  }
0x29d: {  	p0 =	seq.s32 s31, $0x0;
	[sflag:s23] =	ssyncset.done $0x0  }
0x29e: {  	v2 =	vlaneseq.u32;
	s8 =	simm.s32 @!p0 $0x3;
	[sflag:s23] =	ssyncadd.s32 $0xFFFFC000  }
0x29f: {  	v1 =	vmov s1;
	v2 =	vmul.u32 $0x208, v2;
	_ =	swait.ge @!p0 [sflag:s8], $0x4000  }
0x2a0: {  	v1 =	vand.u32 $0x1FC, v1;
	s13 =	simm.s32 $0x2;
	s15 =	simm.s32 $0x3;
	[sflag:s8] =	ssyncset.done @!p0 $0x0  }
0x2a1: {  	s29 =	simm.s32 $0x4;
	v4 =	vadd.s32 v2, v1;
	v5 =	vmov s13;
	v6 =	vmov s15;
	[sflag:s8] =	ssyncadd.s32 @!p0 $0xFFFFC000;
	s8 =	simm.s32 $0xCC40  }
0x2a2: {  	v7 =	vand.u32 $0x1FE, v5;
	v10 =	vand.u32 $0x1FF, v6;
	v6 =	vmov s29;
	v3 =	vld [tilespmem:s8+$0xFFFFFFC0]  }
0x2a3: {  	s13 =	simm.s32 $0xCCC0;
	v11 =	vadd.s32 v2, v7;
	v20 =	vand.u32 $0x1FC, v6;
	v9 =	vld [tilespmem:s8+$0x0]  }
0x2a4: {  	v21 =	vadd.s32 v2, v20;
	v19 =	vld [tilespmem:s13+$0xFFFFFFC0]  }
0x2a5: {  	s17 =	simm.s32 $0x1  }
0x2a6: {  	v5 =	vmov s17;
	v8 =	vld [tilespmem:s8+$0x20]  }
0x2a7: {  	v12 =	vand.u32 $0x1FD, v5;
	v13 =	vadd.s32 v2, v10;
	v14 =	vld [tilespmem:s8+$0xFFFFFFE0];
	[tilespmem:v4+s24+$0x0] =	vst.idx.msk $0xffff, v3  }
0x2a8: {  	s9 =	simm.s32 $0x7;
	s17 =	simm.s32 $0x6;
	v18 =	vadd.s32 v2, v12;
	v15 =	vld [tilespmem:s13+$0x20];
	[tilespmem:v11+s24+$0x0] =	vst.idx.msk $0xffff, v9  }
0x2a9: {  	v16 =	vmov s17;
	v3 =	vadd.s32 $0x2080, v2;
	v9 =	vmov s9;
	[tilespmem:v21+s24+$0x0] =	vst.idx.msk $0xffff, v19;
	v19 =	vld [tilespmem:s13+$0xFFFFFFE0]  }
0x2aa: {  	s30 =	simm.s32 $0x5;
	v11 =	vand.u32 $0x1FE, v16;
	v4 =	vld [tilespmem:s8+$0xFFFFFFD0];
	v5 =	vadd.s32 v3, v1;
	v6 =	vadd.s32 v3, v7  }
0x2ab: {  	v1 =	vadd.s32 v3, v12;
	v12 =	vadd.s32 v3, v10;
	v10 =	vmov s30;
	v7 =	vld [tilespmem:s13+$0x0]  }
0x2ac: {  	[tilespmem:v13+s24+$0x0] =	vst.idx.msk $0xffff, v8;
	v17 =	vld [tilespmem:s8+$0x10];
	v22 =	vand.u32 $0x1FF, v9;
	v16 =	vadd.s32 v2, v11;
	v20 =	vadd.s32 v3, v20  }
0x2ad: {  	[tilespmem:v18+s24+$0x0] =	vst.idx.msk $0xffff, v14;
	v13 =	vld [tilespmem:s8+$0x30];
	v18 =	vadd.s32 v3, v11;
	v10 =	vand.u32 $0x1FD, v10;
	v14 =	vadd.s32 v2, v22  }
0x2ae: {  	s17 =	simm.s32 $0x8;
	s15 =	simm.s32 $0xCD40;
	v11 =	vld [tilespmem:s8+$0xFFFFFFF0];
	v8 =	vadd.s32 v2, v10;
	v9 =	vadd.s32 v3, v10;
	v10 =	vadd.s32 v3, v22  }
.LBB2_7:
0x2af: {  	s8 =	sadd.s32 $0x1, s17  }
0x2b0: {  	v21 =	vmov s17;
	s9 =	sadd.s32 $0x3, s17;
	[tilespmem:v5+s24+$0x0] =	vst.idx.msk $0xffff, v4;
	v4 =	vld [tilespmem:s13+$0xFFFFFFD0];
	v5 =	vmov v20;
	s29 =	smov.u32 s17;
	s30 =	sadd.s32 $0x4, s17  }
0x2b1: {  	p1 =	slt.u32 s17, $0x1FC;
	v22 =	vld [tilespmem:s15+$0xFFFFFFC0];
	v20 =	vand.u32 $0x1FC, v21;
	v21 =	vmov s8;
	s8 =	sadd.s32 $0x2, s29;
	v23 =	vmov s9;
	[tilespmem:v6+s24+$0x0] =	vst.idx.msk $0xffff, v17;
	v6 =	vmovc v18  }
0x2b2: {  	v24 =	vadd.s32 v2, v20;
	v21 =	vand.u32 $0x1FD, v21;
	v17 =	vmov s8;
	v25 =	vld [tilespmem:s15+$0x20];
	[tilespmem:v16+s24+$0x0] =	vst.idx.msk $0xffff, v7  }
.Ltmp2:
0x2b3: {  	v23 =	vand.u32 $0x1FF, v23;
	v26 =	vadd.s32 v2, v21;
	v7 =	vld [tilespmem:s15+$0x0];
	v18 =	vand.u32 $0x1FE, v17;
	[tilespmem:v14+s24+$0x0] =	vst.idx.msk $0xffff, v15;
	(pc) =	sbr.rel @p1 .LBB2_7-.Ltmp2, $4  }
0x2b4: {  	v14 =	vadd.s32 v2, v23;
	v16 =	vadd.s32 v2, v18;
	v17 =	vld [tilespmem:s13+$0x10];
	[tilespmem:v12+s24+$0x0] =	vst.idx.msk $0xffff, v13  }
0x2b5: {  	v20 =	vadd.s32 v3, v20;
	v18 =	vadd.s32 v3, v18;
	[tilespmem:v8+s24+$0x0] =	vst.idx.msk $0xffff, v19;
	v13 =	vld [tilespmem:s13+$0x30];
	v8 =	vmov v26  }
0x2b6: {  	v23 =	vadd.s32 v3, v23;
	[tilespmem:v1+s24+$0x0] =	vst.idx.msk $0xffff, v11;
	v11 =	vld [tilespmem:s13+$0xFFFFFFF0];
	v1 =	vmov v9;
	v9 =	vadd.s32 v3, v21;
	s13 =	smov.u32 s15  }
0x2b7: {  	s17 =	smov.u32 s30;
	v12 =	vmov v10;
	v10 =	vmov v23;
	s15 =	sadd.s32 $0x80, s15;
	[tilespmem:v24+s24+$0x0] =	vst.idx.msk $0xffff, v22;
	v19 =	vld [tilespmem:s13+$0xFFFFFFE0];
	v15 =	vmov v25  }
0x2b8: {  	_ =	sdelay $0x3  }
0x2b9: {  	[tilespmem:v5+s24+$0x0] =	vst.idx.msk $0xffff, v4  }
0x2ba: {  	[tilespmem:v16+s24+$0x0] =	vst.idx.msk $0xffff, v7  }
0x2bb: {  	v4 =	vld [tilespmem:s13+$0xFFFFFFD0];
	[tilespmem:v14+s24+$0x0] =	vst.idx.msk $0xffff, v15  }
0x2bc: {  	[tilespmem:v6+s24+$0x0] =	vst.idx.msk $0xffff, v17;
	v5 =	vld [tilespmem:s13+$0x10]  }
0x2bd: {  	v26 =	vld [tilespmem:s13+$0x30];
	[tilespmem:v8+s24+$0x0] =	vst.idx.msk $0xffff, v19  }
0x2be: {  	[tilespmem:v12+s24+$0x0] =	vst.idx.msk $0xffff, v13;
	v60 =	vld [tilespmem:s13+$0xFFFFFFF0]  }
0x2bf: {  	[tilespmem:v1+s24+$0x0] =	vst.idx.msk $0xffff, v11  }
0x2c0: {  	[tilespmem:v20+s24+$0x0] =	vst.idx.msk $0xffff, v4  }
0x2c1: {  	[tilespmem:v18+s24+$0x0] =	vst.idx.msk $0xffff, v5  }
0x2c2: {  	s0 =	sor.u32 s6, s0;
	[tilespmem:v10+s24+$0x0] =	vst.idx.msk $0xffff, v26  }
0x2c3: {  	s9 =	simm.s32 $0x14C00;
	s8 =	sadd.s32 s2, s0;
	s13 =	simm.s32 $0x820;
	[tilespmem:v9+s24+$0x0] =	vst.idx.msk $0xffff, v60  }
0x2c4: {  	[hbm4b:s8+s3] =	stream.linear.scatter [tilespmem:s9], [sflag:$0x3], $0x200, $0x38;
	[tilespmem:$0x1CE00] =	vst v63  }
.LBB2_9:
0x2c5: {  	p1 =	sne.s32 s13, $0xFBE0  }
.Ltmp3:
0x2c6: {  	_ = 	snop;
	(pc) =	sbr.rel @p1 .LBB2_9-.Ltmp3, $4  }
0x2c7: {  	_ = 	snop  }
0x2c8: {  	s9 =	sshra.s32 s13, $0x2;
	s13 =	sadd.s32 $0x820, s13  }
0x2c9: {  	s8 =	sadd.s32 $0x19000, s8;
	s9 =	sadd.s32 $0x14C00, s9  }
0x2ca: {  	[hbm4b:s8+s3] =	stream.linear.scatter [tilespmem:s9], [sflag:$0x3], $0x200, $0x38;
	[tilespmem:$0x1CE00] =	vst v63  }
0x2cb: {  	p1 =	sne.s32 s31, $0x18  }
.Ltmp4:
0x2cc: {  	_ = 	snop;
	(pc) =	sbr.rel @p1 .LBB2_12-.Ltmp4, $1  }
0x2cd: {  	_ =	sdelay $0x3  }
.Ltmp5:
0x2ce: {  	(pc) =	sbr.rel .LBB2_13-.Ltmp5, $4  }
0x2cf: {  	_ = 	snop  }
0x2d0: {  	_ =	swait.ge [sflag:s25], $0x4000  }
0x2d1: {  	[sflag:s25] =	ssyncset.done $0x0  }
0x2d2: {  	[sflag:s25] =	ssyncadd.s32 $0xFFFFC000  }
.LBB2_12:
0x2d3: {  	s8 =	sadd.s32 $0x6C00, s11  }
0x2d4: {  	[tilespmem:s12], [sflag:$0x1] =	stream.indirect.gather [hbm4b:s4+s10], $0x20, s8, s10, $0xb8;
	[tilespmem:$0x1CE00] =	vst v63  }
0x2d5: {  	s17 =	sadd.s32 $0x6C80, s11  }
0x2d6: {  	[tilespmem:s14], [sflag:$0x1] =	stream.indirect.gather [hbm4b:s4+s10], $0x20, s17, s10, $0xb8;
	[tilespmem:$0x1CE00] =	vst v63  }
0x2d7: {  	s29 =	sadd.s32 $0x6D00, s11  }
0x2d8: {  	[tilespmem:s16], [sflag:$0x1] =	stream.indirect.gather [hbm4b:s4+s10], $0x20, s29, s10, $0xb8;
	[tilespmem:$0x1CE00] =	vst v63  }
.Ltmp6:
0x2d9: {  	s30 =	sadd.s32 $0x6D80, s11;
	(pc) =	sbr.rel @p0 .LBB2_14-.Ltmp6, $4  }
0x2da: {  	[tilespmem:s18], [sflag:$0x1] =	stream.indirect.gather [hbm4b:s4+s10], $0x20, s30, s10, $0xb8;
	[tilespmem:$0x1CE00] =	vst v63  }
0x2db: {  	_ =	swait.ge [sflag:s25], $0x4000  }
0x2dc: {  	[sflag:s25] =	ssyncset.done $0x0  }
0x2dd: {  	[sflag:s25] =	ssyncadd.s32 $0xFFFFC000  }
.LBB2_13:
0x2de: {  	_ =	swait.ge [sflag:s26], $0x4000  }
0x2df: {  	[sflag:s26] =	ssyncset.done $0x0  }
0x2e0: {  	[sflag:s26] =	ssyncadd.s32 $0xFFFFC000  }
.LBB2_14:
0x2e1: {  	s8 =	simm.s32 $0x3  }
0x2e2: {  	s9 =	simm.s32 $0x0;
	v1 =	vmov s8  }
0x2e3: {  	s13 =	simm.s32 $0x10C40;
	v4 =	vmov s9;
	v1 =	vand.u32 $0x1FF, v1  }
0x2e4: {  	v5 =	vld [tilespmem:s13+$0x20];
	v4 =	vand.u32 $0x1FC, v4;
	v6 =	vadd.s32 v2, v1  }
0x2e5: {  	s11 =	simm.s32 $0x2;
	v7 =	vld [tilespmem:s13+$0xFFFFFFC0];
	v8 =	vadd.s32 v2, v4  }
0x2e6: {  	s9 =	simm.s32 $0x1;
	v10 =	vmov s11  }
0x2e7: {  	v9 =	vmov s9;
	v17 =	vand.u32 $0x1FE, v10  }
0x2e8: {  	v10 =	vld [tilespmem:s13+$0x0];
	v9 =	vand.u32 $0x1FD, v9;
	v13 =	vadd.s32 v2, v17  }
0x2e9: {  	s15 =	simm.s32 $0x7;
	v11 =	vld [tilespmem:s13+$0xFFFFFFE0];
	v12 =	vadd.s32 v2, v9;
	[tilespmem:v6+s28+$0x0] =	vst.idx.msk $0xffff, v5  }
0x2ea: {  	v15 =	vadd.s32 v3, v1;
	v5 =	vmov s15;
	[tilespmem:v8+s28+$0x0] =	vst.idx.msk $0xffff, v7;
	v7 =	vld [tilespmem:s13+$0x30]  }
0x2eb: {  	s11 =	simm.s32 $0x10CC0;
	v19 =	vadd.s32 v3, v4;
	v5 =	vand.u32 $0x1FF, v5;
	v18 =	vld [tilespmem:s13+$0xFFFFFFD0]  }
0x2ec: {  	s17 =	simm.s32 $0x4;
	v20 =	vld [tilespmem:s11+$0x20];
	v21 =	vadd.s32 v2, v5  }
0x2ed: {  	s29 =	simm.s32 $0x5;
	v14 =	vld [tilespmem:s11+$0xFFFFFFC0];
	v1 =	vmov s17;
	[tilespmem:v13+s28+$0x0] =	vst.idx.msk $0xffff, v10  }
0x2ee: {  	s30 =	simm.s32 $0x6;
	v6 =	vand.u32 $0x1FC, v1;
	v1 =	vmov s29;
	v13 =	vld [tilespmem:s11+$0xFFFFFFE0];
	[tilespmem:v12+s28+$0x0] =	vst.idx.msk $0xffff, v11  }
0x2ef: {  	v4 =	vmov s30;
	v8 =	vld [tilespmem:s11+$0x0];
	v16 =	vadd.s32 v2, v6;
	v1 =	vand.u32 $0x1FD, v1;
	[tilespmem:v15+s28+$0x0] =	vst.idx.msk $0xffff, v7  }
0x2f0: {  	v4 =	vand.u32 $0x1FE, v4;
	v10 =	vld [tilespmem:s13+$0x10];
	v15 =	vadd.s32 v2, v1;
	[tilespmem:v19+s28+$0x0] =	vst.idx.msk $0xffff, v18  }
0x2f1: {  	v12 =	vadd.s32 v2, v4;
	v7 =	vld [tilespmem:s13+$0xFFFFFFF0];
	[tilespmem:v21+s28+$0x0] =	vst.idx.msk $0xffff, v20  }
0x2f2: {  	s8 =	simm.s32 $0xB;
	v9 =	vadd.s32 v3, v9;
	v28 =	vld [tilespmem:$0x1FF80]  }
0x2f3: {  	s17 =	simm.s32 $0xC;
	s15 =	simm.s32 $0x8;
	v11 =	vadd.s32 v3, v17;
	s13 =	simm.s32 $0x10CC0;
	v26 =	vld [tilespmem:$0x1FF90]  }
.LBB2_15:
0x2f4: {  	p0 =	slt.u32 s17, $0x1FC;
	v17 =	vmov s8;
	[tilespmem:v16+s28+$0x0] =	vst.idx.msk $0xffff, v14;
	v18 =	vld [tilespmem:s11+$0x30];
	v19 =	vadd.s32 v3, v5  }
0x2f5: {  	v14 =	vmov s15;
	s8 =	sadd.s32 $0x1, s15;
	v20 =	vadd.s32 v3, v6;
	s11 =	sadd.s32 $0x80, s11;
	v5 =	vand.u32 $0x1FF, v17;
	v17 =	vld [tilespmem:s13+$0xFFFFFFD0];
	[tilespmem:v15+s28+$0x0] =	vst.idx.msk $0xffff, v13  }
0x2f6: {  	v6 =	vand.u32 $0x1FC, v14;
	v13 =	vmov s8;
	s8 =	sadd.s32 $0x2, s15;
	s15 =	smov.u32 s17;
	v21 =	vld [tilespmem:s11+$0x20];
	v22 =	vadd.s32 v2, v5;
	[tilespmem:v12+s28+$0x0] =	vst.idx.msk $0xffff, v8  }
.Ltmp7:
0x2f7: {  	v16 =	vadd.s32 v2, v6;
	v23 =	vand.u32 $0x1FD, v13;
	v8 =	vmov s8;
	v14 =	vld [tilespmem:s11+$0xFFFFFFC0];
	[tilespmem:v9+s28+$0x0] =	vst.idx.msk $0xffff, v7;
	(pc) =	sbr.rel @p0 .LBB2_15-.Ltmp7, $4  }
0x2f8: {  	v15 =	vadd.s32 v2, v23;
	v24 =	vand.u32 $0x1FE, v8;
	v13 =	vld [tilespmem:s11+$0xFFFFFFE0];
	[tilespmem:v11+s28+$0x0] =	vst.idx.msk $0xffff, v10  }
0x2f9: {  	v12 =	vadd.s32 v2, v24;
	v8 =	vld [tilespmem:s11+$0x0];
	[tilespmem:v19+s28+$0x0] =	vst.idx.msk $0xffff, v18  }
0x2fa: {  	v9 =	vadd.s32 v3, v1;
	v1 =	vmov v23;
	[tilespmem:v20+s28+$0x0] =	vst.idx.msk $0xffff, v17;
	v7 =	vld [tilespmem:s13+$0xFFFFFFF0]  }
0x2fb: {  	s17 =	sadd.s32 $0x4, s17;
	s8 =	sadd.s32 $0x3, s15;
	v11 =	vadd.s32 v3, v4;
	v4 =	vmov v24;
	[tilespmem:v22+s28+$0x0] =	vst.idx.msk $0xffff, v21;
	v10 =	vld [tilespmem:s13+$0x10];
	s13 =	smov.u32 s11  }
0x2fc: {  	_ =	sdelay $0x3  }
0x2fd: {  	v17 =	vmov s8;
	[tilespmem:v16+s28+$0x0] =	vst.idx.msk $0xffff, v14;
	v14 =	vld [tilespmem:s11+$0x30];
	v5 =	vadd.s32 v3, v5  }
0x2fe: {  	v22 =	vmov s15;
	s17 =	sadd.s32 $0x1, s15;
	v6 =	vadd.s32 v3, v6;
	s9 =	sadd.s32 $0x80, s11;
	v17 =	vand.u32 $0x1FF, v17;
	v18 =	vld [tilespmem:s13+$0xFFFFFFD0];
	[tilespmem:v15+s28+$0x0] =	vst.idx.msk $0xffff, v13  }
0x2ff: {  	s29 =	sadd.s32 $0x2, s15;
	v13 =	vand.u32 $0x1FC, v22;
	v23 =	vmov s17;
	v16 =	vld [tilespmem:s9+$0x20];
	v19 =	vadd.s32 v2, v17;
	[tilespmem:v12+s28+$0x0] =	vst.idx.msk $0xffff, v8  }
0x300: {  	v20 =	vmov s29;
	v8 =	vld [tilespmem:s9+$0xFFFFFFC0];
	v12 =	vadd.s32 v2, v13;
	v15 =	vand.u32 $0x1FD, v23;
	[tilespmem:v9+s28+$0x0] =	vst.idx.msk $0xffff, v7  }
0x301: {  	v20 =	vand.u32 $0x1FE, v20;
	v7 =	vld [tilespmem:s9+$0xFFFFFFE0];
	v9 =	vadd.s32 v2, v15;
	[tilespmem:v11+s28+$0x0] =	vst.idx.msk $0xffff, v10  }
0x302: {  	v60 =	vld [tilespmem:s9+$0x0];
	v2 =	vadd.s32 v2, v20;
	[tilespmem:v5+s28+$0x0] =	vst.idx.msk $0xffff, v14  }
0x303: {  	v1 =	vadd.s32 v3, v1;
	[tilespmem:v6+s28+$0x0] =	vst.idx.msk $0xffff, v18;
	v18 =	vld [tilespmem:s13+$0xFFFFFFF0]  }
0x304: {  	v4 =	vadd.s32 v3, v4;
	v21 =	vld [tilespmem:s13+$0x10];
	[tilespmem:v19+s28+$0x0] =	vst.idx.msk $0xffff, v16  }
0x305: {  	v23 =	vadd.s32 v3, v17;
	[tilespmem:v12+s28+$0x0] =	vst.idx.msk $0xffff, v8;
	v22 =	vld [tilespmem:s9+$0x30]  }
0x306: {  	v13 =	vadd.s32 v3, v13;
	v12 =	vld [tilespmem:s9+$0xFFFFFFD0];
	[tilespmem:v9+s28+$0x0] =	vst.idx.msk $0xffff, v7  }
0x307: {  	[tilespmem:v2+s28+$0x0] =	vst.idx.msk $0xffff, v60;
	v60 =	vadd.s32 v3, v15;
	v2 =	vld [tilespmem:s9+$0xFFFFFFF0]  }
0x308: {  	v3 =	vadd.s32 v3, v20;
	[tilespmem:v1+s28+$0x0] =	vst.idx.msk $0xffff, v18;
	v1 =	vld [tilespmem:s9+$0x10]  }
0x309: {  	[tilespmem:v4+s28+$0x0] =	vst.idx.msk $0xffff, v21  }
0x30a: {  	[tilespmem:v23+s28+$0x0] =	vst.idx.msk $0xffff, v22  }
0x30b: {  	[tilespmem:v13+s28+$0x0] =	vst.idx.msk $0xffff, v12  }
0x30c: {  	[tilespmem:v60+s28+$0x0] =	vst.idx.msk $0xffff, v2  }
0x30d: {  	s0 =	sadd.s32 s0, s7;
	s30 =	simm.s32 $0x18D00;
	s8 =	simm.s32 $0x820;
	[tilespmem:v3+s28+$0x0] =	vst.idx.msk $0xffff, v1  }
0x30e: {  	[hbm4b:s0+s3] =	stream.linear.scatter [tilespmem:s30], [sflag:$0x4], $0x200, $0x38;
	[tilespmem:$0x1CE00] =	vst v63  }
.LBB2_17:
0x30f: {  	p0 =	sne.s32 s8, $0xFBE0  }
.Ltmp8:
0x310: {  	_ = 	snop;
	(pc) =	sbr.rel @p0 .LBB2_17-.Ltmp8, $4  }
0x311: {  	_ = 	snop  }
0x312: {  	s9 =	sshra.s32 s8, $0x2;
	s8 =	sadd.s32 $0x820, s8  }
0x313: {  	s0 =	sadd.s32 $0x19000, s0;
	s9 =	sadd.s32 $0x18D00, s9  }
0x314: {  	[hbm4b:s0+s3] =	stream.linear.scatter [tilespmem:s9], [sflag:$0x4], $0x200, $0x38;
	[tilespmem:$0x1CE00] =	vst v63  }
0x315: {  	s31 =	sadd.s32 $0x1, s31  }
0x316: {  	p0 =	sne.s32 s31, $0x19  }
.Ltmp9:
0x317: {  	_ = 	snop;
	(pc) =	sbr.rel @p0 .LBB2_6-.Ltmp9, $1  }
0x318: {  	_ =	sdelay $0x3  }
0x319: {  	s0 =	simm.s32 $0x3  }
0x31a: {  	_ =	swait.ge [sflag:s0], $0x4000  }
0x31b: {  	[sflag:s0] =	ssyncset.done $0x0  }
0x31c: {  	[sflag:s0] =	ssyncadd.s32 $0xFFFFC000  }
0x31d: {  	_ =	swait.ge [sflag:s26], $0x4000  }
0x31e: {  	v27 =	vld [tilespmem:$0x1FE30]  }
0x31f: {  	v3 =	vld [tilespmem:$0x1FE40]  }
0x320: {  	v22 =	vld [tilespmem:$0x1FE50]  }
0x321: {  	v4 =	vld [tilespmem:$0x1FE60]  }
0x322: {  	v5 =	vld [tilespmem:$0x1FE70]  }
0x323: {  	v6 =	vld [tilespmem:$0x1FE80]  }
0x324: {  	v7 =	vld [tilespmem:$0x1FE90]  }
0x325: {  	v8 =	vld [tilespmem:$0x1FEA0]  }
0x326: {  	v9 =	vld [tilespmem:$0x1FEB0]  }
0x327: {  	v10 =	vld [tilespmem:$0x1FEC0]  }
0x328: {  	v11 =	vld [tilespmem:$0x1FED0]  }
0x329: {  	v12 =	vld [tilespmem:$0x1FEE0]  }
0x32a: {  	v13 =	vld [tilespmem:$0x1FEF0]  }
0x32b: {  	s1 =	rddreg [dreg:$0x4];
	v14 =	vld [tilespmem:$0x1FF00]  }
0x32c: {  	s31 =	rddreg [dreg:$0x3];
	v15 =	vld [tilespmem:$0x1FF10];
	s1 =	sadd.s32 $0x1, s1  }
0x32d: {  	v16 =	vld [tilespmem:$0x1FF20];
	p0 =	sne.s32 s1, s31  }
.Ltmp10:
0x32e: {  	v17 =	vld [tilespmem:$0x1FF30];
	(pc) =	sbr.rel @p0 .LBB2_1-.Ltmp10, $4  }
0x32f: {  	v18 =	vld [tilespmem:$0x1FF40]  }
0x330: {  	v20 =	vld [tilespmem:$0x1FF50]  }
0x331: {  	[sflag:s26] =	ssyncset.done $0x0;
	v19 =	vld [tilespmem:$0x1FF60]  }
0x332: {  	v24 =	vmov v61;
	v23 =	vmov v62;
	v21 =	vld [tilespmem:$0x1FF70];
	[sflag:s26] =	ssyncadd.s32 $0xFFFFC000  }
0x333: {  	_ =	sfence.sel $0x180000  }
0x334: {  	[bflag:$0x0] =	sbarrier.arrive $0xFFFF  }
0x335: {  	_ =	strace $0x9000004A  }
0x336: {  	s0 =	stileid.u32;
	[bflag:$0x2] =	sbarrier.arrive $0xFFFF  }
0x337: {  	p0 =	sne.s32 s0, $0x0;
	s0 =	rddreg [dreg:$0x2]  }
0x338: {  	s0 =	sadd.s32 @!p0 $0x100000, s0  }
0x339: {  	[sflag:s0] =	ssyncadd.tile.s32 @!p0 $0x1;
	_ =	shalt  }
.Lfunc_end2:
_tile_overlayer_lowered:
.L_overlay_start_2:
0x33a: {  	(tag) =	ssettag $0x2  }
0x33b: {  	s0 =	rddreg [dreg:$0x0];
	s2 =	stileid.u32  }
0x33c: {  	s1 =	rddreg [dreg:$0x1];
	p0 =	sne.s32 s2, $0x0  }
0x33d: {  	s3 =	rddreg [dreg:$0x2];
	[bflag:$0x3] =	sbarrier.arrive $0xFFFF;
	s2 =	simm.s32 @!p0 $0x1C05  }
0x33e: {  	[timem:s3], [sflag:s2] =	dma.local @!p0 [hbm:s0], s1  }
0x33f: {  	s0 =	simm.s32 @!p0 $0x5  }
0x340: {  	_ =	swait.ge @!p0 [sflag:s0], s1  }
0x341: {  	s1 =	ssub.s32 @!p0 $0x0, s1;
	[sflag:s0] =	ssyncset.done @!p0 $0x0  }
0x342: {  	[sflag:s0] =	ssyncadd.s32 @!p0 s1  }
0x343: {  	[bflag:$0x3] =	sbarrier.arrive $0xFFFF  }
0x344: {  	_ =	shalt  }

</sc_bundles>
